<compile_context>
chip_gen: v7x
topology: tpu7x:2x2x1
jax: 0.10.2.dev20260603
libtpu: 0.0.44.dev20260713+nightly
codegen_flags: <defaults>
</compile_context>

<pallas_src>
import jax
import jax.numpy as jnp
from jax import lax
from jax.experimental import pallas as pl
from jax.experimental.pallas import tpu as pltpu
from jax.experimental.pallas import tpu_sc as plsc

B, C, N, L = 2, 128, 10000, 16
OUT = 128
E = B * N * L
ND = B * N
NW = 32
DPW = 632
ND_P = NW * DPW
CE = 8000
NCHUNK = E // CE
G = 64
NEG = -3.0e38


def _mm_body(xr_ref, w_ref, b_ref, pt_ref, q_ref):
    xb = xr_ref[0]
    w = w_ref[...]
    w1 = w[:C]
    w2 = w[C:]
    pt = lax.dot_general(w1 - w2, xb, (((0,), (0,)), ((), ())),
                         preferred_element_type=jnp.float32)
    pt_ref[0] = pt + b_ref[0][:, None]
    q_ref[...] = lax.dot_general(xb, w2, (((0,), (0,)), ((), ())),
                                 preferred_element_type=jnp.float32)


def _run_mm(xr, W, b2):
    return pl.pallas_call(
        _mm_body,
        grid=(B,),
        in_specs=[
            pl.BlockSpec((1, C, N), lambda b: (b, 0, 0)),
            pl.BlockSpec((2 * C, OUT), lambda b: (0, 0)),
            pl.BlockSpec((1, OUT), lambda b: (0, 0)),
        ],
        out_specs=[
            pl.BlockSpec((1, OUT, N), lambda b: (b, 0, 0)),
            pl.BlockSpec((N, OUT), lambda b: (b, 0)),
        ],
        out_shape=[
            jax.ShapeDtypeStruct((B, OUT, N), jnp.float32),
            jax.ShapeDtypeStruct((ND, OUT), jnp.float32),
        ],
    )(xr, W, b2)


def _pack_body(eif_ref, p_ref):
    src = eif_ref[0]
    dst = eif_ref[1]
    p_ref[...] = jnp.bitwise_or(jnp.left_shift(dst, 16), src)


def _run_pack(eif):
    return pl.pallas_call(
        _pack_body,
        out_shape=jax.ShapeDtypeStruct((E,), jnp.int32),
    )(eif)


def _sc_body(packed_hbm, q_hbm, m_hbm,
             ebuf, mbuf, idxbuf, dlbuf, rows, acc, s0, s1, s2, s3):
    sems = (s0, s1, s2, s3)
    sid = lax.axis_index("s")
    wid = sid * 2 + lax.axis_index("c")
    lo = wid * DPW
    plo = lo << 16
    phi = (lo + DPW) << 16
    dummy = jnp.zeros((16,), jnp.int32) + phi

    neg = jnp.full((16,), NEG, jnp.float32)

    def init_row(d, _):
        for cc in range(OUT // 16):
            acc[d, pl.ds(cc * 16, 16)] = neg
        return 0

    lax.fori_loop(0, DPW + 1, init_row, 0)

    def chunk_body(ch, _):
        pltpu.sync_copy(packed_hbm.at[pl.ds(ch * CE, CE)], ebuf)

        def scan_body(g, cnt):
            svs, pops = [], []
            for u in range(4):
                pv = ebuf[pl.ds((g * 4 + u) * 16, 16)]
                m = jnp.logical_and(pv >= plo, pv < phi)
                key = jnp.where(m, jnp.int32(0), jnp.int32(1))
                _, sv = plsc.sort_key_val(key, pv)
                svs.append(sv)
                pops.append(jnp.sum(m.astype(jnp.int32)))
            for u in range(4):
                mbuf[pl.ds(cnt, 16)] = svs[u]
                cnt = cnt + pops[u]
            return cnt

        cnt = lax.fori_loop(0, CE // 64, scan_body, jnp.int32(0))

        for j in range(G // 16):
            mbuf[pl.ds(cnt + j * 16, 16)] = dummy

        nb = (cnt + (G - 1)) >> 6

        def batch_body(bi, _):
            base = bi * G
            for j in range(G // 16):
                w = mbuf[pl.ds(base + j * 16, 16)]
                idxbuf[j, pl.ds(0, 16)] = jnp.bitwise_and(w, 0xFFFF)
                dlbuf[pl.ds(j * 16, 16)] = (w >> 16) - lo
            descs = [
                pltpu.async_copy(q_hbm.at[idxbuf.at[s_]],
                                 rows.at[pl.ds(s_ * 16, 16)], sems[s_])
                for s_ in range(4)
            ]
            for d_ in descs:
                d_.wait()

            def acc_body(gi, _):
                dlv = dlbuf[pl.ds(gi * 16, 16)]
                for k in range(16):
                    dl = dlv[k]
                    e = gi * 16 + k
                    for cc in range(OUT // 16):
                        sl = pl.ds(cc * 16, 16)
                        acc[dl, sl] = jnp.maximum(acc[dl, sl], rows[e, sl])
                return 0

            lax.fori_loop(0, G // 16, acc_body, 0)
            return 0

        lax.fori_loop(0, nb, batch_body, 0)
        return 0

    lax.fori_loop(0, NCHUNK, chunk_body, 0)

    pltpu.sync_copy(acc.at[pl.ds(0, DPW)], m_hbm.at[pl.ds(lo, DPW)])


def _run_sc(packed, q):
    mesh = plsc.VectorSubcoreMesh(core_axis_name="c", subcore_axis_name="s")
    return pl.kernel(
        _sc_body,
        mesh=mesh,
        compiler_params=pltpu.CompilerParams(needs_layout_passes=False),
        out_type=jax.ShapeDtypeStruct((ND_P, OUT), jnp.float32),
        scratch_types=[
            pltpu.VMEM((CE,), jnp.int32),
            pltpu.VMEM((CE + 2 * G,), jnp.int32),
            pltpu.VMEM((4, 16), jnp.int32),
            pltpu.VMEM((G,), jnp.int32),
            pltpu.VMEM((G, OUT), jnp.float32),
            pltpu.VMEM((DPW + 1, OUT), jnp.float32),
            pltpu.SemaphoreType.DMA,
            pltpu.SemaphoreType.DMA,
            pltpu.SemaphoreType.DMA,
            pltpu.SemaphoreType.DMA,
        ],
    )(packed, q)


def _combine_body(pt_ref, m_ref, o_ref):
    mt = jnp.transpose(m_ref[...], (1, 0))
    o_ref[0] = jnp.maximum(pt_ref[0] + mt, 0.0)


def _run_combine(pt, m):
    return pl.pallas_call(
        _combine_body,
        grid=(B,),
        in_specs=[
            pl.BlockSpec((1, OUT, N), lambda b: (b, 0, 0)),
            pl.BlockSpec((N, OUT), lambda b: (b, 0)),
        ],
        out_specs=pl.BlockSpec((1, OUT, N), lambda b: (b, 0, 0)),
        out_shape=jax.ShapeDtypeStruct((B, OUT, N), jnp.float32),
    )(pt, m)


def kernel(x, edge_index, W, b):
    xr = x[..., 0]
    offs = (jnp.arange(B, dtype=edge_index.dtype) * N)[None, :, None, None]
    eif = (edge_index + offs).reshape(2, E)
    b2 = b[None, :]
    pt, q = _run_mm(xr, W, b2)
    packed = _run_pack(eif)
    m = _run_sc(packed, q)
    out = _run_combine(pt, m)
    return out[..., None]

# --- scband reference (transcript-rebuilt; emitter-appended) ---
"""Pipeline reference for scband-edge-conv-layer-18236431139304 (READ-ONLY COPY).

The authoritative reference and input builder live on the scoring server;
editing this copy changes nothing except your own understanding.
"""

import jax, jax.numpy as jnp
import numpy as np

B, C, N, L = 2, 128, 10000, 16
OUT = 128

def setup_inputs(seed: int = 0) -> dict:
    key = jax.random.key(seed)
    k1, k2, k3 = jax.random.split(key, 3)
    x = jax.random.normal(k1, (B, C, N, 1), dtype=jnp.float32)
    edge_index = jax.random.randint(k2, (2, B, N, L), 0, N, dtype=jnp.int32)
    # BasicLayer([2*C, OUT]): Linear(2*C -> OUT, bias) + ReLU (norm=None)
    W = jax.random.normal(k3, (2 * C, OUT), dtype=jnp.float32) * (1.0 / np.sqrt(2 * C))
    b = jnp.zeros((OUT,), dtype=jnp.float32)
    return {"x": x, "edge_index": edge_index, "W": W, "b": b}

def reference(x, edge_index, W, b):
    Bv, Cv, Nv, _ = x.shape
    # convert_idx_to_edge_index: add per-batch node offsets and flatten to [2, B*N*L]
    offsets = (jnp.arange(Bv, dtype=edge_index.dtype) * Nv)[None, :, None, None]
    ei = (edge_index + offsets).reshape(2, -1)
    # x: [B, C, N, 1] -> [B*N, C]
    xf = jnp.transpose(x[..., 0], (0, 2, 1)).reshape(Bv * Nv, Cv)
    src, dst = ei[0], ei[1]
    x_i = jnp.take(xf, dst, axis=0)      # center features
    x_j = jnp.take(xf, src, axis=0)      # neighbor features
    msg = jnp.concatenate([x_i, x_j - x_i], axis=-1)
    h = jax.nn.relu(msg @ W + b)
    out = jax.ops.segment_max(h, dst, num_segments=Bv * Nv)
    out = jnp.where(jnp.isneginf(out), 0.0, out)
    out = out.reshape(Bv, Nv, -1)
    out = jnp.transpose(out, (0, 2, 1))[..., None]  # [B, OUT, N, 1]
    return out

if __name__ == "__main__":
    import jax
    _d = setup_inputs()
    print(jax.jit(kernel)(*tuple(_d.values())))

</pallas_src>

<mosaic_0001>
#map = affine_map<(d0, d1) -> (0)>
#map1 = affine_map<(d0, d1) -> (0, 0)>
module attributes {stable_mosaic.version = 14 : i64} {
  func.func @_sc_body(%arg0: i32, %arg1: i32, %arg2: memref<320000xi32, #tpu.memory_space<hbm>>, %arg3: memref<20000x128xf32, #tpu.memory_space<hbm>>, %arg4: memref<20224x128xf32, #tpu.memory_space<hbm>>, %arg5: memref<8000xi32, #tpu.memory_space<vmem>>, %arg6: memref<8128xi32, #tpu.memory_space<vmem>>, %arg7: memref<4x16xi32, #tpu.memory_space<vmem>>, %arg8: memref<64xi32, #tpu.memory_space<vmem>>, %arg9: memref<64x128xf32, #tpu.memory_space<vmem>>, %arg10: memref<633x128xf32, #tpu.memory_space<vmem>>, %arg11: memref<!tpu.dma_semaphore, #tpu.memory_space<semaphore_mem>>, %arg12: memref<!tpu.dma_semaphore, #tpu.memory_space<semaphore_mem>>, %arg13: memref<!tpu.dma_semaphore, #tpu.memory_space<semaphore_mem>>, %arg14: memref<!tpu.dma_semaphore, #tpu.memory_space<semaphore_mem>>) attributes {dimension_semantics = [#tpu.dimension_semantics<core_parallel>, #tpu.dimension_semantics<subcore_parallel>], iteration_bounds = array<i64: 2, 16>, scalar_prefetch = 0 : i64, scratch_operands = 10 : i64, tpu.core_type = #tpu.core_type<sc_vector_subcore>, window_params = [{transform_indices = #map}, {transform_indices = #map1}, {transform_indices = #map1}]} {
    %mul3A = arith.constant 2 : i32
    %mul3A_0 = arith.muli %arg1, %mul3A : i32
    %add3A = arith.addi %mul3A_0, %arg0 : i32
    %mul3A_1 = arith.constant 632 : i32
    %mul3A_2 = arith.muli %add3A, %mul3A_1 : i32
    %shift_left3A = arith.constant 16 : i32
    %shift_left3A_3 = arith.shli %mul3A_2, %shift_left3A : i32
    %add3A_4 = arith.constant 632 : i32
    %add3A_5 = arith.addi %mul3A_2, %add3A_4 : i32
    %shift_left3A_6 = arith.constant 16 : i32
    %shift_left3A_7 = arith.shli %add3A_5, %shift_left3A_6 : i32
    %broadcast_in_dim3A = arith.constant 0 : i32
    %broadcast_in_dim3A_8 = vector.broadcast %broadcast_in_dim3A : i32 to vector<16xi32>
    %add3A_9 = vector.broadcast %shift_left3A_7 : i32 to vector<16xi32>
    %add3A_10 = arith.addi %broadcast_in_dim3A_8, %add3A_9 : vector<16xi32>
    %broadcast_in_dim3A_11 = arith.constant -3.000000e+38 : f32
    %broadcast_in_dim3A_12 = vector.broadcast %broadcast_in_dim3A_11 : f32 to vector<16xf32>
    %scan3A = arith.constant 0 : i32
    %scan3A_13 = arith.constant 0 : i32
    %scan3A_14 = arith.constant 633 : i32
    %scan3A_15 = arith.addi %scan3A_13, %scan3A_14 : i32
    %scan3A_16 = arith.constant 1 : i32
    %scan3A_17 = scf.for %scan3A_26 = %scan3A_13 to %scan3A_15 step %scan3A_16 iter_args(%scan3A_27 = %scan3A) -> (i32)  : i32 {
      %swap3A = arith.index_cast %scan3A_26 : i32 to index
      %swap3A_28 = arith.constant 0 : index
      %swap3A_29 = tpu.vector_load %arg10[%swap3A, %swap3A_28] {strides = array<i32>} : memref<633x128xf32, #tpu.memory_space<vmem>>, vector<16xf32>,
      tpu.vector_store %arg10[%swap3A, %swap3A_28], %broadcast_in_dim3A_12 {strides = array<i32>} : memref<633x128xf32, #tpu.memory_space<vmem>>, vector<16xf32>,
      %swap3A_30 = arith.index_cast %scan3A_26 : i32 to index
      %swap3A_31 = arith.constant 16 : index
      %swap3A_32 = tpu.vector_load %arg10[%swap3A_30, %swap3A_31] {strides = array<i32>} : memref<633x128xf32, #tpu.memory_space<vmem>>, vector<16xf32>,
      tpu.vector_store %arg10[%swap3A_30, %swap3A_31], %broadcast_in_dim3A_12 {strides = array<i32>} : memref<633x128xf32, #tpu.memory_space<vmem>>, vector<16xf32>,
      %swap3A_33 = arith.index_cast %scan3A_26 : i32 to index
      %swap3A_34 = arith.constant 32 : index
      %swap3A_35 = tpu.vector_load %arg10[%swap3A_33, %swap3A_34] {strides = array<i32>} : memref<633x128xf32, #tpu.memory_space<vmem>>, vector<16xf32>,
      tpu.vector_store %arg10[%swap3A_33, %swap3A_34], %broadcast_in_dim3A_12 {strides = array<i32>} : memref<633x128xf32, #tpu.memory_space<vmem>>, vector<16xf32>,
      %swap3A_36 = arith.index_cast %scan3A_26 : i32 to index
      %swap3A_37 = arith.constant 48 : index
      %swap3A_38 = tpu.vector_load %arg10[%swap3A_36, %swap3A_37] {strides = array<i32>} : memref<633x128xf32, #tpu.memory_space<vmem>>, vector<16xf32>,
      tpu.vector_store %arg10[%swap3A_36, %swap3A_37], %broadcast_in_dim3A_12 {strides = array<i32>} : memref<633x128xf32, #tpu.memory_space<vmem>>, vector<16xf32>,
      %swap3A_39 = arith.index_cast %scan3A_26 : i32 to index
      %swap3A_40 = arith.constant 64 : index
      %swap3A_41 = tpu.vector_load %arg10[%swap3A_39, %swap3A_40] {strides = array<i32>} : memref<633x128xf32, #tpu.memory_space<vmem>>, vector<16xf32>,
      tpu.vector_store %arg10[%swap3A_39, %swap3A_40], %broadcast_in_dim3A_12 {strides = array<i32>} : memref<633x128xf32, #tpu.memory_space<vmem>>, vector<16xf32>,
      %swap3A_42 = arith.index_cast %scan3A_26 : i32 to index
      %swap3A_43 = arith.constant 80 : index
      %swap3A_44 = tpu.vector_load %arg10[%swap3A_42, %swap3A_43] {strides = array<i32>} : memref<633x128xf32, #tpu.memory_space<vmem>>, vector<16xf32>,
      tpu.vector_store %arg10[%swap3A_42, %swap3A_43], %broadcast_in_dim3A_12 {strides = array<i32>} : memref<633x128xf32, #tpu.memory_space<vmem>>, vector<16xf32>,
      %swap3A_45 = arith.index_cast %scan3A_26 : i32 to index
      %swap3A_46 = arith.constant 96 : index
      %swap3A_47 = tpu.vector_load %arg10[%swap3A_45, %swap3A_46] {strides = array<i32>} : memref<633x128xf32, #tpu.memory_space<vmem>>, vector<16xf32>,
      tpu.vector_store %arg10[%swap3A_45, %swap3A_46], %broadcast_in_dim3A_12 {strides = array<i32>} : memref<633x128xf32, #tpu.memory_space<vmem>>, vector<16xf32>,
      %swap3A_48 = arith.index_cast %scan3A_26 : i32 to index
      %swap3A_49 = arith.constant 112 : index
      %swap3A_50 = tpu.vector_load %arg10[%swap3A_48, %swap3A_49] {strides = array<i32>} : memref<633x128xf32, #tpu.memory_space<vmem>>, vector<16xf32>,
      tpu.vector_store %arg10[%swap3A_48, %swap3A_49], %broadcast_in_dim3A_12 {strides = array<i32>} : memref<633x128xf32, #tpu.memory_space<vmem>>, vector<16xf32>,
      %scan3A_51 = arith.constant 0 : i32
      scf.yield %scan3A_51 : i32
    }
    %scan3A_18 = arith.constant 633 : i32
    %scan3A_19 = arith.constant 0 : i32
    %scan3A_20 = arith.constant 0 : i32
    %scan3A_21 = arith.constant 40 : i32
    %scan3A_22 = arith.addi %scan3A_20, %scan3A_21 : i32
    %scan3A_23 = arith.constant 1 : i32
    %scan3A_24 = scf.for %scan3A_26 = %scan3A_20 to %scan3A_22 step %scan3A_23 iter_args(%scan3A_27 = %scan3A_19) -> (i32)  : i32 {
      %mul3A_28 = arith.constant 8000 : i32
      %mul3A_29 = arith.muli %scan3A_26, %mul3A_28 : i32
      "tpu.region"() ({
        %run_scoped3A = tpu.sem_alloc : memref<!tpu.dma_semaphore, #tpu.memory_space<semaphore_mem>>
        %dma_start3A = tpu.memref_slice %arg2[%mul3A_29] : memref<320000xi32, #tpu.memory_space<hbm>> -> memref<8000xi32, #tpu.memory_space<hbm>>
        %dma_start3A_67 = tpu.memref_slice %arg2[%mul3A_29] : memref<320000xi32, #tpu.memory_space<hbm>> -> memref<8000xi32, #tpu.memory_space<hbm>>
        tpu.enqueue_dma source(%dma_start3A_67 : memref<8000xi32, #tpu.memory_space<hbm>>) target(%arg5 : memref<8000xi32, #tpu.memory_space<vmem>>) target_semaphore(%run_scoped3A : memref<!tpu.dma_semaphore, #tpu.memory_space<semaphore_mem>>)
        %dma_wait3A = tpu.memref_slice %arg2[%mul3A_29] : memref<320000xi32, #tpu.memory_space<hbm>> -> memref<8000xi32, #tpu.memory_space<hbm>>
        %dma_wait3A_68 = tpu.memref_slice %arg2[%mul3A_29] : memref<320000xi32, #tpu.memory_space<hbm>> -> memref<8000xi32, #tpu.memory_space<hbm>>
        tpu.wait_dma2 semaphore(%run_scoped3A : memref<!tpu.dma_semaphore, #tpu.memory_space<semaphore_mem>>) src(%dma_wait3A_68 : memref<8000xi32, #tpu.memory_space<hbm>>) dst(%arg5 : memref<8000xi32, #tpu.memory_space<vmem>>)
        tpu.yield
      }) : () -> ()
      %scan3A_30 = arith.constant 0 : i32
      %scan3A_31 = arith.constant 0 : i32
      %scan3A_32 = arith.constant 125 : i32
      %scan3A_33 = arith.addi %scan3A_31, %scan3A_32 : i32
      %scan3A_34 = arith.constant 1 : i32
      %scan3A_35 = scf.for %scan3A_67 = %scan3A_31 to %scan3A_33 step %scan3A_34 iter_args(%scan3A_68 = %scan3A_30) -> (i32)  : i32 {
        %mul3A_69 = arith.constant 4 : i32
        %mul3A_70 = arith.muli %scan3A_67, %mul3A_69 : i32
        %add3A_71 = arith.constant 0 : i32
        %add3A_72 = arith.addi %mul3A_70, %add3A_71 : i32
        %mul3A_73 = arith.constant 16 : i32
        %mul3A_74 = arith.muli %add3A_72, %mul3A_73 : i32
        %get3A = arith.index_cast %mul3A_74 : i32 to index
        %get3A_75 = tpu.vector_load %arg5[%get3A] {strides = array<i32>} : memref<8000xi32, #tpu.memory_space<vmem>>, vector<16xi32>,
        %ge3A = vector.broadcast %shift_left3A_3 : i32 to vector<16xi32>
        %ge3A_76 = arith.cmpi sge, %get3A_75, %ge3A : vector<16xi32>
        %lt3A = vector.broadcast %shift_left3A_7 : i32 to vector<16xi32>
        %lt3A_77 = arith.cmpi slt, %get3A_75, %lt3A : vector<16xi32>
        %and3A = arith.andi %ge3A_76, %lt3A_77 : vector<16xi1>
        %jit3A = arith.constant 0 : i32
        %jit3A_78 = arith.constant 1 : i32
        %broadcast_in_dim3A_79 = vector.broadcast %jit3A : i32 to vector<16xi32>
        %broadcast_in_dim3A_80 = vector.broadcast %jit3A_78 : i32 to vector<16xi32>
        %select_n3A = arith.select %and3A, %broadcast_in_dim3A_79, %broadcast_in_dim3A_80 : vector<16xi1>, vector<16xi32>
        %masked_sort3A = arith.constant dense<true> : vector<16xi1>
        %masked_sort3A_81 = arith.constant -2147483648 : i32
        %masked_sort3A_82 = vector.broadcast %masked_sort3A_81 : i32 to vector<16xi32>
        %masked_sort3A_83 = arith.xori %select_n3A, %masked_sort3A_82 : vector<16xi32>
        %masked_sort3A_84, %masked_sort3A_85, %masked_sort3A_86 = tpu.sort %masked_sort3A_83, %get3A_75 masked %masked_sort3A : (vector<16xi32>, vector<16xi32>, vector<16xi1>) -> (vector<16xi1>, vector<16xi32>, vector<16xi32>)
        %masked_sort3A_87 = arith.xori %masked_sort3A_85, %masked_sort3A_82 : vector<16xi32>
        %convert_element_type3A = arith.extui %and3A : vector<16xi1> to vector<16xi32>
        %reduce_sum3A = arith.constant true
        %reduce_sum3A_88 = vector.broadcast %reduce_sum3A : i1 to vector<16xi1>
        %reduce_sum3A_89 = tpu.scan <sum>, %convert_element_type3A masked %reduce_sum3A_88 : vector<16xi32>, vector<16xi1> -> vector<16xi32>
        %reduce_sum3A_90 = vector.extract %reduce_sum3A_89[15] : i32 from vector<16xi32>
        %mul3A_91 = arith.constant 4 : i32
        %mul3A_92 = arith.muli %scan3A_67, %mul3A_91 : i32
        %add3A_93 = arith.constant 1 : i32
        %add3A_94 = arith.addi %mul3A_92, %add3A_93 : i32
        %mul3A_95 = arith.constant 16 : i32
        %mul3A_96 = arith.muli %add3A_94, %mul3A_95 : i32
        %get3A_97 = arith.index_cast %mul3A_96 : i32 to index
        %get3A_98 = tpu.vector_load %arg5[%get3A_97] {strides = array<i32>} : memref<8000xi32, #tpu.memory_space<vmem>>, vector<16xi32>,
        %ge3A_99 = vector.broadcast %shift_left3A_3 : i32 to vector<16xi32>
        %ge3A_100 = arith.cmpi sge, %get3A_98, %ge3A_99 : vector<16xi32>
        %lt3A_101 = vector.broadcast %shift_left3A_7 : i32 to vector<16xi32>
        %lt3A_102 = arith.cmpi slt, %get3A_98, %lt3A_101 : vector<16xi32>
        %and3A_103 = arith.andi %ge3A_100, %lt3A_102 : vector<16xi1>
        %jit3A_104 = arith.constant 0 : i32
        %jit3A_105 = arith.constant 1 : i32
        %broadcast_in_dim3A_106 = vector.broadcast %jit3A_104 : i32 to vector<16xi32>
        %broadcast_in_dim3A_107 = vector.broadcast %jit3A_105 : i32 to vector<16xi32>
        %select_n3A_108 = arith.select %and3A_103, %broadcast_in_dim3A_106, %broadcast_in_dim3A_107 : vector<16xi1>, vector<16xi32>
        %masked_sort3A_109 = arith.constant dense<true> : vector<16xi1>
        %masked_sort3A_110 = arith.constant -2147483648 : i32
        %masked_sort3A_111 = vector.broadcast %masked_sort3A_110 : i32 to vector<16xi32>
        %masked_sort3A_112 = arith.xori %select_n3A_108, %masked_sort3A_111 : vector<16xi32>
        %masked_sort3A_113, %masked_sort3A_114, %masked_sort3A_115 = tpu.sort %masked_sort3A_112, %get3A_98 masked %masked_sort3A_109 : (vector<16xi32>, vector<16xi32>, vector<16xi1>) -> (vector<16xi1>, vector<16xi32>, vector<16xi32>)
        %masked_sort3A_116 = arith.xori %masked_sort3A_114, %masked_sort3A_111 : vector<16xi32>
        %convert_element_type3A_117 = arith.extui %and3A_103 : vector<16xi1> to vector<16xi32>
        %reduce_sum3A_118 = arith.constant true
        %reduce_sum3A_119 = vector.broadcast %reduce_sum3A_118 : i1 to vector<16xi1>
        %reduce_sum3A_120 = tpu.scan <sum>, %convert_element_type3A_117 masked %reduce_sum3A_119 : vector<16xi32>, vector<16xi1> -> vector<16xi32>
        %reduce_sum3A_121 = vector.extract %reduce_sum3A_120[15] : i32 from vector<16xi32>
        %mul3A_122 = arith.constant 4 : i32
        %mul3A_123 = arith.muli %scan3A_67, %mul3A_122 : i32
        %add3A_124 = arith.constant 2 : i32
        %add3A_125 = arith.addi %mul3A_123, %add3A_124 : i32
        %mul3A_126 = arith.constant 16 : i32
        %mul3A_127 = arith.muli %add3A_125, %mul3A_126 : i32
        %get3A_128 = arith.index_cast %mul3A_127 : i32 to index
        %get3A_129 = tpu.vector_load %arg5[%get3A_128] {strides = array<i32>} : memref<8000xi32, #tpu.memory_space<vmem>>, vector<16xi32>,
        %ge3A_130 = vector.broadcast %shift_left3A_3 : i32 to vector<16xi32>
        %ge3A_131 = arith.cmpi sge, %get3A_129, %ge3A_130 : vector<16xi32>
        %lt3A_132 = vector.broadcast %shift_left3A_7 : i32 to vector<16xi32>
        %lt3A_133 = arith.cmpi slt, %get3A_129, %lt3A_132 : vector<16xi32>
        %and3A_134 = arith.andi %ge3A_131, %lt3A_133 : vector<16xi1>
        %jit3A_135 = arith.constant 0 : i32
        %jit3A_136 = arith.constant 1 : i32
        %broadcast_in_dim3A_137 = vector.broadcast %jit3A_135 : i32 to vector<16xi32>
        %broadcast_in_dim3A_138 = vector.broadcast %jit3A_136 : i32 to vector<16xi32>
        %select_n3A_139 = arith.select %and3A_134, %broadcast_in_dim3A_137, %broadcast_in_dim3A_138 : vector<16xi1>, vector<16xi32>
        %masked_sort3A_140 = arith.constant dense<true> : vector<16xi1>
        %masked_sort3A_141 = arith.constant -2147483648 : i32
        %masked_sort3A_142 = vector.broadcast %masked_sort3A_141 : i32 to vector<16xi32>
        %masked_sort3A_143 = arith.xori %select_n3A_139, %masked_sort3A_142 : vector<16xi32>
        %masked_sort3A_144, %masked_sort3A_145, %masked_sort3A_146 = tpu.sort %masked_sort3A_143, %get3A_129 masked %masked_sort3A_140 : (vector<16xi32>, vector<16xi32>, vector<16xi1>) -> (vector<16xi1>, vector<16xi32>, vector<16xi32>)
        %masked_sort3A_147 = arith.xori %masked_sort3A_145, %masked_sort3A_142 : vector<16xi32>
        %convert_element_type3A_148 = arith.extui %and3A_134 : vector<16xi1> to vector<16xi32>
        %reduce_sum3A_149 = arith.constant true
        %reduce_sum3A_150 = vector.broadcast %reduce_sum3A_149 : i1 to vector<16xi1>
        %reduce_sum3A_151 = tpu.scan <sum>, %convert_element_type3A_148 masked %reduce_sum3A_150 : vector<16xi32>, vector<16xi1> -> vector<16xi32>
        %reduce_sum3A_152 = vector.extract %reduce_sum3A_151[15] : i32 from vector<16xi32>
        %mul3A_153 = arith.constant 4 : i32
        %mul3A_154 = arith.muli %scan3A_67, %mul3A_153 : i32
        %add3A_155 = arith.constant 3 : i32
        %add3A_156 = arith.addi %mul3A_154, %add3A_155 : i32
        %mul3A_157 = arith.constant 16 : i32
        %mul3A_158 = arith.muli %add3A_156, %mul3A_157 : i32
        %get3A_159 = arith.index_cast %mul3A_158 : i32 to index
        %get3A_160 = tpu.vector_load %arg5[%get3A_159] {strides = array<i32>} : memref<8000xi32, #tpu.memory_space<vmem>>, vector<16xi32>,
        %ge3A_161 = vector.broadcast %shift_left3A_3 : i32 to vector<16xi32>
        %ge3A_162 = arith.cmpi sge, %get3A_160, %ge3A_161 : vector<16xi32>
        %lt3A_163 = vector.broadcast %shift_left3A_7 : i32 to vector<16xi32>
        %lt3A_164 = arith.cmpi slt, %get3A_160, %lt3A_163 : vector<16xi32>
        %and3A_165 = arith.andi %ge3A_162, %lt3A_164 : vector<16xi1>
        %jit3A_166 = arith.constant 0 : i32
        %jit3A_167 = arith.constant 1 : i32
        %broadcast_in_dim3A_168 = vector.broadcast %jit3A_166 : i32 to vector<16xi32>
        %broadcast_in_dim3A_169 = vector.broadcast %jit3A_167 : i32 to vector<16xi32>
        %select_n3A_170 = arith.select %and3A_165, %broadcast_in_dim3A_168, %broadcast_in_dim3A_169 : vector<16xi1>, vector<16xi32>
        %masked_sort3A_171 = arith.constant dense<true> : vector<16xi1>
        %masked_sort3A_172 = arith.constant -2147483648 : i32
        %masked_sort3A_173 = vector.broadcast %masked_sort3A_172 : i32 to vector<16xi32>
        %masked_sort3A_174 = arith.xori %select_n3A_170, %masked_sort3A_173 : vector<16xi32>
        %masked_sort3A_175, %masked_sort3A_176, %masked_sort3A_177 = tpu.sort %masked_sort3A_174, %get3A_160 masked %masked_sort3A_171 : (vector<16xi32>, vector<16xi32>, vector<16xi1>) -> (vector<16xi1>, vector<16xi32>, vector<16xi32>)
        %masked_sort3A_178 = arith.xori %masked_sort3A_176, %masked_sort3A_173 : vector<16xi32>
        %convert_element_type3A_179 = arith.extui %and3A_165 : vector<16xi1> to vector<16xi32>
        %reduce_sum3A_180 = arith.constant true
        %reduce_sum3A_181 = vector.broadcast %reduce_sum3A_180 : i1 to vector<16xi1>
        %reduce_sum3A_182 = tpu.scan <sum>, %convert_element_type3A_179 masked %reduce_sum3A_181 : vector<16xi32>, vector<16xi1> -> vector<16xi32>
        %reduce_sum3A_183 = vector.extract %reduce_sum3A_182[15] : i32 from vector<16xi32>
        %swap3A_184 = arith.index_cast %scan3A_68 : i32 to index
        %swap3A_185 = tpu.vector_load %arg6[%swap3A_184] {strides = array<i32>} : memref<8128xi32, #tpu.memory_space<vmem>>, vector<16xi32>,
        tpu.vector_store %arg6[%swap3A_184], %masked_sort3A_86 {strides = array<i32>} : memref<8128xi32, #tpu.memory_space<vmem>>, vector<16xi32>,
        %add3A_186 = arith.addi %scan3A_68, %reduce_sum3A_90 : i32
        %swap3A_187 = arith.index_cast %add3A_186 : i32 to index
        %swap3A_188 = tpu.vector_load %arg6[%swap3A_187] {strides = array<i32>} : memref<8128xi32, #tpu.memory_space<vmem>>, vector<16xi32>,
        tpu.vector_store %arg6[%swap3A_187], %masked_sort3A_115 {strides = array<i32>} : memref<8128xi32, #tpu.memory_space<vmem>>, vector<16xi32>,
        %add3A_189 = arith.addi %add3A_186, %reduce_sum3A_121 : i32
        %swap3A_190 = arith.index_cast %add3A_189 : i32 to index
        %swap3A_191 = tpu.vector_load %arg6[%swap3A_190] {strides = array<i32>} : memref<8128xi32, #tpu.memory_space<vmem>>, vector<16xi32>,
        tpu.vector_store %arg6[%swap3A_190], %masked_sort3A_146 {strides = array<i32>} : memref<8128xi32, #tpu.memory_space<vmem>>, vector<16xi32>,
        %add3A_192 = arith.addi %add3A_189, %reduce_sum3A_152 : i32
        %swap3A_193 = arith.index_cast %add3A_192 : i32 to index
        %swap3A_194 = tpu.vector_load %arg6[%swap3A_193] {strides = array<i32>} : memref<8128xi32, #tpu.memory_space<vmem>>, vector<16xi32>,
        tpu.vector_store %arg6[%swap3A_193], %masked_sort3A_177 {strides = array<i32>} : memref<8128xi32, #tpu.memory_space<vmem>>, vector<16xi32>,
        %add3A_195 = arith.addi %add3A_192, %reduce_sum3A_183 : i32
        scf.yield %add3A_195 : i32
      }
      %scan3A_36 = arith.constant 125 : i32
      %add3A_37 = arith.constant 0 : i32
      %add3A_38 = arith.addi %scan3A_35, %add3A_37 : i32
      %swap3A = arith.index_cast %add3A_38 : i32 to index
      %swap3A_39 = tpu.vector_load %arg6[%swap3A] {strides = array<i32>} : memref<8128xi32, #tpu.memory_space<vmem>>, vector<16xi32>,
      tpu.vector_store %arg6[%swap3A], %add3A_10 {strides = array<i32>} : memref<8128xi32, #tpu.memory_space<vmem>>, vector<16xi32>,
      %add3A_40 = arith.constant 16 : i32
      %add3A_41 = arith.addi %scan3A_35, %add3A_40 : i32
      %swap3A_42 = arith.index_cast %add3A_41 : i32 to index
      %swap3A_43 = tpu.vector_load %arg6[%swap3A_42] {strides = array<i32>} : memref<8128xi32, #tpu.memory_space<vmem>>, vector<16xi32>,
      tpu.vector_store %arg6[%swap3A_42], %add3A_10 {strides = array<i32>} : memref<8128xi32, #tpu.memory_space<vmem>>, vector<16xi32>,
      %add3A_44 = arith.constant 32 : i32
      %add3A_45 = arith.addi %scan3A_35, %add3A_44 : i32
      %swap3A_46 = arith.index_cast %add3A_45 : i32 to index
      %swap3A_47 = tpu.vector_load %arg6[%swap3A_46] {strides = array<i32>} : memref<8128xi32, #tpu.memory_space<vmem>>, vector<16xi32>,
      tpu.vector_store %arg6[%swap3A_46], %add3A_10 {strides = array<i32>} : memref<8128xi32, #tpu.memory_space<vmem>>, vector<16xi32>,
      %add3A_48 = arith.constant 48 : i32
      %add3A_49 = arith.addi %scan3A_35, %add3A_48 : i32
      %swap3A_50 = arith.index_cast %add3A_49 : i32 to index
      %swap3A_51 = tpu.vector_load %arg6[%swap3A_50] {strides = array<i32>} : memref<8128xi32, #tpu.memory_space<vmem>>, vector<16xi32>,
      tpu.vector_store %arg6[%swap3A_50], %add3A_10 {strides = array<i32>} : memref<8128xi32, #tpu.memory_space<vmem>>, vector<16xi32>,
      %add3A_52 = arith.constant 63 : i32
      %add3A_53 = arith.addi %scan3A_35, %add3A_52 : i32
      %shift_right_arithmetic3A = arith.constant 6 : i32
      %shift_right_arithmetic3A_54 = arith.shrsi %add3A_53, %shift_right_arithmetic3A : i32
      %while3A = arith.constant 0 : i32
      %while3A_55 = arith.constant 0 : i32
      %while3A_56 = arith.subi %shift_right_arithmetic3A_54, %while3A : i32
      %while3A_57 = arith.addi %while3A, %while3A_56 : i32
      %while3A_58 = arith.constant 1 : i32
      %while3A_59 = arith.divsi %while3A_56, %while3A_58 : i32
      %while3A_60 = arith.muli %while3A_59, %while3A_58 : i32
      %while3A_61 = arith.addi %while3A, %while3A_60 : i32
      %while3A_62 = arith.constant 1 : i32
      %while3A_63 = scf.for %while3A_67 = %while3A to %while3A_61 step %while3A_62 iter_args(%while3A_68 = %while3A_55) -> (i32)  : i32 {
        %mul3A_69 = arith.constant 64 : i32
        %mul3A_70 = arith.muli %while3A_67, %mul3A_69 : i32
        %add3A_71 = arith.constant 0 : i32
        %add3A_72 = arith.addi %mul3A_70, %add3A_71 : i32
        %get3A = arith.index_cast %add3A_72 : i32 to index
        %get3A_73 = tpu.vector_load %arg6[%get3A] {strides = array<i32>} : memref<8128xi32, #tpu.memory_space<vmem>>, vector<16xi32>,
        %and3A = arith.constant 65535 : i32
        %and3A_74 = vector.broadcast %and3A : i32 to vector<16xi32>
        %and3A_75 = arith.andi %get3A_73, %and3A_74 : vector<16xi32>
        %swap3A_76 = arith.constant 0 : i32
        %swap3A_77 = arith.index_cast %swap3A_76 : i32 to index
        %swap3A_78 = arith.constant 0 : index
        %swap3A_79 = tpu.vector_load %arg7[%swap3A_77, %swap3A_78] {strides = array<i32>} : memref<4x16xi32, #tpu.memory_space<vmem>>, vector<16xi32>,
        tpu.vector_store %arg7[%swap3A_77, %swap3A_78], %and3A_75 {strides = array<i32>} : memref<4x16xi32, #tpu.memory_space<vmem>>, vector<16xi32>,
        %shift_right_arithmetic3A_80 = arith.constant 16 : i32
        %shift_right_arithmetic3A_81 = vector.broadcast %shift_right_arithmetic3A_80 : i32 to vector<16xi32>
        %shift_right_arithmetic3A_82 = arith.shrsi %get3A_73, %shift_right_arithmetic3A_81 : vector<16xi32>
        %sub3A = vector.broadcast %mul3A_2 : i32 to vector<16xi32>
        %sub3A_83 = arith.subi %shift_right_arithmetic3A_82, %sub3A : vector<16xi32>
        %swap3A_84 = arith.constant 0 : index
        %swap3A_85 = tpu.vector_load %arg8[%swap3A_84] {strides = array<i32>} : memref<64xi32, #tpu.memory_space<vmem>>, vector<16xi32>,
        tpu.vector_store %arg8[%swap3A_84], %sub3A_83 {strides = array<i32>} : memref<64xi32, #tpu.memory_space<vmem>>, vector<16xi32>,
        %add3A_86 = arith.constant 16 : i32
        %add3A_87 = arith.addi %mul3A_70, %add3A_86 : i32
        %get3A_88 = arith.index_cast %add3A_87 : i32 to index
        %get3A_89 = tpu.vector_load %arg6[%get3A_88] {strides = array<i32>} : memref<8128xi32, #tpu.memory_space<vmem>>, vector<16xi32>,
        %and3A_90 = arith.constant 65535 : i32
        %and3A_91 = vector.broadcast %and3A_90 : i32 to vector<16xi32>
        %and3A_92 = arith.andi %get3A_89, %and3A_91 : vector<16xi32>
        %swap3A_93 = arith.constant 1 : i32
        %swap3A_94 = arith.index_cast %swap3A_93 : i32 to index
        %swap3A_95 = arith.constant 0 : index
        %swap3A_96 = tpu.vector_load %arg7[%swap3A_94, %swap3A_95] {strides = array<i32>} : memref<4x16xi32, #tpu.memory_space<vmem>>, vector<16xi32>,
        tpu.vector_store %arg7[%swap3A_94, %swap3A_95], %and3A_92 {strides = array<i32>} : memref<4x16xi32, #tpu.memory_space<vmem>>, vector<16xi32>,
        %shift_right_arithmetic3A_97 = arith.constant 16 : i32
        %shift_right_arithmetic3A_98 = vector.broadcast %shift_right_arithmetic3A_97 : i32 to vector<16xi32>
        %shift_right_arithmetic3A_99 = arith.shrsi %get3A_89, %shift_right_arithmetic3A_98 : vector<16xi32>
        %sub3A_100 = vector.broadcast %mul3A_2 : i32 to vector<16xi32>
        %sub3A_101 = arith.subi %shift_right_arithmetic3A_99, %sub3A_100 : vector<16xi32>
        %swap3A_102 = arith.constant 16 : index
        %swap3A_103 = tpu.vector_load %arg8[%swap3A_102] {strides = array<i32>} : memref<64xi32, #tpu.memory_space<vmem>>, vector<16xi32>,
        tpu.vector_store %arg8[%swap3A_102], %sub3A_101 {strides = array<i32>} : memref<64xi32, #tpu.memory_space<vmem>>, vector<16xi32>,
        %add3A_104 = arith.constant 32 : i32
        %add3A_105 = arith.addi %mul3A_70, %add3A_104 : i32
        %get3A_106 = arith.index_cast %add3A_105 : i32 to index
        %get3A_107 = tpu.vector_load %arg6[%get3A_106] {strides = array<i32>} : memref<8128xi32, #tpu.memory_space<vmem>>, vector<16xi32>,
        %and3A_108 = arith.constant 65535 : i32
        %and3A_109 = vector.broadcast %and3A_108 : i32 to vector<16xi32>
        %and3A_110 = arith.andi %get3A_107, %and3A_109 : vector<16xi32>
        %swap3A_111 = arith.constant 2 : i32
        %swap3A_112 = arith.index_cast %swap3A_111 : i32 to index
        %swap3A_113 = arith.constant 0 : index
        %swap3A_114 = tpu.vector_load %arg7[%swap3A_112, %swap3A_113] {strides = array<i32>} : memref<4x16xi32, #tpu.memory_space<vmem>>, vector<16xi32>,
        tpu.vector_store %arg7[%swap3A_112, %swap3A_113], %and3A_110 {strides = array<i32>} : memref<4x16xi32, #tpu.memory_space<vmem>>, vector<16xi32>,
        %shift_right_arithmetic3A_115 = arith.constant 16 : i32
        %shift_right_arithmetic3A_116 = vector.broadcast %shift_right_arithmetic3A_115 : i32 to vector<16xi32>
        %shift_right_arithmetic3A_117 = arith.shrsi %get3A_107, %shift_right_arithmetic3A_116 : vector<16xi32>
        %sub3A_118 = vector.broadcast %mul3A_2 : i32 to vector<16xi32>
        %sub3A_119 = arith.subi %shift_right_arithmetic3A_117, %sub3A_118 : vector<16xi32>
        %swap3A_120 = arith.constant 32 : index
        %swap3A_121 = tpu.vector_load %arg8[%swap3A_120] {strides = array<i32>} : memref<64xi32, #tpu.memory_space<vmem>>, vector<16xi32>,
        tpu.vector_store %arg8[%swap3A_120], %sub3A_119 {strides = array<i32>} : memref<64xi32, #tpu.memory_space<vmem>>, vector<16xi32>,
        %add3A_122 = arith.constant 48 : i32
        %add3A_123 = arith.addi %mul3A_70, %add3A_122 : i32
        %get3A_124 = arith.index_cast %add3A_123 : i32 to index
        %get3A_125 = tpu.vector_load %arg6[%get3A_124] {strides = array<i32>} : memref<8128xi32, #tpu.memory_space<vmem>>, vector<16xi32>,
        %and3A_126 = arith.constant 65535 : i32
        %and3A_127 = vector.broadcast %and3A_126 : i32 to vector<16xi32>
        %and3A_128 = arith.andi %get3A_125, %and3A_127 : vector<16xi32>
        %swap3A_129 = arith.constant 3 : i32
        %swap3A_130 = arith.index_cast %swap3A_129 : i32 to index
        %swap3A_131 = arith.constant 0 : index
        %swap3A_132 = tpu.vector_load %arg7[%swap3A_130, %swap3A_131] {strides = array<i32>} : memref<4x16xi32, #tpu.memory_space<vmem>>, vector<16xi32>,
        tpu.vector_store %arg7[%swap3A_130, %swap3A_131], %and3A_128 {strides = array<i32>} : memref<4x16xi32, #tpu.memory_space<vmem>>, vector<16xi32>,
        %shift_right_arithmetic3A_133 = arith.constant 16 : i32
        %shift_right_arithmetic3A_134 = vector.broadcast %shift_right_arithmetic3A_133 : i32 to vector<16xi32>
        %shift_right_arithmetic3A_135 = arith.shrsi %get3A_125, %shift_right_arithmetic3A_134 : vector<16xi32>
        %sub3A_136 = vector.broadcast %mul3A_2 : i32 to vector<16xi32>
        %sub3A_137 = arith.subi %shift_right_arithmetic3A_135, %sub3A_136 : vector<16xi32>
        %swap3A_138 = arith.constant 48 : index
        %swap3A_139 = tpu.vector_load %arg8[%swap3A_138] {strides = array<i32>} : memref<64xi32, #tpu.memory_space<vmem>>, vector<16xi32>,
        tpu.vector_store %arg8[%swap3A_138], %sub3A_137 {strides = array<i32>} : memref<64xi32, #tpu.memory_space<vmem>>, vector<16xi32>,
        %dma_start3A = arith.constant 0 : i32
        %dma_start3A_140 = arith.constant 0 : i32
        %dma_start3A_141 = arith.constant 0 : i32
        %dma_start3A_142 = tpu.memref_slice %arg9[%dma_start3A_140, %dma_start3A_141] : memref<64x128xf32, #tpu.memory_space<vmem>> -> memref<16x128xf32, #tpu.memory_space<vmem>>
        %dma_start3A_143 = arith.constant 0 : i32
        %dma_start3A_144 = tpu.memref_slice %arg7[%dma_start3A, %dma_start3A_143] : memref<4x16xi32, #tpu.memory_space<vmem>> -> memref<1x16xi32, #tpu.memory_space<vmem>>
        %dma_start3A_145 = tpu.memref_squeeze %dma_start3A_144 : memref<1x16xi32, #tpu.memory_space<vmem>> -> memref<16xi32, #tpu.memory_space<vmem>>
        %dma_start3A_146 = arith.constant 0 : i32
        %dma_start3A_147 = arith.constant 0 : i32
        %dma_start3A_148 = tpu.memref_slice %arg3[%dma_start3A_146, %dma_start3A_147] : memref<20000x128xf32, #tpu.memory_space<hbm>> -> memref<20000x128xf32, #tpu.memory_space<hbm>>
        tpu.enqueue_indirect_dma source(%dma_start3A_148 : memref<20000x128xf32, #tpu.memory_space<hbm>>) target(%dma_start3A_142 : memref<16x128xf32, #tpu.memory_space<vmem>>) offsets(%dma_start3A_145 : memref<16xi32, #tpu.memory_space<vmem>>) semaphore(%arg11 : memref<!tpu.dma_semaphore, #tpu.memory_space<semaphore_mem>>)
        %dma_start3A_149 = arith.constant 1 : i32
        %dma_start3A_150 = arith.constant 16 : i32
        %dma_start3A_151 = arith.constant 0 : i32
        %dma_start3A_152 = tpu.memref_slice %arg9[%dma_start3A_150, %dma_start3A_151] : memref<64x128xf32, #tpu.memory_space<vmem>> -> memref<16x128xf32, #tpu.memory_space<vmem>>
        %dma_start3A_153 = arith.constant 0 : i32
        %dma_start3A_154 = tpu.memref_slice %arg7[%dma_start3A_149, %dma_start3A_153] : memref<4x16xi32, #tpu.memory_space<vmem>> -> memref<1x16xi32, #tpu.memory_space<vmem>>
        %dma_start3A_155 = tpu.memref_squeeze %dma_start3A_154 : memref<1x16xi32, #tpu.memory_space<vmem>> -> memref<16xi32, #tpu.memory_space<vmem>>
        %dma_start3A_156 = arith.constant 0 : i32
        %dma_start3A_157 = arith.constant 0 : i32
        %dma_start3A_158 = tpu.memref_slice %arg3[%dma_start3A_156, %dma_start3A_157] : memref<20000x128xf32, #tpu.memory_space<hbm>> -> memref<20000x128xf32, #tpu.memory_space<hbm>>
        tpu.enqueue_indirect_dma source(%dma_start3A_158 : memref<20000x128xf32, #tpu.memory_space<hbm>>) target(%dma_start3A_152 : memref<16x128xf32, #tpu.memory_space<vmem>>) offsets(%dma_start3A_155 : memref<16xi32, #tpu.memory_space<vmem>>) semaphore(%arg12 : memref<!tpu.dma_semaphore, #tpu.memory_space<semaphore_mem>>)
        %dma_start3A_159 = arith.constant 2 : i32
        %dma_start3A_160 = arith.constant 32 : i32
        %dma_start3A_161 = arith.constant 0 : i32
        %dma_start3A_162 = tpu.memref_slice %arg9[%dma_start3A_160, %dma_start3A_161] : memref<64x128xf32, #tpu.memory_space<vmem>> -> memref<16x128xf32, #tpu.memory_space<vmem>>
        %dma_start3A_163 = arith.constant 0 : i32
        %dma_start3A_164 = tpu.memref_slice %arg7[%dma_start3A_159, %dma_start3A_163] : memref<4x16xi32, #tpu.memory_space<vmem>> -> memref<1x16xi32, #tpu.memory_space<vmem>>
        %dma_start3A_165 = tpu.memref_squeeze %dma_start3A_164 : memref<1x16xi32, #tpu.memory_space<vmem>> -> memref<16xi32, #tpu.memory_space<vmem>>
        %dma_start3A_166 = arith.constant 0 : i32
        %dma_start3A_167 = arith.constant 0 : i32
        %dma_start3A_168 = tpu.memref_slice %arg3[%dma_start3A_166, %dma_start3A_167] : memref<20000x128xf32, #tpu.memory_space<hbm>> -> memref<20000x128xf32, #tpu.memory_space<hbm>>
        tpu.enqueue_indirect_dma source(%dma_start3A_168 : memref<20000x128xf32, #tpu.memory_space<hbm>>) target(%dma_start3A_162 : memref<16x128xf32, #tpu.memory_space<vmem>>) offsets(%dma_start3A_165 : memref<16xi32, #tpu.memory_space<vmem>>) semaphore(%arg13 : memref<!tpu.dma_semaphore, #tpu.memory_space<semaphore_mem>>)
        %dma_start3A_169 = arith.constant 3 : i32
        %dma_start3A_170 = arith.constant 48 : i32
        %dma_start3A_171 = arith.constant 0 : i32
        %dma_start3A_172 = tpu.memref_slice %arg9[%dma_start3A_170, %dma_start3A_171] : memref<64x128xf32, #tpu.memory_space<vmem>> -> memref<16x128xf32, #tpu.memory_space<vmem>>
        %dma_start3A_173 = arith.constant 0 : i32
        %dma_start3A_174 = tpu.memref_slice %arg7[%dma_start3A_169, %dma_start3A_173] : memref<4x16xi32, #tpu.memory_space<vmem>> -> memref<1x16xi32, #tpu.memory_space<vmem>>
        %dma_start3A_175 = tpu.memref_squeeze %dma_start3A_174 : memref<1x16xi32, #tpu.memory_space<vmem>> -> memref<16xi32, #tpu.memory_space<vmem>>
        %dma_start3A_176 = arith.constant 0 : i32
        %dma_start3A_177 = arith.constant 0 : i32
        %dma_start3A_178 = tpu.memref_slice %arg3[%dma_start3A_176, %dma_start3A_177] : memref<20000x128xf32, #tpu.memory_space<hbm>> -> memref<20000x128xf32, #tpu.memory_space<hbm>>
        tpu.enqueue_indirect_dma source(%dma_start3A_178 : memref<20000x128xf32, #tpu.memory_space<hbm>>) target(%dma_start3A_172 : memref<16x128xf32, #tpu.memory_space<vmem>>) offsets(%dma_start3A_175 : memref<16xi32, #tpu.memory_space<vmem>>) semaphore(%arg14 : memref<!tpu.dma_semaphore, #tpu.memory_space<semaphore_mem>>)
        %dma_wait3A = arith.constant 0 : i32
        %dma_wait3A_179 = arith.constant 0 : i32
        %dma_wait3A_180 = arith.constant 0 : i32
        %dma_wait3A_181 = tpu.memref_slice %arg9[%dma_wait3A_179, %dma_wait3A_180] : memref<64x128xf32, #tpu.memory_space<vmem>> -> memref<16x128xf32, #tpu.memory_space<vmem>>
        %dma_wait3A_182 = arith.constant 0 : i32
        %dma_wait3A_183 = tpu.memref_slice %arg7[%dma_wait3A, %dma_wait3A_182] : memref<4x16xi32, #tpu.memory_space<vmem>> -> memref<1x16xi32, #tpu.memory_space<vmem>>
        %dma_wait3A_184 = tpu.memref_squeeze %dma_wait3A_183 : memref<1x16xi32, #tpu.memory_space<vmem>> -> memref<16xi32, #tpu.memory_space<vmem>>
        %dma_wait3A_185 = arith.constant 0 : i32
        %dma_wait3A_186 = arith.constant 0 : i32
        %dma_wait3A_187 = tpu.memref_slice %arg3[%dma_wait3A_185, %dma_wait3A_186] : memref<20000x128xf32, #tpu.memory_space<hbm>> -> memref<20000x128xf32, #tpu.memory_space<hbm>>
        tpu.wait_indirect_dma semaphore(%arg11 : memref<!tpu.dma_semaphore, #tpu.memory_space<semaphore_mem>>) src(%dma_wait3A_187 : memref<20000x128xf32, #tpu.memory_space<hbm>>) dst(%dma_wait3A_181 : memref<16x128xf32, #tpu.memory_space<vmem>>)
        %dma_wait3A_188 = arith.constant 1 : i32
        %dma_wait3A_189 = arith.constant 16 : i32
        %dma_wait3A_190 = arith.constant 0 : i32
        %dma_wait3A_191 = tpu.memref_slice %arg9[%dma_wait3A_189, %dma_wait3A_190] : memref<64x128xf32, #tpu.memory_space<vmem>> -> memref<16x128xf32, #tpu.memory_space<vmem>>
        %dma_wait3A_192 = arith.constant 0 : i32
        %dma_wait3A_193 = tpu.memref_slice %arg7[%dma_wait3A_188, %dma_wait3A_192] : memref<4x16xi32, #tpu.memory_space<vmem>> -> memref<1x16xi32, #tpu.memory_space<vmem>>
        %dma_wait3A_194 = tpu.memref_squeeze %dma_wait3A_193 : memref<1x16xi32, #tpu.memory_space<vmem>> -> memref<16xi32, #tpu.memory_space<vmem>>
        %dma_wait3A_195 = arith.constant 0 : i32
        %dma_wait3A_196 = arith.constant 0 : i32
        %dma_wait3A_197 = tpu.memref_slice %arg3[%dma_wait3A_195, %dma_wait3A_196] : memref<20000x128xf32, #tpu.memory_space<hbm>> -> memref<20000x128xf32, #tpu.memory_space<hbm>>
        tpu.wait_indirect_dma semaphore(%arg12 : memref<!tpu.dma_semaphore, #tpu.memory_space<semaphore_mem>>) src(%dma_wait3A_197 : memref<20000x128xf32, #tpu.memory_space<hbm>>) dst(%dma_wait3A_191 : memref<16x128xf32, #tpu.memory_space<vmem>>)
        %dma_wait3A_198 = arith.constant 2 : i32
        %dma_wait3A_199 = arith.constant 32 : i32
        %dma_wait3A_200 = arith.constant 0 : i32
        %dma_wait3A_201 = tpu.memref_slice %arg9[%dma_wait3A_199, %dma_wait3A_200] : memref<64x128xf32, #tpu.memory_space<vmem>> -> memref<16x128xf32, #tpu.memory_space<vmem>>
        %dma_wait3A_202 = arith.constant 0 : i32
        %dma_wait3A_203 = tpu.memref_slice %arg7[%dma_wait3A_198, %dma_wait3A_202] : memref<4x16xi32, #tpu.memory_space<vmem>> -> memref<1x16xi32, #tpu.memory_space<vmem>>
        %dma_wait3A_204 = tpu.memref_squeeze %dma_wait3A_203 : memref<1x16xi32, #tpu.memory_space<vmem>> -> memref<16xi32, #tpu.memory_space<vmem>>
        %dma_wait3A_205 = arith.constant 0 : i32
        %dma_wait3A_206 = arith.constant 0 : i32
        %dma_wait3A_207 = tpu.memref_slice %arg3[%dma_wait3A_205, %dma_wait3A_206] : memref<20000x128xf32, #tpu.memory_space<hbm>> -> memref<20000x128xf32, #tpu.memory_space<hbm>>
        tpu.wait_indirect_dma semaphore(%arg13 : memref<!tpu.dma_semaphore, #tpu.memory_space<semaphore_mem>>) src(%dma_wait3A_207 : memref<20000x128xf32, #tpu.memory_space<hbm>>) dst(%dma_wait3A_201 : memref<16x128xf32, #tpu.memory_space<vmem>>)
        %dma_wait3A_208 = arith.constant 3 : i32
        %dma_wait3A_209 = arith.constant 48 : i32
        %dma_wait3A_210 = arith.constant 0 : i32
        %dma_wait3A_211 = tpu.memref_slice %arg9[%dma_wait3A_209, %dma_wait3A_210] : memref<64x128xf32, #tpu.memory_space<vmem>> -> memref<16x128xf32, #tpu.memory_space<vmem>>
        %dma_wait3A_212 = arith.constant 0 : i32
        %dma_wait3A_213 = tpu.memref_slice %arg7[%dma_wait3A_208, %dma_wait3A_212] : memref<4x16xi32, #tpu.memory_space<vmem>> -> memref<1x16xi32, #tpu.memory_space<vmem>>
        %dma_wait3A_214 = tpu.memref_squeeze %dma_wait3A_213 : memref<1x16xi32, #tpu.memory_space<vmem>> -> memref<16xi32, #tpu.memory_space<vmem>>
        %dma_wait3A_215 = arith.constant 0 : i32
        %dma_wait3A_216 = arith.constant 0 : i32
        %dma_wait3A_217 = tpu.memref_slice %arg3[%dma_wait3A_215, %dma_wait3A_216] : memref<20000x128xf32, #tpu.memory_space<hbm>> -> memref<20000x128xf32, #tpu.memory_space<hbm>>
        tpu.wait_indirect_dma semaphore(%arg14 : memref<!tpu.dma_semaphore, #tpu.memory_space<semaphore_mem>>) src(%dma_wait3A_217 : memref<20000x128xf32, #tpu.memory_space<hbm>>) dst(%dma_wait3A_211 : memref<16x128xf32, #tpu.memory_space<vmem>>)
        %scan3A_218 = arith.constant 0 : i32
        %scan3A_219 = arith.constant 0 : i32
        %scan3A_220 = arith.constant 4 : i32
        %scan3A_221 = arith.addi %scan3A_219, %scan3A_220 : i32
        %scan3A_222 = arith.constant 1 : i32
        %scan3A_223 = scf.for %scan3A_226 = %scan3A_219 to %scan3A_221 step %scan3A_222 iter_args(%scan3A_227 = %scan3A_218) -> (i32)  : i32 {
          %mul3A_228 = arith.constant 16 : i32
          %mul3A_229 = arith.muli %scan3A_226, %mul3A_228 : i32
          %get3A_230 = arith.index_cast %mul3A_229 : i32 to index
          %get3A_231 = tpu.vector_load %arg8[%get3A_230] {strides = array<i32>} : memref<64xi32, #tpu.memory_space<vmem>>, vector<16xi32>,
          %slice3A = vector.extract_strided_slice %get3A_231 {offsets = [0], sizes = [1], strides = [1]} : vector<16xi32> to vector<1xi32>
          %squeeze3A = vector.extract %slice3A[0] : i32 from vector<1xi32>
          %mul3A_232 = arith.constant 16 : i32
          %mul3A_233 = arith.muli %scan3A_226, %mul3A_232 : i32
          %add3A_234 = arith.constant 0 : i32
          %add3A_235 = arith.addi %mul3A_233, %add3A_234 : i32
          %get3A_236 = arith.index_cast %squeeze3A : i32 to index
          %get3A_237 = arith.constant 0 : index
          %get3A_238 = tpu.vector_load %arg10[%get3A_236, %get3A_237] {strides = array<i32>} : memref<633x128xf32, #tpu.memory_space<vmem>>, vector<16xf32>,
          %get3A_239 = arith.index_cast %add3A_235 : i32 to index
          %get3A_240 = arith.constant 0 : index
          %get3A_241 = tpu.vector_load %arg9[%get3A_239, %get3A_240] {strides = array<i32>} : memref<64x128xf32, #tpu.memory_space<vmem>>, vector<16xf32>,
          %max3A = arith.maximumf %get3A_238, %get3A_241 : vector<16xf32>
          %swap3A_242 = arith.index_cast %squeeze3A : i32 to index
          %swap3A_243 = arith.constant 0 : index
          %swap3A_244 = tpu.vector_load %arg10[%swap3A_242, %swap3A_243] {strides = array<i32>} : memref<633x128xf32, #tpu.memory_space<vmem>>, vector<16xf32>,
          tpu.vector_store %arg10[%swap3A_242, %swap3A_243], %max3A {strides = array<i32>} : memref<633x128xf32, #tpu.memory_space<vmem>>, vector<16xf32>,
          %get3A_245 = arith.index_cast %squeeze3A : i32 to index
          %get3A_246 = arith.constant 16 : index
          %get3A_247 = tpu.vector_load %arg10[%get3A_245, %get3A_246] {strides = array<i32>} : memref<633x128xf32, #tpu.memory_space<vmem>>, vector<16xf32>,
          %get3A_248 = arith.index_cast %add3A_235 : i32 to index
          %get3A_249 = arith.constant 16 : index
          %get3A_250 = tpu.vector_load %arg9[%get3A_248, %get3A_249] {strides = array<i32>} : memref<64x128xf32, #tpu.memory_space<vmem>>, vector<16xf32>,
          %max3A_251 = arith.maximumf %get3A_247, %get3A_250 : vector<16xf32>
          %swap3A_252 = arith.index_cast %squeeze3A : i32 to index
          %swap3A_253 = arith.constant 16 : index
          %swap3A_254 = tpu.vector_load %arg10[%swap3A_252, %swap3A_253] {strides = array<i32>} : memref<633x128xf32, #tpu.memory_space<vmem>>, vector<16xf32>,
          tpu.vector_store %arg10[%swap3A_252, %swap3A_253], %max3A_251 {strides = array<i32>} : memref<633x128xf32, #tpu.memory_space<vmem>>, vector<16xf32>,
          %get3A_255 = arith.index_cast %squeeze3A : i32 to index
          %get3A_256 = arith.constant 32 : index
          %get3A_257 = tpu.vector_load %arg10[%get3A_255, %get3A_256] {strides = array<i32>} : memref<633x128xf32, #tpu.memory_space<vmem>>, vector<16xf32>,
          %get3A_258 = arith.index_cast %add3A_235 : i32 to index
          %get3A_259 = arith.constant 32 : index
          %get3A_260 = tpu.vector_load %arg9[%get3A_258, %get3A_259] {strides = array<i32>} : memref<64x128xf32, #tpu.memory_space<vmem>>, vector<16xf32>,
          %max3A_261 = arith.maximumf %get3A_257, %get3A_260 : vector<16xf32>
          %swap3A_262 = arith.index_cast %squeeze3A : i32 to index
          %swap3A_263 = arith.constant 32 : index
          %swap3A_264 = tpu.vector_load %arg10[%swap3A_262, %swap3A_263] {strides = array<i32>} : memref<633x128xf32, #tpu.memory_space<vmem>>, vector<16xf32>,
          tpu.vector_store %arg10[%swap3A_262, %swap3A_263], %max3A_261 {strides = array<i32>} : memref<633x128xf32, #tpu.memory_space<vmem>>, vector<16xf32>,
          %get3A_265 = arith.index_cast %squeeze3A : i32 to index
          %get3A_266 = arith.constant 48 : index
          %get3A_267 = tpu.vector_load %arg10[%get3A_265, %get3A_266] {strides = array<i32>} : memref<633x128xf32, #tpu.memory_space<vmem>>, vector<16xf32>,
          %get3A_268 = arith.index_cast %add3A_235 : i32 to index
          %get3A_269 = arith.constant 48 : index
          %get3A_270 = tpu.vector_load %arg9[%get3A_268, %get3A_269] {strides = array<i32>} : memref<64x128xf32, #tpu.memory_space<vmem>>, vector<16xf32>,
          %max3A_271 = arith.maximumf %get3A_267, %get3A_270 : vector<16xf32>
          %swap3A_272 = arith.index_cast %squeeze3A : i32 to index
          %swap3A_273 = arith.constant 48 : index
          %swap3A_274 = tpu.vector_load %arg10[%swap3A_272, %swap3A_273] {strides = array<i32>} : memref<633x128xf32, #tpu.memory_space<vmem>>, vector<16xf32>,
          tpu.vector_store %arg10[%swap3A_272, %swap3A_273], %max3A_271 {strides = array<i32>} : memref<633x128xf32, #tpu.memory_space<vmem>>, vector<16xf32>,
          %get3A_275 = arith.index_cast %squeeze3A : i32 to index
          %get3A_276 = arith.constant 64 : index
          %get3A_277 = tpu.vector_load %arg10[%get3A_275, %get3A_276] {strides = array<i32>} : memref<633x128xf32, #tpu.memory_space<vmem>>, vector<16xf32>,
          %get3A_278 = arith.index_cast %add3A_235 : i32 to index
          %get3A_279 = arith.constant 64 : index
          %get3A_280 = tpu.vector_load %arg9[%get3A_278, %get3A_279] {strides = array<i32>} : memref<64x128xf32, #tpu.memory_space<vmem>>, vector<16xf32>,
          %max3A_281 = arith.maximumf %get3A_277, %get3A_280 : vector<16xf32>
          %swap3A_282 = arith.index_cast %squeeze3A : i32 to index
          %swap3A_283 = arith.constant 64 : index
          %swap3A_284 = tpu.vector_load %arg10[%swap3A_282, %swap3A_283] {strides = array<i32>} : memref<633x128xf32, #tpu.memory_space<vmem>>, vector<16xf32>,
          tpu.vector_store %arg10[%swap3A_282, %swap3A_283], %max3A_281 {strides = array<i32>} : memref<633x128xf32, #tpu.memory_space<vmem>>, vector<16xf32>,
          %get3A_285 = arith.index_cast %squeeze3A : i32 to index
          %get3A_286 = arith.constant 80 : index
          %get3A_287 = tpu.vector_load %arg10[%get3A_285, %get3A_286] {strides = array<i32>} : memref<633x128xf32, #tpu.memory_space<vmem>>, vector<16xf32>,
          %get3A_288 = arith.index_cast %add3A_235 : i32 to index
          %get3A_289 = arith.constant 80 : index
          %get3A_290 = tpu.vector_load %arg9[%get3A_288, %get3A_289] {strides = array<i32>} : memref<64x128xf32, #tpu.memory_space<vmem>>, vector<16xf32>,
          %max3A_291 = arith.maximumf %get3A_287, %get3A_290 : vector<16xf32>
          %swap3A_292 = arith.index_cast %squeeze3A : i32 to index
          %swap3A_293 = arith.constant 80 : index
          %swap3A_294 = tpu.vector_load %arg10[%swap3A_292, %swap3A_293] {strides = array<i32>} : memref<633x128xf32, #tpu.memory_space<vmem>>, vector<16xf32>,
          tpu.vector_store %arg10[%swap3A_292, %swap3A_293], %max3A_291 {strides = array<i32>} : memref<633x128xf32, #tpu.memory_space<vmem>>, vector<16xf32>,
          %get3A_295 = arith.index_cast %squeeze3A : i32 to index
          %get3A_296 = arith.constant 96 : index
          %get3A_297 = tpu.vector_load %arg10[%get3A_295, %get3A_296] {strides = array<i32>} : memref<633x128xf32, #tpu.memory_space<vmem>>, vector<16xf32>,
          %get3A_298 = arith.index_cast %add3A_235 : i32 to index
          %get3A_299 = arith.constant 96 : index
          %get3A_300 = tpu.vector_load %arg9[%get3A_298, %get3A_299] {strides = array<i32>} : memref<64x128xf32, #tpu.memory_space<vmem>>, vector<16xf32>,
          %max3A_301 = arith.maximumf %get3A_297, %get3A_300 : vector<16xf32>
          %swap3A_302 = arith.index_cast %squeeze3A : i32 to index
          %swap3A_303 = arith.constant 96 : index
          %swap3A_304 = tpu.vector_load %arg10[%swap3A_302, %swap3A_303] {strides = array<i32>} : memref<633x128xf32, #tpu.memory_space<vmem>>, vector<16xf32>,
          tpu.vector_store %arg10[%swap3A_302, %swap3A_303], %max3A_301 {strides = array<i32>} : memref<633x128xf32, #tpu.memory_space<vmem>>, vector<16xf32>,
          %get3A_305 = arith.index_cast %squeeze3A : i32 to index
          %get3A_306 = arith.constant 112 : index
          %get3A_307 = tpu.vector_load %arg10[%get3A_305, %get3A_306] {strides = array<i32>} : memref<633x128xf32, #tpu.memory_space<vmem>>, vector<16xf32>,
          %get3A_308 = arith.index_cast %add3A_235 : i32 to index
          %get3A_309 = arith.constant 112 : index
          %get3A_310 = tpu.vector_load %arg9[%get3A_308, %get3A_309] {strides = array<i32>} : memref<64x128xf32, #tpu.memory_space<vmem>>, vector<16xf32>,
          %max3A_311 = arith.maximumf %get3A_307, %get3A_310 : vector<16xf32>
          %swap3A_312 = arith.index_cast %squeeze3A : i32 to index
          %swap3A_313 = arith.constant 112 : index
          %swap3A_314 = tpu.vector_load %arg10[%swap3A_312, %swap3A_313] {strides = array<i32>} : memref<633x128xf32, #tpu.memory_space<vmem>>, vector<16xf32>,
          tpu.vector_store %arg10[%swap3A_312, %swap3A_313], %max3A_311 {strides = array<i32>} : memref<633x128xf32, #tpu.memory_space<vmem>>, vector<16xf32>,
          %slice3A_315 = vector.extract_strided_slice %get3A_231 {offsets = [1], sizes = [1], strides = [1]} : vector<16xi32> to vector<1xi32>
          %squeeze3A_316 = vector.extract %slice3A_315[0] : i32 from vector<1xi32>
          %mul3A_317 = arith.constant 16 : i32
          %mul3A_318 = arith.muli %scan3A_226, %mul3A_317 : i32
          %add3A_319 = arith.constant 1 : i32
          %add3A_320 = arith.addi %mul3A_318, %add3A_319 : i32
          %get3A_321 = arith.index_cast %squeeze3A_316 : i32 to index
          %get3A_322 = arith.constant 0 : index
          %get3A_323 = tpu.vector_load %arg10[%get3A_321, %get3A_322] {strides = array<i32>} : memref<633x128xf32, #tpu.memory_space<vmem>>, vector<16xf32>,
          %get3A_324 = arith.index_cast %add3A_320 : i32 to index
          %get3A_325 = arith.constant 0 : index
          %get3A_326 = tpu.vector_load %arg9[%get3A_324, %get3A_325] {strides = array<i32>} : memref<64x128xf32, #tpu.memory_space<vmem>>, vector<16xf32>,
          %max3A_327 = arith.maximumf %get3A_323, %get3A_326 : vector<16xf32>
          %swap3A_328 = arith.index_cast %squeeze3A_316 : i32 to index
          %swap3A_329 = arith.constant 0 : index
          %swap3A_330 = tpu.vector_load %arg10[%swap3A_328, %swap3A_329] {strides = array<i32>} : memref<633x128xf32, #tpu.memory_space<vmem>>, vector<16xf32>,
          tpu.vector_store %arg10[%swap3A_328, %swap3A_329], %max3A_327 {strides = array<i32>} : memref<633x128xf32, #tpu.memory_space<vmem>>, vector<16xf32>,
          %get3A_331 = arith.index_cast %squeeze3A_316 : i32 to index
          %get3A_332 = arith.constant 16 : index
          %get3A_333 = tpu.vector_load %arg10[%get3A_331, %get3A_332] {strides = array<i32>} : memref<633x128xf32, #tpu.memory_space<vmem>>, vector<16xf32>,
          %get3A_334 = arith.index_cast %add3A_320 : i32 to index
          %get3A_335 = arith.constant 16 : index
          %get3A_336 = tpu.vector_load %arg9[%get3A_334, %get3A_335] {strides = array<i32>} : memref<64x128xf32, #tpu.memory_space<vmem>>, vector<16xf32>,
          %max3A_337 = arith.maximumf %get3A_333, %get3A_336 : vector<16xf32>
          %swap3A_338 = arith.index_cast %squeeze3A_316 : i32 to index
          %swap3A_339 = arith.constant 16 : index
          %swap3A_340 = tpu.vector_load %arg10[%swap3A_338, %swap3A_339] {strides = array<i32>} : memref<633x128xf32, #tpu.memory_space<vmem>>, vector<16xf32>,
          tpu.vector_store %arg10[%swap3A_338, %swap3A_339], %max3A_337 {strides = array<i32>} : memref<633x128xf32, #tpu.memory_space<vmem>>, vector<16xf32>,
          %get3A_341 = arith.index_cast %squeeze3A_316 : i32 to index
          %get3A_342 = arith.constant 32 : index
          %get3A_343 = tpu.vector_load %arg10[%get3A_341, %get3A_342] {strides = array<i32>} : memref<633x128xf32, #tpu.memory_space<vmem>>, vector<16xf32>,
          %get3A_344 = arith.index_cast %add3A_320 : i32 to index
          %get3A_345 = arith.constant 32 : index
          %get3A_346 = tpu.vector_load %arg9[%get3A_344, %get3A_345] {strides = array<i32>} : memref<64x128xf32, #tpu.memory_space<vmem>>, vector<16xf32>,
          %max3A_347 = arith.maximumf %get3A_343, %get3A_346 : vector<16xf32>
          %swap3A_348 = arith.index_cast %squeeze3A_316 : i32 to index
          %swap3A_349 = arith.constant 32 : index
          %swap3A_350 = tpu.vector_load %arg10[%swap3A_348, %swap3A_349] {strides = array<i32>} : memref<633x128xf32, #tpu.memory_space<vmem>>, vector<16xf32>,
          tpu.vector_store %arg10[%swap3A_348, %swap3A_349], %max3A_347 {strides = array<i32>} : memref<633x128xf32, #tpu.memory_space<vmem>>, vector<16xf32>,
          %get3A_351 = arith.index_cast %squeeze3A_316 : i32 to index
          %get3A_352 = arith.constant 48 : index
          %get3A_353 = tpu.vector_load %arg10[%get3A_351, %get3A_352] {strides = array<i32>} : memref<633x128xf32, #tpu.memory_space<vmem>>, vector<16xf32>,
          %get3A_354 = arith.index_cast %add3A_320 : i32 to index
          %get3A_355 = arith.constant 48 : index
          %get3A_356 = tpu.vector_load %arg9[%get3A_354, %get3A_355] {strides = array<i32>} : memref<64x128xf32, #tpu.memory_space<vmem>>, vector<16xf32>,
          %max3A_357 = arith.maximumf %get3A_353, %get3A_356 : vector<16xf32>
          %swap3A_358 = arith.index_cast %squeeze3A_316 : i32 to index
          %swap3A_359 = arith.constant 48 : index
          %swap3A_360 = tpu.vector_load %arg10[%swap3A_358, %swap3A_359] {strides = array<i32>} : memref<633x128xf32, #tpu.memory_space<vmem>>, vector<16xf32>,
          tpu.vector_store %arg10[%swap3A_358, %swap3A_359], %max3A_357 {strides = array<i32>} : memref<633x128xf32, #tpu.memory_space<vmem>>, vector<16xf32>,
          %get3A_361 = arith.index_cast %squeeze3A_316 : i32 to index
          %get3A_362 = arith.constant 64 : index
          %get3A_363 = tpu.vector_load %arg10[%get3A_361, %get3A_362] {strides = array<i32>} : memref<633x128xf32, #tpu.memory_space<vmem>>, vector<16xf32>,
          %get3A_364 = arith.index_cast %add3A_320 : i32 to index
          %get3A_365 = arith.constant 64 : index
          %get3A_366 = tpu.vector_load %arg9[%get3A_364, %get3A_365] {strides = array<i32>} : memref<64x128xf32, #tpu.memory_space<vmem>>, vector<16xf32>,
          %max3A_367 = arith.maximumf %get3A_363, %get3A_366 : vector<16xf32>
          %swap3A_368 = arith.index_cast %squeeze3A_316 : i32 to index
          %swap3A_369 = arith.constant 64 : index
          %swap3A_370 = tpu.vector_load %arg10[%swap3A_368, %swap3A_369] {strides = array<i32>} : memref<633x128xf32, #tpu.memory_space<vmem>>, vector<16xf32>,
          tpu.vector_store %arg10[%swap3A_368, %swap3A_369], %max3A_367 {strides = array<i32>} : memref<633x128xf32, #tpu.memory_space<vmem>>, vector<16xf32>,
          %get3A_371 = arith.index_cast %squeeze3A_316 : i32 to index
          %get3A_372 = arith.constant 80 : index
          %get3A_373 = tpu.vector_load %arg10[%get3A_371, %get3A_372] {strides = array<i32>} : memref<633x128xf32, #tpu.memory_space<vmem>>, vector<16xf32>,
          %get3A_374 = arith.index_cast %add3A_320 : i32 to index
          %get3A_375 = arith.constant 80 : index
          %get3A_376 = tpu.vector_load %arg9[%get3A_374, %get3A_375] {strides = array<i32>} : memref<64x128xf32, #tpu.memory_space<vmem>>, vector<16xf32>,
          %max3A_377 = arith.maximumf %get3A_373, %get3A_376 : vector<16xf32>
          %swap3A_378 = arith.index_cast %squeeze3A_316 : i32 to index
          %swap3A_379 = arith.constant 80 : index
          %swap3A_380 = tpu.vector_load %arg10[%swap3A_378, %swap3A_379] {strides = array<i32>} : memref<633x128xf32, #tpu.memory_space<vmem>>, vector<16xf32>,
          tpu.vector_store %arg10[%swap3A_378, %swap3A_379], %max3A_377 {strides = array<i32>} : memref<633x128xf32, #tpu.memory_space<vmem>>, vector<16xf32>,
          %get3A_381 = arith.index_cast %squeeze3A_316 : i32 to index
          %get3A_382 = arith.constant 96 : index
          %get3A_383 = tpu.vector_load %arg10[%get3A_381, %get3A_382] {strides = array<i32>} : memref<633x128xf32, #tpu.memory_space<vmem>>, vector<16xf32>,
          %get3A_384 = arith.index_cast %add3A_320 : i32 to index
          %get3A_385 = arith.constant 96 : index
          %get3A_386 = tpu.vector_load %arg9[%get3A_384, %get3A_385] {strides = array<i32>} : memref<64x128xf32, #tpu.memory_space<vmem>>, vector<16xf32>,
          %max3A_387 = arith.maximumf %get3A_383, %get3A_386 : vector<16xf32>
          %swap3A_388 = arith.index_cast %squeeze3A_316 : i32 to index
          %swap3A_389 = arith.constant 96 : index
          %swap3A_390 = tpu.vector_load %arg10[%swap3A_388, %swap3A_389] {strides = array<i32>} : memref<633x128xf32, #tpu.memory_space<vmem>>, vector<16xf32>,
          tpu.vector_store %arg10[%swap3A_388, %swap3A_389], %max3A_387 {strides = array<i32>} : memref<633x128xf32, #tpu.memory_space<vmem>>, vector<16xf32>,
          %get3A_391 = arith.index_cast %squeeze3A_316 : i32 to index
          %get3A_392 = arith.constant 112 : index
          %get3A_393 = tpu.vector_load %arg10[%get3A_391, %get3A_392] {strides = array<i32>} : memref<633x128xf32, #tpu.memory_space<vmem>>, vector<16xf32>,
          %get3A_394 = arith.index_cast %add3A_320 : i32 to index
          %get3A_395 = arith.constant 112 : index
          %get3A_396 = tpu.vector_load %arg9[%get3A_394, %get3A_395] {strides = array<i32>} : memref<64x128xf32, #tpu.memory_space<vmem>>, vector<16xf32>,
          %max3A_397 = arith.maximumf %get3A_393, %get3A_396 : vector<16xf32>
          %swap3A_398 = arith.index_cast %squeeze3A_316 : i32 to index
          %swap3A_399 = arith.constant 112 : index
          %swap3A_400 = tpu.vector_load %arg10[%swap3A_398, %swap3A_399] {strides = array<i32>} : memref<633x128xf32, #tpu.memory_space<vmem>>, vector<16xf32>,
          tpu.vector_store %arg10[%swap3A_398, %swap3A_399], %max3A_397 {strides = array<i32>} : memref<633x128xf32, #tpu.memory_space<vmem>>, vector<16xf32>,
          %slice3A_401 = vector.extract_strided_slice %get3A_231 {offsets = [2], sizes = [1], strides = [1]} : vector<16xi32> to vector<1xi32>
          %squeeze3A_402 = vector.extract %slice3A_401[0] : i32 from vector<1xi32>
          %mul3A_403 = arith.constant 16 : i32
          %mul3A_404 = arith.muli %scan3A_226, %mul3A_403 : i32
          %add3A_405 = arith.constant 2 : i32
          %add3A_406 = arith.addi %mul3A_404, %add3A_405 : i32
          %get3A_407 = arith.index_cast %squeeze3A_402 : i32 to index
          %get3A_408 = arith.constant 0 : index
          %get3A_409 = tpu.vector_load %arg10[%get3A_407, %get3A_408] {strides = array<i32>} : memref<633x128xf32, #tpu.memory_space<vmem>>, vector<16xf32>,
          %get3A_410 = arith.index_cast %add3A_406 : i32 to index
          %get3A_411 = arith.constant 0 : index
          %get3A_412 = tpu.vector_load %arg9[%get3A_410, %get3A_411] {strides = array<i32>} : memref<64x128xf32, #tpu.memory_space<vmem>>, vector<16xf32>,
          %max3A_413 = arith.maximumf %get3A_409, %get3A_412 : vector<16xf32>
          %swap3A_414 = arith.index_cast %squeeze3A_402 : i32 to index
          %swap3A_415 = arith.constant 0 : index
          %swap3A_416 = tpu.vector_load %arg10[%swap3A_414, %swap3A_415] {strides = array<i32>} : memref<633x128xf32, #tpu.memory_space<vmem>>, vector<16xf32>,
          tpu.vector_store %arg10[%swap3A_414, %swap3A_415], %max3A_413 {strides = array<i32>} : memref<633x128xf32, #tpu.memory_space<vmem>>, vector<16xf32>,
          %get3A_417 = arith.index_cast %squeeze3A_402 : i32 to index
          %get3A_418 = arith.constant 16 : index
          %get3A_419 = tpu.vector_load %arg10[%get3A_417, %get3A_418] {strides = array<i32>} : memref<633x128xf32, #tpu.memory_space<vmem>>, vector<16xf32>,
          %get3A_420 = arith.index_cast %add3A_406 : i32 to index
          %get3A_421 = arith.constant 16 : index
          %get3A_422 = tpu.vector_load %arg9[%get3A_420, %get3A_421] {strides = array<i32>} : memref<64x128xf32, #tpu.memory_space<vmem>>, vector<16xf32>,
          %max3A_423 = arith.maximumf %get3A_419, %get3A_422 : vector<16xf32>
          %swap3A_424 = arith.index_cast %squeeze3A_402 : i32 to index
          %swap3A_425 = arith.constant 16 : index
          %swap3A_426 = tpu.vector_load %arg10[%swap3A_424, %swap3A_425] {strides = array<i32>} : memref<633x128xf32, #tpu.memory_space<vmem>>, vector<16xf32>,
          tpu.vector_store %arg10[%swap3A_424, %swap3A_425], %max3A_423 {strides = array<i32>} : memref<633x128xf32, #tpu.memory_space<vmem>>, vector<16xf32>,
          %get3A_427 = arith.index_cast %squeeze3A_402 : i32 to index
          %get3A_428 = arith.constant 32 : index
          %get3A_429 = tpu.vector_load %arg10[%get3A_427, %get3A_428] {strides = array<i32>} : memref<633x128xf32, #tpu.memory_space<vmem>>, vector<16xf32>,
          %get3A_430 = arith.index_cast %add3A_406 : i32 to index
          %get3A_431 = arith.constant 32 : index
          %get3A_432 = tpu.vector_load %arg9[%get3A_430, %get3A_431] {strides = array<i32>} : memref<64x128xf32, #tpu.memory_space<vmem>>, vector<16xf32>,
          %max3A_433 = arith.maximumf %get3A_429, %get3A_432 : vector<16xf32>
          %swap3A_434 = arith.index_cast %squeeze3A_402 : i32 to index
          %swap3A_435 = arith.constant 32 : index
          %swap3A_436 = tpu.vector_load %arg10[%swap3A_434, %swap3A_435] {strides = array<i32>} : memref<633x128xf32, #tpu.memory_space<vmem>>, vector<16xf32>,
          tpu.vector_store %arg10[%swap3A_434, %swap3A_435], %max3A_433 {strides = array<i32>} : memref<633x128xf32, #tpu.memory_space<vmem>>, vector<16xf32>,
          %get3A_437 = arith.index_cast %squeeze3A_402 : i32 to index
          %get3A_438 = arith.constant 48 : index
          %get3A_439 = tpu.vector_load %arg10[%get3A_437, %get3A_438] {strides = array<i32>} : memref<633x128xf32, #tpu.memory_space<vmem>>, vector<16xf32>,
          %get3A_440 = arith.index_cast %add3A_406 : i32 to index
          %get3A_441 = arith.constant 48 : index
          %get3A_442 = tpu.vector_load %arg9[%get3A_440, %get3A_441] {strides = array<i32>} : memref<64x128xf32, #tpu.memory_space<vmem>>, vector<16xf32>,
          %max3A_443 = arith.maximumf %get3A_439, %get3A_442 : vector<16xf32>
          %swap3A_444 = arith.index_cast %squeeze3A_402 : i32 to index
          %swap3A_445 = arith.constant 48 : index
          %swap3A_446 = tpu.vector_load %arg10[%swap3A_444, %swap3A_445] {strides = array<i32>} : memref<633x128xf32, #tpu.memory_space<vmem>>, vector<16xf32>,
          tpu.vector_store %arg10[%swap3A_444, %swap3A_445], %max3A_443 {strides = array<i32>} : memref<633x128xf32, #tpu.memory_space<vmem>>, vector<16xf32>,
          %get3A_447 = arith.index_cast %squeeze3A_402 : i32 to index
          %get3A_448 = arith.constant 64 : index
          %get3A_449 = tpu.vector_load %arg10[%get3A_447, %get3A_448] {strides = array<i32>} : memref<633x128xf32, #tpu.memory_space<vmem>>, vector<16xf32>,
          %get3A_450 = arith.index_cast %add3A_406 : i32 to index
          %get3A_451 = arith.constant 64 : index
          %get3A_452 = tpu.vector_load %arg9[%get3A_450, %get3A_451] {strides = array<i32>} : memref<64x128xf32, #tpu.memory_space<vmem>>, vector<16xf32>,
          %max3A_453 = arith.maximumf %get3A_449, %get3A_452 : vector<16xf32>
          %swap3A_454 = arith.index_cast %squeeze3A_402 : i32 to index
          %swap3A_455 = arith.constant 64 : index
          %swap3A_456 = tpu.vector_load %arg10[%swap3A_454, %swap3A_455] {strides = array<i32>} : memref<633x128xf32, #tpu.memory_space<vmem>>, vector<16xf32>,
          tpu.vector_store %arg10[%swap3A_454, %swap3A_455], %max3A_453 {strides = array<i32>} : memref<633x128xf32, #tpu.memory_space<vmem>>, vector<16xf32>,
          %get3A_457 = arith.index_cast %squeeze3A_402 : i32 to index
          %get3A_458 = arith.constant 80 : index
          %get3A_459 = tpu.vector_load %arg10[%get3A_457, %get3A_458] {strides = array<i32>} : memref<633x128xf32, #tpu.memory_space<vmem>>, vector<16xf32>,
          %get3A_460 = arith.index_cast %add3A_406 : i32 to index
          %get3A_461 = arith.constant 80 : index
          %get3A_462 = tpu.vector_load %arg9[%get3A_460, %get3A_461] {strides = array<i32>} : memref<64x128xf32, #tpu.memory_space<vmem>>, vector<16xf32>,
          %max3A_463 = arith.maximumf %get3A_459, %get3A_462 : vector<16xf32>
          %swap3A_464 = arith.index_cast %squeeze3A_402 : i32 to index
          %swap3A_465 = arith.constant 80 : index
          %swap3A_466 = tpu.vector_load %arg10[%swap3A_464, %swap3A_465] {strides = array<i32>} : memref<633x128xf32, #tpu.memory_space<vmem>>, vector<16xf32>,
          tpu.vector_store %arg10[%swap3A_464, %swap3A_465], %max3A_463 {strides = array<i32>} : memref<633x128xf32, #tpu.memory_space<vmem>>, vector<16xf32>,
          %get3A_467 = arith.index_cast %squeeze3A_402 : i32 to index
          %get3A_468 = arith.constant 96 : index
          %get3A_469 = tpu.vector_load %arg10[%get3A_467, %get3A_468] {strides = array<i32>} : memref<633x128xf32, #tpu.memory_space<vmem>>, vector<16xf32>,
          %get3A_470 = arith.index_cast %add3A_406 : i32 to index
          %get3A_471 = arith.constant 96 : index
          %get3A_472 = tpu.vector_load %arg9[%get3A_470, %get3A_471] {strides = array<i32>} : memref<64x128xf32, #tpu.memory_space<vmem>>, vector<16xf32>,
          %max3A_473 = arith.maximumf %get3A_469, %get3A_472 : vector<16xf32>
          %swap3A_474 = arith.index_cast %squeeze3A_402 : i32 to index
          %swap3A_475 = arith.constant 96 : index
          %swap3A_476 = tpu.vector_load %arg10[%swap3A_474, %swap3A_475] {strides = array<i32>} : memref<633x128xf32, #tpu.memory_space<vmem>>, vector<16xf32>,
          tpu.vector_store %arg10[%swap3A_474, %swap3A_475], %max3A_473 {strides = array<i32>} : memref<633x128xf32, #tpu.memory_space<vmem>>, vector<16xf32>,
          %get3A_477 = arith.index_cast %squeeze3A_402 : i32 to index
          %get3A_478 = arith.constant 112 : index
          %get3A_479 = tpu.vector_load %arg10[%get3A_477, %get3A_478] {strides = array<i32>} : memref<633x128xf32, #tpu.memory_space<vmem>>, vector<16xf32>,
          %get3A_480 = arith.index_cast %add3A_406 : i32 to index
          %get3A_481 = arith.constant 112 : index
          %get3A_482 = tpu.vector_load %arg9[%get3A_480, %get3A_481] {strides = array<i32>} : memref<64x128xf32, #tpu.memory_space<vmem>>, vector<16xf32>,
          %max3A_483 = arith.maximumf %get3A_479, %get3A_482 : vector<16xf32>
          %swap3A_484 = arith.index_cast %squeeze3A_402 : i32 to index
          %swap3A_485 = arith.constant 112 : index
          %swap3A_486 = tpu.vector_load %arg10[%swap3A_484, %swap3A_485] {strides = array<i32>} : memref<633x128xf32, #tpu.memory_space<vmem>>, vector<16xf32>,
          tpu.vector_store %arg10[%swap3A_484, %swap3A_485], %max3A_483 {strides = array<i32>} : memref<633x128xf32, #tpu.memory_space<vmem>>, vector<16xf32>,
          %slice3A_487 = vector.extract_strided_slice %get3A_231 {offsets = [3], sizes = [1], strides = [1]} : vector<16xi32> to vector<1xi32>
          %squeeze3A_488 = vector.extract %slice3A_487[0] : i32 from vector<1xi32>
          %mul3A_489 = arith.constant 16 : i32
          %mul3A_490 = arith.muli %scan3A_226, %mul3A_489 : i32
          %add3A_491 = arith.constant 3 : i32
          %add3A_492 = arith.addi %mul3A_490, %add3A_491 : i32
          %get3A_493 = arith.index_cast %squeeze3A_488 : i32 to index
          %get3A_494 = arith.constant 0 : index
          %get3A_495 = tpu.vector_load %arg10[%get3A_493, %get3A_494] {strides = array<i32>} : memref<633x128xf32, #tpu.memory_space<vmem>>, vector<16xf32>,
          %get3A_496 = arith.index_cast %add3A_492 : i32 to index
          %get3A_497 = arith.constant 0 : index
          %get3A_498 = tpu.vector_load %arg9[%get3A_496, %get3A_497] {strides = array<i32>} : memref<64x128xf32, #tpu.memory_space<vmem>>, vector<16xf32>,
          %max3A_499 = arith.maximumf %get3A_495, %get3A_498 : vector<16xf32>
          %swap3A_500 = arith.index_cast %squeeze3A_488 : i32 to index
          %swap3A_501 = arith.constant 0 : index
          %swap3A_502 = tpu.vector_load %arg10[%swap3A_500, %swap3A_501] {strides = array<i32>} : memref<633x128xf32, #tpu.memory_space<vmem>>, vector<16xf32>,
          tpu.vector_store %arg10[%swap3A_500, %swap3A_501], %max3A_499 {strides = array<i32>} : memref<633x128xf32, #tpu.memory_space<vmem>>, vector<16xf32>,
          %get3A_503 = arith.index_cast %squeeze3A_488 : i32 to index
          %get3A_504 = arith.constant 16 : index
          %get3A_505 = tpu.vector_load %arg10[%get3A_503, %get3A_504] {strides = array<i32>} : memref<633x128xf32, #tpu.memory_space<vmem>>, vector<16xf32>,
          %get3A_506 = arith.index_cast %add3A_492 : i32 to index
          %get3A_507 = arith.constant 16 : index
          %get3A_508 = tpu.vector_load %arg9[%get3A_506, %get3A_507] {strides = array<i32>} : memref<64x128xf32, #tpu.memory_space<vmem>>, vector<16xf32>,
          %max3A_509 = arith.maximumf %get3A_505, %get3A_508 : vector<16xf32>
          %swap3A_510 = arith.index_cast %squeeze3A_488 : i32 to index
          %swap3A_511 = arith.constant 16 : index
          %swap3A_512 = tpu.vector_load %arg10[%swap3A_510, %swap3A_511] {strides = array<i32>} : memref<633x128xf32, #tpu.memory_space<vmem>>, vector<16xf32>,
          tpu.vector_store %arg10[%swap3A_510, %swap3A_511], %max3A_509 {strides = array<i32>} : memref<633x128xf32, #tpu.memory_space<vmem>>, vector<16xf32>,
          %get3A_513 = arith.index_cast %squeeze3A_488 : i32 to index
          %get3A_514 = arith.constant 32 : index
          %get3A_515 = tpu.vector_load %arg10[%get3A_513, %get3A_514] {strides = array<i32>} : memref<633x128xf32, #tpu.memory_space<vmem>>, vector<16xf32>,
          %get3A_516 = arith.index_cast %add3A_492 : i32 to index
          %get3A_517 = arith.constant 32 : index
          %get3A_518 = tpu.vector_load %arg9[%get3A_516, %get3A_517] {strides = array<i32>} : memref<64x128xf32, #tpu.memory_space<vmem>>, vector<16xf32>,
          %max3A_519 = arith.maximumf %get3A_515, %get3A_518 : vector<16xf32>
          %swap3A_520 = arith.index_cast %squeeze3A_488 : i32 to index
          %swap3A_521 = arith.constant 32 : index
          %swap3A_522 = tpu.vector_load %arg10[%swap3A_520, %swap3A_521] {strides = array<i32>} : memref<633x128xf32, #tpu.memory_space<vmem>>, vector<16xf32>,
          tpu.vector_store %arg10[%swap3A_520, %swap3A_521], %max3A_519 {strides = array<i32>} : memref<633x128xf32, #tpu.memory_space<vmem>>, vector<16xf32>,
          %get3A_523 = arith.index_cast %squeeze3A_488 : i32 to index
          %get3A_524 = arith.constant 48 : index
          %get3A_525 = tpu.vector_load %arg10[%get3A_523, %get3A_524] {strides = array<i32>} : memref<633x128xf32, #tpu.memory_space<vmem>>, vector<16xf32>,
          %get3A_526 = arith.index_cast %add3A_492 : i32 to index
          %get3A_527 = arith.constant 48 : index
          %get3A_528 = tpu.vector_load %arg9[%get3A_526, %get3A_527] {strides = array<i32>} : memref<64x128xf32, #tpu.memory_space<vmem>>, vector<16xf32>,
          %max3A_529 = arith.maximumf %get3A_525, %get3A_528 : vector<16xf32>
          %swap3A_530 = arith.index_cast %squeeze3A_488 : i32 to index
          %swap3A_531 = arith.constant 48 : index
          %swap3A_532 = tpu.vector_load %arg10[%swap3A_530, %swap3A_531] {strides = array<i32>} : memref<633x128xf32, #tpu.memory_space<vmem>>, vector<16xf32>,
          tpu.vector_store %arg10[%swap3A_530, %swap3A_531], %max3A_529 {strides = array<i32>} : memref<633x128xf32, #tpu.memory_space<vmem>>, vector<16xf32>,
          %get3A_533 = arith.index_cast %squeeze3A_488 : i32 to index
          %get3A_534 = arith.constant 64 : index
          %get3A_535 = tpu.vector_load %arg10[%get3A_533, %get3A_534] {strides = array<i32>} : memref<633x128xf32, #tpu.memory_space<vmem>>, vector<16xf32>,
          %get3A_536 = arith.index_cast %add3A_492 : i32 to index
          %get3A_537 = arith.constant 64 : index
          %get3A_538 = tpu.vector_load %arg9[%get3A_536, %get3A_537] {strides = array<i32>} : memref<64x128xf32, #tpu.memory_space<vmem>>, vector<16xf32>,
          %max3A_539 = arith.maximumf %get3A_535, %get3A_538 : vector<16xf32>
          %swap3A_540 = arith.index_cast %squeeze3A_488 : i32 to index
          %swap3A_541 = arith.constant 64 : index
          %swap3A_542 = tpu.vector_load %arg10[%swap3A_540, %swap3A_541] {strides = array<i32>} : memref<633x128xf32, #tpu.memory_space<vmem>>, vector<16xf32>,
          tpu.vector_store %arg10[%swap3A_540, %swap3A_541], %max3A_539 {strides = array<i32>} : memref<633x128xf32, #tpu.memory_space<vmem>>, vector<16xf32>,
          %get3A_543 = arith.index_cast %squeeze3A_488 : i32 to index
          %get3A_544 = arith.constant 80 : index
          %get3A_545 = tpu.vector_load %arg10[%get3A_543, %get3A_544] {strides = array<i32>} : memref<633x128xf32, #tpu.memory_space<vmem>>, vector<16xf32>,
          %get3A_546 = arith.index_cast %add3A_492 : i32 to index
          %get3A_547 = arith.constant 80 : index
          %get3A_548 = tpu.vector_load %arg9[%get3A_546, %get3A_547] {strides = array<i32>} : memref<64x128xf32, #tpu.memory_space<vmem>>, vector<16xf32>,
          %max3A_549 = arith.maximumf %get3A_545, %get3A_548 : vector<16xf32>
          %swap3A_550 = arith.index_cast %squeeze3A_488 : i32 to index
          %swap3A_551 = arith.constant 80 : index
          %swap3A_552 = tpu.vector_load %arg10[%swap3A_550, %swap3A_551] {strides = array<i32>} : memref<633x128xf32, #tpu.memory_space<vmem>>, vector<16xf32>,
          tpu.vector_store %arg10[%swap3A_550, %swap3A_551], %max3A_549 {strides = array<i32>} : memref<633x128xf32, #tpu.memory_space<vmem>>, vector<16xf32>,
          %get3A_553 = arith.index_cast %squeeze3A_488 : i32 to index
          %get3A_554 = arith.constant 96 : index
          %get3A_555 = tpu.vector_load %arg10[%get3A_553, %get3A_554] {strides = array<i32>} : memref<633x128xf32, #tpu.memory_space<vmem>>, vector<16xf32>,
          %get3A_556 = arith.index_cast %add3A_492 : i32 to index
          %get3A_557 = arith.constant 96 : index
          %get3A_558 = tpu.vector_load %arg9[%get3A_556, %get3A_557] {strides = array<i32>} : memref<64x128xf32, #tpu.memory_space<vmem>>, vector<16xf32>,
          %max3A_559 = arith.maximumf %get3A_555, %get3A_558 : vector<16xf32>
          %swap3A_560 = arith.index_cast %squeeze3A_488 : i32 to index
          %swap3A_561 = arith.constant 96 : index
          %swap3A_562 = tpu.vector_load %arg10[%swap3A_560, %swap3A_561] {strides = array<i32>} : memref<633x128xf32, #tpu.memory_space<vmem>>, vector<16xf32>,
          tpu.vector_store %arg10[%swap3A_560, %swap3A_561], %max3A_559 {strides = array<i32>} : memref<633x128xf32, #tpu.memory_space<vmem>>, vector<16xf32>,
          %get3A_563 = arith.index_cast %squeeze3A_488 : i32 to index
          %get3A_564 = arith.constant 112 : index
          %get3A_565 = tpu.vector_load %arg10[%get3A_563, %get3A_564] {strides = array<i32>} : memref<633x128xf32, #tpu.memory_space<vmem>>, vector<16xf32>,
          %get3A_566 = arith.index_cast %add3A_492 : i32 to index
          %get3A_567 = arith.constant 112 : index
          %get3A_568 = tpu.vector_load %arg9[%get3A_566, %get3A_567] {strides = array<i32>} : memref<64x128xf32, #tpu.memory_space<vmem>>, vector<16xf32>,
          %max3A_569 = arith.maximumf %get3A_565, %get3A_568 : vector<16xf32>
          %swap3A_570 = arith.index_cast %squeeze3A_488 : i32 to index
          %swap3A_571 = arith.constant 112 : index
          %swap3A_572 = tpu.vector_load %arg10[%swap3A_570, %swap3A_571] {strides = array<i32>} : memref<633x128xf32, #tpu.memory_space<vmem>>, vector<16xf32>,
          tpu.vector_store %arg10[%swap3A_570, %swap3A_571], %max3A_569 {strides = array<i32>} : memref<633x128xf32, #tpu.memory_space<vmem>>, vector<16xf32>,
          %slice3A_573 = vector.extract_strided_slice %get3A_231 {offsets = [4], sizes = [1], strides = [1]} : vector<16xi32> to vector<1xi32>
          %squeeze3A_574 = vector.extract %slice3A_573[0] : i32 from vector<1xi32>
          %mul3A_575 = arith.constant 16 : i32
          %mul3A_576 = arith.muli %scan3A_226, %mul3A_575 : i32
          %add3A_577 = arith.constant 4 : i32
          %add3A_578 = arith.addi %mul3A_576, %add3A_577 : i32
          %get3A_579 = arith.index_cast %squeeze3A_574 : i32 to index
          %get3A_580 = arith.constant 0 : index
          %get3A_581 = tpu.vector_load %arg10[%get3A_579, %get3A_580] {strides = array<i32>} : memref<633x128xf32, #tpu.memory_space<vmem>>, vector<16xf32>,
          %get3A_582 = arith.index_cast %add3A_578 : i32 to index
          %get3A_583 = arith.constant 0 : index
          %get3A_584 = tpu.vector_load %arg9[%get3A_582, %get3A_583] {strides = array<i32>} : memref<64x128xf32, #tpu.memory_space<vmem>>, vector<16xf32>,
          %max3A_585 = arith.maximumf %get3A_581, %get3A_584 : vector<16xf32>
          %swap3A_586 = arith.index_cast %squeeze3A_574 : i32 to index
          %swap3A_587 = arith.constant 0 : index
          %swap3A_588 = tpu.vector_load %arg10[%swap3A_586, %swap3A_587] {strides = array<i32>} : memref<633x128xf32, #tpu.memory_space<vmem>>, vector<16xf32>,
          tpu.vector_store %arg10[%swap3A_586, %swap3A_587], %max3A_585 {strides = array<i32>} : memref<633x128xf32, #tpu.memory_space<vmem>>, vector<16xf32>,
          %get3A_589 = arith.index_cast %squeeze3A_574 : i32 to index
          %get3A_590 = arith.constant 16 : index
          %get3A_591 = tpu.vector_load %arg10[%get3A_589, %get3A_590] {strides = array<i32>} : memref<633x128xf32, #tpu.memory_space<vmem>>, vector<16xf32>,
          %get3A_592 = arith.index_cast %add3A_578 : i32 to index
          %get3A_593 = arith.constant 16 : index
          %get3A_594 = tpu.vector_load %arg9[%get3A_592, %get3A_593] {strides = array<i32>} : memref<64x128xf32, #tpu.memory_space<vmem>>, vector<16xf32>,
          %max3A_595 = arith.maximumf %get3A_591, %get3A_594 : vector<16xf32>
          %swap3A_596 = arith.index_cast %squeeze3A_574 : i32 to index
          %swap3A_597 = arith.constant 16 : index
          %swap3A_598 = tpu.vector_load %arg10[%swap3A_596, %swap3A_597] {strides = array<i32>} : memref<633x128xf32, #tpu.memory_space<vmem>>, vector<16xf32>,
          tpu.vector_store %arg10[%swap3A_596, %swap3A_597], %max3A_595 {strides = array<i32>} : memref<633x128xf32, #tpu.memory_space<vmem>>, vector<16xf32>,
          %get3A_599 = arith.index_cast %squeeze3A_574 : i32 to index
          %get3A_600 = arith.constant 32 : index
          %get3A_601 = tpu.vector_load %arg10[%get3A_599, %get3A_600] {strides = array<i32>} : memref<633x128xf32, #tpu.memory_space<vmem>>, vector<16xf32>,
          %get3A_602 = arith.index_cast %add3A_578 : i32 to index
          %get3A_603 = arith.constant 32 : index
          %get3A_604 = tpu.vector_load %arg9[%get3A_602, %get3A_603] {strides = array<i32>} : memref<64x128xf32, #tpu.memory_space<vmem>>, vector<16xf32>,
          %max3A_605 = arith.maximumf %get3A_601, %get3A_604 : vector<16xf32>
          %swap3A_606 = arith.index_cast %squeeze3A_574 : i32 to index
          %swap3A_607 = arith.constant 32 : index
          %swap3A_608 = tpu.vector_load %arg10[%swap3A_606, %swap3A_607] {strides = array<i32>} : memref<633x128xf32, #tpu.memory_space<vmem>>, vector<16xf32>,
          tpu.vector_store %arg10[%swap3A_606, %swap3A_607], %max3A_605 {strides = array<i32>} : memref<633x128xf32, #tpu.memory_space<vmem>>, vector<16xf32>,
          %get3A_609 = arith.index_cast %squeeze3A_574 : i32 to index
          %get3A_610 = arith.constant 48 : index
          %get3A_611 = tpu.vector_load %arg10[%get3A_609, %get3A_610] {strides = array<i32>} : memref<633x128xf32, #tpu.memory_space<vmem>>, vector<16xf32>,
          %get3A_612 = arith.index_cast %add3A_578 : i32 to index
          %get3A_613 = arith.constant 48 : index
          %get3A_614 = tpu.vector_load %arg9[%get3A_612, %get3A_613] {strides = array<i32>} : memref<64x128xf32, #tpu.memory_space<vmem>>, vector<16xf32>,
          %max3A_615 = arith.maximumf %get3A_611, %get3A_614 : vector<16xf32>
          %swap3A_616 = arith.index_cast %squeeze3A_574 : i32 to index
          %swap3A_617 = arith.constant 48 : index
          %swap3A_618 = tpu.vector_load %arg10[%swap3A_616, %swap3A_617] {strides = array<i32>} : memref<633x128xf32, #tpu.memory_space<vmem>>, vector<16xf32>,
          tpu.vector_store %arg10[%swap3A_616, %swap3A_617], %max3A_615 {strides = array<i32>} : memref<633x128xf32, #tpu.memory_space<vmem>>, vector<16xf32>,
          %get3A_619 = arith.index_cast %squeeze3A_574 : i32 to index
          %get3A_620 = arith.constant 64 : index
          %get3A_621 = tpu.vector_load %arg10[%get3A_619, %get3A_620] {strides = array<i32>} : memref<633x128xf32, #tpu.memory_space<vmem>>, vector<16xf32>,
          %get3A_622 = arith.index_cast %add3A_578 : i32 to index
          %get3A_623 = arith.constant 64 : index
          %get3A_624 = tpu.vector_load %arg9[%get3A_622, %get3A_623] {strides = array<i32>} : memref<64x128xf32, #tpu.memory_space<vmem>>, vector<16xf32>,
          %max3A_625 = arith.maximumf %get3A_621, %get3A_624 : vector<16xf32>
          %swap3A_626 = arith.index_cast %squeeze3A_574 : i32 to index
          %swap3A_627 = arith.constant 64 : index
          %swap3A_628 = tpu.vector_load %arg10[%swap3A_626, %swap3A_627] {strides = array<i32>} : memref<633x128xf32, #tpu.memory_space<vmem>>, vector<16xf32>,
          tpu.vector_store %arg10[%swap3A_626, %swap3A_627], %max3A_625 {strides = array<i32>} : memref<633x128xf32, #tpu.memory_space<vmem>>, vector<16xf32>,
          %get3A_629 = arith.index_cast %squeeze3A_574 : i32 to index
          %get3A_630 = arith.constant 80 : index
          %get3A_631 = tpu.vector_load %arg10[%get3A_629, %get3A_630] {strides = array<i32>} : memref<633x128xf32, #tpu.memory_space<vmem>>, vector<16xf32>,
          %get3A_632 = arith.index_cast %add3A_578 : i32 to index
          %get3A_633 = arith.constant 80 : index
          %get3A_634 = tpu.vector_load %arg9[%get3A_632, %get3A_633] {strides = array<i32>} : memref<64x128xf32, #tpu.memory_space<vmem>>, vector<16xf32>,
          %max3A_635 = arith.maximumf %get3A_631, %get3A_634 : vector<16xf32>
          %swap3A_636 = arith.index_cast %squeeze3A_574 : i32 to index
          %swap3A_637 = arith.constant 80 : index
          %swap3A_638 = tpu.vector_load %arg10[%swap3A_636, %swap3A_637] {strides = array<i32>} : memref<633x128xf32, #tpu.memory_space<vmem>>, vector<16xf32>,
          tpu.vector_store %arg10[%swap3A_636, %swap3A_637], %max3A_635 {strides = array<i32>} : memref<633x128xf32, #tpu.memory_space<vmem>>, vector<16xf32>,
          %get3A_639 = arith.index_cast %squeeze3A_574 : i32 to index
          %get3A_640 = arith.constant 96 : index
          %get3A_641 = tpu.vector_load %arg10[%get3A_639, %get3A_640] {strides = array<i32>} : memref<633x128xf32, #tpu.memory_space<vmem>>, vector<16xf32>,
          %get3A_642 = arith.index_cast %add3A_578 : i32 to index
          %get3A_643 = arith.constant 96 : index
          %get3A_644 = tpu.vector_load %arg9[%get3A_642, %get3A_643] {strides = array<i32>} : memref<64x128xf32, #tpu.memory_space<vmem>>, vector<16xf32>,
          %max3A_645 = arith.maximumf %get3A_641, %get3A_644 : vector<16xf32>
          %swap3A_646 = arith.index_cast %squeeze3A_574 : i32 to index
          %swap3A_647 = arith.constant 96 : index
          %swap3A_648 = tpu.vector_load %arg10[%swap3A_646, %swap3A_647] {strides = array<i32>} : memref<633x128xf32, #tpu.memory_space<vmem>>, vector<16xf32>,
          tpu.vector_store %arg10[%swap3A_646, %swap3A_647], %max3A_645 {strides = array<i32>} : memref<633x128xf32, #tpu.memory_space<vmem>>, vector<16xf32>,
          %get3A_649 = arith.index_cast %squeeze3A_574 : i32 to index
          %get3A_650 = arith.constant 112 : index
          %get3A_651 = tpu.vector_load %arg10[%get3A_649, %get3A_650] {strides = array<i32>} : memref<633x128xf32, #tpu.memory_space<vmem>>, vector<16xf32>,
          %get3A_652 = arith.index_cast %add3A_578 : i32 to index
          %get3A_653 = arith.constant 112 : index
          %get3A_654 = tpu.vector_load %arg9[%get3A_652, %get3A_653] {strides = array<i32>} : memref<64x128xf32, #tpu.memory_space<vmem>>, vector<16xf32>,
          %max3A_655 = arith.maximumf %get3A_651, %get3A_654 : vector<16xf32>
          %swap3A_656 = arith.index_cast %squeeze3A_574 : i32 to index
          %swap3A_657 = arith.constant 112 : index
          %swap3A_658 = tpu.vector_load %arg10[%swap3A_656, %swap3A_657] {strides = array<i32>} : memref<633x128xf32, #tpu.memory_space<vmem>>, vector<16xf32>,
          tpu.vector_store %arg10[%swap3A_656, %swap3A_657], %max3A_655 {strides = array<i32>} : memref<633x128xf32, #tpu.memory_space<vmem>>, vector<16xf32>,
          %slice3A_659 = vector.extract_strided_slice %get3A_231 {offsets = [5], sizes = [1], strides = [1]} : vector<16xi32> to vector<1xi32>
          %squeeze3A_660 = vector.extract %slice3A_659[0] : i32 from vector<1xi32>
          %mul3A_661 = arith.constant 16 : i32
          %mul3A_662 = arith.muli %scan3A_226, %mul3A_661 : i32
          %add3A_663 = arith.constant 5 : i32
          %add3A_664 = arith.addi %mul3A_662, %add3A_663 : i32
          %get3A_665 = arith.index_cast %squeeze3A_660 : i32 to index
          %get3A_666 = arith.constant 0 : index
          %get3A_667 = tpu.vector_load %arg10[%get3A_665, %get3A_666] {strides = array<i32>} : memref<633x128xf32, #tpu.memory_space<vmem>>, vector<16xf32>,
          %get3A_668 = arith.index_cast %add3A_664 : i32 to index
          %get3A_669 = arith.constant 0 : index
          %get3A_670 = tpu.vector_load %arg9[%get3A_668, %get3A_669] {strides = array<i32>} : memref<64x128xf32, #tpu.memory_space<vmem>>, vector<16xf32>,
          %max3A_671 = arith.maximumf %get3A_667, %get3A_670 : vector<16xf32>
          %swap3A_672 = arith.index_cast %squeeze3A_660 : i32 to index
          %swap3A_673 = arith.constant 0 : index
          %swap3A_674 = tpu.vector_load %arg10[%swap3A_672, %swap3A_673] {strides = array<i32>} : memref<633x128xf32, #tpu.memory_space<vmem>>, vector<16xf32>,
          tpu.vector_store %arg10[%swap3A_672, %swap3A_673], %max3A_671 {strides = array<i32>} : memref<633x128xf32, #tpu.memory_space<vmem>>, vector<16xf32>,
          %get3A_675 = arith.index_cast %squeeze3A_660 : i32 to index
          %get3A_676 = arith.constant 16 : index
          %get3A_677 = tpu.vector_load %arg10[%get3A_675, %get3A_676] {strides = array<i32>} : memref<633x128xf32, #tpu.memory_space<vmem>>, vector<16xf32>,
          %get3A_678 = arith.index_cast %add3A_664 : i32 to index
          %get3A_679 = arith.constant 16 : index
          %get3A_680 = tpu.vector_load %arg9[%get3A_678, %get3A_679] {strides = array<i32>} : memref<64x128xf32, #tpu.memory_space<vmem>>, vector<16xf32>,
          %max3A_681 = arith.maximumf %get3A_677, %get3A_680 : vector<16xf32>
          %swap3A_682 = arith.index_cast %squeeze3A_660 : i32 to index
          %swap3A_683 = arith.constant 16 : index
          %swap3A_684 = tpu.vector_load %arg10[%swap3A_682, %swap3A_683] {strides = array<i32>} : memref<633x128xf32, #tpu.memory_space<vmem>>, vector<16xf32>,
          tpu.vector_store %arg10[%swap3A_682, %swap3A_683], %max3A_681 {strides = array<i32>} : memref<633x128xf32, #tpu.memory_space<vmem>>, vector<16xf32>,
          %get3A_685 = arith.index_cast %squeeze3A_660 : i32 to index
          %get3A_686 = arith.constant 32 : index
          %get3A_687 = tpu.vector_load %arg10[%get3A_685, %get3A_686] {strides = array<i32>} : memref<633x128xf32, #tpu.memory_space<vmem>>, vector<16xf32>,
          %get3A_688 = arith.index_cast %add3A_664 : i32 to index
          %get3A_689 = arith.constant 32 : index
          %get3A_690 = tpu.vector_load %arg9[%get3A_688, %get3A_689] {strides = array<i32>} : memref<64x128xf32, #tpu.memory_space<vmem>>, vector<16xf32>,
          %max3A_691 = arith.maximumf %get3A_687, %get3A_690 : vector<16xf32>
          %swap3A_692 = arith.index_cast %squeeze3A_660 : i32 to index
          %swap3A_693 = arith.constant 32 : index
          %swap3A_694 = tpu.vector_load %arg10[%swap3A_692, %swap3A_693] {strides = array<i32>} : memref<633x128xf32, #tpu.memory_space<vmem>>, vector<16xf32>,
          tpu.vector_store %arg10[%swap3A_692, %swap3A_693], %max3A_691 {strides = array<i32>} : memref<633x128xf32, #tpu.memory_space<vmem>>, vector<16xf32>,
          %get3A_695 = arith.index_cast %squeeze3A_660 : i32 to index
          %get3A_696 = arith.constant 48 : index
          %get3A_697 = tpu.vector_load %arg10[%get3A_695, %get3A_696] {strides = array<i32>} : memref<633x128xf32, #tpu.memory_space<vmem>>, vector<16xf32>,
          %get3A_698 = arith.index_cast %add3A_664 : i32 to index
          %get3A_699 = arith.constant 48 : index
          %get3A_700 = tpu.vector_load %arg9[%get3A_698, %get3A_699] {strides = array<i32>} : memref<64x128xf32, #tpu.memory_space<vmem>>, vector<16xf32>,
          %max3A_701 = arith.maximumf %get3A_697, %get3A_700 : vector<16xf32>
          %swap3A_702 = arith.index_cast %squeeze3A_660 : i32 to index
          %swap3A_703 = arith.constant 48 : index
          %swap3A_704 = tpu.vector_load %arg10[%swap3A_702, %swap3A_703] {strides = array<i32>} : memref<633x128xf32, #tpu.memory_space<vmem>>, vector<16xf32>,
          tpu.vector_store %arg10[%swap3A_702, %swap3A_703], %max3A_701 {strides = array<i32>} : memref<633x128xf32, #tpu.memory_space<vmem>>, vector<16xf32>,
          %get3A_705 = arith.index_cast %squeeze3A_660 : i32 to index
          %get3A_706 = arith.constant 64 : index
          %get3A_707 = tpu.vector_load %arg10[%get3A_705, %get3A_706] {strides = array<i32>} : memref<633x128xf32, #tpu.memory_space<vmem>>, vector<16xf32>,
          %get3A_708 = arith.index_cast %add3A_664 : i32 to index
          %get3A_709 = arith.constant 64 : index
          %get3A_710 = tpu.vector_load %arg9[%get3A_708, %get3A_709] {strides = array<i32>} : memref<64x128xf32, #tpu.memory_space<vmem>>, vector<16xf32>,
          %max3A_711 = arith.maximumf %get3A_707, %get3A_710 : vector<16xf32>
          %swap3A_712 = arith.index_cast %squeeze3A_660 : i32 to index
          %swap3A_713 = arith.constant 64 : index
          %swap3A_714 = tpu.vector_load %arg10[%swap3A_712, %swap3A_713] {strides = array<i32>} : memref<633x128xf32, #tpu.memory_space<vmem>>, vector<16xf32>,
          tpu.vector_store %arg10[%swap3A_712, %swap3A_713], %max3A_711 {strides = array<i32>} : memref<633x128xf32, #tpu.memory_space<vmem>>, vector<16xf32>,
          %get3A_715 = arith.index_cast %squeeze3A_660 : i32 to index
          %get3A_716 = arith.constant 80 : index
          %get3A_717 = tpu.vector_load %arg10[%get3A_715, %get3A_716] {strides = array<i32>} : memref<633x128xf32, #tpu.memory_space<vmem>>, vector<16xf32>,
          %get3A_718 = arith.index_cast %add3A_664 : i32 to index
          %get3A_719 = arith.constant 80 : index
          %get3A_720 = tpu.vector_load %arg9[%get3A_718, %get3A_719] {strides = array<i32>} : memref<64x128xf32, #tpu.memory_space<vmem>>, vector<16xf32>,
          %max3A_721 = arith.maximumf %get3A_717, %get3A_720 : vector<16xf32>
          %swap3A_722 = arith.index_cast %squeeze3A_660 : i32 to index
          %swap3A_723 = arith.constant 80 : index
          %swap3A_724 = tpu.vector_load %arg10[%swap3A_722, %swap3A_723] {strides = array<i32>} : memref<633x128xf32, #tpu.memory_space<vmem>>, vector<16xf32>,
          tpu.vector_store %arg10[%swap3A_722, %swap3A_723], %max3A_721 {strides = array<i32>} : memref<633x128xf32, #tpu.memory_space<vmem>>, vector<16xf32>,
          %get3A_725 = arith.index_cast %squeeze3A_660 : i32 to index
          %get3A_726 = arith.constant 96 : index
          %get3A_727 = tpu.vector_load %arg10[%get3A_725, %get3A_726] {strides = array<i32>} : memref<633x128xf32, #tpu.memory_space<vmem>>, vector<16xf32>,
          %get3A_728 = arith.index_cast %add3A_664 : i32 to index
          %get3A_729 = arith.constant 96 : index
          %get3A_730 = tpu.vector_load %arg9[%get3A_728, %get3A_729] {strides = array<i32>} : memref<64x128xf32, #tpu.memory_space<vmem>>, vector<16xf32>,
          %max3A_731 = arith.maximumf %get3A_727, %get3A_730 : vector<16xf32>
          %swap3A_732 = arith.index_cast %squeeze3A_660 : i32 to index
          %swap3A_733 = arith.constant 96 : index
          %swap3A_734 = tpu.vector_load %arg10[%swap3A_732, %swap3A_733] {strides = array<i32>} : memref<633x128xf32, #tpu.memory_space<vmem>>, vector<16xf32>,
          tpu.vector_store %arg10[%swap3A_732, %swap3A_733], %max3A_731 {strides = array<i32>} : memref<633x128xf32, #tpu.memory_space<vmem>>, vector<16xf32>,
          %get3A_735 = arith.index_cast %squeeze3A_660 : i32 to index
          %get3A_736 = arith.constant 112 : index
          %get3A_737 = tpu.vector_load %arg10[%get3A_735, %get3A_736] {strides = array<i32>} : memref<633x128xf32, #tpu.memory_space<vmem>>, vector<16xf32>,
          %get3A_738 = arith.index_cast %add3A_664 : i32 to index
          %get3A_739 = arith.constant 112 : index
          %get3A_740 = tpu.vector_load %arg9[%get3A_738, %get3A_739] {strides = array<i32>} : memref<64x128xf32, #tpu.memory_space<vmem>>, vector<16xf32>,
          %max3A_741 = arith.maximumf %get3A_737, %get3A_740 : vector<16xf32>
          %swap3A_742 = arith.index_cast %squeeze3A_660 : i32 to index
          %swap3A_743 = arith.constant 112 : index
          %swap3A_744 = tpu.vector_load %arg10[%swap3A_742, %swap3A_743] {strides = array<i32>} : memref<633x128xf32, #tpu.memory_space<vmem>>, vector<16xf32>,
          tpu.vector_store %arg10[%swap3A_742, %swap3A_743], %max3A_741 {strides = array<i32>} : memref<633x128xf32, #tpu.memory_space<vmem>>, vector<16xf32>,
          %slice3A_745 = vector.extract_strided_slice %get3A_231 {offsets = [6], sizes = [1], strides = [1]} : vector<16xi32> to vector<1xi32>
          %squeeze3A_746 = vector.extract %slice3A_745[0] : i32 from vector<1xi32>
          %mul3A_747 = arith.constant 16 : i32
          %mul3A_748 = arith.muli %scan3A_226, %mul3A_747 : i32
          %add3A_749 = arith.constant 6 : i32
          %add3A_750 = arith.addi %mul3A_748, %add3A_749 : i32
          %get3A_751 = arith.index_cast %squeeze3A_746 : i32 to index
          %get3A_752 = arith.constant 0 : index
          %get3A_753 = tpu.vector_load %arg10[%get3A_751, %get3A_752] {strides = array<i32>} : memref<633x128xf32, #tpu.memory_space<vmem>>, vector<16xf32>,
          %get3A_754 = arith.index_cast %add3A_750 : i32 to index
          %get3A_755 = arith.constant 0 : index
          %get3A_756 = tpu.vector_load %arg9[%get3A_754, %get3A_755] {strides = array<i32>} : memref<64x128xf32, #tpu.memory_space<vmem>>, vector<16xf32>,
          %max3A_757 = arith.maximumf %get3A_753, %get3A_756 : vector<16xf32>
          %swap3A_758 = arith.index_cast %squeeze3A_746 : i32 to index
          %swap3A_759 = arith.constant 0 : index
          %swap3A_760 = tpu.vector_load %arg10[%swap3A_758, %swap3A_759] {strides = array<i32>} : memref<633x128xf32, #tpu.memory_space<vmem>>, vector<16xf32>,
          tpu.vector_store %arg10[%swap3A_758, %swap3A_759], %max3A_757 {strides = array<i32>} : memref<633x128xf32, #tpu.memory_space<vmem>>, vector<16xf32>,
          %get3A_761 = arith.index_cast %squeeze3A_746 : i32 to index
          %get3A_762 = arith.constant 16 : index
          %get3A_763 = tpu.vector_load %arg10[%get3A_761, %get3A_762] {strides = array<i32>} : memref<633x128xf32, #tpu.memory_space<vmem>>, vector<16xf32>,
          %get3A_764 = arith.index_cast %add3A_750 : i32 to index
          %get3A_765 = arith.constant 16 : index
          %get3A_766 = tpu.vector_load %arg9[%get3A_764, %get3A_765] {strides = array<i32>} : memref<64x128xf32, #tpu.memory_space<vmem>>, vector<16xf32>,
          %max3A_767 = arith.maximumf %get3A_763, %get3A_766 : vector<16xf32>
          %swap3A_768 = arith.index_cast %squeeze3A_746 : i32 to index
          %swap3A_769 = arith.constant 16 : index
          %swap3A_770 = tpu.vector_load %arg10[%swap3A_768, %swap3A_769] {strides = array<i32>} : memref<633x128xf32, #tpu.memory_space<vmem>>, vector<16xf32>,
          tpu.vector_store %arg10[%swap3A_768, %swap3A_769], %max3A_767 {strides = array<i32>} : memref<633x128xf32, #tpu.memory_space<vmem>>, vector<16xf32>,
          %get3A_771 = arith.index_cast %squeeze3A_746 : i32 to index
          %get3A_772 = arith.constant 32 : index
          %get3A_773 = tpu.vector_load %arg10[%get3A_771, %get3A_772] {strides = array<i32>} : memref<633x128xf32, #tpu.memory_space<vmem>>, vector<16xf32>,
          %get3A_774 = arith.index_cast %add3A_750 : i32 to index
          %get3A_775 = arith.constant 32 : index
          %get3A_776 = tpu.vector_load %arg9[%get3A_774, %get3A_775] {strides = array<i32>} : memref<64x128xf32, #tpu.memory_space<vmem>>, vector<16xf32>,
          %max3A_777 = arith.maximumf %get3A_773, %get3A_776 : vector<16xf32>
          %swap3A_778 = arith.index_cast %squeeze3A_746 : i32 to index
          %swap3A_779 = arith.constant 32 : index
          %swap3A_780 = tpu.vector_load %arg10[%swap3A_778, %swap3A_779] {strides = array<i32>} : memref<633x128xf32, #tpu.memory_space<vmem>>, vector<16xf32>,
          tpu.vector_store %arg10[%swap3A_778, %swap3A_779], %max3A_777 {strides = array<i32>} : memref<633x128xf32, #tpu.memory_space<vmem>>, vector<16xf32>,
          %get3A_781 = arith.index_cast %squeeze3A_746 : i32 to index
          %get3A_782 = arith.constant 48 : index
          %get3A_783 = tpu.vector_load %arg10[%get3A_781, %get3A_782] {strides = array<i32>} : memref<633x128xf32, #tpu.memory_space<vmem>>, vector<16xf32>,
          %get3A_784 = arith.index_cast %add3A_750 : i32 to index
          %get3A_785 = arith.constant 48 : index
          %get3A_786 = tpu.vector_load %arg9[%get3A_784, %get3A_785] {strides = array<i32>} : memref<64x128xf32, #tpu.memory_space<vmem>>, vector<16xf32>,
          %max3A_787 = arith.maximumf %get3A_783, %get3A_786 : vector<16xf32>
          %swap3A_788 = arith.index_cast %squeeze3A_746 : i32 to index
          %swap3A_789 = arith.constant 48 : index
          %swap3A_790 = tpu.vector_load %arg10[%swap3A_788, %swap3A_789] {strides = array<i32>} : memref<633x128xf32, #tpu.memory_space<vmem>>, vector<16xf32>,
          tpu.vector_store %arg10[%swap3A_788, %swap3A_789], %max3A_787 {strides = array<i32>} : memref<633x128xf32, #tpu.memory_space<vmem>>, vector<16xf32>,
          %get3A_791 = arith.index_cast %squeeze3A_746 : i32 to index
          %get3A_792 = arith.constant 64 : index
          %get3A_793 = tpu.vector_load %arg10[%get3A_791, %get3A_792] {strides = array<i32>} : memref<633x128xf32, #tpu.memory_space<vmem>>, vector<16xf32>,
          %get3A_794 = arith.index_cast %add3A_750 : i32 to index
          %get3A_795 = arith.constant 64 : index
          %get3A_796 = tpu.vector_load %arg9[%get3A_794, %get3A_795] {strides = array<i32>} : memref<64x128xf32, #tpu.memory_space<vmem>>, vector<16xf32>,
          %max3A_797 = arith.maximumf %get3A_793, %get3A_796 : vector<16xf32>
          %swap3A_798 = arith.index_cast %squeeze3A_746 : i32 to index
          %swap3A_799 = arith.constant 64 : index
          %swap3A_800 = tpu.vector_load %arg10[%swap3A_798, %swap3A_799] {strides = array<i32>} : memref<633x128xf32, #tpu.memory_space<vmem>>, vector<16xf32>,
          tpu.vector_store %arg10[%swap3A_798, %swap3A_799], %max3A_797 {strides = array<i32>} : memref<633x128xf32, #tpu.memory_space<vmem>>, vector<16xf32>,
          %get3A_801 = arith.index_cast %squeeze3A_746 : i32 to index
          %get3A_802 = arith.constant 80 : index
          %get3A_803 = tpu.vector_load %arg10[%get3A_801, %get3A_802] {strides = array<i32>} : memref<633x128xf32, #tpu.memory_space<vmem>>, vector<16xf32>,
          %get3A_804 = arith.index_cast %add3A_750 : i32 to index
          %get3A_805 = arith.constant 80 : index
          %get3A_806 = tpu.vector_load %arg9[%get3A_804, %get3A_805] {strides = array<i32>} : memref<64x128xf32, #tpu.memory_space<vmem>>, vector<16xf32>,
          %max3A_807 = arith.maximumf %get3A_803, %get3A_806 : vector<16xf32>
          %swap3A_808 = arith.index_cast %squeeze3A_746 : i32 to index
          %swap3A_809 = arith.constant 80 : index
          %swap3A_810 = tpu.vector_load %arg10[%swap3A_808, %swap3A_809] {strides = array<i32>} : memref<633x128xf32, #tpu.memory_space<vmem>>, vector<16xf32>,
          tpu.vector_store %arg10[%swap3A_808, %swap3A_809], %max3A_807 {strides = array<i32>} : memref<633x128xf32, #tpu.memory_space<vmem>>, vector<16xf32>,
          %get3A_811 = arith.index_cast %squeeze3A_746 : i32 to index
          %get3A_812 = arith.constant 96 : index
          %get3A_813 = tpu.vector_load %arg10[%get3A_811, %get3A_812] {strides = array<i32>} : memref<633x128xf32, #tpu.memory_space<vmem>>, vector<16xf32>,
          %get3A_814 = arith.index_cast %add3A_750 : i32 to index
          %get3A_815 = arith.constant 96 : index
          %get3A_816 = tpu.vector_load %arg9[%get3A_814, %get3A_815] {strides = array<i32>} : memref<64x128xf32, #tpu.memory_space<vmem>>, vector<16xf32>,
          %max3A_817 = arith.maximumf %get3A_813, %get3A_816 : vector<16xf32>
          %swap3A_818 = arith.index_cast %squeeze3A_746 : i32 to index
          %swap3A_819 = arith.constant 96 : index
          %swap3A_820 = tpu.vector_load %arg10[%swap3A_818, %swap3A_819] {strides = array<i32>} : memref<633x128xf32, #tpu.memory_space<vmem>>, vector<16xf32>,
          tpu.vector_store %arg10[%swap3A_818, %swap3A_819], %max3A_817 {strides = array<i32>} : memref<633x128xf32, #tpu.memory_space<vmem>>, vector<16xf32>,
          %get3A_821 = arith.index_cast %squeeze3A_746 : i32 to index
          %get3A_822 = arith.constant 112 : index
          %get3A_823 = tpu.vector_load %arg10[%get3A_821, %get3A_822] {strides = array<i32>} : memref<633x128xf32, #tpu.memory_space<vmem>>, vector<16xf32>,
          %get3A_824 = arith.index_cast %add3A_750 : i32 to index
          %get3A_825 = arith.constant 112 : index
          %get3A_826 = tpu.vector_load %arg9[%get3A_824, %get3A_825] {strides = array<i32>} : memref<64x128xf32, #tpu.memory_space<vmem>>, vector<16xf32>,
          %max3A_827 = arith.maximumf %get3A_823, %get3A_826 : vector<16xf32>
          %swap3A_828 = arith.index_cast %squeeze3A_746 : i32 to index
          %swap3A_829 = arith.constant 112 : index
          %swap3A_830 = tpu.vector_load %arg10[%swap3A_828, %swap3A_829] {strides = array<i32>} : memref<633x128xf32, #tpu.memory_space<vmem>>, vector<16xf32>,
          tpu.vector_store %arg10[%swap3A_828, %swap3A_829], %max3A_827 {strides = array<i32>} : memref<633x128xf32, #tpu.memory_space<vmem>>, vector<16xf32>,
          %slice3A_831 = vector.extract_strided_slice %get3A_231 {offsets = [7], sizes = [1], strides = [1]} : vector<16xi32> to vector<1xi32>
          %squeeze3A_832 = vector.extract %slice3A_831[0] : i32 from vector<1xi32>
          %mul3A_833 = arith.constant 16 : i32
          %mul3A_834 = arith.muli %scan3A_226, %mul3A_833 : i32
          %add3A_835 = arith.constant 7 : i32
          %add3A_836 = arith.addi %mul3A_834, %add3A_835 : i32
          %get3A_837 = arith.index_cast %squeeze3A_832 : i32 to index
          %get3A_838 = arith.constant 0 : index
          %get3A_839 = tpu.vector_load %arg10[%get3A_837, %get3A_838] {strides = array<i32>} : memref<633x128xf32, #tpu.memory_space<vmem>>, vector<16xf32>,
          %get3A_840 = arith.index_cast %add3A_836 : i32 to index
          %get3A_841 = arith.constant 0 : index
          %get3A_842 = tpu.vector_load %arg9[%get3A_840, %get3A_841] {strides = array<i32>} : memref<64x128xf32, #tpu.memory_space<vmem>>, vector<16xf32>,
          %max3A_843 = arith.maximumf %get3A_839, %get3A_842 : vector<16xf32>
          %swap3A_844 = arith.index_cast %squeeze3A_832 : i32 to index
          %swap3A_845 = arith.constant 0 : index
          %swap3A_846 = tpu.vector_load %arg10[%swap3A_844, %swap3A_845] {strides = array<i32>} : memref<633x128xf32, #tpu.memory_space<vmem>>, vector<16xf32>,
          tpu.vector_store %arg10[%swap3A_844, %swap3A_845], %max3A_843 {strides = array<i32>} : memref<633x128xf32, #tpu.memory_space<vmem>>, vector<16xf32>,
          %get3A_847 = arith.index_cast %squeeze3A_832 : i32 to index
          %get3A_848 = arith.constant 16 : index
          %get3A_849 = tpu.vector_load %arg10[%get3A_847, %get3A_848] {strides = array<i32>} : memref<633x128xf32, #tpu.memory_space<vmem>>, vector<16xf32>,
          %get3A_850 = arith.index_cast %add3A_836 : i32 to index
          %get3A_851 = arith.constant 16 : index
          %get3A_852 = tpu.vector_load %arg9[%get3A_850, %get3A_851] {strides = array<i32>} : memref<64x128xf32, #tpu.memory_space<vmem>>, vector<16xf32>,
          %max3A_853 = arith.maximumf %get3A_849, %get3A_852 : vector<16xf32>
          %swap3A_854 = arith.index_cast %squeeze3A_832 : i32 to index
          %swap3A_855 = arith.constant 16 : index
          %swap3A_856 = tpu.vector_load %arg10[%swap3A_854, %swap3A_855] {strides = array<i32>} : memref<633x128xf32, #tpu.memory_space<vmem>>, vector<16xf32>,
          tpu.vector_store %arg10[%swap3A_854, %swap3A_855], %max3A_853 {strides = array<i32>} : memref<633x128xf32, #tpu.memory_space<vmem>>, vector<16xf32>,
          %get3A_857 = arith.index_cast %squeeze3A_832 : i32 to index
          %get3A_858 = arith.constant 32 : index
          %get3A_859 = tpu.vector_load %arg10[%get3A_857, %get3A_858] {strides = array<i32>} : memref<633x128xf32, #tpu.memory_space<vmem>>, vector<16xf32>,
          %get3A_860 = arith.index_cast %add3A_836 : i32 to index
          %get3A_861 = arith.constant 32 : index
          %get3A_862 = tpu.vector_load %arg9[%get3A_860, %get3A_861] {strides = array<i32>} : memref<64x128xf32, #tpu.memory_space<vmem>>, vector<16xf32>,
          %max3A_863 = arith.maximumf %get3A_859, %get3A_862 : vector<16xf32>
          %swap3A_864 = arith.index_cast %squeeze3A_832 : i32 to index
          %swap3A_865 = arith.constant 32 : index
          %swap3A_866 = tpu.vector_load %arg10[%swap3A_864, %swap3A_865] {strides = array<i32>} : memref<633x128xf32, #tpu.memory_space<vmem>>, vector<16xf32>,
          tpu.vector_store %arg10[%swap3A_864, %swap3A_865], %max3A_863 {strides = array<i32>} : memref<633x128xf32, #tpu.memory_space<vmem>>, vector<16xf32>,
          %get3A_867 = arith.index_cast %squeeze3A_832 : i32 to index
          %get3A_868 = arith.constant 48 : index
          %get3A_869 = tpu.vector_load %arg10[%get3A_867, %get3A_868] {strides = array<i32>} : memref<633x128xf32, #tpu.memory_space<vmem>>, vector<16xf32>,
          %get3A_870 = arith.index_cast %add3A_836 : i32 to index
          %get3A_871 = arith.constant 48 : index
          %get3A_872 = tpu.vector_load %arg9[%get3A_870, %get3A_871] {strides = array<i32>} : memref<64x128xf32, #tpu.memory_space<vmem>>, vector<16xf32>,
          %max3A_873 = arith.maximumf %get3A_869, %get3A_872 : vector<16xf32>
          %swap3A_874 = arith.index_cast %squeeze3A_832 : i32 to index
          %swap3A_875 = arith.constant 48 : index
          %swap3A_876 = tpu.vector_load %arg10[%swap3A_874, %swap3A_875] {strides = array<i32>} : memref<633x128xf32, #tpu.memory_space<vmem>>, vector<16xf32>,
          tpu.vector_store %arg10[%swap3A_874, %swap3A_875], %max3A_873 {strides = array<i32>} : memref<633x128xf32, #tpu.memory_space<vmem>>, vector<16xf32>,
          %get3A_877 = arith.index_cast %squeeze3A_832 : i32 to index
          %get3A_878 = arith.constant 64 : index
          %get3A_879 = tpu.vector_load %arg10[%get3A_877, %get3A_878] {strides = array<i32>} : memref<633x128xf32, #tpu.memory_space<vmem>>, vector<16xf32>,
          %get3A_880 = arith.index_cast %add3A_836 : i32 to index
          %get3A_881 = arith.constant 64 : index
          %get3A_882 = tpu.vector_load %arg9[%get3A_880, %get3A_881] {strides = array<i32>} : memref<64x128xf32, #tpu.memory_space<vmem>>, vector<16xf32>,
          %max3A_883 = arith.maximumf %get3A_879, %get3A_882 : vector<16xf32>
          %swap3A_884 = arith.index_cast %squeeze3A_832 : i32 to index
          %swap3A_885 = arith.constant 64 : index
          %swap3A_886 = tpu.vector_load %arg10[%swap3A_884, %swap3A_885] {strides = array<i32>} : memref<633x128xf32, #tpu.memory_space<vmem>>, vector<16xf32>,
          tpu.vector_store %arg10[%swap3A_884, %swap3A_885], %max3A_883 {strides = array<i32>} : memref<633x128xf32, #tpu.memory_space<vmem>>, vector<16xf32>,
          %get3A_887 = arith.index_cast %squeeze3A_832 : i32 to index
          %get3A_888 = arith.constant 80 : index
          %get3A_889 = tpu.vector_load %arg10[%get3A_887, %get3A_888] {strides = array<i32>} : memref<633x128xf32, #tpu.memory_space<vmem>>, vector<16xf32>,
          %get3A_890 = arith.index_cast %add3A_836 : i32 to index
          %get3A_891 = arith.constant 80 : index
          %get3A_892 = tpu.vector_load %arg9[%get3A_890, %get3A_891] {strides = array<i32>} : memref<64x128xf32, #tpu.memory_space<vmem>>, vector<16xf32>,
          %max3A_893 = arith.maximumf %get3A_889, %get3A_892 : vector<16xf32>
          %swap3A_894 = arith.index_cast %squeeze3A_832 : i32 to index
          %swap3A_895 = arith.constant 80 : index
          %swap3A_896 = tpu.vector_load %arg10[%swap3A_894, %swap3A_895] {strides = array<i32>} : memref<633x128xf32, #tpu.memory_space<vmem>>, vector<16xf32>,
          tpu.vector_store %arg10[%swap3A_894, %swap3A_895], %max3A_893 {strides = array<i32>} : memref<633x128xf32, #tpu.memory_space<vmem>>, vector<16xf32>,
          %get3A_897 = arith.index_cast %squeeze3A_832 : i32 to index
          %get3A_898 = arith.constant 96 : index
          %get3A_899 = tpu.vector_load %arg10[%get3A_897, %get3A_898] {strides = array<i32>} : memref<633x128xf32, #tpu.memory_space<vmem>>, vector<16xf32>,
          %get3A_900 = arith.index_cast %add3A_836 : i32 to index
          %get3A_901 = arith.constant 96 : index
          %get3A_902 = tpu.vector_load %arg9[%get3A_900, %get3A_901] {strides = array<i32>} : memref<64x128xf32, #tpu.memory_space<vmem>>, vector<16xf32>,
          %max3A_903 = arith.maximumf %get3A_899, %get3A_902 : vector<16xf32>
          %swap3A_904 = arith.index_cast %squeeze3A_832 : i32 to index
          %swap3A_905 = arith.constant 96 : index
          %swap3A_906 = tpu.vector_load %arg10[%swap3A_904, %swap3A_905] {strides = array<i32>} : memref<633x128xf32, #tpu.memory_space<vmem>>, vector<16xf32>,
          tpu.vector_store %arg10[%swap3A_904, %swap3A_905], %max3A_903 {strides = array<i32>} : memref<633x128xf32, #tpu.memory_space<vmem>>, vector<16xf32>,
          %get3A_907 = arith.index_cast %squeeze3A_832 : i32 to index
          %get3A_908 = arith.constant 112 : index
          %get3A_909 = tpu.vector_load %arg10[%get3A_907, %get3A_908] {strides = array<i32>} : memref<633x128xf32, #tpu.memory_space<vmem>>, vector<16xf32>,
          %get3A_910 = arith.index_cast %add3A_836 : i32 to index
          %get3A_911 = arith.constant 112 : index
          %get3A_912 = tpu.vector_load %arg9[%get3A_910, %get3A_911] {strides = array<i32>} : memref<64x128xf32, #tpu.memory_space<vmem>>, vector<16xf32>,
          %max3A_913 = arith.maximumf %get3A_909, %get3A_912 : vector<16xf32>
          %swap3A_914 = arith.index_cast %squeeze3A_832 : i32 to index
          %swap3A_915 = arith.constant 112 : index
          %swap3A_916 = tpu.vector_load %arg10[%swap3A_914, %swap3A_915] {strides = array<i32>} : memref<633x128xf32, #tpu.memory_space<vmem>>, vector<16xf32>,
          tpu.vector_store %arg10[%swap3A_914, %swap3A_915], %max3A_913 {strides = array<i32>} : memref<633x128xf32, #tpu.memory_space<vmem>>, vector<16xf32>,
          %slice3A_917 = vector.extract_strided_slice %get3A_231 {offsets = [8], sizes = [1], strides = [1]} : vector<16xi32> to vector<1xi32>
          %squeeze3A_918 = vector.extract %slice3A_917[0] : i32 from vector<1xi32>
          %mul3A_919 = arith.constant 16 : i32
          %mul3A_920 = arith.muli %scan3A_226, %mul3A_919 : i32
          %add3A_921 = arith.constant 8 : i32
          %add3A_922 = arith.addi %mul3A_920, %add3A_921 : i32
          %get3A_923 = arith.index_cast %squeeze3A_918 : i32 to index
          %get3A_924 = arith.constant 0 : index
          %get3A_925 = tpu.vector_load %arg10[%get3A_923, %get3A_924] {strides = array<i32>} : memref<633x128xf32, #tpu.memory_space<vmem>>, vector<16xf32>,
          %get3A_926 = arith.index_cast %add3A_922 : i32 to index
          %get3A_927 = arith.constant 0 : index
          %get3A_928 = tpu.vector_load %arg9[%get3A_926, %get3A_927] {strides = array<i32>} : memref<64x128xf32, #tpu.memory_space<vmem>>, vector<16xf32>,
          %max3A_929 = arith.maximumf %get3A_925, %get3A_928 : vector<16xf32>
          %swap3A_930 = arith.index_cast %squeeze3A_918 : i32 to index
          %swap3A_931 = arith.constant 0 : index
          %swap3A_932 = tpu.vector_load %arg10[%swap3A_930, %swap3A_931] {strides = array<i32>} : memref<633x128xf32, #tpu.memory_space<vmem>>, vector<16xf32>,
          tpu.vector_store %arg10[%swap3A_930, %swap3A_931], %max3A_929 {strides = array<i32>} : memref<633x128xf32, #tpu.memory_space<vmem>>, vector<16xf32>,
          %get3A_933 = arith.index_cast %squeeze3A_918 : i32 to index
          %get3A_934 = arith.constant 16 : index
          %get3A_935 = tpu.vector_load %arg10[%get3A_933, %get3A_934] {strides = array<i32>} : memref<633x128xf32, #tpu.memory_space<vmem>>, vector<16xf32>,
          %get3A_936 = arith.index_cast %add3A_922 : i32 to index
          %get3A_937 = arith.constant 16 : index
          %get3A_938 = tpu.vector_load %arg9[%get3A_936, %get3A_937] {strides = array<i32>} : memref<64x128xf32, #tpu.memory_space<vmem>>, vector<16xf32>,
          %max3A_939 = arith.maximumf %get3A_935, %get3A_938 : vector<16xf32>
          %swap3A_940 = arith.index_cast %squeeze3A_918 : i32 to index
          %swap3A_941 = arith.constant 16 : index
          %swap3A_942 = tpu.vector_load %arg10[%swap3A_940, %swap3A_941] {strides = array<i32>} : memref<633x128xf32, #tpu.memory_space<vmem>>, vector<16xf32>,
          tpu.vector_store %arg10[%swap3A_940, %swap3A_941], %max3A_939 {strides = array<i32>} : memref<633x128xf32, #tpu.memory_space<vmem>>, vector<16xf32>,
          %get3A_943 = arith.index_cast %squeeze3A_918 : i32 to index
          %get3A_944 = arith.constant 32 : index
          %get3A_945 = tpu.vector_load %arg10[%get3A_943, %get3A_944] {strides = array<i32>} : memref<633x128xf32, #tpu.memory_space<vmem>>, vector<16xf32>,
          %get3A_946 = arith.index_cast %add3A_922 : i32 to index
          %get3A_947 = arith.constant 32 : index
          %get3A_948 = tpu.vector_load %arg9[%get3A_946, %get3A_947] {strides = array<i32>} : memref<64x128xf32, #tpu.memory_space<vmem>>, vector<16xf32>,
          %max3A_949 = arith.maximumf %get3A_945, %get3A_948 : vector<16xf32>
          %swap3A_950 = arith.index_cast %squeeze3A_918 : i32 to index
          %swap3A_951 = arith.constant 32 : index
          %swap3A_952 = tpu.vector_load %arg10[%swap3A_950, %swap3A_951] {strides = array<i32>} : memref<633x128xf32, #tpu.memory_space<vmem>>, vector<16xf32>,
          tpu.vector_store %arg10[%swap3A_950, %swap3A_951], %max3A_949 {strides = array<i32>} : memref<633x128xf32, #tpu.memory_space<vmem>>, vector<16xf32>,
          %get3A_953 = arith.index_cast %squeeze3A_918 : i32 to index
          %get3A_954 = arith.constant 48 : index
          %get3A_955 = tpu.vector_load %arg10[%get3A_953, %get3A_954] {strides = array<i32>} : memref<633x128xf32, #tpu.memory_space<vmem>>, vector<16xf32>,
          %get3A_956 = arith.index_cast %add3A_922 : i32 to index
          %get3A_957 = arith.constant 48 : index
          %get3A_958 = tpu.vector_load %arg9[%get3A_956, %get3A_957] {strides = array<i32>} : memref<64x128xf32, #tpu.memory_space<vmem>>, vector<16xf32>,
          %max3A_959 = arith.maximumf %get3A_955, %get3A_958 : vector<16xf32>
          %swap3A_960 = arith.index_cast %squeeze3A_918 : i32 to index
          %swap3A_961 = arith.constant 48 : index
          %swap3A_962 = tpu.vector_load %arg10[%swap3A_960, %swap3A_961] {strides = array<i32>} : memref<633x128xf32, #tpu.memory_space<vmem>>, vector<16xf32>,
          tpu.vector_store %arg10[%swap3A_960, %swap3A_961], %max3A_959 {strides = array<i32>} : memref<633x128xf32, #tpu.memory_space<vmem>>, vector<16xf32>,
          %get3A_963 = arith.index_cast %squeeze3A_918 : i32 to index
          %get3A_964 = arith.constant 64 : index
          %get3A_965 = tpu.vector_load %arg10[%get3A_963, %get3A_964] {strides = array<i32>} : memref<633x128xf32, #tpu.memory_space<vmem>>, vector<16xf32>,
          %get3A_966 = arith.index_cast %add3A_922 : i32 to index
          %get3A_967 = arith.constant 64 : index
          %get3A_968 = tpu.vector_load %arg9[%get3A_966, %get3A_967] {strides = array<i32>} : memref<64x128xf32, #tpu.memory_space<vmem>>, vector<16xf32>,
          %max3A_969 = arith.maximumf %get3A_965, %get3A_968 : vector<16xf32>
          %swap3A_970 = arith.index_cast %squeeze3A_918 : i32 to index
          %swap3A_971 = arith.constant 64 : index
          %swap3A_972 = tpu.vector_load %arg10[%swap3A_970, %swap3A_971] {strides = array<i32>} : memref<633x128xf32, #tpu.memory_space<vmem>>, vector<16xf32>,
          tpu.vector_store %arg10[%swap3A_970, %swap3A_971], %max3A_969 {strides = array<i32>} : memref<633x128xf32, #tpu.memory_space<vmem>>, vector<16xf32>,
          %get3A_973 = arith.index_cast %squeeze3A_918 : i32 to index
          %get3A_974 = arith.constant 80 : index
          %get3A_975 = tpu.vector_load %arg10[%get3A_973, %get3A_974] {strides = array<i32>} : memref<633x128xf32, #tpu.memory_space<vmem>>, vector<16xf32>,
          %get3A_976 = arith.index_cast %add3A_922 : i32 to index
          %get3A_977 = arith.constant 80 : index
          %get3A_978 = tpu.vector_load %arg9[%get3A_976, %get3A_977] {strides = array<i32>} : memref<64x128xf32, #tpu.memory_space<vmem>>, vector<16xf32>,
          %max3A_979 = arith.maximumf %get3A_975, %get3A_978 : vector<16xf32>
          %swap3A_980 = arith.index_cast %squeeze3A_918 : i32 to index
          %swap3A_981 = arith.constant 80 : index
          %swap3A_982 = tpu.vector_load %arg10[%swap3A_980, %swap3A_981] {strides = array<i32>} : memref<633x128xf32, #tpu.memory_space<vmem>>, vector<16xf32>,
          tpu.vector_store %arg10[%swap3A_980, %swap3A_981], %max3A_979 {strides = array<i32>} : memref<633x128xf32, #tpu.memory_space<vmem>>, vector<16xf32>,
          %get3A_983 = arith.index_cast %squeeze3A_918 : i32 to index
          %get3A_984 = arith.constant 96 : index
          %get3A_985 = tpu.vector_load %arg10[%get3A_983, %get3A_984] {strides = array<i32>} : memref<633x128xf32, #tpu.memory_space<vmem>>, vector<16xf32>,
          %get3A_986 = arith.index_cast %add3A_922 : i32 to index
          %get3A_987 = arith.constant 96 : index
          %get3A_988 = tpu.vector_load %arg9[%get3A_986, %get3A_987] {strides = array<i32>} : memref<64x128xf32, #tpu.memory_space<vmem>>, vector<16xf32>,
          %max3A_989 = arith.maximumf %get3A_985, %get3A_988 : vector<16xf32>
          %swap3A_990 = arith.index_cast %squeeze3A_918 : i32 to index
          %swap3A_991 = arith.constant 96 : index
          %swap3A_992 = tpu.vector_load %arg10[%swap3A_990, %swap3A_991] {strides = array<i32>} : memref<633x128xf32, #tpu.memory_space<vmem>>, vector<16xf32>,
          tpu.vector_store %arg10[%swap3A_990, %swap3A_991], %max3A_989 {strides = array<i32>} : memref<633x128xf32, #tpu.memory_space<vmem>>, vector<16xf32>,
          %get3A_993 = arith.index_cast %squeeze3A_918 : i32 to index
          %get3A_994 = arith.constant 112 : index
          %get3A_995 = tpu.vector_load %arg10[%get3A_993, %get3A_994] {strides = array<i32>} : memref<633x128xf32, #tpu.memory_space<vmem>>, vector<16xf32>,
          %get3A_996 = arith.index_cast %add3A_922 : i32 to index
          %get3A_997 = arith.constant 112 : index
          %get3A_998 = tpu.vector_load %arg9[%get3A_996, %get3A_997] {strides = array<i32>} : memref<64x128xf32, #tpu.memory_space<vmem>>, vector<16xf32>,
          %max3A_999 = arith.maximumf %get3A_995, %get3A_998 : vector<16xf32>
          %swap3A_1000 = arith.index_cast %squeeze3A_918 : i32 to index
          %swap3A_1001 = arith.constant 112 : index
          %swap3A_1002 = tpu.vector_load %arg10[%swap3A_1000, %swap3A_1001] {strides = array<i32>} : memref<633x128xf32, #tpu.memory_space<vmem>>, vector<16xf32>,
          tpu.vector_store %arg10[%swap3A_1000, %swap3A_1001], %max3A_999 {strides = array<i32>} : memref<633x128xf32, #tpu.memory_space<vmem>>, vector<16xf32>,
          %slice3A_1003 = vector.extract_strided_slice %get3A_231 {offsets = [9], sizes = [1], strides = [1]} : vector<16xi32> to vector<1xi32>
          %squeeze3A_1004 = vector.extract %slice3A_1003[0] : i32 from vector<1xi32>
          %mul3A_1005 = arith.constant 16 : i32
          %mul3A_1006 = arith.muli %scan3A_226, %mul3A_1005 : i32
          %add3A_1007 = arith.constant 9 : i32
          %add3A_1008 = arith.addi %mul3A_1006, %add3A_1007 : i32
          %get3A_1009 = arith.index_cast %squeeze3A_1004 : i32 to index
          %get3A_1010 = arith.constant 0 : index
          %get3A_1011 = tpu.vector_load %arg10[%get3A_1009, %get3A_1010] {strides = array<i32>} : memref<633x128xf32, #tpu.memory_space<vmem>>, vector<16xf32>,
          %get3A_1012 = arith.index_cast %add3A_1008 : i32 to index
          %get3A_1013 = arith.constant 0 : index
          %get3A_1014 = tpu.vector_load %arg9[%get3A_1012, %get3A_1013] {strides = array<i32>} : memref<64x128xf32, #tpu.memory_space<vmem>>, vector<16xf32>,
          %max3A_1015 = arith.maximumf %get3A_1011, %get3A_1014 : vector<16xf32>
          %swap3A_1016 = arith.index_cast %squeeze3A_1004 : i32 to index
          %swap3A_1017 = arith.constant 0 : index
          %swap3A_1018 = tpu.vector_load %arg10[%swap3A_1016, %swap3A_1017] {strides = array<i32>} : memref<633x128xf32, #tpu.memory_space<vmem>>, vector<16xf32>,
          tpu.vector_store %arg10[%swap3A_1016, %swap3A_1017], %max3A_1015 {strides = array<i32>} : memref<633x128xf32, #tpu.memory_space<vmem>>, vector<16xf32>,
          %get3A_1019 = arith.index_cast %squeeze3A_1004 : i32 to index
          %get3A_1020 = arith.constant 16 : index
          %get3A_1021 = tpu.vector_load %arg10[%get3A_1019, %get3A_1020] {strides = array<i32>} : memref<633x128xf32, #tpu.memory_space<vmem>>, vector<16xf32>,
          %get3A_1022 = arith.index_cast %add3A_1008 : i32 to index
          %get3A_1023 = arith.constant 16 : index
          %get3A_1024 = tpu.vector_load %arg9[%get3A_1022, %get3A_1023] {strides = array<i32>} : memref<64x128xf32, #tpu.memory_space<vmem>>, vector<16xf32>,
          %max3A_1025 = arith.maximumf %get3A_1021, %get3A_1024 : vector<16xf32>
          %swap3A_1026 = arith.index_cast %squeeze3A_1004 : i32 to index
          %swap3A_1027 = arith.constant 16 : index
          %swap3A_1028 = tpu.vector_load %arg10[%swap3A_1026, %swap3A_1027] {strides = array<i32>} : memref<633x128xf32, #tpu.memory_space<vmem>>, vector<16xf32>,
          tpu.vector_store %arg10[%swap3A_1026, %swap3A_1027], %max3A_1025 {strides = array<i32>} : memref<633x128xf32, #tpu.memory_space<vmem>>, vector<16xf32>,
          %get3A_1029 = arith.index_cast %squeeze3A_1004 : i32 to index
          %get3A_1030 = arith.constant 32 : index
          %get3A_1031 = tpu.vector_load %arg10[%get3A_1029, %get3A_1030] {strides = array<i32>} : memref<633x128xf32, #tpu.memory_space<vmem>>, vector<16xf32>,
          %get3A_1032 = arith.index_cast %add3A_1008 : i32 to index
          %get3A_1033 = arith.constant 32 : index
          %get3A_1034 = tpu.vector_load %arg9[%get3A_1032, %get3A_1033] {strides = array<i32>} : memref<64x128xf32, #tpu.memory_space<vmem>>, vector<16xf32>,
          %max3A_1035 = arith.maximumf %get3A_1031, %get3A_1034 : vector<16xf32>
          %swap3A_1036 = arith.index_cast %squeeze3A_1004 : i32 to index
          %swap3A_1037 = arith.constant 32 : index
          %swap3A_1038 = tpu.vector_load %arg10[%swap3A_1036, %swap3A_1037] {strides = array<i32>} : memref<633x128xf32, #tpu.memory_space<vmem>>, vector<16xf32>,
          tpu.vector_store %arg10[%swap3A_1036, %swap3A_1037], %max3A_1035 {strides = array<i32>} : memref<633x128xf32, #tpu.memory_space<vmem>>, vector<16xf32>,
          %get3A_1039 = arith.index_cast %squeeze3A_1004 : i32 to index
          %get3A_1040 = arith.constant 48 : index
          %get3A_1041 = tpu.vector_load %arg10[%get3A_1039, %get3A_1040] {strides = array<i32>} : memref<633x128xf32, #tpu.memory_space<vmem>>, vector<16xf32>,
          %get3A_1042 = arith.index_cast %add3A_1008 : i32 to index
          %get3A_1043 = arith.constant 48 : index
          %get3A_1044 = tpu.vector_load %arg9[%get3A_1042, %get3A_1043] {strides = array<i32>} : memref<64x128xf32, #tpu.memory_space<vmem>>, vector<16xf32>,
          %max3A_1045 = arith.maximumf %get3A_1041, %get3A_1044 : vector<16xf32>
          %swap3A_1046 = arith.index_cast %squeeze3A_1004 : i32 to index
          %swap3A_1047 = arith.constant 48 : index
          %swap3A_1048 = tpu.vector_load %arg10[%swap3A_1046, %swap3A_1047] {strides = array<i32>} : memref<633x128xf32, #tpu.memory_space<vmem>>, vector<16xf32>,
          tpu.vector_store %arg10[%swap3A_1046, %swap3A_1047], %max3A_1045 {strides = array<i32>} : memref<633x128xf32, #tpu.memory_space<vmem>>, vector<16xf32>,
          %get3A_1049 = arith.index_cast %squeeze3A_1004 : i32 to index
          %get3A_1050 = arith.constant 64 : index
          %get3A_1051 = tpu.vector_load %arg10[%get3A_1049, %get3A_1050] {strides = array<i32>} : memref<633x128xf32, #tpu.memory_space<vmem>>, vector<16xf32>,
          %get3A_1052 = arith.index_cast %add3A_1008 : i32 to index
          %get3A_1053 = arith.constant 64 : index
          %get3A_1054 = tpu.vector_load %arg9[%get3A_1052, %get3A_1053] {strides = array<i32>} : memref<64x128xf32, #tpu.memory_space<vmem>>, vector<16xf32>,
          %max3A_1055 = arith.maximumf %get3A_1051, %get3A_1054 : vector<16xf32>
          %swap3A_1056 = arith.index_cast %squeeze3A_1004 : i32 to index
          %swap3A_1057 = arith.constant 64 : index
          %swap3A_1058 = tpu.vector_load %arg10[%swap3A_1056, %swap3A_1057] {strides = array<i32>} : memref<633x128xf32, #tpu.memory_space<vmem>>, vector<16xf32>,
          tpu.vector_store %arg10[%swap3A_1056, %swap3A_1057], %max3A_1055 {strides = array<i32>} : memref<633x128xf32, #tpu.memory_space<vmem>>, vector<16xf32>,
          %get3A_1059 = arith.index_cast %squeeze3A_1004 : i32 to index
          %get3A_1060 = arith.constant 80 : index
          %get3A_1061 = tpu.vector_load %arg10[%get3A_1059, %get3A_1060] {strides = array<i32>} : memref<633x128xf32, #tpu.memory_space<vmem>>, vector<16xf32>,
          %get3A_1062 = arith.index_cast %add3A_1008 : i32 to index
          %get3A_1063 = arith.constant 80 : index
          %get3A_1064 = tpu.vector_load %arg9[%get3A_1062, %get3A_1063] {strides = array<i32>} : memref<64x128xf32, #tpu.memory_space<vmem>>, vector<16xf32>,
          %max3A_1065 = arith.maximumf %get3A_1061, %get3A_1064 : vector<16xf32>
          %swap3A_1066 = arith.index_cast %squeeze3A_1004 : i32 to index
          %swap3A_1067 = arith.constant 80 : index
          %swap3A_1068 = tpu.vector_load %arg10[%swap3A_1066, %swap3A_1067] {strides = array<i32>} : memref<633x128xf32, #tpu.memory_space<vmem>>, vector<16xf32>,
          tpu.vector_store %arg10[%swap3A_1066, %swap3A_1067], %max3A_1065 {strides = array<i32>} : memref<633x128xf32, #tpu.memory_space<vmem>>, vector<16xf32>,
          %get3A_1069 = arith.index_cast %squeeze3A_1004 : i32 to index
          %get3A_1070 = arith.constant 96 : index
          %get3A_1071 = tpu.vector_load %arg10[%get3A_1069, %get3A_1070] {strides = array<i32>} : memref<633x128xf32, #tpu.memory_space<vmem>>, vector<16xf32>,
          %get3A_1072 = arith.index_cast %add3A_1008 : i32 to index
          %get3A_1073 = arith.constant 96 : index
          %get3A_1074 = tpu.vector_load %arg9[%get3A_1072, %get3A_1073] {strides = array<i32>} : memref<64x128xf32, #tpu.memory_space<vmem>>, vector<16xf32>,
          %max3A_1075 = arith.maximumf %get3A_1071, %get3A_1074 : vector<16xf32>
          %swap3A_1076 = arith.index_cast %squeeze3A_1004 : i32 to index
          %swap3A_1077 = arith.constant 96 : index
          %swap3A_1078 = tpu.vector_load %arg10[%swap3A_1076, %swap3A_1077] {strides = array<i32>} : memref<633x128xf32, #tpu.memory_space<vmem>>, vector<16xf32>,
          tpu.vector_store %arg10[%swap3A_1076, %swap3A_1077], %max3A_1075 {strides = array<i32>} : memref<633x128xf32, #tpu.memory_space<vmem>>, vector<16xf32>,
          %get3A_1079 = arith.index_cast %squeeze3A_1004 : i32 to index
          %get3A_1080 = arith.constant 112 : index
          %get3A_1081 = tpu.vector_load %arg10[%get3A_1079, %get3A_1080] {strides = array<i32>} : memref<633x128xf32, #tpu.memory_space<vmem>>, vector<16xf32>,
          %get3A_1082 = arith.index_cast %add3A_1008 : i32 to index
          %get3A_1083 = arith.constant 112 : index
          %get3A_1084 = tpu.vector_load %arg9[%get3A_1082, %get3A_1083] {strides = array<i32>} : memref<64x128xf32, #tpu.memory_space<vmem>>, vector<16xf32>,
          %max3A_1085 = arith.maximumf %get3A_1081, %get3A_1084 : vector<16xf32>
          %swap3A_1086 = arith.index_cast %squeeze3A_1004 : i32 to index
          %swap3A_1087 = arith.constant 112 : index
          %swap3A_1088 = tpu.vector_load %arg10[%swap3A_1086, %swap3A_1087] {strides = array<i32>} : memref<633x128xf32, #tpu.memory_space<vmem>>, vector<16xf32>,
          tpu.vector_store %arg10[%swap3A_1086, %swap3A_1087], %max3A_1085 {strides = array<i32>} : memref<633x128xf32, #tpu.memory_space<vmem>>, vector<16xf32>,
          %slice3A_1089 = vector.extract_strided_slice %get3A_231 {offsets = [10], sizes = [1], strides = [1]} : vector<16xi32> to vector<1xi32>
          %squeeze3A_1090 = vector.extract %slice3A_1089[0] : i32 from vector<1xi32>
          %mul3A_1091 = arith.constant 16 : i32
          %mul3A_1092 = arith.muli %scan3A_226, %mul3A_1091 : i32
          %add3A_1093 = arith.constant 10 : i32
          %add3A_1094 = arith.addi %mul3A_1092, %add3A_1093 : i32
          %get3A_1095 = arith.index_cast %squeeze3A_1090 : i32 to index
          %get3A_1096 = arith.constant 0 : index
          %get3A_1097 = tpu.vector_load %arg10[%get3A_1095, %get3A_1096] {strides = array<i32>} : memref<633x128xf32, #tpu.memory_space<vmem>>, vector<16xf32>,
          %get3A_1098 = arith.index_cast %add3A_1094 : i32 to index
          %get3A_1099 = arith.constant 0 : index
          %get3A_1100 = tpu.vector_load %arg9[%get3A_1098, %get3A_1099] {strides = array<i32>} : memref<64x128xf32, #tpu.memory_space<vmem>>, vector<16xf32>,
          %max3A_1101 = arith.maximumf %get3A_1097, %get3A_1100 : vector<16xf32>
          %swap3A_1102 = arith.index_cast %squeeze3A_1090 : i32 to index
          %swap3A_1103 = arith.constant 0 : index
          %swap3A_1104 = tpu.vector_load %arg10[%swap3A_1102, %swap3A_1103] {strides = array<i32>} : memref<633x128xf32, #tpu.memory_space<vmem>>, vector<16xf32>,
          tpu.vector_store %arg10[%swap3A_1102, %swap3A_1103], %max3A_1101 {strides = array<i32>} : memref<633x128xf32, #tpu.memory_space<vmem>>, vector<16xf32>,
          %get3A_1105 = arith.index_cast %squeeze3A_1090 : i32 to index
          %get3A_1106 = arith.constant 16 : index
          %get3A_1107 = tpu.vector_load %arg10[%get3A_1105, %get3A_1106] {strides = array<i32>} : memref<633x128xf32, #tpu.memory_space<vmem>>, vector<16xf32>,
          %get3A_1108 = arith.index_cast %add3A_1094 : i32 to index
          %get3A_1109 = arith.constant 16 : index
          %get3A_1110 = tpu.vector_load %arg9[%get3A_1108, %get3A_1109] {strides = array<i32>} : memref<64x128xf32, #tpu.memory_space<vmem>>, vector<16xf32>,
          %max3A_1111 = arith.maximumf %get3A_1107, %get3A_1110 : vector<16xf32>
          %swap3A_1112 = arith.index_cast %squeeze3A_1090 : i32 to index
          %swap3A_1113 = arith.constant 16 : index
          %swap3A_1114 = tpu.vector_load %arg10[%swap3A_1112, %swap3A_1113] {strides = array<i32>} : memref<633x128xf32, #tpu.memory_space<vmem>>, vector<16xf32>,
          tpu.vector_store %arg10[%swap3A_1112, %swap3A_1113], %max3A_1111 {strides = array<i32>} : memref<633x128xf32, #tpu.memory_space<vmem>>, vector<16xf32>,
          %get3A_1115 = arith.index_cast %squeeze3A_1090 : i32 to index
          %get3A_1116 = arith.constant 32 : index
          %get3A_1117 = tpu.vector_load %arg10[%get3A_1115, %get3A_1116] {strides = array<i32>} : memref<633x128xf32, #tpu.memory_space<vmem>>, vector<16xf32>,
          %get3A_1118 = arith.index_cast %add3A_1094 : i32 to index
          %get3A_1119 = arith.constant 32 : index
          %get3A_1120 = tpu.vector_load %arg9[%get3A_1118, %get3A_1119] {strides = array<i32>} : memref<64x128xf32, #tpu.memory_space<vmem>>, vector<16xf32>,
          %max3A_1121 = arith.maximumf %get3A_1117, %get3A_1120 : vector<16xf32>
          %swap3A_1122 = arith.index_cast %squeeze3A_1090 : i32 to index
          %swap3A_1123 = arith.constant 32 : index
          %swap3A_1124 = tpu.vector_load %arg10[%swap3A_1122, %swap3A_1123] {strides = array<i32>} : memref<633x128xf32, #tpu.memory_space<vmem>>, vector<16xf32>,
          tpu.vector_store %arg10[%swap3A_1122, %swap3A_1123], %max3A_1121 {strides = array<i32>} : memref<633x128xf32, #tpu.memory_space<vmem>>, vector<16xf32>,
          %get3A_1125 = arith.index_cast %squeeze3A_1090 : i32 to index
          %get3A_1126 = arith.constant 48 : index
          %get3A_1127 = tpu.vector_load %arg10[%get3A_1125, %get3A_1126] {strides = array<i32>} : memref<633x128xf32, #tpu.memory_space<vmem>>, vector<16xf32>,
          %get3A_1128 = arith.index_cast %add3A_1094 : i32 to index
          %get3A_1129 = arith.constant 48 : index
          %get3A_1130 = tpu.vector_load %arg9[%get3A_1128, %get3A_1129] {strides = array<i32>} : memref<64x128xf32, #tpu.memory_space<vmem>>, vector<16xf32>,
          %max3A_1131 = arith.maximumf %get3A_1127, %get3A_1130 : vector<16xf32>
          %swap3A_1132 = arith.index_cast %squeeze3A_1090 : i32 to index
          %swap3A_1133 = arith.constant 48 : index
          %swap3A_1134 = tpu.vector_load %arg10[%swap3A_1132, %swap3A_1133] {strides = array<i32>} : memref<633x128xf32, #tpu.memory_space<vmem>>, vector<16xf32>,
          tpu.vector_store %arg10[%swap3A_1132, %swap3A_1133], %max3A_1131 {strides = array<i32>} : memref<633x128xf32, #tpu.memory_space<vmem>>, vector<16xf32>,
          %get3A_1135 = arith.index_cast %squeeze3A_1090 : i32 to index
          %get3A_1136 = arith.constant 64 : index
          %get3A_1137 = tpu.vector_load %arg10[%get3A_1135, %get3A_1136] {strides = array<i32>} : memref<633x128xf32, #tpu.memory_space<vmem>>, vector<16xf32>,
          %get3A_1138 = arith.index_cast %add3A_1094 : i32 to index
          %get3A_1139 = arith.constant 64 : index
          %get3A_1140 = tpu.vector_load %arg9[%get3A_1138, %get3A_1139] {strides = array<i32>} : memref<64x128xf32, #tpu.memory_space<vmem>>, vector<16xf32>,
          %max3A_1141 = arith.maximumf %get3A_1137, %get3A_1140 : vector<16xf32>
          %swap3A_1142 = arith.index_cast %squeeze3A_1090 : i32 to index
          %swap3A_1143 = arith.constant 64 : index
          %swap3A_1144 = tpu.vector_load %arg10[%swap3A_1142, %swap3A_1143] {strides = array<i32>} : memref<633x128xf32, #tpu.memory_space<vmem>>, vector<16xf32>,
          tpu.vector_store %arg10[%swap3A_1142, %swap3A_1143], %max3A_1141 {strides = array<i32>} : memref<633x128xf32, #tpu.memory_space<vmem>>, vector<16xf32>,
          %get3A_1145 = arith.index_cast %squeeze3A_1090 : i32 to index
          %get3A_1146 = arith.constant 80 : index
          %get3A_1147 = tpu.vector_load %arg10[%get3A_1145, %get3A_1146] {strides = array<i32>} : memref<633x128xf32, #tpu.memory_space<vmem>>, vector<16xf32>,
          %get3A_1148 = arith.index_cast %add3A_1094 : i32 to index
          %get3A_1149 = arith.constant 80 : index
          %get3A_1150 = tpu.vector_load %arg9[%get3A_1148, %get3A_1149] {strides = array<i32>} : memref<64x128xf32, #tpu.memory_space<vmem>>, vector<16xf32>,
          %max3A_1151 = arith.maximumf %get3A_1147, %get3A_1150 : vector<16xf32>
          %swap3A_1152 = arith.index_cast %squeeze3A_1090 : i32 to index
          %swap3A_1153 = arith.constant 80 : index
          %swap3A_1154 = tpu.vector_load %arg10[%swap3A_1152, %swap3A_1153] {strides = array<i32>} : memref<633x128xf32, #tpu.memory_space<vmem>>, vector<16xf32>,
          tpu.vector_store %arg10[%swap3A_1152, %swap3A_1153], %max3A_1151 {strides = array<i32>} : memref<633x128xf32, #tpu.memory_space<vmem>>, vector<16xf32>,
          %get3A_1155 = arith.index_cast %squeeze3A_1090 : i32 to index
          %get3A_1156 = arith.constant 96 : index
          %get3A_1157 = tpu.vector_load %arg10[%get3A_1155, %get3A_1156] {strides = array<i32>} : memref<633x128xf32, #tpu.memory_space<vmem>>, vector<16xf32>,
          %get3A_1158 = arith.index_cast %add3A_1094 : i32 to index
          %get3A_1159 = arith.constant 96 : index
          %get3A_1160 = tpu.vector_load %arg9[%get3A_1158, %get3A_1159] {strides = array<i32>} : memref<64x128xf32, #tpu.memory_space<vmem>>, vector<16xf32>,
          %max3A_1161 = arith.maximumf %get3A_1157, %get3A_1160 : vector<16xf32>
          %swap3A_1162 = arith.index_cast %squeeze3A_1090 : i32 to index
          %swap3A_1163 = arith.constant 96 : index
          %swap3A_1164 = tpu.vector_load %arg10[%swap3A_1162, %swap3A_1163] {strides = array<i32>} : memref<633x128xf32, #tpu.memory_space<vmem>>, vector<16xf32>,
          tpu.vector_store %arg10[%swap3A_1162, %swap3A_1163], %max3A_1161 {strides = array<i32>} : memref<633x128xf32, #tpu.memory_space<vmem>>, vector<16xf32>,
          %get3A_1165 = arith.index_cast %squeeze3A_1090 : i32 to index
          %get3A_1166 = arith.constant 112 : index
          %get3A_1167 = tpu.vector_load %arg10[%get3A_1165, %get3A_1166] {strides = array<i32>} : memref<633x128xf32, #tpu.memory_space<vmem>>, vector<16xf32>,
          %get3A_1168 = arith.index_cast %add3A_1094 : i32 to index
          %get3A_1169 = arith.constant 112 : index
          %get3A_1170 = tpu.vector_load %arg9[%get3A_1168, %get3A_1169] {strides = array<i32>} : memref<64x128xf32, #tpu.memory_space<vmem>>, vector<16xf32>,
          %max3A_1171 = arith.maximumf %get3A_1167, %get3A_1170 : vector<16xf32>
          %swap3A_1172 = arith.index_cast %squeeze3A_1090 : i32 to index
          %swap3A_1173 = arith.constant 112 : index
          %swap3A_1174 = tpu.vector_load %arg10[%swap3A_1172, %swap3A_1173] {strides = array<i32>} : memref<633x128xf32, #tpu.memory_space<vmem>>, vector<16xf32>,
          tpu.vector_store %arg10[%swap3A_1172, %swap3A_1173], %max3A_1171 {strides = array<i32>} : memref<633x128xf32, #tpu.memory_space<vmem>>, vector<16xf32>,
          %slice3A_1175 = vector.extract_strided_slice %get3A_231 {offsets = [11], sizes = [1], strides = [1]} : vector<16xi32> to vector<1xi32>
          %squeeze3A_1176 = vector.extract %slice3A_1175[0] : i32 from vector<1xi32>
          %mul3A_1177 = arith.constant 16 : i32
          %mul3A_1178 = arith.muli %scan3A_226, %mul3A_1177 : i32
          %add3A_1179 = arith.constant 11 : i32
          %add3A_1180 = arith.addi %mul3A_1178, %add3A_1179 : i32
          %get3A_1181 = arith.index_cast %squeeze3A_1176 : i32 to index
          %get3A_1182 = arith.constant 0 : index
          %get3A_1183 = tpu.vector_load %arg10[%get3A_1181, %get3A_1182] {strides = array<i32>} : memref<633x128xf32, #tpu.memory_space<vmem>>, vector<16xf32>,
          %get3A_1184 = arith.index_cast %add3A_1180 : i32 to index
          %get3A_1185 = arith.constant 0 : index
          %get3A_1186 = tpu.vector_load %arg9[%get3A_1184, %get3A_1185] {strides = array<i32>} : memref<64x128xf32, #tpu.memory_space<vmem>>, vector<16xf32>,
          %max3A_1187 = arith.maximumf %get3A_1183, %get3A_1186 : vector<16xf32>
          %swap3A_1188 = arith.index_cast %squeeze3A_1176 : i32 to index
          %swap3A_1189 = arith.constant 0 : index
          %swap3A_1190 = tpu.vector_load %arg10[%swap3A_1188, %swap3A_1189] {strides = array<i32>} : memref<633x128xf32, #tpu.memory_space<vmem>>, vector<16xf32>,
          tpu.vector_store %arg10[%swap3A_1188, %swap3A_1189], %max3A_1187 {strides = array<i32>} : memref<633x128xf32, #tpu.memory_space<vmem>>, vector<16xf32>,
          %get3A_1191 = arith.index_cast %squeeze3A_1176 : i32 to index
          %get3A_1192 = arith.constant 16 : index
          %get3A_1193 = tpu.vector_load %arg10[%get3A_1191, %get3A_1192] {strides = array<i32>} : memref<633x128xf32, #tpu.memory_space<vmem>>, vector<16xf32>,
          %get3A_1194 = arith.index_cast %add3A_1180 : i32 to index
          %get3A_1195 = arith.constant 16 : index
          %get3A_1196 = tpu.vector_load %arg9[%get3A_1194, %get3A_1195] {strides = array<i32>} : memref<64x128xf32, #tpu.memory_space<vmem>>, vector<16xf32>,
          %max3A_1197 = arith.maximumf %get3A_1193, %get3A_1196 : vector<16xf32>
          %swap3A_1198 = arith.index_cast %squeeze3A_1176 : i32 to index
          %swap3A_1199 = arith.constant 16 : index
          %swap3A_1200 = tpu.vector_load %arg10[%swap3A_1198, %swap3A_1199] {strides = array<i32>} : memref<633x128xf32, #tpu.memory_space<vmem>>, vector<16xf32>,
          tpu.vector_store %arg10[%swap3A_1198, %swap3A_1199], %max3A_1197 {strides = array<i32>} : memref<633x128xf32, #tpu.memory_space<vmem>>, vector<16xf32>,
          %get3A_1201 = arith.index_cast %squeeze3A_1176 : i32 to index
          %get3A_1202 = arith.constant 32 : index
          %get3A_1203 = tpu.vector_load %arg10[%get3A_1201, %get3A_1202] {strides = array<i32>} : memref<633x128xf32, #tpu.memory_space<vmem>>, vector<16xf32>,
          %get3A_1204 = arith.index_cast %add3A_1180 : i32 to index
          %get3A_1205 = arith.constant 32 : index
          %get3A_1206 = tpu.vector_load %arg9[%get3A_1204, %get3A_1205] {strides = array<i32>} : memref<64x128xf32, #tpu.memory_space<vmem>>, vector<16xf32>,
          %max3A_1207 = arith.maximumf %get3A_1203, %get3A_1206 : vector<16xf32>
          %swap3A_1208 = arith.index_cast %squeeze3A_1176 : i32 to index
          %swap3A_1209 = arith.constant 32 : index
          %swap3A_1210 = tpu.vector_load %arg10[%swap3A_1208, %swap3A_1209] {strides = array<i32>} : memref<633x128xf32, #tpu.memory_space<vmem>>, vector<16xf32>,
          tpu.vector_store %arg10[%swap3A_1208, %swap3A_1209], %max3A_1207 {strides = array<i32>} : memref<633x128xf32, #tpu.memory_space<vmem>>, vector<16xf32>,
          %get3A_1211 = arith.index_cast %squeeze3A_1176 : i32 to index
          %get3A_1212 = arith.constant 48 : index
          %get3A_1213 = tpu.vector_load %arg10[%get3A_1211, %get3A_1212] {strides = array<i32>} : memref<633x128xf32, #tpu.memory_space<vmem>>, vector<16xf32>,
          %get3A_1214 = arith.index_cast %add3A_1180 : i32 to index
          %get3A_1215 = arith.constant 48 : index
          %get3A_1216 = tpu.vector_load %arg9[%get3A_1214, %get3A_1215] {strides = array<i32>} : memref<64x128xf32, #tpu.memory_space<vmem>>, vector<16xf32>,
          %max3A_1217 = arith.maximumf %get3A_1213, %get3A_1216 : vector<16xf32>
          %swap3A_1218 = arith.index_cast %squeeze3A_1176 : i32 to index
          %swap3A_1219 = arith.constant 48 : index
          %swap3A_1220 = tpu.vector_load %arg10[%swap3A_1218, %swap3A_1219] {strides = array<i32>} : memref<633x128xf32, #tpu.memory_space<vmem>>, vector<16xf32>,
          tpu.vector_store %arg10[%swap3A_1218, %swap3A_1219], %max3A_1217 {strides = array<i32>} : memref<633x128xf32, #tpu.memory_space<vmem>>, vector<16xf32>,
          %get3A_1221 = arith.index_cast %squeeze3A_1176 : i32 to index
          %get3A_1222 = arith.constant 64 : index
          %get3A_1223 = tpu.vector_load %arg10[%get3A_1221, %get3A_1222] {strides = array<i32>} : memref<633x128xf32, #tpu.memory_space<vmem>>, vector<16xf32>,
          %get3A_1224 = arith.index_cast %add3A_1180 : i32 to index
          %get3A_1225 = arith.constant 64 : index
          %get3A_1226 = tpu.vector_load %arg9[%get3A_1224, %get3A_1225] {strides = array<i32>} : memref<64x128xf32, #tpu.memory_space<vmem>>, vector<16xf32>,
          %max3A_1227 = arith.maximumf %get3A_1223, %get3A_1226 : vector<16xf32>
          %swap3A_1228 = arith.index_cast %squeeze3A_1176 : i32 to index
          %swap3A_1229 = arith.constant 64 : index
          %swap3A_1230 = tpu.vector_load %arg10[%swap3A_1228, %swap3A_1229] {strides = array<i32>} : memref<633x128xf32, #tpu.memory_space<vmem>>, vector<16xf32>,
          tpu.vector_store %arg10[%swap3A_1228, %swap3A_1229], %max3A_1227 {strides = array<i32>} : memref<633x128xf32, #tpu.memory_space<vmem>>, vector<16xf32>,
          %get3A_1231 = arith.index_cast %squeeze3A_1176 : i32 to index
          %get3A_1232 = arith.constant 80 : index
          %get3A_1233 = tpu.vector_load %arg10[%get3A_1231, %get3A_1232] {strides = array<i32>} : memref<633x128xf32, #tpu.memory_space<vmem>>, vector<16xf32>,
          %get3A_1234 = arith.index_cast %add3A_1180 : i32 to index
          %get3A_1235 = arith.constant 80 : index
          %get3A_1236 = tpu.vector_load %arg9[%get3A_1234, %get3A_1235] {strides = array<i32>} : memref<64x128xf32, #tpu.memory_space<vmem>>, vector<16xf32>,
          %max3A_1237 = arith.maximumf %get3A_1233, %get3A_1236 : vector<16xf32>
          %swap3A_1238 = arith.index_cast %squeeze3A_1176 : i32 to index
          %swap3A_1239 = arith.constant 80 : index
          %swap3A_1240 = tpu.vector_load %arg10[%swap3A_1238, %swap3A_1239] {strides = array<i32>} : memref<633x128xf32, #tpu.memory_space<vmem>>, vector<16xf32>,
          tpu.vector_store %arg10[%swap3A_1238, %swap3A_1239], %max3A_1237 {strides = array<i32>} : memref<633x128xf32, #tpu.memory_space<vmem>>, vector<16xf32>,
          %get3A_1241 = arith.index_cast %squeeze3A_1176 : i32 to index
          %get3A_1242 = arith.constant 96 : index
          %get3A_1243 = tpu.vector_load %arg10[%get3A_1241, %get3A_1242] {strides = array<i32>} : memref<633x128xf32, #tpu.memory_space<vmem>>, vector<16xf32>,
          %get3A_1244 = arith.index_cast %add3A_1180 : i32 to index
          %get3A_1245 = arith.constant 96 : index
          %get3A_1246 = tpu.vector_load %arg9[%get3A_1244, %get3A_1245] {strides = array<i32>} : memref<64x128xf32, #tpu.memory_space<vmem>>, vector<16xf32>,
          %max3A_1247 = arith.maximumf %get3A_1243, %get3A_1246 : vector<16xf32>
          %swap3A_1248 = arith.index_cast %squeeze3A_1176 : i32 to index
          %swap3A_1249 = arith.constant 96 : index
          %swap3A_1250 = tpu.vector_load %arg10[%swap3A_1248, %swap3A_1249] {strides = array<i32>} : memref<633x128xf32, #tpu.memory_space<vmem>>, vector<16xf32>,
          tpu.vector_store %arg10[%swap3A_1248, %swap3A_1249], %max3A_1247 {strides = array<i32>} : memref<633x128xf32, #tpu.memory_space<vmem>>, vector<16xf32>,
          %get3A_1251 = arith.index_cast %squeeze3A_1176 : i32 to index
          %get3A_1252 = arith.constant 112 : index
          %get3A_1253 = tpu.vector_load %arg10[%get3A_1251, %get3A_1252] {strides = array<i32>} : memref<633x128xf32, #tpu.memory_space<vmem>>, vector<16xf32>,
          %get3A_1254 = arith.index_cast %add3A_1180 : i32 to index
          %get3A_1255 = arith.constant 112 : index
          %get3A_1256 = tpu.vector_load %arg9[%get3A_1254, %get3A_1255] {strides = array<i32>} : memref<64x128xf32, #tpu.memory_space<vmem>>, vector<16xf32>,
          %max3A_1257 = arith.maximumf %get3A_1253, %get3A_1256 : vector<16xf32>
          %swap3A_1258 = arith.index_cast %squeeze3A_1176 : i32 to index
          %swap3A_1259 = arith.constant 112 : index
          %swap3A_1260 = tpu.vector_load %arg10[%swap3A_1258, %swap3A_1259] {strides = array<i32>} : memref<633x128xf32, #tpu.memory_space<vmem>>, vector<16xf32>,
          tpu.vector_store %arg10[%swap3A_1258, %swap3A_1259], %max3A_1257 {strides = array<i32>} : memref<633x128xf32, #tpu.memory_space<vmem>>, vector<16xf32>,
          %slice3A_1261 = vector.extract_strided_slice %get3A_231 {offsets = [12], sizes = [1], strides = [1]} : vector<16xi32> to vector<1xi32>
          %squeeze3A_1262 = vector.extract %slice3A_1261[0] : i32 from vector<1xi32>
          %mul3A_1263 = arith.constant 16 : i32
          %mul3A_1264 = arith.muli %scan3A_226, %mul3A_1263 : i32
          %add3A_1265 = arith.constant 12 : i32
          %add3A_1266 = arith.addi %mul3A_1264, %add3A_1265 : i32
          %get3A_1267 = arith.index_cast %squeeze3A_1262 : i32 to index
          %get3A_1268 = arith.constant 0 : index
          %get3A_1269 = tpu.vector_load %arg10[%get3A_1267, %get3A_1268] {strides = array<i32>} : memref<633x128xf32, #tpu.memory_space<vmem>>, vector<16xf32>,
          %get3A_1270 = arith.index_cast %add3A_1266 : i32 to index
          %get3A_1271 = arith.constant 0 : index
          %get3A_1272 = tpu.vector_load %arg9[%get3A_1270, %get3A_1271] {strides = array<i32>} : memref<64x128xf32, #tpu.memory_space<vmem>>, vector<16xf32>,
          %max3A_1273 = arith.maximumf %get3A_1269, %get3A_1272 : vector<16xf32>
          %swap3A_1274 = arith.index_cast %squeeze3A_1262 : i32 to index
          %swap3A_1275 = arith.constant 0 : index
          %swap3A_1276 = tpu.vector_load %arg10[%swap3A_1274, %swap3A_1275] {strides = array<i32>} : memref<633x128xf32, #tpu.memory_space<vmem>>, vector<16xf32>,
          tpu.vector_store %arg10[%swap3A_1274, %swap3A_1275], %max3A_1273 {strides = array<i32>} : memref<633x128xf32, #tpu.memory_space<vmem>>, vector<16xf32>,
          %get3A_1277 = arith.index_cast %squeeze3A_1262 : i32 to index
          %get3A_1278 = arith.constant 16 : index
          %get3A_1279 = tpu.vector_load %arg10[%get3A_1277, %get3A_1278] {strides = array<i32>} : memref<633x128xf32, #tpu.memory_space<vmem>>, vector<16xf32>,
          %get3A_1280 = arith.index_cast %add3A_1266 : i32 to index
          %get3A_1281 = arith.constant 16 : index
          %get3A_1282 = tpu.vector_load %arg9[%get3A_1280, %get3A_1281] {strides = array<i32>} : memref<64x128xf32, #tpu.memory_space<vmem>>, vector<16xf32>,
          %max3A_1283 = arith.maximumf %get3A_1279, %get3A_1282 : vector<16xf32>
          %swap3A_1284 = arith.index_cast %squeeze3A_1262 : i32 to index
          %swap3A_1285 = arith.constant 16 : index
          %swap3A_1286 = tpu.vector_load %arg10[%swap3A_1284, %swap3A_1285] {strides = array<i32>} : memref<633x128xf32, #tpu.memory_space<vmem>>, vector<16xf32>,
          tpu.vector_store %arg10[%swap3A_1284, %swap3A_1285], %max3A_1283 {strides = array<i32>} : memref<633x128xf32, #tpu.memory_space<vmem>>, vector<16xf32>,
          %get3A_1287 = arith.index_cast %squeeze3A_1262 : i32 to index
          %get3A_1288 = arith.constant 32 : index
          %get3A_1289 = tpu.vector_load %arg10[%get3A_1287, %get3A_1288] {strides = array<i32>} : memref<633x128xf32, #tpu.memory_space<vmem>>, vector<16xf32>,
          %get3A_1290 = arith.index_cast %add3A_1266 : i32 to index
          %get3A_1291 = arith.constant 32 : index
          %get3A_1292 = tpu.vector_load %arg9[%get3A_1290, %get3A_1291] {strides = array<i32>} : memref<64x128xf32, #tpu.memory_space<vmem>>, vector<16xf32>,
          %max3A_1293 = arith.maximumf %get3A_1289, %get3A_1292 : vector<16xf32>
          %swap3A_1294 = arith.index_cast %squeeze3A_1262 : i32 to index
          %swap3A_1295 = arith.constant 32 : index
          %swap3A_1296 = tpu.vector_load %arg10[%swap3A_1294, %swap3A_1295] {strides = array<i32>} : memref<633x128xf32, #tpu.memory_space<vmem>>, vector<16xf32>,
          tpu.vector_store %arg10[%swap3A_1294, %swap3A_1295], %max3A_1293 {strides = array<i32>} : memref<633x128xf32, #tpu.memory_space<vmem>>, vector<16xf32>,
          %get3A_1297 = arith.index_cast %squeeze3A_1262 : i32 to index
          %get3A_1298 = arith.constant 48 : index
          %get3A_1299 = tpu.vector_load %arg10[%get3A_1297, %get3A_1298] {strides = array<i32>} : memref<633x128xf32, #tpu.memory_space<vmem>>, vector<16xf32>,
          %get3A_1300 = arith.index_cast %add3A_1266 : i32 to index
          %get3A_1301 = arith.constant 48 : index
          %get3A_1302 = tpu.vector_load %arg9[%get3A_1300, %get3A_1301] {strides = array<i32>} : memref<64x128xf32, #tpu.memory_space<vmem>>, vector<16xf32>,
          %max3A_1303 = arith.maximumf %get3A_1299, %get3A_1302 : vector<16xf32>
          %swap3A_1304 = arith.index_cast %squeeze3A_1262 : i32 to index
          %swap3A_1305 = arith.constant 48 : index
          %swap3A_1306 = tpu.vector_load %arg10[%swap3A_1304, %swap3A_1305] {strides = array<i32>} : memref<633x128xf32, #tpu.memory_space<vmem>>, vector<16xf32>,
          tpu.vector_store %arg10[%swap3A_1304, %swap3A_1305], %max3A_1303 {strides = array<i32>} : memref<633x128xf32, #tpu.memory_space<vmem>>, vector<16xf32>,
          %get3A_1307 = arith.index_cast %squeeze3A_1262 : i32 to index
          %get3A_1308 = arith.constant 64 : index
          %get3A_1309 = tpu.vector_load %arg10[%get3A_1307, %get3A_1308] {strides = array<i32>} : memref<633x128xf32, #tpu.memory_space<vmem>>, vector<16xf32>,
          %get3A_1310 = arith.index_cast %add3A_1266 : i32 to index
          %get3A_1311 = arith.constant 64 : index
          %get3A_1312 = tpu.vector_load %arg9[%get3A_1310, %get3A_1311] {strides = array<i32>} : memref<64x128xf32, #tpu.memory_space<vmem>>, vector<16xf32>,
          %max3A_1313 = arith.maximumf %get3A_1309, %get3A_1312 : vector<16xf32>
          %swap3A_1314 = arith.index_cast %squeeze3A_1262 : i32 to index
          %swap3A_1315 = arith.constant 64 : index
          %swap3A_1316 = tpu.vector_load %arg10[%swap3A_1314, %swap3A_1315] {strides = array<i32>} : memref<633x128xf32, #tpu.memory_space<vmem>>, vector<16xf32>,
          tpu.vector_store %arg10[%swap3A_1314, %swap3A_1315], %max3A_1313 {strides = array<i32>} : memref<633x128xf32, #tpu.memory_space<vmem>>, vector<16xf32>,
          %get3A_1317 = arith.index_cast %squeeze3A_1262 : i32 to index
          %get3A_1318 = arith.constant 80 : index
          %get3A_1319 = tpu.vector_load %arg10[%get3A_1317, %get3A_1318] {strides = array<i32>} : memref<633x128xf32, #tpu.memory_space<vmem>>, vector<16xf32>,
          %get3A_1320 = arith.index_cast %add3A_1266 : i32 to index
          %get3A_1321 = arith.constant 80 : index
          %get3A_1322 = tpu.vector_load %arg9[%get3A_1320, %get3A_1321] {strides = array<i32>} : memref<64x128xf32, #tpu.memory_space<vmem>>, vector<16xf32>,
          %max3A_1323 = arith.maximumf %get3A_1319, %get3A_1322 : vector<16xf32>
          %swap3A_1324 = arith.index_cast %squeeze3A_1262 : i32 to index
          %swap3A_1325 = arith.constant 80 : index
          %swap3A_1326 = tpu.vector_load %arg10[%swap3A_1324, %swap3A_1325] {strides = array<i32>} : memref<633x128xf32, #tpu.memory_space<vmem>>, vector<16xf32>,
          tpu.vector_store %arg10[%swap3A_1324, %swap3A_1325], %max3A_1323 {strides = array<i32>} : memref<633x128xf32, #tpu.memory_space<vmem>>, vector<16xf32>,
          %get3A_1327 = arith.index_cast %squeeze3A_1262 : i32 to index
          %get3A_1328 = arith.constant 96 : index
          %get3A_1329 = tpu.vector_load %arg10[%get3A_1327, %get3A_1328] {strides = array<i32>} : memref<633x128xf32, #tpu.memory_space<vmem>>, vector<16xf32>,
          %get3A_1330 = arith.index_cast %add3A_1266 : i32 to index
          %get3A_1331 = arith.constant 96 : index
          %get3A_1332 = tpu.vector_load %arg9[%get3A_1330, %get3A_1331] {strides = array<i32>} : memref<64x128xf32, #tpu.memory_space<vmem>>, vector<16xf32>,
          %max3A_1333 = arith.maximumf %get3A_1329, %get3A_1332 : vector<16xf32>
          %swap3A_1334 = arith.index_cast %squeeze3A_1262 : i32 to index
          %swap3A_1335 = arith.constant 96 : index
          %swap3A_1336 = tpu.vector_load %arg10[%swap3A_1334, %swap3A_1335] {strides = array<i32>} : memref<633x128xf32, #tpu.memory_space<vmem>>, vector<16xf32>,
          tpu.vector_store %arg10[%swap3A_1334, %swap3A_1335], %max3A_1333 {strides = array<i32>} : memref<633x128xf32, #tpu.memory_space<vmem>>, vector<16xf32>,
          %get3A_1337 = arith.index_cast %squeeze3A_1262 : i32 to index
          %get3A_1338 = arith.constant 112 : index
          %get3A_1339 = tpu.vector_load %arg10[%get3A_1337, %get3A_1338] {strides = array<i32>} : memref<633x128xf32, #tpu.memory_space<vmem>>, vector<16xf32>,
          %get3A_1340 = arith.index_cast %add3A_1266 : i32 to index
          %get3A_1341 = arith.constant 112 : index
          %get3A_1342 = tpu.vector_load %arg9[%get3A_1340, %get3A_1341] {strides = array<i32>} : memref<64x128xf32, #tpu.memory_space<vmem>>, vector<16xf32>,
          %max3A_1343 = arith.maximumf %get3A_1339, %get3A_1342 : vector<16xf32>
          %swap3A_1344 = arith.index_cast %squeeze3A_1262 : i32 to index
          %swap3A_1345 = arith.constant 112 : index
          %swap3A_1346 = tpu.vector_load %arg10[%swap3A_1344, %swap3A_1345] {strides = array<i32>} : memref<633x128xf32, #tpu.memory_space<vmem>>, vector<16xf32>,
          tpu.vector_store %arg10[%swap3A_1344, %swap3A_1345], %max3A_1343 {strides = array<i32>} : memref<633x128xf32, #tpu.memory_space<vmem>>, vector<16xf32>,
          %slice3A_1347 = vector.extract_strided_slice %get3A_231 {offsets = [13], sizes = [1], strides = [1]} : vector<16xi32> to vector<1xi32>
          %squeeze3A_1348 = vector.extract %slice3A_1347[0] : i32 from vector<1xi32>
          %mul3A_1349 = arith.constant 16 : i32
          %mul3A_1350 = arith.muli %scan3A_226, %mul3A_1349 : i32
          %add3A_1351 = arith.constant 13 : i32
          %add3A_1352 = arith.addi %mul3A_1350, %add3A_1351 : i32
          %get3A_1353 = arith.index_cast %squeeze3A_1348 : i32 to index
          %get3A_1354 = arith.constant 0 : index
          %get3A_1355 = tpu.vector_load %arg10[%get3A_1353, %get3A_1354] {strides = array<i32>} : memref<633x128xf32, #tpu.memory_space<vmem>>, vector<16xf32>,
          %get3A_1356 = arith.index_cast %add3A_1352 : i32 to index
          %get3A_1357 = arith.constant 0 : index
          %get3A_1358 = tpu.vector_load %arg9[%get3A_1356, %get3A_1357] {strides = array<i32>} : memref<64x128xf32, #tpu.memory_space<vmem>>, vector<16xf32>,
          %max3A_1359 = arith.maximumf %get3A_1355, %get3A_1358 : vector<16xf32>
          %swap3A_1360 = arith.index_cast %squeeze3A_1348 : i32 to index
          %swap3A_1361 = arith.constant 0 : index
          %swap3A_1362 = tpu.vector_load %arg10[%swap3A_1360, %swap3A_1361] {strides = array<i32>} : memref<633x128xf32, #tpu.memory_space<vmem>>, vector<16xf32>,
          tpu.vector_store %arg10[%swap3A_1360, %swap3A_1361], %max3A_1359 {strides = array<i32>} : memref<633x128xf32, #tpu.memory_space<vmem>>, vector<16xf32>,
          %get3A_1363 = arith.index_cast %squeeze3A_1348 : i32 to index
          %get3A_1364 = arith.constant 16 : index
          %get3A_1365 = tpu.vector_load %arg10[%get3A_1363, %get3A_1364] {strides = array<i32>} : memref<633x128xf32, #tpu.memory_space<vmem>>, vector<16xf32>,
          %get3A_1366 = arith.index_cast %add3A_1352 : i32 to index
          %get3A_1367 = arith.constant 16 : index
          %get3A_1368 = tpu.vector_load %arg9[%get3A_1366, %get3A_1367] {strides = array<i32>} : memref<64x128xf32, #tpu.memory_space<vmem>>, vector<16xf32>,
          %max3A_1369 = arith.maximumf %get3A_1365, %get3A_1368 : vector<16xf32>
          %swap3A_1370 = arith.index_cast %squeeze3A_1348 : i32 to index
          %swap3A_1371 = arith.constant 16 : index
          %swap3A_1372 = tpu.vector_load %arg10[%swap3A_1370, %swap3A_1371] {strides = array<i32>} : memref<633x128xf32, #tpu.memory_space<vmem>>, vector<16xf32>,
          tpu.vector_store %arg10[%swap3A_1370, %swap3A_1371], %max3A_1369 {strides = array<i32>} : memref<633x128xf32, #tpu.memory_space<vmem>>, vector<16xf32>,
          %get3A_1373 = arith.index_cast %squeeze3A_1348 : i32 to index
          %get3A_1374 = arith.constant 32 : index
          %get3A_1375 = tpu.vector_load %arg10[%get3A_1373, %get3A_1374] {strides = array<i32>} : memref<633x128xf32, #tpu.memory_space<vmem>>, vector<16xf32>,
          %get3A_1376 = arith.index_cast %add3A_1352 : i32 to index
          %get3A_1377 = arith.constant 32 : index
          %get3A_1378 = tpu.vector_load %arg9[%get3A_1376, %get3A_1377] {strides = array<i32>} : memref<64x128xf32, #tpu.memory_space<vmem>>, vector<16xf32>,
          %max3A_1379 = arith.maximumf %get3A_1375, %get3A_1378 : vector<16xf32>
          %swap3A_1380 = arith.index_cast %squeeze3A_1348 : i32 to index
          %swap3A_1381 = arith.constant 32 : index
          %swap3A_1382 = tpu.vector_load %arg10[%swap3A_1380, %swap3A_1381] {strides = array<i32>} : memref<633x128xf32, #tpu.memory_space<vmem>>, vector<16xf32>,
          tpu.vector_store %arg10[%swap3A_1380, %swap3A_1381], %max3A_1379 {strides = array<i32>} : memref<633x128xf32, #tpu.memory_space<vmem>>, vector<16xf32>,
          %get3A_1383 = arith.index_cast %squeeze3A_1348 : i32 to index
          %get3A_1384 = arith.constant 48 : index
          %get3A_1385 = tpu.vector_load %arg10[%get3A_1383, %get3A_1384] {strides = array<i32>} : memref<633x128xf32, #tpu.memory_space<vmem>>, vector<16xf32>,
          %get3A_1386 = arith.index_cast %add3A_1352 : i32 to index
          %get3A_1387 = arith.constant 48 : index
          %get3A_1388 = tpu.vector_load %arg9[%get3A_1386, %get3A_1387] {strides = array<i32>} : memref<64x128xf32, #tpu.memory_space<vmem>>, vector<16xf32>,
          %max3A_1389 = arith.maximumf %get3A_1385, %get3A_1388 : vector<16xf32>
          %swap3A_1390 = arith.index_cast %squeeze3A_1348 : i32 to index
          %swap3A_1391 = arith.constant 48 : index
          %swap3A_1392 = tpu.vector_load %arg10[%swap3A_1390, %swap3A_1391] {strides = array<i32>} : memref<633x128xf32, #tpu.memory_space<vmem>>, vector<16xf32>,
          tpu.vector_store %arg10[%swap3A_1390, %swap3A_1391], %max3A_1389 {strides = array<i32>} : memref<633x128xf32, #tpu.memory_space<vmem>>, vector<16xf32>,
          %get3A_1393 = arith.index_cast %squeeze3A_1348 : i32 to index
          %get3A_1394 = arith.constant 64 : index
          %get3A_1395 = tpu.vector_load %arg10[%get3A_1393, %get3A_1394] {strides = array<i32>} : memref<633x128xf32, #tpu.memory_space<vmem>>, vector<16xf32>,
          %get3A_1396 = arith.index_cast %add3A_1352 : i32 to index
          %get3A_1397 = arith.constant 64 : index
          %get3A_1398 = tpu.vector_load %arg9[%get3A_1396, %get3A_1397] {strides = array<i32>} : memref<64x128xf32, #tpu.memory_space<vmem>>, vector<16xf32>,
          %max3A_1399 = arith.maximumf %get3A_1395, %get3A_1398 : vector<16xf32>
          %swap3A_1400 = arith.index_cast %squeeze3A_1348 : i32 to index
          %swap3A_1401 = arith.constant 64 : index
          %swap3A_1402 = tpu.vector_load %arg10[%swap3A_1400, %swap3A_1401] {strides = array<i32>} : memref<633x128xf32, #tpu.memory_space<vmem>>, vector<16xf32>,
          tpu.vector_store %arg10[%swap3A_1400, %swap3A_1401], %max3A_1399 {strides = array<i32>} : memref<633x128xf32, #tpu.memory_space<vmem>>, vector<16xf32>,
          %get3A_1403 = arith.index_cast %squeeze3A_1348 : i32 to index
          %get3A_1404 = arith.constant 80 : index
          %get3A_1405 = tpu.vector_load %arg10[%get3A_1403, %get3A_1404] {strides = array<i32>} : memref<633x128xf32, #tpu.memory_space<vmem>>, vector<16xf32>,
          %get3A_1406 = arith.index_cast %add3A_1352 : i32 to index
          %get3A_1407 = arith.constant 80 : index
          %get3A_1408 = tpu.vector_load %arg9[%get3A_1406, %get3A_1407] {strides = array<i32>} : memref<64x128xf32, #tpu.memory_space<vmem>>, vector<16xf32>,
          %max3A_1409 = arith.maximumf %get3A_1405, %get3A_1408 : vector<16xf32>
          %swap3A_1410 = arith.index_cast %squeeze3A_1348 : i32 to index
          %swap3A_1411 = arith.constant 80 : index
          %swap3A_1412 = tpu.vector_load %arg10[%swap3A_1410, %swap3A_1411] {strides = array<i32>} : memref<633x128xf32, #tpu.memory_space<vmem>>, vector<16xf32>,
          tpu.vector_store %arg10[%swap3A_1410, %swap3A_1411], %max3A_1409 {strides = array<i32>} : memref<633x128xf32, #tpu.memory_space<vmem>>, vector<16xf32>,
          %get3A_1413 = arith.index_cast %squeeze3A_1348 : i32 to index
          %get3A_1414 = arith.constant 96 : index
          %get3A_1415 = tpu.vector_load %arg10[%get3A_1413, %get3A_1414] {strides = array<i32>} : memref<633x128xf32, #tpu.memory_space<vmem>>, vector<16xf32>,
          %get3A_1416 = arith.index_cast %add3A_1352 : i32 to index
          %get3A_1417 = arith.constant 96 : index
          %get3A_1418 = tpu.vector_load %arg9[%get3A_1416, %get3A_1417] {strides = array<i32>} : memref<64x128xf32, #tpu.memory_space<vmem>>, vector<16xf32>,
          %max3A_1419 = arith.maximumf %get3A_1415, %get3A_1418 : vector<16xf32>
          %swap3A_1420 = arith.index_cast %squeeze3A_1348 : i32 to index
          %swap3A_1421 = arith.constant 96 : index
          %swap3A_1422 = tpu.vector_load %arg10[%swap3A_1420, %swap3A_1421] {strides = array<i32>} : memref<633x128xf32, #tpu.memory_space<vmem>>, vector<16xf32>,
          tpu.vector_store %arg10[%swap3A_1420, %swap3A_1421], %max3A_1419 {strides = array<i32>} : memref<633x128xf32, #tpu.memory_space<vmem>>, vector<16xf32>,
          %get3A_1423 = arith.index_cast %squeeze3A_1348 : i32 to index
          %get3A_1424 = arith.constant 112 : index
          %get3A_1425 = tpu.vector_load %arg10[%get3A_1423, %get3A_1424] {strides = array<i32>} : memref<633x128xf32, #tpu.memory_space<vmem>>, vector<16xf32>,
          %get3A_1426 = arith.index_cast %add3A_1352 : i32 to index
          %get3A_1427 = arith.constant 112 : index
          %get3A_1428 = tpu.vector_load %arg9[%get3A_1426, %get3A_1427] {strides = array<i32>} : memref<64x128xf32, #tpu.memory_space<vmem>>, vector<16xf32>,
          %max3A_1429 = arith.maximumf %get3A_1425, %get3A_1428 : vector<16xf32>
          %swap3A_1430 = arith.index_cast %squeeze3A_1348 : i32 to index
          %swap3A_1431 = arith.constant 112 : index
          %swap3A_1432 = tpu.vector_load %arg10[%swap3A_1430, %swap3A_1431] {strides = array<i32>} : memref<633x128xf32, #tpu.memory_space<vmem>>, vector<16xf32>,
          tpu.vector_store %arg10[%swap3A_1430, %swap3A_1431], %max3A_1429 {strides = array<i32>} : memref<633x128xf32, #tpu.memory_space<vmem>>, vector<16xf32>,
          %slice3A_1433 = vector.extract_strided_slice %get3A_231 {offsets = [14], sizes = [1], strides = [1]} : vector<16xi32> to vector<1xi32>
          %squeeze3A_1434 = vector.extract %slice3A_1433[0] : i32 from vector<1xi32>
          %mul3A_1435 = arith.constant 16 : i32
          %mul3A_1436 = arith.muli %scan3A_226, %mul3A_1435 : i32
          %add3A_1437 = arith.constant 14 : i32
          %add3A_1438 = arith.addi %mul3A_1436, %add3A_1437 : i32
          %get3A_1439 = arith.index_cast %squeeze3A_1434 : i32 to index
          %get3A_1440 = arith.constant 0 : index
          %get3A_1441 = tpu.vector_load %arg10[%get3A_1439, %get3A_1440] {strides = array<i32>} : memref<633x128xf32, #tpu.memory_space<vmem>>, vector<16xf32>,
          %get3A_1442 = arith.index_cast %add3A_1438 : i32 to index
          %get3A_1443 = arith.constant 0 : index
          %get3A_1444 = tpu.vector_load %arg9[%get3A_1442, %get3A_1443] {strides = array<i32>} : memref<64x128xf32, #tpu.memory_space<vmem>>, vector<16xf32>,
          %max3A_1445 = arith.maximumf %get3A_1441, %get3A_1444 : vector<16xf32>
          %swap3A_1446 = arith.index_cast %squeeze3A_1434 : i32 to index
          %swap3A_1447 = arith.constant 0 : index
          %swap3A_1448 = tpu.vector_load %arg10[%swap3A_1446, %swap3A_1447] {strides = array<i32>} : memref<633x128xf32, #tpu.memory_space<vmem>>, vector<16xf32>,
          tpu.vector_store %arg10[%swap3A_1446, %swap3A_1447], %max3A_1445 {strides = array<i32>} : memref<633x128xf32, #tpu.memory_space<vmem>>, vector<16xf32>,
          %get3A_1449 = arith.index_cast %squeeze3A_1434 : i32 to index
          %get3A_1450 = arith.constant 16 : index
          %get3A_1451 = tpu.vector_load %arg10[%get3A_1449, %get3A_1450] {strides = array<i32>} : memref<633x128xf32, #tpu.memory_space<vmem>>, vector<16xf32>,
          %get3A_1452 = arith.index_cast %add3A_1438 : i32 to index
          %get3A_1453 = arith.constant 16 : index
          %get3A_1454 = tpu.vector_load %arg9[%get3A_1452, %get3A_1453] {strides = array<i32>} : memref<64x128xf32, #tpu.memory_space<vmem>>, vector<16xf32>,
          %max3A_1455 = arith.maximumf %get3A_1451, %get3A_1454 : vector<16xf32>
          %swap3A_1456 = arith.index_cast %squeeze3A_1434 : i32 to index
          %swap3A_1457 = arith.constant 16 : index
          %swap3A_1458 = tpu.vector_load %arg10[%swap3A_1456, %swap3A_1457] {strides = array<i32>} : memref<633x128xf32, #tpu.memory_space<vmem>>, vector<16xf32>,
          tpu.vector_store %arg10[%swap3A_1456, %swap3A_1457], %max3A_1455 {strides = array<i32>} : memref<633x128xf32, #tpu.memory_space<vmem>>, vector<16xf32>,
          %get3A_1459 = arith.index_cast %squeeze3A_1434 : i32 to index
          %get3A_1460 = arith.constant 32 : index
          %get3A_1461 = tpu.vector_load %arg10[%get3A_1459, %get3A_1460] {strides = array<i32>} : memref<633x128xf32, #tpu.memory_space<vmem>>, vector<16xf32>,
          %get3A_1462 = arith.index_cast %add3A_1438 : i32 to index
          %get3A_1463 = arith.constant 32 : index
          %get3A_1464 = tpu.vector_load %arg9[%get3A_1462, %get3A_1463] {strides = array<i32>} : memref<64x128xf32, #tpu.memory_space<vmem>>, vector<16xf32>,
          %max3A_1465 = arith.maximumf %get3A_1461, %get3A_1464 : vector<16xf32>
          %swap3A_1466 = arith.index_cast %squeeze3A_1434 : i32 to index
          %swap3A_1467 = arith.constant 32 : index
          %swap3A_1468 = tpu.vector_load %arg10[%swap3A_1466, %swap3A_1467] {strides = array<i32>} : memref<633x128xf32, #tpu.memory_space<vmem>>, vector<16xf32>,
          tpu.vector_store %arg10[%swap3A_1466, %swap3A_1467], %max3A_1465 {strides = array<i32>} : memref<633x128xf32, #tpu.memory_space<vmem>>, vector<16xf32>,
          %get3A_1469 = arith.index_cast %squeeze3A_1434 : i32 to index
          %get3A_1470 = arith.constant 48 : index
          %get3A_1471 = tpu.vector_load %arg10[%get3A_1469, %get3A_1470] {strides = array<i32>} : memref<633x128xf32, #tpu.memory_space<vmem>>, vector<16xf32>,
          %get3A_1472 = arith.index_cast %add3A_1438 : i32 to index
          %get3A_1473 = arith.constant 48 : index
          %get3A_1474 = tpu.vector_load %arg9[%get3A_1472, %get3A_1473] {strides = array<i32>} : memref<64x128xf32, #tpu.memory_space<vmem>>, vector<16xf32>,
          %max3A_1475 = arith.maximumf %get3A_1471, %get3A_1474 : vector<16xf32>
          %swap3A_1476 = arith.index_cast %squeeze3A_1434 : i32 to index
          %swap3A_1477 = arith.constant 48 : index
          %swap3A_1478 = tpu.vector_load %arg10[%swap3A_1476, %swap3A_1477] {strides = array<i32>} : memref<633x128xf32, #tpu.memory_space<vmem>>, vector<16xf32>,
          tpu.vector_store %arg10[%swap3A_1476, %swap3A_1477], %max3A_1475 {strides = array<i32>} : memref<633x128xf32, #tpu.memory_space<vmem>>, vector<16xf32>,
          %get3A_1479 = arith.index_cast %squeeze3A_1434 : i32 to index
          %get3A_1480 = arith.constant 64 : index
          %get3A_1481 = tpu.vector_load %arg10[%get3A_1479, %get3A_1480] {strides = array<i32>} : memref<633x128xf32, #tpu.memory_space<vmem>>, vector<16xf32>,
          %get3A_1482 = arith.index_cast %add3A_1438 : i32 to index
          %get3A_1483 = arith.constant 64 : index
          %get3A_1484 = tpu.vector_load %arg9[%get3A_1482, %get3A_1483] {strides = array<i32>} : memref<64x128xf32, #tpu.memory_space<vmem>>, vector<16xf32>,
          %max3A_1485 = arith.maximumf %get3A_1481, %get3A_1484 : vector<16xf32>
          %swap3A_1486 = arith.index_cast %squeeze3A_1434 : i32 to index
          %swap3A_1487 = arith.constant 64 : index
          %swap3A_1488 = tpu.vector_load %arg10[%swap3A_1486, %swap3A_1487] {strides = array<i32>} : memref<633x128xf32, #tpu.memory_space<vmem>>, vector<16xf32>,
          tpu.vector_store %arg10[%swap3A_1486, %swap3A_1487], %max3A_1485 {strides = array<i32>} : memref<633x128xf32, #tpu.memory_space<vmem>>, vector<16xf32>,
          %get3A_1489 = arith.index_cast %squeeze3A_1434 : i32 to index
          %get3A_1490 = arith.constant 80 : index
          %get3A_1491 = tpu.vector_load %arg10[%get3A_1489, %get3A_1490] {strides = array<i32>} : memref<633x128xf32, #tpu.memory_space<vmem>>, vector<16xf32>,
          %get3A_1492 = arith.index_cast %add3A_1438 : i32 to index
          %get3A_1493 = arith.constant 80 : index
          %get3A_1494 = tpu.vector_load %arg9[%get3A_1492, %get3A_1493] {strides = array<i32>} : memref<64x128xf32, #tpu.memory_space<vmem>>, vector<16xf32>,
          %max3A_1495 = arith.maximumf %get3A_1491, %get3A_1494 : vector<16xf32>
          %swap3A_1496 = arith.index_cast %squeeze3A_1434 : i32 to index
          %swap3A_1497 = arith.constant 80 : index
          %swap3A_1498 = tpu.vector_load %arg10[%swap3A_1496, %swap3A_1497] {strides = array<i32>} : memref<633x128xf32, #tpu.memory_space<vmem>>, vector<16xf32>,
          tpu.vector_store %arg10[%swap3A_1496, %swap3A_1497], %max3A_1495 {strides = array<i32>} : memref<633x128xf32, #tpu.memory_space<vmem>>, vector<16xf32>,
          %get3A_1499 = arith.index_cast %squeeze3A_1434 : i32 to index
          %get3A_1500 = arith.constant 96 : index
          %get3A_1501 = tpu.vector_load %arg10[%get3A_1499, %get3A_1500] {strides = array<i32>} : memref<633x128xf32, #tpu.memory_space<vmem>>, vector<16xf32>,
          %get3A_1502 = arith.index_cast %add3A_1438 : i32 to index
          %get3A_1503 = arith.constant 96 : index
          %get3A_1504 = tpu.vector_load %arg9[%get3A_1502, %get3A_1503] {strides = array<i32>} : memref<64x128xf32, #tpu.memory_space<vmem>>, vector<16xf32>,
          %max3A_1505 = arith.maximumf %get3A_1501, %get3A_1504 : vector<16xf32>
          %swap3A_1506 = arith.index_cast %squeeze3A_1434 : i32 to index
          %swap3A_1507 = arith.constant 96 : index
          %swap3A_1508 = tpu.vector_load %arg10[%swap3A_1506, %swap3A_1507] {strides = array<i32>} : memref<633x128xf32, #tpu.memory_space<vmem>>, vector<16xf32>,
          tpu.vector_store %arg10[%swap3A_1506, %swap3A_1507], %max3A_1505 {strides = array<i32>} : memref<633x128xf32, #tpu.memory_space<vmem>>, vector<16xf32>,
          %get3A_1509 = arith.index_cast %squeeze3A_1434 : i32 to index
          %get3A_1510 = arith.constant 112 : index
          %get3A_1511 = tpu.vector_load %arg10[%get3A_1509, %get3A_1510] {strides = array<i32>} : memref<633x128xf32, #tpu.memory_space<vmem>>, vector<16xf32>,
          %get3A_1512 = arith.index_cast %add3A_1438 : i32 to index
          %get3A_1513 = arith.constant 112 : index
          %get3A_1514 = tpu.vector_load %arg9[%get3A_1512, %get3A_1513] {strides = array<i32>} : memref<64x128xf32, #tpu.memory_space<vmem>>, vector<16xf32>,
          %max3A_1515 = arith.maximumf %get3A_1511, %get3A_1514 : vector<16xf32>
          %swap3A_1516 = arith.index_cast %squeeze3A_1434 : i32 to index
          %swap3A_1517 = arith.constant 112 : index
          %swap3A_1518 = tpu.vector_load %arg10[%swap3A_1516, %swap3A_1517] {strides = array<i32>} : memref<633x128xf32, #tpu.memory_space<vmem>>, vector<16xf32>,
          tpu.vector_store %arg10[%swap3A_1516, %swap3A_1517], %max3A_1515 {strides = array<i32>} : memref<633x128xf32, #tpu.memory_space<vmem>>, vector<16xf32>,
          %slice3A_1519 = vector.extract_strided_slice %get3A_231 {offsets = [15], sizes = [1], strides = [1]} : vector<16xi32> to vector<1xi32>
          %squeeze3A_1520 = vector.extract %slice3A_1519[0] : i32 from vector<1xi32>
          %mul3A_1521 = arith.constant 16 : i32
          %mul3A_1522 = arith.muli %scan3A_226, %mul3A_1521 : i32
          %add3A_1523 = arith.constant 15 : i32
          %add3A_1524 = arith.addi %mul3A_1522, %add3A_1523 : i32
          %get3A_1525 = arith.index_cast %squeeze3A_1520 : i32 to index
          %get3A_1526 = arith.constant 0 : index
          %get3A_1527 = tpu.vector_load %arg10[%get3A_1525, %get3A_1526] {strides = array<i32>} : memref<633x128xf32, #tpu.memory_space<vmem>>, vector<16xf32>,
          %get3A_1528 = arith.index_cast %add3A_1524 : i32 to index
          %get3A_1529 = arith.constant 0 : index
          %get3A_1530 = tpu.vector_load %arg9[%get3A_1528, %get3A_1529] {strides = array<i32>} : memref<64x128xf32, #tpu.memory_space<vmem>>, vector<16xf32>,
          %max3A_1531 = arith.maximumf %get3A_1527, %get3A_1530 : vector<16xf32>
          %swap3A_1532 = arith.index_cast %squeeze3A_1520 : i32 to index
          %swap3A_1533 = arith.constant 0 : index
          %swap3A_1534 = tpu.vector_load %arg10[%swap3A_1532, %swap3A_1533] {strides = array<i32>} : memref<633x128xf32, #tpu.memory_space<vmem>>, vector<16xf32>,
          tpu.vector_store %arg10[%swap3A_1532, %swap3A_1533], %max3A_1531 {strides = array<i32>} : memref<633x128xf32, #tpu.memory_space<vmem>>, vector<16xf32>,
          %get3A_1535 = arith.index_cast %squeeze3A_1520 : i32 to index
          %get3A_1536 = arith.constant 16 : index
          %get3A_1537 = tpu.vector_load %arg10[%get3A_1535, %get3A_1536] {strides = array<i32>} : memref<633x128xf32, #tpu.memory_space<vmem>>, vector<16xf32>,
          %get3A_1538 = arith.index_cast %add3A_1524 : i32 to index
          %get3A_1539 = arith.constant 16 : index
          %get3A_1540 = tpu.vector_load %arg9[%get3A_1538, %get3A_1539] {strides = array<i32>} : memref<64x128xf32, #tpu.memory_space<vmem>>, vector<16xf32>,
          %max3A_1541 = arith.maximumf %get3A_1537, %get3A_1540 : vector<16xf32>
          %swap3A_1542 = arith.index_cast %squeeze3A_1520 : i32 to index
          %swap3A_1543 = arith.constant 16 : index
          %swap3A_1544 = tpu.vector_load %arg10[%swap3A_1542, %swap3A_1543] {strides = array<i32>} : memref<633x128xf32, #tpu.memory_space<vmem>>, vector<16xf32>,
          tpu.vector_store %arg10[%swap3A_1542, %swap3A_1543], %max3A_1541 {strides = array<i32>} : memref<633x128xf32, #tpu.memory_space<vmem>>, vector<16xf32>,
          %get3A_1545 = arith.index_cast %squeeze3A_1520 : i32 to index
          %get3A_1546 = arith.constant 32 : index
          %get3A_1547 = tpu.vector_load %arg10[%get3A_1545, %get3A_1546] {strides = array<i32>} : memref<633x128xf32, #tpu.memory_space<vmem>>, vector<16xf32>,
          %get3A_1548 = arith.index_cast %add3A_1524 : i32 to index
          %get3A_1549 = arith.constant 32 : index
          %get3A_1550 = tpu.vector_load %arg9[%get3A_1548, %get3A_1549] {strides = array<i32>} : memref<64x128xf32, #tpu.memory_space<vmem>>, vector<16xf32>,
          %max3A_1551 = arith.maximumf %get3A_1547, %get3A_1550 : vector<16xf32>
          %swap3A_1552 = arith.index_cast %squeeze3A_1520 : i32 to index
          %swap3A_1553 = arith.constant 32 : index
          %swap3A_1554 = tpu.vector_load %arg10[%swap3A_1552, %swap3A_1553] {strides = array<i32>} : memref<633x128xf32, #tpu.memory_space<vmem>>, vector<16xf32>,
          tpu.vector_store %arg10[%swap3A_1552, %swap3A_1553], %max3A_1551 {strides = array<i32>} : memref<633x128xf32, #tpu.memory_space<vmem>>, vector<16xf32>,
          %get3A_1555 = arith.index_cast %squeeze3A_1520 : i32 to index
          %get3A_1556 = arith.constant 48 : index
          %get3A_1557 = tpu.vector_load %arg10[%get3A_1555, %get3A_1556] {strides = array<i32>} : memref<633x128xf32, #tpu.memory_space<vmem>>, vector<16xf32>,
          %get3A_1558 = arith.index_cast %add3A_1524 : i32 to index
          %get3A_1559 = arith.constant 48 : index
          %get3A_1560 = tpu.vector_load %arg9[%get3A_1558, %get3A_1559] {strides = array<i32>} : memref<64x128xf32, #tpu.memory_space<vmem>>, vector<16xf32>,
          %max3A_1561 = arith.maximumf %get3A_1557, %get3A_1560 : vector<16xf32>
          %swap3A_1562 = arith.index_cast %squeeze3A_1520 : i32 to index
          %swap3A_1563 = arith.constant 48 : index
          %swap3A_1564 = tpu.vector_load %arg10[%swap3A_1562, %swap3A_1563] {strides = array<i32>} : memref<633x128xf32, #tpu.memory_space<vmem>>, vector<16xf32>,
          tpu.vector_store %arg10[%swap3A_1562, %swap3A_1563], %max3A_1561 {strides = array<i32>} : memref<633x128xf32, #tpu.memory_space<vmem>>, vector<16xf32>,
          %get3A_1565 = arith.index_cast %squeeze3A_1520 : i32 to index
          %get3A_1566 = arith.constant 64 : index
          %get3A_1567 = tpu.vector_load %arg10[%get3A_1565, %get3A_1566] {strides = array<i32>} : memref<633x128xf32, #tpu.memory_space<vmem>>, vector<16xf32>,
          %get3A_1568 = arith.index_cast %add3A_1524 : i32 to index
          %get3A_1569 = arith.constant 64 : index
          %get3A_1570 = tpu.vector_load %arg9[%get3A_1568, %get3A_1569] {strides = array<i32>} : memref<64x128xf32, #tpu.memory_space<vmem>>, vector<16xf32>,
          %max3A_1571 = arith.maximumf %get3A_1567, %get3A_1570 : vector<16xf32>
          %swap3A_1572 = arith.index_cast %squeeze3A_1520 : i32 to index
          %swap3A_1573 = arith.constant 64 : index
          %swap3A_1574 = tpu.vector_load %arg10[%swap3A_1572, %swap3A_1573] {strides = array<i32>} : memref<633x128xf32, #tpu.memory_space<vmem>>, vector<16xf32>,
          tpu.vector_store %arg10[%swap3A_1572, %swap3A_1573], %max3A_1571 {strides = array<i32>} : memref<633x128xf32, #tpu.memory_space<vmem>>, vector<16xf32>,
          %get3A_1575 = arith.index_cast %squeeze3A_1520 : i32 to index
          %get3A_1576 = arith.constant 80 : index
          %get3A_1577 = tpu.vector_load %arg10[%get3A_1575, %get3A_1576] {strides = array<i32>} : memref<633x128xf32, #tpu.memory_space<vmem>>, vector<16xf32>,
          %get3A_1578 = arith.index_cast %add3A_1524 : i32 to index
          %get3A_1579 = arith.constant 80 : index
          %get3A_1580 = tpu.vector_load %arg9[%get3A_1578, %get3A_1579] {strides = array<i32>} : memref<64x128xf32, #tpu.memory_space<vmem>>, vector<16xf32>,
          %max3A_1581 = arith.maximumf %get3A_1577, %get3A_1580 : vector<16xf32>
          %swap3A_1582 = arith.index_cast %squeeze3A_1520 : i32 to index
          %swap3A_1583 = arith.constant 80 : index
          %swap3A_1584 = tpu.vector_load %arg10[%swap3A_1582, %swap3A_1583] {strides = array<i32>} : memref<633x128xf32, #tpu.memory_space<vmem>>, vector<16xf32>,
          tpu.vector_store %arg10[%swap3A_1582, %swap3A_1583], %max3A_1581 {strides = array<i32>} : memref<633x128xf32, #tpu.memory_space<vmem>>, vector<16xf32>,
          %get3A_1585 = arith.index_cast %squeeze3A_1520 : i32 to index
          %get3A_1586 = arith.constant 96 : index
          %get3A_1587 = tpu.vector_load %arg10[%get3A_1585, %get3A_1586] {strides = array<i32>} : memref<633x128xf32, #tpu.memory_space<vmem>>, vector<16xf32>,
          %get3A_1588 = arith.index_cast %add3A_1524 : i32 to index
          %get3A_1589 = arith.constant 96 : index
          %get3A_1590 = tpu.vector_load %arg9[%get3A_1588, %get3A_1589] {strides = array<i32>} : memref<64x128xf32, #tpu.memory_space<vmem>>, vector<16xf32>,
          %max3A_1591 = arith.maximumf %get3A_1587, %get3A_1590 : vector<16xf32>
          %swap3A_1592 = arith.index_cast %squeeze3A_1520 : i32 to index
          %swap3A_1593 = arith.constant 96 : index
          %swap3A_1594 = tpu.vector_load %arg10[%swap3A_1592, %swap3A_1593] {strides = array<i32>} : memref<633x128xf32, #tpu.memory_space<vmem>>, vector<16xf32>,
          tpu.vector_store %arg10[%swap3A_1592, %swap3A_1593], %max3A_1591 {strides = array<i32>} : memref<633x128xf32, #tpu.memory_space<vmem>>, vector<16xf32>,
          %get3A_1595 = arith.index_cast %squeeze3A_1520 : i32 to index
          %get3A_1596 = arith.constant 112 : index
          %get3A_1597 = tpu.vector_load %arg10[%get3A_1595, %get3A_1596] {strides = array<i32>} : memref<633x128xf32, #tpu.memory_space<vmem>>, vector<16xf32>,
          %get3A_1598 = arith.index_cast %add3A_1524 : i32 to index
          %get3A_1599 = arith.constant 112 : index
          %get3A_1600 = tpu.vector_load %arg9[%get3A_1598, %get3A_1599] {strides = array<i32>} : memref<64x128xf32, #tpu.memory_space<vmem>>, vector<16xf32>,
          %max3A_1601 = arith.maximumf %get3A_1597, %get3A_1600 : vector<16xf32>
          %swap3A_1602 = arith.index_cast %squeeze3A_1520 : i32 to index
          %swap3A_1603 = arith.constant 112 : index
          %swap3A_1604 = tpu.vector_load %arg10[%swap3A_1602, %swap3A_1603] {strides = array<i32>} : memref<633x128xf32, #tpu.memory_space<vmem>>, vector<16xf32>,
          tpu.vector_store %arg10[%swap3A_1602, %swap3A_1603], %max3A_1601 {strides = array<i32>} : memref<633x128xf32, #tpu.memory_space<vmem>>, vector<16xf32>,
          %scan3A_1605 = arith.constant 0 : i32
          scf.yield %scan3A_1605 : i32
        }
        %scan3A_224 = arith.constant 4 : i32
        %while3A_225 = arith.constant 0 : i32
        scf.yield %while3A_225 : i32
      }
      %while3A_64 = arith.constant 1 : i32
      %while3A_65 = scf.for %while3A_67 = %while3A_61 to %while3A_57 step %while3A_64 iter_args(%while3A_68 = %while3A_63) -> (i32)  : i32 {
        %mul3A_69 = arith.constant 64 : i32
        %mul3A_70 = arith.muli %while3A_67, %mul3A_69 : i32
        %add3A_71 = arith.constant 0 : i32
        %add3A_72 = arith.addi %mul3A_70, %add3A_71 : i32
        %get3A = arith.index_cast %add3A_72 : i32 to index
        %get3A_73 = tpu.vector_load %arg6[%get3A] {strides = array<i32>} : memref<8128xi32, #tpu.memory_space<vmem>>, vector<16xi32>,
        %and3A = arith.constant 65535 : i32
        %and3A_74 = vector.broadcast %and3A : i32 to vector<16xi32>
        %and3A_75 = arith.andi %get3A_73, %and3A_74 : vector<16xi32>
        %swap3A_76 = arith.constant 0 : i32
        %swap3A_77 = arith.index_cast %swap3A_76 : i32 to index
        %swap3A_78 = arith.constant 0 : index
        %swap3A_79 = tpu.vector_load %arg7[%swap3A_77, %swap3A_78] {strides = array<i32>} : memref<4x16xi32, #tpu.memory_space<vmem>>, vector<16xi32>,
        tpu.vector_store %arg7[%swap3A_77, %swap3A_78], %and3A_75 {strides = array<i32>} : memref<4x16xi32, #tpu.memory_space<vmem>>, vector<16xi32>,
        %shift_right_arithmetic3A_80 = arith.constant 16 : i32
        %shift_right_arithmetic3A_81 = vector.broadcast %shift_right_arithmetic3A_80 : i32 to vector<16xi32>
        %shift_right_arithmetic3A_82 = arith.shrsi %get3A_73, %shift_right_arithmetic3A_81 : vector<16xi32>
        %sub3A = vector.broadcast %mul3A_2 : i32 to vector<16xi32>
        %sub3A_83 = arith.subi %shift_right_arithmetic3A_82, %sub3A : vector<16xi32>
        %swap3A_84 = arith.constant 0 : index
        %swap3A_85 = tpu.vector_load %arg8[%swap3A_84] {strides = array<i32>} : memref<64xi32, #tpu.memory_space<vmem>>, vector<16xi32>,
        tpu.vector_store %arg8[%swap3A_84], %sub3A_83 {strides = array<i32>} : memref<64xi32, #tpu.memory_space<vmem>>, vector<16xi32>,
        %add3A_86 = arith.constant 16 : i32
        %add3A_87 = arith.addi %mul3A_70, %add3A_86 : i32
        %get3A_88 = arith.index_cast %add3A_87 : i32 to index
        %get3A_89 = tpu.vector_load %arg6[%get3A_88] {strides = array<i32>} : memref<8128xi32, #tpu.memory_space<vmem>>, vector<16xi32>,
        %and3A_90 = arith.constant 65535 : i32
        %and3A_91 = vector.broadcast %and3A_90 : i32 to vector<16xi32>
        %and3A_92 = arith.andi %get3A_89, %and3A_91 : vector<16xi32>
        %swap3A_93 = arith.constant 1 : i32
        %swap3A_94 = arith.index_cast %swap3A_93 : i32 to index
        %swap3A_95 = arith.constant 0 : index
        %swap3A_96 = tpu.vector_load %arg7[%swap3A_94, %swap3A_95] {strides = array<i32>} : memref<4x16xi32, #tpu.memory_space<vmem>>, vector<16xi32>,
        tpu.vector_store %arg7[%swap3A_94, %swap3A_95], %and3A_92 {strides = array<i32>} : memref<4x16xi32, #tpu.memory_space<vmem>>, vector<16xi32>,
        %shift_right_arithmetic3A_97 = arith.constant 16 : i32
        %shift_right_arithmetic3A_98 = vector.broadcast %shift_right_arithmetic3A_97 : i32 to vector<16xi32>
        %shift_right_arithmetic3A_99 = arith.shrsi %get3A_89, %shift_right_arithmetic3A_98 : vector<16xi32>
        %sub3A_100 = vector.broadcast %mul3A_2 : i32 to vector<16xi32>
        %sub3A_101 = arith.subi %shift_right_arithmetic3A_99, %sub3A_100 : vector<16xi32>
        %swap3A_102 = arith.constant 16 : index
        %swap3A_103 = tpu.vector_load %arg8[%swap3A_102] {strides = array<i32>} : memref<64xi32, #tpu.memory_space<vmem>>, vector<16xi32>,
        tpu.vector_store %arg8[%swap3A_102], %sub3A_101 {strides = array<i32>} : memref<64xi32, #tpu.memory_space<vmem>>, vector<16xi32>,
        %add3A_104 = arith.constant 32 : i32
        %add3A_105 = arith.addi %mul3A_70, %add3A_104 : i32
        %get3A_106 = arith.index_cast %add3A_105 : i32 to index
        %get3A_107 = tpu.vector_load %arg6[%get3A_106] {strides = array<i32>} : memref<8128xi32, #tpu.memory_space<vmem>>, vector<16xi32>,
        %and3A_108 = arith.constant 65535 : i32
        %and3A_109 = vector.broadcast %and3A_108 : i32 to vector<16xi32>
        %and3A_110 = arith.andi %get3A_107, %and3A_109 : vector<16xi32>
        %swap3A_111 = arith.constant 2 : i32
        %swap3A_112 = arith.index_cast %swap3A_111 : i32 to index
        %swap3A_113 = arith.constant 0 : index
        %swap3A_114 = tpu.vector_load %arg7[%swap3A_112, %swap3A_113] {strides = array<i32>} : memref<4x16xi32, #tpu.memory_space<vmem>>, vector<16xi32>,
        tpu.vector_store %arg7[%swap3A_112, %swap3A_113], %and3A_110 {strides = array<i32>} : memref<4x16xi32, #tpu.memory_space<vmem>>, vector<16xi32>,
        %shift_right_arithmetic3A_115 = arith.constant 16 : i32
        %shift_right_arithmetic3A_116 = vector.broadcast %shift_right_arithmetic3A_115 : i32 to vector<16xi32>
        %shift_right_arithmetic3A_117 = arith.shrsi %get3A_107, %shift_right_arithmetic3A_116 : vector<16xi32>
        %sub3A_118 = vector.broadcast %mul3A_2 : i32 to vector<16xi32>
        %sub3A_119 = arith.subi %shift_right_arithmetic3A_117, %sub3A_118 : vector<16xi32>
        %swap3A_120 = arith.constant 32 : index
        %swap3A_121 = tpu.vector_load %arg8[%swap3A_120] {strides = array<i32>} : memref<64xi32, #tpu.memory_space<vmem>>, vector<16xi32>,
        tpu.vector_store %arg8[%swap3A_120], %sub3A_119 {strides = array<i32>} : memref<64xi32, #tpu.memory_space<vmem>>, vector<16xi32>,
        %add3A_122 = arith.constant 48 : i32
        %add3A_123 = arith.addi %mul3A_70, %add3A_122 : i32
        %get3A_124 = arith.index_cast %add3A_123 : i32 to index
        %get3A_125 = tpu.vector_load %arg6[%get3A_124] {strides = array<i32>} : memref<8128xi32, #tpu.memory_space<vmem>>, vector<16xi32>,
        %and3A_126 = arith.constant 65535 : i32
        %and3A_127 = vector.broadcast %and3A_126 : i32 to vector<16xi32>
        %and3A_128 = arith.andi %get3A_125, %and3A_127 : vector<16xi32>
        %swap3A_129 = arith.constant 3 : i32
        %swap3A_130 = arith.index_cast %swap3A_129 : i32 to index
        %swap3A_131 = arith.constant 0 : index
        %swap3A_132 = tpu.vector_load %arg7[%swap3A_130, %swap3A_131] {strides = array<i32>} : memref<4x16xi32, #tpu.memory_space<vmem>>, vector<16xi32>,
        tpu.vector_store %arg7[%swap3A_130, %swap3A_131], %and3A_128 {strides = array<i32>} : memref<4x16xi32, #tpu.memory_space<vmem>>, vector<16xi32>,
        %shift_right_arithmetic3A_133 = arith.constant 16 : i32
        %shift_right_arithmetic3A_134 = vector.broadcast %shift_right_arithmetic3A_133 : i32 to vector<16xi32>
        %shift_right_arithmetic3A_135 = arith.shrsi %get3A_125, %shift_right_arithmetic3A_134 : vector<16xi32>
        %sub3A_136 = vector.broadcast %mul3A_2 : i32 to vector<16xi32>
        %sub3A_137 = arith.subi %shift_right_arithmetic3A_135, %sub3A_136 : vector<16xi32>
        %swap3A_138 = arith.constant 48 : index
        %swap3A_139 = tpu.vector_load %arg8[%swap3A_138] {strides = array<i32>} : memref<64xi32, #tpu.memory_space<vmem>>, vector<16xi32>,
        tpu.vector_store %arg8[%swap3A_138], %sub3A_137 {strides = array<i32>} : memref<64xi32, #tpu.memory_space<vmem>>, vector<16xi32>,
        %dma_start3A = arith.constant 0 : i32
        %dma_start3A_140 = arith.constant 0 : i32
        %dma_start3A_141 = arith.constant 0 : i32
        %dma_start3A_142 = tpu.memref_slice %arg9[%dma_start3A_140, %dma_start3A_141] : memref<64x128xf32, #tpu.memory_space<vmem>> -> memref<16x128xf32, #tpu.memory_space<vmem>>
        %dma_start3A_143 = arith.constant 0 : i32
        %dma_start3A_144 = tpu.memref_slice %arg7[%dma_start3A, %dma_start3A_143] : memref<4x16xi32, #tpu.memory_space<vmem>> -> memref<1x16xi32, #tpu.memory_space<vmem>>
        %dma_start3A_145 = tpu.memref_squeeze %dma_start3A_144 : memref<1x16xi32, #tpu.memory_space<vmem>> -> memref<16xi32, #tpu.memory_space<vmem>>
        %dma_start3A_146 = arith.constant 0 : i32
        %dma_start3A_147 = arith.constant 0 : i32
        %dma_start3A_148 = tpu.memref_slice %arg3[%dma_start3A_146, %dma_start3A_147] : memref<20000x128xf32, #tpu.memory_space<hbm>> -> memref<20000x128xf32, #tpu.memory_space<hbm>>
        tpu.enqueue_indirect_dma source(%dma_start3A_148 : memref<20000x128xf32, #tpu.memory_space<hbm>>) target(%dma_start3A_142 : memref<16x128xf32, #tpu.memory_space<vmem>>) offsets(%dma_start3A_145 : memref<16xi32, #tpu.memory_space<vmem>>) semaphore(%arg11 : memref<!tpu.dma_semaphore, #tpu.memory_space<semaphore_mem>>)
        %dma_start3A_149 = arith.constant 1 : i32
        %dma_start3A_150 = arith.constant 16 : i32
        %dma_start3A_151 = arith.constant 0 : i32
        %dma_start3A_152 = tpu.memref_slice %arg9[%dma_start3A_150, %dma_start3A_151] : memref<64x128xf32, #tpu.memory_space<vmem>> -> memref<16x128xf32, #tpu.memory_space<vmem>>
        %dma_start3A_153 = arith.constant 0 : i32
        %dma_start3A_154 = tpu.memref_slice %arg7[%dma_start3A_149, %dma_start3A_153] : memref<4x16xi32, #tpu.memory_space<vmem>> -> memref<1x16xi32, #tpu.memory_space<vmem>>
        %dma_start3A_155 = tpu.memref_squeeze %dma_start3A_154 : memref<1x16xi32, #tpu.memory_space<vmem>> -> memref<16xi32, #tpu.memory_space<vmem>>
        %dma_start3A_156 = arith.constant 0 : i32
        %dma_start3A_157 = arith.constant 0 : i32
        %dma_start3A_158 = tpu.memref_slice %arg3[%dma_start3A_156, %dma_start3A_157] : memref<20000x128xf32, #tpu.memory_space<hbm>> -> memref<20000x128xf32, #tpu.memory_space<hbm>>
        tpu.enqueue_indirect_dma source(%dma_start3A_158 : memref<20000x128xf32, #tpu.memory_space<hbm>>) target(%dma_start3A_152 : memref<16x128xf32, #tpu.memory_space<vmem>>) offsets(%dma_start3A_155 : memref<16xi32, #tpu.memory_space<vmem>>) semaphore(%arg12 : memref<!tpu.dma_semaphore, #tpu.memory_space<semaphore_mem>>)
        %dma_start3A_159 = arith.constant 2 : i32
        %dma_start3A_160 = arith.constant 32 : i32
        %dma_start3A_161 = arith.constant 0 : i32
        %dma_start3A_162 = tpu.memref_slice %arg9[%dma_start3A_160, %dma_start3A_161] : memref<64x128xf32, #tpu.memory_space<vmem>> -> memref<16x128xf32, #tpu.memory_space<vmem>>
        %dma_start3A_163 = arith.constant 0 : i32
        %dma_start3A_164 = tpu.memref_slice %arg7[%dma_start3A_159, %dma_start3A_163] : memref<4x16xi32, #tpu.memory_space<vmem>> -> memref<1x16xi32, #tpu.memory_space<vmem>>
        %dma_start3A_165 = tpu.memref_squeeze %dma_start3A_164 : memref<1x16xi32, #tpu.memory_space<vmem>> -> memref<16xi32, #tpu.memory_space<vmem>>
        %dma_start3A_166 = arith.constant 0 : i32
        %dma_start3A_167 = arith.constant 0 : i32
        %dma_start3A_168 = tpu.memref_slice %arg3[%dma_start3A_166, %dma_start3A_167] : memref<20000x128xf32, #tpu.memory_space<hbm>> -> memref<20000x128xf32, #tpu.memory_space<hbm>>
        tpu.enqueue_indirect_dma source(%dma_start3A_168 : memref<20000x128xf32, #tpu.memory_space<hbm>>) target(%dma_start3A_162 : memref<16x128xf32, #tpu.memory_space<vmem>>) offsets(%dma_start3A_165 : memref<16xi32, #tpu.memory_space<vmem>>) semaphore(%arg13 : memref<!tpu.dma_semaphore, #tpu.memory_space<semaphore_mem>>)
        %dma_start3A_169 = arith.constant 3 : i32
        %dma_start3A_170 = arith.constant 48 : i32
        %dma_start3A_171 = arith.constant 0 : i32
        %dma_start3A_172 = tpu.memref_slice %arg9[%dma_start3A_170, %dma_start3A_171] : memref<64x128xf32, #tpu.memory_space<vmem>> -> memref<16x128xf32, #tpu.memory_space<vmem>>
        %dma_start3A_173 = arith.constant 0 : i32
        %dma_start3A_174 = tpu.memref_slice %arg7[%dma_start3A_169, %dma_start3A_173] : memref<4x16xi32, #tpu.memory_space<vmem>> -> memref<1x16xi32, #tpu.memory_space<vmem>>
        %dma_start3A_175 = tpu.memref_squeeze %dma_start3A_174 : memref<1x16xi32, #tpu.memory_space<vmem>> -> memref<16xi32, #tpu.memory_space<vmem>>
        %dma_start3A_176 = arith.constant 0 : i32
        %dma_start3A_177 = arith.constant 0 : i32
        %dma_start3A_178 = tpu.memref_slice %arg3[%dma_start3A_176, %dma_start3A_177] : memref<20000x128xf32, #tpu.memory_space<hbm>> -> memref<20000x128xf32, #tpu.memory_space<hbm>>
        tpu.enqueue_indirect_dma source(%dma_start3A_178 : memref<20000x128xf32, #tpu.memory_space<hbm>>) target(%dma_start3A_172 : memref<16x128xf32, #tpu.memory_space<vmem>>) offsets(%dma_start3A_175 : memref<16xi32, #tpu.memory_space<vmem>>) semaphore(%arg14 : memref<!tpu.dma_semaphore, #tpu.memory_space<semaphore_mem>>)
        %dma_wait3A = arith.constant 0 : i32
        %dma_wait3A_179 = arith.constant 0 : i32
        %dma_wait3A_180 = arith.constant 0 : i32
        %dma_wait3A_181 = tpu.memref_slice %arg9[%dma_wait3A_179, %dma_wait3A_180] : memref<64x128xf32, #tpu.memory_space<vmem>> -> memref<16x128xf32, #tpu.memory_space<vmem>>
        %dma_wait3A_182 = arith.constant 0 : i32
        %dma_wait3A_183 = tpu.memref_slice %arg7[%dma_wait3A, %dma_wait3A_182] : memref<4x16xi32, #tpu.memory_space<vmem>> -> memref<1x16xi32, #tpu.memory_space<vmem>>
        %dma_wait3A_184 = tpu.memref_squeeze %dma_wait3A_183 : memref<1x16xi32, #tpu.memory_space<vmem>> -> memref<16xi32, #tpu.memory_space<vmem>>
        %dma_wait3A_185 = arith.constant 0 : i32
        %dma_wait3A_186 = arith.constant 0 : i32
        %dma_wait3A_187 = tpu.memref_slice %arg3[%dma_wait3A_185, %dma_wait3A_186] : memref<20000x128xf32, #tpu.memory_space<hbm>> -> memref<20000x128xf32, #tpu.memory_space<hbm>>
        tpu.wait_indirect_dma semaphore(%arg11 : memref<!tpu.dma_semaphore, #tpu.memory_space<semaphore_mem>>) src(%dma_wait3A_187 : memref<20000x128xf32, #tpu.memory_space<hbm>>) dst(%dma_wait3A_181 : memref<16x128xf32, #tpu.memory_space<vmem>>)
        %dma_wait3A_188 = arith.constant 1 : i32
        %dma_wait3A_189 = arith.constant 16 : i32
        %dma_wait3A_190 = arith.constant 0 : i32
        %dma_wait3A_191 = tpu.memref_slice %arg9[%dma_wait3A_189, %dma_wait3A_190] : memref<64x128xf32, #tpu.memory_space<vmem>> -> memref<16x128xf32, #tpu.memory_space<vmem>>
        %dma_wait3A_192 = arith.constant 0 : i32
        %dma_wait3A_193 = tpu.memref_slice %arg7[%dma_wait3A_188, %dma_wait3A_192] : memref<4x16xi32, #tpu.memory_space<vmem>> -> memref<1x16xi32, #tpu.memory_space<vmem>>
        %dma_wait3A_194 = tpu.memref_squeeze %dma_wait3A_193 : memref<1x16xi32, #tpu.memory_space<vmem>> -> memref<16xi32, #tpu.memory_space<vmem>>
        %dma_wait3A_195 = arith.constant 0 : i32
        %dma_wait3A_196 = arith.constant 0 : i32
        %dma_wait3A_197 = tpu.memref_slice %arg3[%dma_wait3A_195, %dma_wait3A_196] : memref<20000x128xf32, #tpu.memory_space<hbm>> -> memref<20000x128xf32, #tpu.memory_space<hbm>>
        tpu.wait_indirect_dma semaphore(%arg12 : memref<!tpu.dma_semaphore, #tpu.memory_space<semaphore_mem>>) src(%dma_wait3A_197 : memref<20000x128xf32, #tpu.memory_space<hbm>>) dst(%dma_wait3A_191 : memref<16x128xf32, #tpu.memory_space<vmem>>)
        %dma_wait3A_198 = arith.constant 2 : i32
        %dma_wait3A_199 = arith.constant 32 : i32
        %dma_wait3A_200 = arith.constant 0 : i32
        %dma_wait3A_201 = tpu.memref_slice %arg9[%dma_wait3A_199, %dma_wait3A_200] : memref<64x128xf32, #tpu.memory_space<vmem>> -> memref<16x128xf32, #tpu.memory_space<vmem>>
        %dma_wait3A_202 = arith.constant 0 : i32
        %dma_wait3A_203 = tpu.memref_slice %arg7[%dma_wait3A_198, %dma_wait3A_202] : memref<4x16xi32, #tpu.memory_space<vmem>> -> memref<1x16xi32, #tpu.memory_space<vmem>>
        %dma_wait3A_204 = tpu.memref_squeeze %dma_wait3A_203 : memref<1x16xi32, #tpu.memory_space<vmem>> -> memref<16xi32, #tpu.memory_space<vmem>>
        %dma_wait3A_205 = arith.constant 0 : i32
        %dma_wait3A_206 = arith.constant 0 : i32
        %dma_wait3A_207 = tpu.memref_slice %arg3[%dma_wait3A_205, %dma_wait3A_206] : memref<20000x128xf32, #tpu.memory_space<hbm>> -> memref<20000x128xf32, #tpu.memory_space<hbm>>
        tpu.wait_indirect_dma semaphore(%arg13 : memref<!tpu.dma_semaphore, #tpu.memory_space<semaphore_mem>>) src(%dma_wait3A_207 : memref<20000x128xf32, #tpu.memory_space<hbm>>) dst(%dma_wait3A_201 : memref<16x128xf32, #tpu.memory_space<vmem>>)
        %dma_wait3A_208 = arith.constant 3 : i32
        %dma_wait3A_209 = arith.constant 48 : i32
        %dma_wait3A_210 = arith.constant 0 : i32
        %dma_wait3A_211 = tpu.memref_slice %arg9[%dma_wait3A_209, %dma_wait3A_210] : memref<64x128xf32, #tpu.memory_space<vmem>> -> memref<16x128xf32, #tpu.memory_space<vmem>>
        %dma_wait3A_212 = arith.constant 0 : i32
        %dma_wait3A_213 = tpu.memref_slice %arg7[%dma_wait3A_208, %dma_wait3A_212] : memref<4x16xi32, #tpu.memory_space<vmem>> -> memref<1x16xi32, #tpu.memory_space<vmem>>
        %dma_wait3A_214 = tpu.memref_squeeze %dma_wait3A_213 : memref<1x16xi32, #tpu.memory_space<vmem>> -> memref<16xi32, #tpu.memory_space<vmem>>
        %dma_wait3A_215 = arith.constant 0 : i32
        %dma_wait3A_216 = arith.constant 0 : i32
        %dma_wait3A_217 = tpu.memref_slice %arg3[%dma_wait3A_215, %dma_wait3A_216] : memref<20000x128xf32, #tpu.memory_space<hbm>> -> memref<20000x128xf32, #tpu.memory_space<hbm>>
        tpu.wait_indirect_dma semaphore(%arg14 : memref<!tpu.dma_semaphore, #tpu.memory_space<semaphore_mem>>) src(%dma_wait3A_217 : memref<20000x128xf32, #tpu.memory_space<hbm>>) dst(%dma_wait3A_211 : memref<16x128xf32, #tpu.memory_space<vmem>>)
        %scan3A_218 = arith.constant 0 : i32
        %scan3A_219 = arith.constant 0 : i32
        %scan3A_220 = arith.constant 4 : i32
        %scan3A_221 = arith.addi %scan3A_219, %scan3A_220 : i32
        %scan3A_222 = arith.constant 1 : i32
        %scan3A_223 = scf.for %scan3A_226 = %scan3A_219 to %scan3A_221 step %scan3A_222 iter_args(%scan3A_227 = %scan3A_218) -> (i32)  : i32 {
          %mul3A_228 = arith.constant 16 : i32
          %mul3A_229 = arith.muli %scan3A_226, %mul3A_228 : i32
          %get3A_230 = arith.index_cast %mul3A_229 : i32 to index
          %get3A_231 = tpu.vector_load %arg8[%get3A_230] {strides = array<i32>} : memref<64xi32, #tpu.memory_space<vmem>>, vector<16xi32>,
          %slice3A = vector.extract_strided_slice %get3A_231 {offsets = [0], sizes = [1], strides = [1]} : vector<16xi32> to vector<1xi32>
          %squeeze3A = vector.extract %slice3A[0] : i32 from vector<1xi32>
          %mul3A_232 = arith.constant 16 : i32
          %mul3A_233 = arith.muli %scan3A_226, %mul3A_232 : i32
          %add3A_234 = arith.constant 0 : i32
          %add3A_235 = arith.addi %mul3A_233, %add3A_234 : i32
          %get3A_236 = arith.index_cast %squeeze3A : i32 to index
          %get3A_237 = arith.constant 0 : index
          %get3A_238 = tpu.vector_load %arg10[%get3A_236, %get3A_237] {strides = array<i32>} : memref<633x128xf32, #tpu.memory_space<vmem>>, vector<16xf32>,
          %get3A_239 = arith.index_cast %add3A_235 : i32 to index
          %get3A_240 = arith.constant 0 : index
          %get3A_241 = tpu.vector_load %arg9[%get3A_239, %get3A_240] {strides = array<i32>} : memref<64x128xf32, #tpu.memory_space<vmem>>, vector<16xf32>,
          %max3A = arith.maximumf %get3A_238, %get3A_241 : vector<16xf32>
          %swap3A_242 = arith.index_cast %squeeze3A : i32 to index
          %swap3A_243 = arith.constant 0 : index
          %swap3A_244 = tpu.vector_load %arg10[%swap3A_242, %swap3A_243] {strides = array<i32>} : memref<633x128xf32, #tpu.memory_space<vmem>>, vector<16xf32>,
          tpu.vector_store %arg10[%swap3A_242, %swap3A_243], %max3A {strides = array<i32>} : memref<633x128xf32, #tpu.memory_space<vmem>>, vector<16xf32>,
          %get3A_245 = arith.index_cast %squeeze3A : i32 to index
          %get3A_246 = arith.constant 16 : index
          %get3A_247 = tpu.vector_load %arg10[%get3A_245, %get3A_246] {strides = array<i32>} : memref<633x128xf32, #tpu.memory_space<vmem>>, vector<16xf32>,
          %get3A_248 = arith.index_cast %add3A_235 : i32 to index
          %get3A_249 = arith.constant 16 : index
          %get3A_250 = tpu.vector_load %arg9[%get3A_248, %get3A_249] {strides = array<i32>} : memref<64x128xf32, #tpu.memory_space<vmem>>, vector<16xf32>,
          %max3A_251 = arith.maximumf %get3A_247, %get3A_250 : vector<16xf32>
          %swap3A_252 = arith.index_cast %squeeze3A : i32 to index
          %swap3A_253 = arith.constant 16 : index
          %swap3A_254 = tpu.vector_load %arg10[%swap3A_252, %swap3A_253] {strides = array<i32>} : memref<633x128xf32, #tpu.memory_space<vmem>>, vector<16xf32>,
          tpu.vector_store %arg10[%swap3A_252, %swap3A_253], %max3A_251 {strides = array<i32>} : memref<633x128xf32, #tpu.memory_space<vmem>>, vector<16xf32>,
          %get3A_255 = arith.index_cast %squeeze3A : i32 to index
          %get3A_256 = arith.constant 32 : index
          %get3A_257 = tpu.vector_load %arg10[%get3A_255, %get3A_256] {strides = array<i32>} : memref<633x128xf32, #tpu.memory_space<vmem>>, vector<16xf32>,
          %get3A_258 = arith.index_cast %add3A_235 : i32 to index
          %get3A_259 = arith.constant 32 : index
          %get3A_260 = tpu.vector_load %arg9[%get3A_258, %get3A_259] {strides = array<i32>} : memref<64x128xf32, #tpu.memory_space<vmem>>, vector<16xf32>,
          %max3A_261 = arith.maximumf %get3A_257, %get3A_260 : vector<16xf32>
          %swap3A_262 = arith.index_cast %squeeze3A : i32 to index
          %swap3A_263 = arith.constant 32 : index
          %swap3A_264 = tpu.vector_load %arg10[%swap3A_262, %swap3A_263] {strides = array<i32>} : memref<633x128xf32, #tpu.memory_space<vmem>>, vector<16xf32>,
          tpu.vector_store %arg10[%swap3A_262, %swap3A_263], %max3A_261 {strides = array<i32>} : memref<633x128xf32, #tpu.memory_space<vmem>>, vector<16xf32>,
          %get3A_265 = arith.index_cast %squeeze3A : i32 to index
          %get3A_266 = arith.constant 48 : index
          %get3A_267 = tpu.vector_load %arg10[%get3A_265, %get3A_266] {strides = array<i32>} : memref<633x128xf32, #tpu.memory_space<vmem>>, vector<16xf32>,
          %get3A_268 = arith.index_cast %add3A_235 : i32 to index
          %get3A_269 = arith.constant 48 : index
          %get3A_270 = tpu.vector_load %arg9[%get3A_268, %get3A_269] {strides = array<i32>} : memref<64x128xf32, #tpu.memory_space<vmem>>, vector<16xf32>,
          %max3A_271 = arith.maximumf %get3A_267, %get3A_270 : vector<16xf32>
          %swap3A_272 = arith.index_cast %squeeze3A : i32 to index
          %swap3A_273 = arith.constant 48 : index
          %swap3A_274 = tpu.vector_load %arg10[%swap3A_272, %swap3A_273] {strides = array<i32>} : memref<633x128xf32, #tpu.memory_space<vmem>>, vector<16xf32>,
          tpu.vector_store %arg10[%swap3A_272, %swap3A_273], %max3A_271 {strides = array<i32>} : memref<633x128xf32, #tpu.memory_space<vmem>>, vector<16xf32>,
          %get3A_275 = arith.index_cast %squeeze3A : i32 to index
          %get3A_276 = arith.constant 64 : index
          %get3A_277 = tpu.vector_load %arg10[%get3A_275, %get3A_276] {strides = array<i32>} : memref<633x128xf32, #tpu.memory_space<vmem>>, vector<16xf32>,
          %get3A_278 = arith.index_cast %add3A_235 : i32 to index
          %get3A_279 = arith.constant 64 : index
          %get3A_280 = tpu.vector_load %arg9[%get3A_278, %get3A_279] {strides = array<i32>} : memref<64x128xf32, #tpu.memory_space<vmem>>, vector<16xf32>,
          %max3A_281 = arith.maximumf %get3A_277, %get3A_280 : vector<16xf32>
          %swap3A_282 = arith.index_cast %squeeze3A : i32 to index
          %swap3A_283 = arith.constant 64 : index
          %swap3A_284 = tpu.vector_load %arg10[%swap3A_282, %swap3A_283] {strides = array<i32>} : memref<633x128xf32, #tpu.memory_space<vmem>>, vector<16xf32>,
          tpu.vector_store %arg10[%swap3A_282, %swap3A_283], %max3A_281 {strides = array<i32>} : memref<633x128xf32, #tpu.memory_space<vmem>>, vector<16xf32>,
          %get3A_285 = arith.index_cast %squeeze3A : i32 to index
          %get3A_286 = arith.constant 80 : index
          %get3A_287 = tpu.vector_load %arg10[%get3A_285, %get3A_286] {strides = array<i32>} : memref<633x128xf32, #tpu.memory_space<vmem>>, vector<16xf32>,
          %get3A_288 = arith.index_cast %add3A_235 : i32 to index
          %get3A_289 = arith.constant 80 : index
          %get3A_290 = tpu.vector_load %arg9[%get3A_288, %get3A_289] {strides = array<i32>} : memref<64x128xf32, #tpu.memory_space<vmem>>, vector<16xf32>,
          %max3A_291 = arith.maximumf %get3A_287, %get3A_290 : vector<16xf32>
          %swap3A_292 = arith.index_cast %squeeze3A : i32 to index
          %swap3A_293 = arith.constant 80 : index
          %swap3A_294 = tpu.vector_load %arg10[%swap3A_292, %swap3A_293] {strides = array<i32>} : memref<633x128xf32, #tpu.memory_space<vmem>>, vector<16xf32>,
          tpu.vector_store %arg10[%swap3A_292, %swap3A_293], %max3A_291 {strides = array<i32>} : memref<633x128xf32, #tpu.memory_space<vmem>>, vector<16xf32>,
          %get3A_295 = arith.index_cast %squeeze3A : i32 to index
          %get3A_296 = arith.constant 96 : index
          %get3A_297 = tpu.vector_load %arg10[%get3A_295, %get3A_296] {strides = array<i32>} : memref<633x128xf32, #tpu.memory_space<vmem>>, vector<16xf32>,
          %get3A_298 = arith.index_cast %add3A_235 : i32 to index
          %get3A_299 = arith.constant 96 : index
          %get3A_300 = tpu.vector_load %arg9[%get3A_298, %get3A_299] {strides = array<i32>} : memref<64x128xf32, #tpu.memory_space<vmem>>, vector<16xf32>,
          %max3A_301 = arith.maximumf %get3A_297, %get3A_300 : vector<16xf32>
          %swap3A_302 = arith.index_cast %squeeze3A : i32 to index
          %swap3A_303 = arith.constant 96 : index
          %swap3A_304 = tpu.vector_load %arg10[%swap3A_302, %swap3A_303] {strides = array<i32>} : memref<633x128xf32, #tpu.memory_space<vmem>>, vector<16xf32>,
          tpu.vector_store %arg10[%swap3A_302, %swap3A_303], %max3A_301 {strides = array<i32>} : memref<633x128xf32, #tpu.memory_space<vmem>>, vector<16xf32>,
          %get3A_305 = arith.index_cast %squeeze3A : i32 to index
          %get3A_306 = arith.constant 112 : index
          %get3A_307 = tpu.vector_load %arg10[%get3A_305, %get3A_306] {strides = array<i32>} : memref<633x128xf32, #tpu.memory_space<vmem>>, vector<16xf32>,
          %get3A_308 = arith.index_cast %add3A_235 : i32 to index
          %get3A_309 = arith.constant 112 : index
          %get3A_310 = tpu.vector_load %arg9[%get3A_308, %get3A_309] {strides = array<i32>} : memref<64x128xf32, #tpu.memory_space<vmem>>, vector<16xf32>,
          %max3A_311 = arith.maximumf %get3A_307, %get3A_310 : vector<16xf32>
          %swap3A_312 = arith.index_cast %squeeze3A : i32 to index
          %swap3A_313 = arith.constant 112 : index
          %swap3A_314 = tpu.vector_load %arg10[%swap3A_312, %swap3A_313] {strides = array<i32>} : memref<633x128xf32, #tpu.memory_space<vmem>>, vector<16xf32>,
          tpu.vector_store %arg10[%swap3A_312, %swap3A_313], %max3A_311 {strides = array<i32>} : memref<633x128xf32, #tpu.memory_space<vmem>>, vector<16xf32>,
          %slice3A_315 = vector.extract_strided_slice %get3A_231 {offsets = [1], sizes = [1], strides = [1]} : vector<16xi32> to vector<1xi32>
          %squeeze3A_316 = vector.extract %slice3A_315[0] : i32 from vector<1xi32>
          %mul3A_317 = arith.constant 16 : i32
          %mul3A_318 = arith.muli %scan3A_226, %mul3A_317 : i32
          %add3A_319 = arith.constant 1 : i32
          %add3A_320 = arith.addi %mul3A_318, %add3A_319 : i32
          %get3A_321 = arith.index_cast %squeeze3A_316 : i32 to index
          %get3A_322 = arith.constant 0 : index
          %get3A_323 = tpu.vector_load %arg10[%get3A_321, %get3A_322] {strides = array<i32>} : memref<633x128xf32, #tpu.memory_space<vmem>>, vector<16xf32>,
          %get3A_324 = arith.index_cast %add3A_320 : i32 to index
          %get3A_325 = arith.constant 0 : index
          %get3A_326 = tpu.vector_load %arg9[%get3A_324, %get3A_325] {strides = array<i32>} : memref<64x128xf32, #tpu.memory_space<vmem>>, vector<16xf32>,
          %max3A_327 = arith.maximumf %get3A_323, %get3A_326 : vector<16xf32>
          %swap3A_328 = arith.index_cast %squeeze3A_316 : i32 to index
          %swap3A_329 = arith.constant 0 : index
          %swap3A_330 = tpu.vector_load %arg10[%swap3A_328, %swap3A_329] {strides = array<i32>} : memref<633x128xf32, #tpu.memory_space<vmem>>, vector<16xf32>,
          tpu.vector_store %arg10[%swap3A_328, %swap3A_329], %max3A_327 {strides = array<i32>} : memref<633x128xf32, #tpu.memory_space<vmem>>, vector<16xf32>,
          %get3A_331 = arith.index_cast %squeeze3A_316 : i32 to index
          %get3A_332 = arith.constant 16 : index
          %get3A_333 = tpu.vector_load %arg10[%get3A_331, %get3A_332] {strides = array<i32>} : memref<633x128xf32, #tpu.memory_space<vmem>>, vector<16xf32>,
          %get3A_334 = arith.index_cast %add3A_320 : i32 to index
          %get3A_335 = arith.constant 16 : index
          %get3A_336 = tpu.vector_load %arg9[%get3A_334, %get3A_335] {strides = array<i32>} : memref<64x128xf32, #tpu.memory_space<vmem>>, vector<16xf32>,
          %max3A_337 = arith.maximumf %get3A_333, %get3A_336 : vector<16xf32>
          %swap3A_338 = arith.index_cast %squeeze3A_316 : i32 to index
          %swap3A_339 = arith.constant 16 : index
          %swap3A_340 = tpu.vector_load %arg10[%swap3A_338, %swap3A_339] {strides = array<i32>} : memref<633x128xf32, #tpu.memory_space<vmem>>, vector<16xf32>,
          tpu.vector_store %arg10[%swap3A_338, %swap3A_339], %max3A_337 {strides = array<i32>} : memref<633x128xf32, #tpu.memory_space<vmem>>, vector<16xf32>,
          %get3A_341 = arith.index_cast %squeeze3A_316 : i32 to index
          %get3A_342 = arith.constant 32 : index
          %get3A_343 = tpu.vector_load %arg10[%get3A_341, %get3A_342] {strides = array<i32>} : memref<633x128xf32, #tpu.memory_space<vmem>>, vector<16xf32>,
          %get3A_344 = arith.index_cast %add3A_320 : i32 to index
          %get3A_345 = arith.constant 32 : index
          %get3A_346 = tpu.vector_load %arg9[%get3A_344, %get3A_345] {strides = array<i32>} : memref<64x128xf32, #tpu.memory_space<vmem>>, vector<16xf32>,
          %max3A_347 = arith.maximumf %get3A_343, %get3A_346 : vector<16xf32>
          %swap3A_348 = arith.index_cast %squeeze3A_316 : i32 to index
          %swap3A_349 = arith.constant 32 : index
          %swap3A_350 = tpu.vector_load %arg10[%swap3A_348, %swap3A_349] {strides = array<i32>} : memref<633x128xf32, #tpu.memory_space<vmem>>, vector<16xf32>,
          tpu.vector_store %arg10[%swap3A_348, %swap3A_349], %max3A_347 {strides = array<i32>} : memref<633x128xf32, #tpu.memory_space<vmem>>, vector<16xf32>,
          %get3A_351 = arith.index_cast %squeeze3A_316 : i32 to index
          %get3A_352 = arith.constant 48 : index
          %get3A_353 = tpu.vector_load %arg10[%get3A_351, %get3A_352] {strides = array<i32>} : memref<633x128xf32, #tpu.memory_space<vmem>>, vector<16xf32>,
          %get3A_354 = arith.index_cast %add3A_320 : i32 to index
          %get3A_355 = arith.constant 48 : index
          %get3A_356 = tpu.vector_load %arg9[%get3A_354, %get3A_355] {strides = array<i32>} : memref<64x128xf32, #tpu.memory_space<vmem>>, vector<16xf32>,
          %max3A_357 = arith.maximumf %get3A_353, %get3A_356 : vector<16xf32>
          %swap3A_358 = arith.index_cast %squeeze3A_316 : i32 to index
          %swap3A_359 = arith.constant 48 : index
          %swap3A_360 = tpu.vector_load %arg10[%swap3A_358, %swap3A_359] {strides = array<i32>} : memref<633x128xf32, #tpu.memory_space<vmem>>, vector<16xf32>,
          tpu.vector_store %arg10[%swap3A_358, %swap3A_359], %max3A_357 {strides = array<i32>} : memref<633x128xf32, #tpu.memory_space<vmem>>, vector<16xf32>,
          %get3A_361 = arith.index_cast %squeeze3A_316 : i32 to index
          %get3A_362 = arith.constant 64 : index
          %get3A_363 = tpu.vector_load %arg10[%get3A_361, %get3A_362] {strides = array<i32>} : memref<633x128xf32, #tpu.memory_space<vmem>>, vector<16xf32>,
          %get3A_364 = arith.index_cast %add3A_320 : i32 to index
          %get3A_365 = arith.constant 64 : index
          %get3A_366 = tpu.vector_load %arg9[%get3A_364, %get3A_365] {strides = array<i32>} : memref<64x128xf32, #tpu.memory_space<vmem>>, vector<16xf32>,
          %max3A_367 = arith.maximumf %get3A_363, %get3A_366 : vector<16xf32>
          %swap3A_368 = arith.index_cast %squeeze3A_316 : i32 to index
          %swap3A_369 = arith.constant 64 : index
          %swap3A_370 = tpu.vector_load %arg10[%swap3A_368, %swap3A_369] {strides = array<i32>} : memref<633x128xf32, #tpu.memory_space<vmem>>, vector<16xf32>,
          tpu.vector_store %arg10[%swap3A_368, %swap3A_369], %max3A_367 {strides = array<i32>} : memref<633x128xf32, #tpu.memory_space<vmem>>, vector<16xf32>,
          %get3A_371 = arith.index_cast %squeeze3A_316 : i32 to index
          %get3A_372 = arith.constant 80 : index
          %get3A_373 = tpu.vector_load %arg10[%get3A_371, %get3A_372] {strides = array<i32>} : memref<633x128xf32, #tpu.memory_space<vmem>>, vector<16xf32>,
          %get3A_374 = arith.index_cast %add3A_320 : i32 to index
          %get3A_375 = arith.constant 80 : index
          %get3A_376 = tpu.vector_load %arg9[%get3A_374, %get3A_375] {strides = array<i32>} : memref<64x128xf32, #tpu.memory_space<vmem>>, vector<16xf32>,
          %max3A_377 = arith.maximumf %get3A_373, %get3A_376 : vector<16xf32>
          %swap3A_378 = arith.index_cast %squeeze3A_316 : i32 to index
          %swap3A_379 = arith.constant 80 : index
          %swap3A_380 = tpu.vector_load %arg10[%swap3A_378, %swap3A_379] {strides = array<i32>} : memref<633x128xf32, #tpu.memory_space<vmem>>, vector<16xf32>,
          tpu.vector_store %arg10[%swap3A_378, %swap3A_379], %max3A_377 {strides = array<i32>} : memref<633x128xf32, #tpu.memory_space<vmem>>, vector<16xf32>,
          %get3A_381 = arith.index_cast %squeeze3A_316 : i32 to index
          %get3A_382 = arith.constant 96 : index
          %get3A_383 = tpu.vector_load %arg10[%get3A_381, %get3A_382] {strides = array<i32>} : memref<633x128xf32, #tpu.memory_space<vmem>>, vector<16xf32>,
          %get3A_384 = arith.index_cast %add3A_320 : i32 to index
          %get3A_385 = arith.constant 96 : index
          %get3A_386 = tpu.vector_load %arg9[%get3A_384, %get3A_385] {strides = array<i32>} : memref<64x128xf32, #tpu.memory_space<vmem>>, vector<16xf32>,
          %max3A_387 = arith.maximumf %get3A_383, %get3A_386 : vector<16xf32>
          %swap3A_388 = arith.index_cast %squeeze3A_316 : i32 to index
          %swap3A_389 = arith.constant 96 : index
          %swap3A_390 = tpu.vector_load %arg10[%swap3A_388, %swap3A_389] {strides = array<i32>} : memref<633x128xf32, #tpu.memory_space<vmem>>, vector<16xf32>,
          tpu.vector_store %arg10[%swap3A_388, %swap3A_389], %max3A_387 {strides = array<i32>} : memref<633x128xf32, #tpu.memory_space<vmem>>, vector<16xf32>,
          %get3A_391 = arith.index_cast %squeeze3A_316 : i32 to index
          %get3A_392 = arith.constant 112 : index
          %get3A_393 = tpu.vector_load %arg10[%get3A_391, %get3A_392] {strides = array<i32>} : memref<633x128xf32, #tpu.memory_space<vmem>>, vector<16xf32>,
          %get3A_394 = arith.index_cast %add3A_320 : i32 to index
          %get3A_395 = arith.constant 112 : index
          %get3A_396 = tpu.vector_load %arg9[%get3A_394, %get3A_395] {strides = array<i32>} : memref<64x128xf32, #tpu.memory_space<vmem>>, vector<16xf32>,
          %max3A_397 = arith.maximumf %get3A_393, %get3A_396 : vector<16xf32>
          %swap3A_398 = arith.index_cast %squeeze3A_316 : i32 to index
          %swap3A_399 = arith.constant 112 : index
          %swap3A_400 = tpu.vector_load %arg10[%swap3A_398, %swap3A_399] {strides = array<i32>} : memref<633x128xf32, #tpu.memory_space<vmem>>, vector<16xf32>,
          tpu.vector_store %arg10[%swap3A_398, %swap3A_399], %max3A_397 {strides = array<i32>} : memref<633x128xf32, #tpu.memory_space<vmem>>, vector<16xf32>,
          %slice3A_401 = vector.extract_strided_slice %get3A_231 {offsets = [2], sizes = [1], strides = [1]} : vector<16xi32> to vector<1xi32>
          %squeeze3A_402 = vector.extract %slice3A_401[0] : i32 from vector<1xi32>
          %mul3A_403 = arith.constant 16 : i32
          %mul3A_404 = arith.muli %scan3A_226, %mul3A_403 : i32
          %add3A_405 = arith.constant 2 : i32
          %add3A_406 = arith.addi %mul3A_404, %add3A_405 : i32
          %get3A_407 = arith.index_cast %squeeze3A_402 : i32 to index
          %get3A_408 = arith.constant 0 : index
          %get3A_409 = tpu.vector_load %arg10[%get3A_407, %get3A_408] {strides = array<i32>} : memref<633x128xf32, #tpu.memory_space<vmem>>, vector<16xf32>,
          %get3A_410 = arith.index_cast %add3A_406 : i32 to index
          %get3A_411 = arith.constant 0 : index
          %get3A_412 = tpu.vector_load %arg9[%get3A_410, %get3A_411] {strides = array<i32>} : memref<64x128xf32, #tpu.memory_space<vmem>>, vector<16xf32>,
          %max3A_413 = arith.maximumf %get3A_409, %get3A_412 : vector<16xf32>
          %swap3A_414 = arith.index_cast %squeeze3A_402 : i32 to index
          %swap3A_415 = arith.constant 0 : index
          %swap3A_416 = tpu.vector_load %arg10[%swap3A_414, %swap3A_415] {strides = array<i32>} : memref<633x128xf32, #tpu.memory_space<vmem>>, vector<16xf32>,
          tpu.vector_store %arg10[%swap3A_414, %swap3A_415], %max3A_413 {strides = array<i32>} : memref<633x128xf32, #tpu.memory_space<vmem>>, vector<16xf32>,
          %get3A_417 = arith.index_cast %squeeze3A_402 : i32 to index
          %get3A_418 = arith.constant 16 : index
          %get3A_419 = tpu.vector_load %arg10[%get3A_417, %get3A_418] {strides = array<i32>} : memref<633x128xf32, #tpu.memory_space<vmem>>, vector<16xf32>,
          %get3A_420 = arith.index_cast %add3A_406 : i32 to index
          %get3A_421 = arith.constant 16 : index
          %get3A_422 = tpu.vector_load %arg9[%get3A_420, %get3A_421] {strides = array<i32>} : memref<64x128xf32, #tpu.memory_space<vmem>>, vector<16xf32>,
          %max3A_423 = arith.maximumf %get3A_419, %get3A_422 : vector<16xf32>
          %swap3A_424 = arith.index_cast %squeeze3A_402 : i32 to index
          %swap3A_425 = arith.constant 16 : index
          %swap3A_426 = tpu.vector_load %arg10[%swap3A_424, %swap3A_425] {strides = array<i32>} : memref<633x128xf32, #tpu.memory_space<vmem>>, vector<16xf32>,
          tpu.vector_store %arg10[%swap3A_424, %swap3A_425], %max3A_423 {strides = array<i32>} : memref<633x128xf32, #tpu.memory_space<vmem>>, vector<16xf32>,
          %get3A_427 = arith.index_cast %squeeze3A_402 : i32 to index
          %get3A_428 = arith.constant 32 : index
          %get3A_429 = tpu.vector_load %arg10[%get3A_427, %get3A_428] {strides = array<i32>} : memref<633x128xf32, #tpu.memory_space<vmem>>, vector<16xf32>,
          %get3A_430 = arith.index_cast %add3A_406 : i32 to index
          %get3A_431 = arith.constant 32 : index
          %get3A_432 = tpu.vector_load %arg9[%get3A_430, %get3A_431] {strides = array<i32>} : memref<64x128xf32, #tpu.memory_space<vmem>>, vector<16xf32>,
          %max3A_433 = arith.maximumf %get3A_429, %get3A_432 : vector<16xf32>
          %swap3A_434 = arith.index_cast %squeeze3A_402 : i32 to index
          %swap3A_435 = arith.constant 32 : index
          %swap3A_436 = tpu.vector_load %arg10[%swap3A_434, %swap3A_435] {strides = array<i32>} : memref<633x128xf32, #tpu.memory_space<vmem>>, vector<16xf32>,
          tpu.vector_store %arg10[%swap3A_434, %swap3A_435], %max3A_433 {strides = array<i32>} : memref<633x128xf32, #tpu.memory_space<vmem>>, vector<16xf32>,
          %get3A_437 = arith.index_cast %squeeze3A_402 : i32 to index
          %get3A_438 = arith.constant 48 : index
          %get3A_439 = tpu.vector_load %arg10[%get3A_437, %get3A_438] {strides = array<i32>} : memref<633x128xf32, #tpu.memory_space<vmem>>, vector<16xf32>,
          %get3A_440 = arith.index_cast %add3A_406 : i32 to index
          %get3A_441 = arith.constant 48 : index
          %get3A_442 = tpu.vector_load %arg9[%get3A_440, %get3A_441] {strides = array<i32>} : memref<64x128xf32, #tpu.memory_space<vmem>>, vector<16xf32>,
          %max3A_443 = arith.maximumf %get3A_439, %get3A_442 : vector<16xf32>
          %swap3A_444 = arith.index_cast %squeeze3A_402 : i32 to index
          %swap3A_445 = arith.constant 48 : index
          %swap3A_446 = tpu.vector_load %arg10[%swap3A_444, %swap3A_445] {strides = array<i32>} : memref<633x128xf32, #tpu.memory_space<vmem>>, vector<16xf32>,
          tpu.vector_store %arg10[%swap3A_444, %swap3A_445], %max3A_443 {strides = array<i32>} : memref<633x128xf32, #tpu.memory_space<vmem>>, vector<16xf32>,
          %get3A_447 = arith.index_cast %squeeze3A_402 : i32 to index
          %get3A_448 = arith.constant 64 : index
          %get3A_449 = tpu.vector_load %arg10[%get3A_447, %get3A_448] {strides = array<i32>} : memref<633x128xf32, #tpu.memory_space<vmem>>, vector<16xf32>,
          %get3A_450 = arith.index_cast %add3A_406 : i32 to index
          %get3A_451 = arith.constant 64 : index
          %get3A_452 = tpu.vector_load %arg9[%get3A_450, %get3A_451] {strides = array<i32>} : memref<64x128xf32, #tpu.memory_space<vmem>>, vector<16xf32>,
          %max3A_453 = arith.maximumf %get3A_449, %get3A_452 : vector<16xf32>
          %swap3A_454 = arith.index_cast %squeeze3A_402 : i32 to index
          %swap3A_455 = arith.constant 64 : index
          %swap3A_456 = tpu.vector_load %arg10[%swap3A_454, %swap3A_455] {strides = array<i32>} : memref<633x128xf32, #tpu.memory_space<vmem>>, vector<16xf32>,
          tpu.vector_store %arg10[%swap3A_454, %swap3A_455], %max3A_453 {strides = array<i32>} : memref<633x128xf32, #tpu.memory_space<vmem>>, vector<16xf32>,
          %get3A_457 = arith.index_cast %squeeze3A_402 : i32 to index
          %get3A_458 = arith.constant 80 : index
          %get3A_459 = tpu.vector_load %arg10[%get3A_457, %get3A_458] {strides = array<i32>} : memref<633x128xf32, #tpu.memory_space<vmem>>, vector<16xf32>,
          %get3A_460 = arith.index_cast %add3A_406 : i32 to index
          %get3A_461 = arith.constant 80 : index
          %get3A_462 = tpu.vector_load %arg9[%get3A_460, %get3A_461] {strides = array<i32>} : memref<64x128xf32, #tpu.memory_space<vmem>>, vector<16xf32>,
          %max3A_463 = arith.maximumf %get3A_459, %get3A_462 : vector<16xf32>
          %swap3A_464 = arith.index_cast %squeeze3A_402 : i32 to index
          %swap3A_465 = arith.constant 80 : index
          %swap3A_466 = tpu.vector_load %arg10[%swap3A_464, %swap3A_465] {strides = array<i32>} : memref<633x128xf32, #tpu.memory_space<vmem>>, vector<16xf32>,
          tpu.vector_store %arg10[%swap3A_464, %swap3A_465], %max3A_463 {strides = array<i32>} : memref<633x128xf32, #tpu.memory_space<vmem>>, vector<16xf32>,
          %get3A_467 = arith.index_cast %squeeze3A_402 : i32 to index
          %get3A_468 = arith.constant 96 : index
          %get3A_469 = tpu.vector_load %arg10[%get3A_467, %get3A_468] {strides = array<i32>} : memref<633x128xf32, #tpu.memory_space<vmem>>, vector<16xf32>,
          %get3A_470 = arith.index_cast %add3A_406 : i32 to index
          %get3A_471 = arith.constant 96 : index
          %get3A_472 = tpu.vector_load %arg9[%get3A_470, %get3A_471] {strides = array<i32>} : memref<64x128xf32, #tpu.memory_space<vmem>>, vector<16xf32>,
          %max3A_473 = arith.maximumf %get3A_469, %get3A_472 : vector<16xf32>
          %swap3A_474 = arith.index_cast %squeeze3A_402 : i32 to index
          %swap3A_475 = arith.constant 96 : index
          %swap3A_476 = tpu.vector_load %arg10[%swap3A_474, %swap3A_475] {strides = array<i32>} : memref<633x128xf32, #tpu.memory_space<vmem>>, vector<16xf32>,
          tpu.vector_store %arg10[%swap3A_474, %swap3A_475], %max3A_473 {strides = array<i32>} : memref<633x128xf32, #tpu.memory_space<vmem>>, vector<16xf32>,
          %get3A_477 = arith.index_cast %squeeze3A_402 : i32 to index
          %get3A_478 = arith.constant 112 : index
          %get3A_479 = tpu.vector_load %arg10[%get3A_477, %get3A_478] {strides = array<i32>} : memref<633x128xf32, #tpu.memory_space<vmem>>, vector<16xf32>,
          %get3A_480 = arith.index_cast %add3A_406 : i32 to index
          %get3A_481 = arith.constant 112 : index
          %get3A_482 = tpu.vector_load %arg9[%get3A_480, %get3A_481] {strides = array<i32>} : memref<64x128xf32, #tpu.memory_space<vmem>>, vector<16xf32>,
          %max3A_483 = arith.maximumf %get3A_479, %get3A_482 : vector<16xf32>
          %swap3A_484 = arith.index_cast %squeeze3A_402 : i32 to index
          %swap3A_485 = arith.constant 112 : index
          %swap3A_486 = tpu.vector_load %arg10[%swap3A_484, %swap3A_485] {strides = array<i32>} : memref<633x128xf32, #tpu.memory_space<vmem>>, vector<16xf32>,
          tpu.vector_store %arg10[%swap3A_484, %swap3A_485], %max3A_483 {strides = array<i32>} : memref<633x128xf32, #tpu.memory_space<vmem>>, vector<16xf32>,
          %slice3A_487 = vector.extract_strided_slice %get3A_231 {offsets = [3], sizes = [1], strides = [1]} : vector<16xi32> to vector<1xi32>
          %squeeze3A_488 = vector.extract %slice3A_487[0] : i32 from vector<1xi32>
          %mul3A_489 = arith.constant 16 : i32
          %mul3A_490 = arith.muli %scan3A_226, %mul3A_489 : i32
          %add3A_491 = arith.constant 3 : i32
          %add3A_492 = arith.addi %mul3A_490, %add3A_491 : i32
          %get3A_493 = arith.index_cast %squeeze3A_488 : i32 to index
          %get3A_494 = arith.constant 0 : index
          %get3A_495 = tpu.vector_load %arg10[%get3A_493, %get3A_494] {strides = array<i32>} : memref<633x128xf32, #tpu.memory_space<vmem>>, vector<16xf32>,
          %get3A_496 = arith.index_cast %add3A_492 : i32 to index
          %get3A_497 = arith.constant 0 : index
          %get3A_498 = tpu.vector_load %arg9[%get3A_496, %get3A_497] {strides = array<i32>} : memref<64x128xf32, #tpu.memory_space<vmem>>, vector<16xf32>,
          %max3A_499 = arith.maximumf %get3A_495, %get3A_498 : vector<16xf32>
          %swap3A_500 = arith.index_cast %squeeze3A_488 : i32 to index
          %swap3A_501 = arith.constant 0 : index
          %swap3A_502 = tpu.vector_load %arg10[%swap3A_500, %swap3A_501] {strides = array<i32>} : memref<633x128xf32, #tpu.memory_space<vmem>>, vector<16xf32>,
          tpu.vector_store %arg10[%swap3A_500, %swap3A_501], %max3A_499 {strides = array<i32>} : memref<633x128xf32, #tpu.memory_space<vmem>>, vector<16xf32>,
          %get3A_503 = arith.index_cast %squeeze3A_488 : i32 to index
          %get3A_504 = arith.constant 16 : index
          %get3A_505 = tpu.vector_load %arg10[%get3A_503, %get3A_504] {strides = array<i32>} : memref<633x128xf32, #tpu.memory_space<vmem>>, vector<16xf32>,
          %get3A_506 = arith.index_cast %add3A_492 : i32 to index
          %get3A_507 = arith.constant 16 : index
          %get3A_508 = tpu.vector_load %arg9[%get3A_506, %get3A_507] {strides = array<i32>} : memref<64x128xf32, #tpu.memory_space<vmem>>, vector<16xf32>,
          %max3A_509 = arith.maximumf %get3A_505, %get3A_508 : vector<16xf32>
          %swap3A_510 = arith.index_cast %squeeze3A_488 : i32 to index
          %swap3A_511 = arith.constant 16 : index
          %swap3A_512 = tpu.vector_load %arg10[%swap3A_510, %swap3A_511] {strides = array<i32>} : memref<633x128xf32, #tpu.memory_space<vmem>>, vector<16xf32>,
          tpu.vector_store %arg10[%swap3A_510, %swap3A_511], %max3A_509 {strides = array<i32>} : memref<633x128xf32, #tpu.memory_space<vmem>>, vector<16xf32>,
          %get3A_513 = arith.index_cast %squeeze3A_488 : i32 to index
          %get3A_514 = arith.constant 32 : index
          %get3A_515 = tpu.vector_load %arg10[%get3A_513, %get3A_514] {strides = array<i32>} : memref<633x128xf32, #tpu.memory_space<vmem>>, vector<16xf32>,
          %get3A_516 = arith.index_cast %add3A_492 : i32 to index
          %get3A_517 = arith.constant 32 : index
          %get3A_518 = tpu.vector_load %arg9[%get3A_516, %get3A_517] {strides = array<i32>} : memref<64x128xf32, #tpu.memory_space<vmem>>, vector<16xf32>,
          %max3A_519 = arith.maximumf %get3A_515, %get3A_518 : vector<16xf32>
          %swap3A_520 = arith.index_cast %squeeze3A_488 : i32 to index
          %swap3A_521 = arith.constant 32 : index
          %swap3A_522 = tpu.vector_load %arg10[%swap3A_520, %swap3A_521] {strides = array<i32>} : memref<633x128xf32, #tpu.memory_space<vmem>>, vector<16xf32>,
          tpu.vector_store %arg10[%swap3A_520, %swap3A_521], %max3A_519 {strides = array<i32>} : memref<633x128xf32, #tpu.memory_space<vmem>>, vector<16xf32>,
          %get3A_523 = arith.index_cast %squeeze3A_488 : i32 to index
          %get3A_524 = arith.constant 48 : index
          %get3A_525 = tpu.vector_load %arg10[%get3A_523, %get3A_524] {strides = array<i32>} : memref<633x128xf32, #tpu.memory_space<vmem>>, vector<16xf32>,
          %get3A_526 = arith.index_cast %add3A_492 : i32 to index
          %get3A_527 = arith.constant 48 : index
          %get3A_528 = tpu.vector_load %arg9[%get3A_526, %get3A_527] {strides = array<i32>} : memref<64x128xf32, #tpu.memory_space<vmem>>, vector<16xf32>,
          %max3A_529 = arith.maximumf %get3A_525, %get3A_528 : vector<16xf32>
          %swap3A_530 = arith.index_cast %squeeze3A_488 : i32 to index
          %swap3A_531 = arith.constant 48 : index
          %swap3A_532 = tpu.vector_load %arg10[%swap3A_530, %swap3A_531] {strides = array<i32>} : memref<633x128xf32, #tpu.memory_space<vmem>>, vector<16xf32>,
          tpu.vector_store %arg10[%swap3A_530, %swap3A_531], %max3A_529 {strides = array<i32>} : memref<633x128xf32, #tpu.memory_space<vmem>>, vector<16xf32>,
          %get3A_533 = arith.index_cast %squeeze3A_488 : i32 to index
          %get3A_534 = arith.constant 64 : index
          %get3A_535 = tpu.vector_load %arg10[%get3A_533, %get3A_534] {strides = array<i32>} : memref<633x128xf32, #tpu.memory_space<vmem>>, vector<16xf32>,
          %get3A_536 = arith.index_cast %add3A_492 : i32 to index
          %get3A_537 = arith.constant 64 : index
          %get3A_538 = tpu.vector_load %arg9[%get3A_536, %get3A_537] {strides = array<i32>} : memref<64x128xf32, #tpu.memory_space<vmem>>, vector<16xf32>,
          %max3A_539 = arith.maximumf %get3A_535, %get3A_538 : vector<16xf32>
          %swap3A_540 = arith.index_cast %squeeze3A_488 : i32 to index
          %swap3A_541 = arith.constant 64 : index
          %swap3A_542 = tpu.vector_load %arg10[%swap3A_540, %swap3A_541] {strides = array<i32>} : memref<633x128xf32, #tpu.memory_space<vmem>>, vector<16xf32>,
          tpu.vector_store %arg10[%swap3A_540, %swap3A_541], %max3A_539 {strides = array<i32>} : memref<633x128xf32, #tpu.memory_space<vmem>>, vector<16xf32>,
          %get3A_543 = arith.index_cast %squeeze3A_488 : i32 to index
          %get3A_544 = arith.constant 80 : index
          %get3A_545 = tpu.vector_load %arg10[%get3A_543, %get3A_544] {strides = array<i32>} : memref<633x128xf32, #tpu.memory_space<vmem>>, vector<16xf32>,
          %get3A_546 = arith.index_cast %add3A_492 : i32 to index
          %get3A_547 = arith.constant 80 : index
          %get3A_548 = tpu.vector_load %arg9[%get3A_546, %get3A_547] {strides = array<i32>} : memref<64x128xf32, #tpu.memory_space<vmem>>, vector<16xf32>,
          %max3A_549 = arith.maximumf %get3A_545, %get3A_548 : vector<16xf32>
          %swap3A_550 = arith.index_cast %squeeze3A_488 : i32 to index
          %swap3A_551 = arith.constant 80 : index
          %swap3A_552 = tpu.vector_load %arg10[%swap3A_550, %swap3A_551] {strides = array<i32>} : memref<633x128xf32, #tpu.memory_space<vmem>>, vector<16xf32>,
          tpu.vector_store %arg10[%swap3A_550, %swap3A_551], %max3A_549 {strides = array<i32>} : memref<633x128xf32, #tpu.memory_space<vmem>>, vector<16xf32>,
          %get3A_553 = arith.index_cast %squeeze3A_488 : i32 to index
          %get3A_554 = arith.constant 96 : index
          %get3A_555 = tpu.vector_load %arg10[%get3A_553, %get3A_554] {strides = array<i32>} : memref<633x128xf32, #tpu.memory_space<vmem>>, vector<16xf32>,
          %get3A_556 = arith.index_cast %add3A_492 : i32 to index
          %get3A_557 = arith.constant 96 : index
          %get3A_558 = tpu.vector_load %arg9[%get3A_556, %get3A_557] {strides = array<i32>} : memref<64x128xf32, #tpu.memory_space<vmem>>, vector<16xf32>,
          %max3A_559 = arith.maximumf %get3A_555, %get3A_558 : vector<16xf32>
          %swap3A_560 = arith.index_cast %squeeze3A_488 : i32 to index
          %swap3A_561 = arith.constant 96 : index
          %swap3A_562 = tpu.vector_load %arg10[%swap3A_560, %swap3A_561] {strides = array<i32>} : memref<633x128xf32, #tpu.memory_space<vmem>>, vector<16xf32>,
          tpu.vector_store %arg10[%swap3A_560, %swap3A_561], %max3A_559 {strides = array<i32>} : memref<633x128xf32, #tpu.memory_space<vmem>>, vector<16xf32>,
          %get3A_563 = arith.index_cast %squeeze3A_488 : i32 to index
          %get3A_564 = arith.constant 112 : index
          %get3A_565 = tpu.vector_load %arg10[%get3A_563, %get3A_564] {strides = array<i32>} : memref<633x128xf32, #tpu.memory_space<vmem>>, vector<16xf32>,
          %get3A_566 = arith.index_cast %add3A_492 : i32 to index
          %get3A_567 = arith.constant 112 : index
          %get3A_568 = tpu.vector_load %arg9[%get3A_566, %get3A_567] {strides = array<i32>} : memref<64x128xf32, #tpu.memory_space<vmem>>, vector<16xf32>,
          %max3A_569 = arith.maximumf %get3A_565, %get3A_568 : vector<16xf32>
          %swap3A_570 = arith.index_cast %squeeze3A_488 : i32 to index
          %swap3A_571 = arith.constant 112 : index
          %swap3A_572 = tpu.vector_load %arg10[%swap3A_570, %swap3A_571] {strides = array<i32>} : memref<633x128xf32, #tpu.memory_space<vmem>>, vector<16xf32>,
          tpu.vector_store %arg10[%swap3A_570, %swap3A_571], %max3A_569 {strides = array<i32>} : memref<633x128xf32, #tpu.memory_space<vmem>>, vector<16xf32>,
          %slice3A_573 = vector.extract_strided_slice %get3A_231 {offsets = [4], sizes = [1], strides = [1]} : vector<16xi32> to vector<1xi32>
          %squeeze3A_574 = vector.extract %slice3A_573[0] : i32 from vector<1xi32>
          %mul3A_575 = arith.constant 16 : i32
          %mul3A_576 = arith.muli %scan3A_226, %mul3A_575 : i32
          %add3A_577 = arith.constant 4 : i32
          %add3A_578 = arith.addi %mul3A_576, %add3A_577 : i32
          %get3A_579 = arith.index_cast %squeeze3A_574 : i32 to index
          %get3A_580 = arith.constant 0 : index
          %get3A_581 = tpu.vector_load %arg10[%get3A_579, %get3A_580] {strides = array<i32>} : memref<633x128xf32, #tpu.memory_space<vmem>>, vector<16xf32>,
          %get3A_582 = arith.index_cast %add3A_578 : i32 to index
          %get3A_583 = arith.constant 0 : index
          %get3A_584 = tpu.vector_load %arg9[%get3A_582, %get3A_583] {strides = array<i32>} : memref<64x128xf32, #tpu.memory_space<vmem>>, vector<16xf32>,
          %max3A_585 = arith.maximumf %get3A_581, %get3A_584 : vector<16xf32>
          %swap3A_586 = arith.index_cast %squeeze3A_574 : i32 to index
          %swap3A_587 = arith.constant 0 : index
          %swap3A_588 = tpu.vector_load %arg10[%swap3A_586, %swap3A_587] {strides = array<i32>} : memref<633x128xf32, #tpu.memory_space<vmem>>, vector<16xf32>,
          tpu.vector_store %arg10[%swap3A_586, %swap3A_587], %max3A_585 {strides = array<i32>} : memref<633x128xf32, #tpu.memory_space<vmem>>, vector<16xf32>,
          %get3A_589 = arith.index_cast %squeeze3A_574 : i32 to index
          %get3A_590 = arith.constant 16 : index
          %get3A_591 = tpu.vector_load %arg10[%get3A_589, %get3A_590] {strides = array<i32>} : memref<633x128xf32, #tpu.memory_space<vmem>>, vector<16xf32>,
          %get3A_592 = arith.index_cast %add3A_578 : i32 to index
          %get3A_593 = arith.constant 16 : index
          %get3A_594 = tpu.vector_load %arg9[%get3A_592, %get3A_593] {strides = array<i32>} : memref<64x128xf32, #tpu.memory_space<vmem>>, vector<16xf32>,
          %max3A_595 = arith.maximumf %get3A_591, %get3A_594 : vector<16xf32>
          %swap3A_596 = arith.index_cast %squeeze3A_574 : i32 to index
          %swap3A_597 = arith.constant 16 : index
          %swap3A_598 = tpu.vector_load %arg10[%swap3A_596, %swap3A_597] {strides = array<i32>} : memref<633x128xf32, #tpu.memory_space<vmem>>, vector<16xf32>,
          tpu.vector_store %arg10[%swap3A_596, %swap3A_597], %max3A_595 {strides = array<i32>} : memref<633x128xf32, #tpu.memory_space<vmem>>, vector<16xf32>,
          %get3A_599 = arith.index_cast %squeeze3A_574 : i32 to index
          %get3A_600 = arith.constant 32 : index
          %get3A_601 = tpu.vector_load %arg10[%get3A_599, %get3A_600] {strides = array<i32>} : memref<633x128xf32, #tpu.memory_space<vmem>>, vector<16xf32>,
          %get3A_602 = arith.index_cast %add3A_578 : i32 to index
          %get3A_603 = arith.constant 32 : index
          %get3A_604 = tpu.vector_load %arg9[%get3A_602, %get3A_603] {strides = array<i32>} : memref<64x128xf32, #tpu.memory_space<vmem>>, vector<16xf32>,
          %max3A_605 = arith.maximumf %get3A_601, %get3A_604 : vector<16xf32>
          %swap3A_606 = arith.index_cast %squeeze3A_574 : i32 to index
          %swap3A_607 = arith.constant 32 : index
          %swap3A_608 = tpu.vector_load %arg10[%swap3A_606, %swap3A_607] {strides = array<i32>} : memref<633x128xf32, #tpu.memory_space<vmem>>, vector<16xf32>,
          tpu.vector_store %arg10[%swap3A_606, %swap3A_607], %max3A_605 {strides = array<i32>} : memref<633x128xf32, #tpu.memory_space<vmem>>, vector<16xf32>,
          %get3A_609 = arith.index_cast %squeeze3A_574 : i32 to index
          %get3A_610 = arith.constant 48 : index
          %get3A_611 = tpu.vector_load %arg10[%get3A_609, %get3A_610] {strides = array<i32>} : memref<633x128xf32, #tpu.memory_space<vmem>>, vector<16xf32>,
          %get3A_612 = arith.index_cast %add3A_578 : i32 to index
          %get3A_613 = arith.constant 48 : index
          %get3A_614 = tpu.vector_load %arg9[%get3A_612, %get3A_613] {strides = array<i32>} : memref<64x128xf32, #tpu.memory_space<vmem>>, vector<16xf32>,
          %max3A_615 = arith.maximumf %get3A_611, %get3A_614 : vector<16xf32>
          %swap3A_616 = arith.index_cast %squeeze3A_574 : i32 to index
          %swap3A_617 = arith.constant 48 : index
          %swap3A_618 = tpu.vector_load %arg10[%swap3A_616, %swap3A_617] {strides = array<i32>} : memref<633x128xf32, #tpu.memory_space<vmem>>, vector<16xf32>,
          tpu.vector_store %arg10[%swap3A_616, %swap3A_617], %max3A_615 {strides = array<i32>} : memref<633x128xf32, #tpu.memory_space<vmem>>, vector<16xf32>,
          %get3A_619 = arith.index_cast %squeeze3A_574 : i32 to index
          %get3A_620 = arith.constant 64 : index
          %get3A_621 = tpu.vector_load %arg10[%get3A_619, %get3A_620] {strides = array<i32>} : memref<633x128xf32, #tpu.memory_space<vmem>>, vector<16xf32>,
          %get3A_622 = arith.index_cast %add3A_578 : i32 to index
          %get3A_623 = arith.constant 64 : index
          %get3A_624 = tpu.vector_load %arg9[%get3A_622, %get3A_623] {strides = array<i32>} : memref<64x128xf32, #tpu.memory_space<vmem>>, vector<16xf32>,
          %max3A_625 = arith.maximumf %get3A_621, %get3A_624 : vector<16xf32>
          %swap3A_626 = arith.index_cast %squeeze3A_574 : i32 to index
          %swap3A_627 = arith.constant 64 : index
          %swap3A_628 = tpu.vector_load %arg10[%swap3A_626, %swap3A_627] {strides = array<i32>} : memref<633x128xf32, #tpu.memory_space<vmem>>, vector<16xf32>,
          tpu.vector_store %arg10[%swap3A_626, %swap3A_627], %max3A_625 {strides = array<i32>} : memref<633x128xf32, #tpu.memory_space<vmem>>, vector<16xf32>,
          %get3A_629 = arith.index_cast %squeeze3A_574 : i32 to index
          %get3A_630 = arith.constant 80 : index
          %get3A_631 = tpu.vector_load %arg10[%get3A_629, %get3A_630] {strides = array<i32>} : memref<633x128xf32, #tpu.memory_space<vmem>>, vector<16xf32>,
          %get3A_632 = arith.index_cast %add3A_578 : i32 to index
          %get3A_633 = arith.constant 80 : index
          %get3A_634 = tpu.vector_load %arg9[%get3A_632, %get3A_633] {strides = array<i32>} : memref<64x128xf32, #tpu.memory_space<vmem>>, vector<16xf32>,
          %max3A_635 = arith.maximumf %get3A_631, %get3A_634 : vector<16xf32>
          %swap3A_636 = arith.index_cast %squeeze3A_574 : i32 to index
          %swap3A_637 = arith.constant 80 : index
          %swap3A_638 = tpu.vector_load %arg10[%swap3A_636, %swap3A_637] {strides = array<i32>} : memref<633x128xf32, #tpu.memory_space<vmem>>, vector<16xf32>,
          tpu.vector_store %arg10[%swap3A_636, %swap3A_637], %max3A_635 {strides = array<i32>} : memref<633x128xf32, #tpu.memory_space<vmem>>, vector<16xf32>,
          %get3A_639 = arith.index_cast %squeeze3A_574 : i32 to index
          %get3A_640 = arith.constant 96 : index
          %get3A_641 = tpu.vector_load %arg10[%get3A_639, %get3A_640] {strides = array<i32>} : memref<633x128xf32, #tpu.memory_space<vmem>>, vector<16xf32>,
          %get3A_642 = arith.index_cast %add3A_578 : i32 to index
          %get3A_643 = arith.constant 96 : index
          %get3A_644 = tpu.vector_load %arg9[%get3A_642, %get3A_643] {strides = array<i32>} : memref<64x128xf32, #tpu.memory_space<vmem>>, vector<16xf32>,
          %max3A_645 = arith.maximumf %get3A_641, %get3A_644 : vector<16xf32>
          %swap3A_646 = arith.index_cast %squeeze3A_574 : i32 to index
          %swap3A_647 = arith.constant 96 : index
          %swap3A_648 = tpu.vector_load %arg10[%swap3A_646, %swap3A_647] {strides = array<i32>} : memref<633x128xf32, #tpu.memory_space<vmem>>, vector<16xf32>,
          tpu.vector_store %arg10[%swap3A_646, %swap3A_647], %max3A_645 {strides = array<i32>} : memref<633x128xf32, #tpu.memory_space<vmem>>, vector<16xf32>,
          %get3A_649 = arith.index_cast %squeeze3A_574 : i32 to index
          %get3A_650 = arith.constant 112 : index
          %get3A_651 = tpu.vector_load %arg10[%get3A_649, %get3A_650] {strides = array<i32>} : memref<633x128xf32, #tpu.memory_space<vmem>>, vector<16xf32>,
          %get3A_652 = arith.index_cast %add3A_578 : i32 to index
          %get3A_653 = arith.constant 112 : index
          %get3A_654 = tpu.vector_load %arg9[%get3A_652, %get3A_653] {strides = array<i32>} : memref<64x128xf32, #tpu.memory_space<vmem>>, vector<16xf32>,
          %max3A_655 = arith.maximumf %get3A_651, %get3A_654 : vector<16xf32>
          %swap3A_656 = arith.index_cast %squeeze3A_574 : i32 to index
          %swap3A_657 = arith.constant 112 : index
          %swap3A_658 = tpu.vector_load %arg10[%swap3A_656, %swap3A_657] {strides = array<i32>} : memref<633x128xf32, #tpu.memory_space<vmem>>, vector<16xf32>,
          tpu.vector_store %arg10[%swap3A_656, %swap3A_657], %max3A_655 {strides = array<i32>} : memref<633x128xf32, #tpu.memory_space<vmem>>, vector<16xf32>,
          %slice3A_659 = vector.extract_strided_slice %get3A_231 {offsets = [5], sizes = [1], strides = [1]} : vector<16xi32> to vector<1xi32>
          %squeeze3A_660 = vector.extract %slice3A_659[0] : i32 from vector<1xi32>
          %mul3A_661 = arith.constant 16 : i32
          %mul3A_662 = arith.muli %scan3A_226, %mul3A_661 : i32
          %add3A_663 = arith.constant 5 : i32
          %add3A_664 = arith.addi %mul3A_662, %add3A_663 : i32
          %get3A_665 = arith.index_cast %squeeze3A_660 : i32 to index
          %get3A_666 = arith.constant 0 : index
          %get3A_667 = tpu.vector_load %arg10[%get3A_665, %get3A_666] {strides = array<i32>} : memref<633x128xf32, #tpu.memory_space<vmem>>, vector<16xf32>,
          %get3A_668 = arith.index_cast %add3A_664 : i32 to index
          %get3A_669 = arith.constant 0 : index
          %get3A_670 = tpu.vector_load %arg9[%get3A_668, %get3A_669] {strides = array<i32>} : memref<64x128xf32, #tpu.memory_space<vmem>>, vector<16xf32>,
          %max3A_671 = arith.maximumf %get3A_667, %get3A_670 : vector<16xf32>
          %swap3A_672 = arith.index_cast %squeeze3A_660 : i32 to index
          %swap3A_673 = arith.constant 0 : index
          %swap3A_674 = tpu.vector_load %arg10[%swap3A_672, %swap3A_673] {strides = array<i32>} : memref<633x128xf32, #tpu.memory_space<vmem>>, vector<16xf32>,
          tpu.vector_store %arg10[%swap3A_672, %swap3A_673], %max3A_671 {strides = array<i32>} : memref<633x128xf32, #tpu.memory_space<vmem>>, vector<16xf32>,
          %get3A_675 = arith.index_cast %squeeze3A_660 : i32 to index
          %get3A_676 = arith.constant 16 : index
          %get3A_677 = tpu.vector_load %arg10[%get3A_675, %get3A_676] {strides = array<i32>} : memref<633x128xf32, #tpu.memory_space<vmem>>, vector<16xf32>,
          %get3A_678 = arith.index_cast %add3A_664 : i32 to index
          %get3A_679 = arith.constant 16 : index
          %get3A_680 = tpu.vector_load %arg9[%get3A_678, %get3A_679] {strides = array<i32>} : memref<64x128xf32, #tpu.memory_space<vmem>>, vector<16xf32>,
          %max3A_681 = arith.maximumf %get3A_677, %get3A_680 : vector<16xf32>
          %swap3A_682 = arith.index_cast %squeeze3A_660 : i32 to index
          %swap3A_683 = arith.constant 16 : index
          %swap3A_684 = tpu.vector_load %arg10[%swap3A_682, %swap3A_683] {strides = array<i32>} : memref<633x128xf32, #tpu.memory_space<vmem>>, vector<16xf32>,
          tpu.vector_store %arg10[%swap3A_682, %swap3A_683], %max3A_681 {strides = array<i32>} : memref<633x128xf32, #tpu.memory_space<vmem>>, vector<16xf32>,
          %get3A_685 = arith.index_cast %squeeze3A_660 : i32 to index
          %get3A_686 = arith.constant 32 : index
          %get3A_687 = tpu.vector_load %arg10[%get3A_685, %get3A_686] {strides = array<i32>} : memref<633x128xf32, #tpu.memory_space<vmem>>, vector<16xf32>,
          %get3A_688 = arith.index_cast %add3A_664 : i32 to index
          %get3A_689 = arith.constant 32 : index
          %get3A_690 = tpu.vector_load %arg9[%get3A_688, %get3A_689] {strides = array<i32>} : memref<64x128xf32, #tpu.memory_space<vmem>>, vector<16xf32>,
          %max3A_691 = arith.maximumf %get3A_687, %get3A_690 : vector<16xf32>
          %swap3A_692 = arith.index_cast %squeeze3A_660 : i32 to index
          %swap3A_693 = arith.constant 32 : index
          %swap3A_694 = tpu.vector_load %arg10[%swap3A_692, %swap3A_693] {strides = array<i32>} : memref<633x128xf32, #tpu.memory_space<vmem>>, vector<16xf32>,
          tpu.vector_store %arg10[%swap3A_692, %swap3A_693], %max3A_691 {strides = array<i32>} : memref<633x128xf32, #tpu.memory_space<vmem>>, vector<16xf32>,
          %get3A_695 = arith.index_cast %squeeze3A_660 : i32 to index
          %get3A_696 = arith.constant 48 : index
          %get3A_697 = tpu.vector_load %arg10[%get3A_695, %get3A_696] {strides = array<i32>} : memref<633x128xf32, #tpu.memory_space<vmem>>, vector<16xf32>,
          %get3A_698 = arith.index_cast %add3A_664 : i32 to index
          %get3A_699 = arith.constant 48 : index
          %get3A_700 = tpu.vector_load %arg9[%get3A_698, %get3A_699] {strides = array<i32>} : memref<64x128xf32, #tpu.memory_space<vmem>>, vector<16xf32>,
          %max3A_701 = arith.maximumf %get3A_697, %get3A_700 : vector<16xf32>
          %swap3A_702 = arith.index_cast %squeeze3A_660 : i32 to index
          %swap3A_703 = arith.constant 48 : index
          %swap3A_704 = tpu.vector_load %arg10[%swap3A_702, %swap3A_703] {strides = array<i32>} : memref<633x128xf32, #tpu.memory_space<vmem>>, vector<16xf32>,
          tpu.vector_store %arg10[%swap3A_702, %swap3A_703], %max3A_701 {strides = array<i32>} : memref<633x128xf32, #tpu.memory_space<vmem>>, vector<16xf32>,
          %get3A_705 = arith.index_cast %squeeze3A_660 : i32 to index
          %get3A_706 = arith.constant 64 : index
          %get3A_707 = tpu.vector_load %arg10[%get3A_705, %get3A_706] {strides = array<i32>} : memref<633x128xf32, #tpu.memory_space<vmem>>, vector<16xf32>,
          %get3A_708 = arith.index_cast %add3A_664 : i32 to index
          %get3A_709 = arith.constant 64 : index
          %get3A_710 = tpu.vector_load %arg9[%get3A_708, %get3A_709] {strides = array<i32>} : memref<64x128xf32, #tpu.memory_space<vmem>>, vector<16xf32>,
          %max3A_711 = arith.maximumf %get3A_707, %get3A_710 : vector<16xf32>
          %swap3A_712 = arith.index_cast %squeeze3A_660 : i32 to index
          %swap3A_713 = arith.constant 64 : index
          %swap3A_714 = tpu.vector_load %arg10[%swap3A_712, %swap3A_713] {strides = array<i32>} : memref<633x128xf32, #tpu.memory_space<vmem>>, vector<16xf32>,
          tpu.vector_store %arg10[%swap3A_712, %swap3A_713], %max3A_711 {strides = array<i32>} : memref<633x128xf32, #tpu.memory_space<vmem>>, vector<16xf32>,
          %get3A_715 = arith.index_cast %squeeze3A_660 : i32 to index
          %get3A_716 = arith.constant 80 : index
          %get3A_717 = tpu.vector_load %arg10[%get3A_715, %get3A_716] {strides = array<i32>} : memref<633x128xf32, #tpu.memory_space<vmem>>, vector<16xf32>,
          %get3A_718 = arith.index_cast %add3A_664 : i32 to index
          %get3A_719 = arith.constant 80 : index
          %get3A_720 = tpu.vector_load %arg9[%get3A_718, %get3A_719] {strides = array<i32>} : memref<64x128xf32, #tpu.memory_space<vmem>>, vector<16xf32>,
          %max3A_721 = arith.maximumf %get3A_717, %get3A_720 : vector<16xf32>
          %swap3A_722 = arith.index_cast %squeeze3A_660 : i32 to index
          %swap3A_723 = arith.constant 80 : index
          %swap3A_724 = tpu.vector_load %arg10[%swap3A_722, %swap3A_723] {strides = array<i32>} : memref<633x128xf32, #tpu.memory_space<vmem>>, vector<16xf32>,
          tpu.vector_store %arg10[%swap3A_722, %swap3A_723], %max3A_721 {strides = array<i32>} : memref<633x128xf32, #tpu.memory_space<vmem>>, vector<16xf32>,
          %get3A_725 = arith.index_cast %squeeze3A_660 : i32 to index
          %get3A_726 = arith.constant 96 : index
          %get3A_727 = tpu.vector_load %arg10[%get3A_725, %get3A_726] {strides = array<i32>} : memref<633x128xf32, #tpu.memory_space<vmem>>, vector<16xf32>,
          %get3A_728 = arith.index_cast %add3A_664 : i32 to index
          %get3A_729 = arith.constant 96 : index
          %get3A_730 = tpu.vector_load %arg9[%get3A_728, %get3A_729] {strides = array<i32>} : memref<64x128xf32, #tpu.memory_space<vmem>>, vector<16xf32>,
          %max3A_731 = arith.maximumf %get3A_727, %get3A_730 : vector<16xf32>
          %swap3A_732 = arith.index_cast %squeeze3A_660 : i32 to index
          %swap3A_733 = arith.constant 96 : index
          %swap3A_734 = tpu.vector_load %arg10[%swap3A_732, %swap3A_733] {strides = array<i32>} : memref<633x128xf32, #tpu.memory_space<vmem>>, vector<16xf32>,
          tpu.vector_store %arg10[%swap3A_732, %swap3A_733], %max3A_731 {strides = array<i32>} : memref<633x128xf32, #tpu.memory_space<vmem>>, vector<16xf32>,
          %get3A_735 = arith.index_cast %squeeze3A_660 : i32 to index
          %get3A_736 = arith.constant 112 : index
          %get3A_737 = tpu.vector_load %arg10[%get3A_735, %get3A_736] {strides = array<i32>} : memref<633x128xf32, #tpu.memory_space<vmem>>, vector<16xf32>,
          %get3A_738 = arith.index_cast %add3A_664 : i32 to index
          %get3A_739 = arith.constant 112 : index
          %get3A_740 = tpu.vector_load %arg9[%get3A_738, %get3A_739] {strides = array<i32>} : memref<64x128xf32, #tpu.memory_space<vmem>>, vector<16xf32>,
          %max3A_741 = arith.maximumf %get3A_737, %get3A_740 : vector<16xf32>
          %swap3A_742 = arith.index_cast %squeeze3A_660 : i32 to index
          %swap3A_743 = arith.constant 112 : index
          %swap3A_744 = tpu.vector_load %arg10[%swap3A_742, %swap3A_743] {strides = array<i32>} : memref<633x128xf32, #tpu.memory_space<vmem>>, vector<16xf32>,
          tpu.vector_store %arg10[%swap3A_742, %swap3A_743], %max3A_741 {strides = array<i32>} : memref<633x128xf32, #tpu.memory_space<vmem>>, vector<16xf32>,
          %slice3A_745 = vector.extract_strided_slice %get3A_231 {offsets = [6], sizes = [1], strides = [1]} : vector<16xi32> to vector<1xi32>
          %squeeze3A_746 = vector.extract %slice3A_745[0] : i32 from vector<1xi32>
          %mul3A_747 = arith.constant 16 : i32
          %mul3A_748 = arith.muli %scan3A_226, %mul3A_747 : i32
          %add3A_749 = arith.constant 6 : i32
          %add3A_750 = arith.addi %mul3A_748, %add3A_749 : i32
          %get3A_751 = arith.index_cast %squeeze3A_746 : i32 to index
          %get3A_752 = arith.constant 0 : index
          %get3A_753 = tpu.vector_load %arg10[%get3A_751, %get3A_752] {strides = array<i32>} : memref<633x128xf32, #tpu.memory_space<vmem>>, vector<16xf32>,
          %get3A_754 = arith.index_cast %add3A_750 : i32 to index
          %get3A_755 = arith.constant 0 : index
          %get3A_756 = tpu.vector_load %arg9[%get3A_754, %get3A_755] {strides = array<i32>} : memref<64x128xf32, #tpu.memory_space<vmem>>, vector<16xf32>,
          %max3A_757 = arith.maximumf %get3A_753, %get3A_756 : vector<16xf32>
          %swap3A_758 = arith.index_cast %squeeze3A_746 : i32 to index
          %swap3A_759 = arith.constant 0 : index
          %swap3A_760 = tpu.vector_load %arg10[%swap3A_758, %swap3A_759] {strides = array<i32>} : memref<633x128xf32, #tpu.memory_space<vmem>>, vector<16xf32>,
          tpu.vector_store %arg10[%swap3A_758, %swap3A_759], %max3A_757 {strides = array<i32>} : memref<633x128xf32, #tpu.memory_space<vmem>>, vector<16xf32>,
          %get3A_761 = arith.index_cast %squeeze3A_746 : i32 to index
          %get3A_762 = arith.constant 16 : index
          %get3A_763 = tpu.vector_load %arg10[%get3A_761, %get3A_762] {strides = array<i32>} : memref<633x128xf32, #tpu.memory_space<vmem>>, vector<16xf32>,
          %get3A_764 = arith.index_cast %add3A_750 : i32 to index
          %get3A_765 = arith.constant 16 : index
          %get3A_766 = tpu.vector_load %arg9[%get3A_764, %get3A_765] {strides = array<i32>} : memref<64x128xf32, #tpu.memory_space<vmem>>, vector<16xf32>,
          %max3A_767 = arith.maximumf %get3A_763, %get3A_766 : vector<16xf32>
          %swap3A_768 = arith.index_cast %squeeze3A_746 : i32 to index
          %swap3A_769 = arith.constant 16 : index
          %swap3A_770 = tpu.vector_load %arg10[%swap3A_768, %swap3A_769] {strides = array<i32>} : memref<633x128xf32, #tpu.memory_space<vmem>>, vector<16xf32>,
          tpu.vector_store %arg10[%swap3A_768, %swap3A_769], %max3A_767 {strides = array<i32>} : memref<633x128xf32, #tpu.memory_space<vmem>>, vector<16xf32>,
          %get3A_771 = arith.index_cast %squeeze3A_746 : i32 to index
          %get3A_772 = arith.constant 32 : index
          %get3A_773 = tpu.vector_load %arg10[%get3A_771, %get3A_772] {strides = array<i32>} : memref<633x128xf32, #tpu.memory_space<vmem>>, vector<16xf32>,
          %get3A_774 = arith.index_cast %add3A_750 : i32 to index
          %get3A_775 = arith.constant 32 : index
          %get3A_776 = tpu.vector_load %arg9[%get3A_774, %get3A_775] {strides = array<i32>} : memref<64x128xf32, #tpu.memory_space<vmem>>, vector<16xf32>,
          %max3A_777 = arith.maximumf %get3A_773, %get3A_776 : vector<16xf32>
          %swap3A_778 = arith.index_cast %squeeze3A_746 : i32 to index
          %swap3A_779 = arith.constant 32 : index
          %swap3A_780 = tpu.vector_load %arg10[%swap3A_778, %swap3A_779] {strides = array<i32>} : memref<633x128xf32, #tpu.memory_space<vmem>>, vector<16xf32>,
          tpu.vector_store %arg10[%swap3A_778, %swap3A_779], %max3A_777 {strides = array<i32>} : memref<633x128xf32, #tpu.memory_space<vmem>>, vector<16xf32>,
          %get3A_781 = arith.index_cast %squeeze3A_746 : i32 to index
          %get3A_782 = arith.constant 48 : index
          %get3A_783 = tpu.vector_load %arg10[%get3A_781, %get3A_782] {strides = array<i32>} : memref<633x128xf32, #tpu.memory_space<vmem>>, vector<16xf32>,
          %get3A_784 = arith.index_cast %add3A_750 : i32 to index
          %get3A_785 = arith.constant 48 : index
          %get3A_786 = tpu.vector_load %arg9[%get3A_784, %get3A_785] {strides = array<i32>} : memref<64x128xf32, #tpu.memory_space<vmem>>, vector<16xf32>,
          %max3A_787 = arith.maximumf %get3A_783, %get3A_786 : vector<16xf32>
          %swap3A_788 = arith.index_cast %squeeze3A_746 : i32 to index
          %swap3A_789 = arith.constant 48 : index
          %swap3A_790 = tpu.vector_load %arg10[%swap3A_788, %swap3A_789] {strides = array<i32>} : memref<633x128xf32, #tpu.memory_space<vmem>>, vector<16xf32>,
          tpu.vector_store %arg10[%swap3A_788, %swap3A_789], %max3A_787 {strides = array<i32>} : memref<633x128xf32, #tpu.memory_space<vmem>>, vector<16xf32>,
          %get3A_791 = arith.index_cast %squeeze3A_746 : i32 to index
          %get3A_792 = arith.constant 64 : index
          %get3A_793 = tpu.vector_load %arg10[%get3A_791, %get3A_792] {strides = array<i32>} : memref<633x128xf32, #tpu.memory_space<vmem>>, vector<16xf32>,
          %get3A_794 = arith.index_cast %add3A_750 : i32 to index
          %get3A_795 = arith.constant 64 : index
          %get3A_796 = tpu.vector_load %arg9[%get3A_794, %get3A_795] {strides = array<i32>} : memref<64x128xf32, #tpu.memory_space<vmem>>, vector<16xf32>,
          %max3A_797 = arith.maximumf %get3A_793, %get3A_796 : vector<16xf32>
          %swap3A_798 = arith.index_cast %squeeze3A_746 : i32 to index
          %swap3A_799 = arith.constant 64 : index
          %swap3A_800 = tpu.vector_load %arg10[%swap3A_798, %swap3A_799] {strides = array<i32>} : memref<633x128xf32, #tpu.memory_space<vmem>>, vector<16xf32>,
          tpu.vector_store %arg10[%swap3A_798, %swap3A_799], %max3A_797 {strides = array<i32>} : memref<633x128xf32, #tpu.memory_space<vmem>>, vector<16xf32>,
          %get3A_801 = arith.index_cast %squeeze3A_746 : i32 to index
          %get3A_802 = arith.constant 80 : index
          %get3A_803 = tpu.vector_load %arg10[%get3A_801, %get3A_802] {strides = array<i32>} : memref<633x128xf32, #tpu.memory_space<vmem>>, vector<16xf32>,
          %get3A_804 = arith.index_cast %add3A_750 : i32 to index
          %get3A_805 = arith.constant 80 : index
          %get3A_806 = tpu.vector_load %arg9[%get3A_804, %get3A_805] {strides = array<i32>} : memref<64x128xf32, #tpu.memory_space<vmem>>, vector<16xf32>,
          %max3A_807 = arith.maximumf %get3A_803, %get3A_806 : vector<16xf32>
          %swap3A_808 = arith.index_cast %squeeze3A_746 : i32 to index
          %swap3A_809 = arith.constant 80 : index
          %swap3A_810 = tpu.vector_load %arg10[%swap3A_808, %swap3A_809] {strides = array<i32>} : memref<633x128xf32, #tpu.memory_space<vmem>>, vector<16xf32>,
          tpu.vector_store %arg10[%swap3A_808, %swap3A_809], %max3A_807 {strides = array<i32>} : memref<633x128xf32, #tpu.memory_space<vmem>>, vector<16xf32>,
          %get3A_811 = arith.index_cast %squeeze3A_746 : i32 to index
          %get3A_812 = arith.constant 96 : index
          %get3A_813 = tpu.vector_load %arg10[%get3A_811, %get3A_812] {strides = array<i32>} : memref<633x128xf32, #tpu.memory_space<vmem>>, vector<16xf32>,
          %get3A_814 = arith.index_cast %add3A_750 : i32 to index
          %get3A_815 = arith.constant 96 : index
          %get3A_816 = tpu.vector_load %arg9[%get3A_814, %get3A_815] {strides = array<i32>} : memref<64x128xf32, #tpu.memory_space<vmem>>, vector<16xf32>,
          %max3A_817 = arith.maximumf %get3A_813, %get3A_816 : vector<16xf32>
          %swap3A_818 = arith.index_cast %squeeze3A_746 : i32 to index
          %swap3A_819 = arith.constant 96 : index
          %swap3A_820 = tpu.vector_load %arg10[%swap3A_818, %swap3A_819] {strides = array<i32>} : memref<633x128xf32, #tpu.memory_space<vmem>>, vector<16xf32>,
          tpu.vector_store %arg10[%swap3A_818, %swap3A_819], %max3A_817 {strides = array<i32>} : memref<633x128xf32, #tpu.memory_space<vmem>>, vector<16xf32>,
          %get3A_821 = arith.index_cast %squeeze3A_746 : i32 to index
          %get3A_822 = arith.constant 112 : index
          %get3A_823 = tpu.vector_load %arg10[%get3A_821, %get3A_822] {strides = array<i32>} : memref<633x128xf32, #tpu.memory_space<vmem>>, vector<16xf32>,
          %get3A_824 = arith.index_cast %add3A_750 : i32 to index
          %get3A_825 = arith.constant 112 : index
          %get3A_826 = tpu.vector_load %arg9[%get3A_824, %get3A_825] {strides = array<i32>} : memref<64x128xf32, #tpu.memory_space<vmem>>, vector<16xf32>,
          %max3A_827 = arith.maximumf %get3A_823, %get3A_826 : vector<16xf32>
          %swap3A_828 = arith.index_cast %squeeze3A_746 : i32 to index
          %swap3A_829 = arith.constant 112 : index
          %swap3A_830 = tpu.vector_load %arg10[%swap3A_828, %swap3A_829] {strides = array<i32>} : memref<633x128xf32, #tpu.memory_space<vmem>>, vector<16xf32>,
          tpu.vector_store %arg10[%swap3A_828, %swap3A_829], %max3A_827 {strides = array<i32>} : memref<633x128xf32, #tpu.memory_space<vmem>>, vector<16xf32>,
          %slice3A_831 = vector.extract_strided_slice %get3A_231 {offsets = [7], sizes = [1], strides = [1]} : vector<16xi32> to vector<1xi32>
          %squeeze3A_832 = vector.extract %slice3A_831[0] : i32 from vector<1xi32>
          %mul3A_833 = arith.constant 16 : i32
          %mul3A_834 = arith.muli %scan3A_226, %mul3A_833 : i32
          %add3A_835 = arith.constant 7 : i32
          %add3A_836 = arith.addi %mul3A_834, %add3A_835 : i32
          %get3A_837 = arith.index_cast %squeeze3A_832 : i32 to index
          %get3A_838 = arith.constant 0 : index
          %get3A_839 = tpu.vector_load %arg10[%get3A_837, %get3A_838] {strides = array<i32>} : memref<633x128xf32, #tpu.memory_space<vmem>>, vector<16xf32>,
          %get3A_840 = arith.index_cast %add3A_836 : i32 to index
          %get3A_841 = arith.constant 0 : index
          %get3A_842 = tpu.vector_load %arg9[%get3A_840, %get3A_841] {strides = array<i32>} : memref<64x128xf32, #tpu.memory_space<vmem>>, vector<16xf32>,
          %max3A_843 = arith.maximumf %get3A_839, %get3A_842 : vector<16xf32>
          %swap3A_844 = arith.index_cast %squeeze3A_832 : i32 to index
          %swap3A_845 = arith.constant 0 : index
          %swap3A_846 = tpu.vector_load %arg10[%swap3A_844, %swap3A_845] {strides = array<i32>} : memref<633x128xf32, #tpu.memory_space<vmem>>, vector<16xf32>,
          tpu.vector_store %arg10[%swap3A_844, %swap3A_845], %max3A_843 {strides = array<i32>} : memref<633x128xf32, #tpu.memory_space<vmem>>, vector<16xf32>,
          %get3A_847 = arith.index_cast %squeeze3A_832 : i32 to index
          %get3A_848 = arith.constant 16 : index
          %get3A_849 = tpu.vector_load %arg10[%get3A_847, %get3A_848] {strides = array<i32>} : memref<633x128xf32, #tpu.memory_space<vmem>>, vector<16xf32>,
          %get3A_850 = arith.index_cast %add3A_836 : i32 to index
          %get3A_851 = arith.constant 16 : index
          %get3A_852 = tpu.vector_load %arg9[%get3A_850, %get3A_851] {strides = array<i32>} : memref<64x128xf32, #tpu.memory_space<vmem>>, vector<16xf32>,
          %max3A_853 = arith.maximumf %get3A_849, %get3A_852 : vector<16xf32>
          %swap3A_854 = arith.index_cast %squeeze3A_832 : i32 to index
          %swap3A_855 = arith.constant 16 : index
          %swap3A_856 = tpu.vector_load %arg10[%swap3A_854, %swap3A_855] {strides = array<i32>} : memref<633x128xf32, #tpu.memory_space<vmem>>, vector<16xf32>,
          tpu.vector_store %arg10[%swap3A_854, %swap3A_855], %max3A_853 {strides = array<i32>} : memref<633x128xf32, #tpu.memory_space<vmem>>, vector<16xf32>,
          %get3A_857 = arith.index_cast %squeeze3A_832 : i32 to index
          %get3A_858 = arith.constant 32 : index
          %get3A_859 = tpu.vector_load %arg10[%get3A_857, %get3A_858] {strides = array<i32>} : memref<633x128xf32, #tpu.memory_space<vmem>>, vector<16xf32>,
          %get3A_860 = arith.index_cast %add3A_836 : i32 to index
          %get3A_861 = arith.constant 32 : index
          %get3A_862 = tpu.vector_load %arg9[%get3A_860, %get3A_861] {strides = array<i32>} : memref<64x128xf32, #tpu.memory_space<vmem>>, vector<16xf32>,
          %max3A_863 = arith.maximumf %get3A_859, %get3A_862 : vector<16xf32>
          %swap3A_864 = arith.index_cast %squeeze3A_832 : i32 to index
          %swap3A_865 = arith.constant 32 : index
          %swap3A_866 = tpu.vector_load %arg10[%swap3A_864, %swap3A_865] {strides = array<i32>} : memref<633x128xf32, #tpu.memory_space<vmem>>, vector<16xf32>,
          tpu.vector_store %arg10[%swap3A_864, %swap3A_865], %max3A_863 {strides = array<i32>} : memref<633x128xf32, #tpu.memory_space<vmem>>, vector<16xf32>,
          %get3A_867 = arith.index_cast %squeeze3A_832 : i32 to index
          %get3A_868 = arith.constant 48 : index
          %get3A_869 = tpu.vector_load %arg10[%get3A_867, %get3A_868] {strides = array<i32>} : memref<633x128xf32, #tpu.memory_space<vmem>>, vector<16xf32>,
          %get3A_870 = arith.index_cast %add3A_836 : i32 to index
          %get3A_871 = arith.constant 48 : index
          %get3A_872 = tpu.vector_load %arg9[%get3A_870, %get3A_871] {strides = array<i32>} : memref<64x128xf32, #tpu.memory_space<vmem>>, vector<16xf32>,
          %max3A_873 = arith.maximumf %get3A_869, %get3A_872 : vector<16xf32>
          %swap3A_874 = arith.index_cast %squeeze3A_832 : i32 to index
          %swap3A_875 = arith.constant 48 : index
          %swap3A_876 = tpu.vector_load %arg10[%swap3A_874, %swap3A_875] {strides = array<i32>} : memref<633x128xf32, #tpu.memory_space<vmem>>, vector<16xf32>,
          tpu.vector_store %arg10[%swap3A_874, %swap3A_875], %max3A_873 {strides = array<i32>} : memref<633x128xf32, #tpu.memory_space<vmem>>, vector<16xf32>,
          %get3A_877 = arith.index_cast %squeeze3A_832 : i32 to index
          %get3A_878 = arith.constant 64 : index
          %get3A_879 = tpu.vector_load %arg10[%get3A_877, %get3A_878] {strides = array<i32>} : memref<633x128xf32, #tpu.memory_space<vmem>>, vector<16xf32>,
          %get3A_880 = arith.index_cast %add3A_836 : i32 to index
          %get3A_881 = arith.constant 64 : index
          %get3A_882 = tpu.vector_load %arg9[%get3A_880, %get3A_881] {strides = array<i32>} : memref<64x128xf32, #tpu.memory_space<vmem>>, vector<16xf32>,
          %max3A_883 = arith.maximumf %get3A_879, %get3A_882 : vector<16xf32>
          %swap3A_884 = arith.index_cast %squeeze3A_832 : i32 to index
          %swap3A_885 = arith.constant 64 : index
          %swap3A_886 = tpu.vector_load %arg10[%swap3A_884, %swap3A_885] {strides = array<i32>} : memref<633x128xf32, #tpu.memory_space<vmem>>, vector<16xf32>,
          tpu.vector_store %arg10[%swap3A_884, %swap3A_885], %max3A_883 {strides = array<i32>} : memref<633x128xf32, #tpu.memory_space<vmem>>, vector<16xf32>,
          %get3A_887 = arith.index_cast %squeeze3A_832 : i32 to index
          %get3A_888 = arith.constant 80 : index
          %get3A_889 = tpu.vector_load %arg10[%get3A_887, %get3A_888] {strides = array<i32>} : memref<633x128xf32, #tpu.memory_space<vmem>>, vector<16xf32>,
          %get3A_890 = arith.index_cast %add3A_836 : i32 to index
          %get3A_891 = arith.constant 80 : index
          %get3A_892 = tpu.vector_load %arg9[%get3A_890, %get3A_891] {strides = array<i32>} : memref<64x128xf32, #tpu.memory_space<vmem>>, vector<16xf32>,
          %max3A_893 = arith.maximumf %get3A_889, %get3A_892 : vector<16xf32>
          %swap3A_894 = arith.index_cast %squeeze3A_832 : i32 to index
          %swap3A_895 = arith.constant 80 : index
          %swap3A_896 = tpu.vector_load %arg10[%swap3A_894, %swap3A_895] {strides = array<i32>} : memref<633x128xf32, #tpu.memory_space<vmem>>, vector<16xf32>,
          tpu.vector_store %arg10[%swap3A_894, %swap3A_895], %max3A_893 {strides = array<i32>} : memref<633x128xf32, #tpu.memory_space<vmem>>, vector<16xf32>,
          %get3A_897 = arith.index_cast %squeeze3A_832 : i32 to index
          %get3A_898 = arith.constant 96 : index
          %get3A_899 = tpu.vector_load %arg10[%get3A_897, %get3A_898] {strides = array<i32>} : memref<633x128xf32, #tpu.memory_space<vmem>>, vector<16xf32>,
          %get3A_900 = arith.index_cast %add3A_836 : i32 to index
          %get3A_901 = arith.constant 96 : index
          %get3A_902 = tpu.vector_load %arg9[%get3A_900, %get3A_901] {strides = array<i32>} : memref<64x128xf32, #tpu.memory_space<vmem>>, vector<16xf32>,
          %max3A_903 = arith.maximumf %get3A_899, %get3A_902 : vector<16xf32>
          %swap3A_904 = arith.index_cast %squeeze3A_832 : i32 to index
          %swap3A_905 = arith.constant 96 : index
          %swap3A_906 = tpu.vector_load %arg10[%swap3A_904, %swap3A_905] {strides = array<i32>} : memref<633x128xf32, #tpu.memory_space<vmem>>, vector<16xf32>,
          tpu.vector_store %arg10[%swap3A_904, %swap3A_905], %max3A_903 {strides = array<i32>} : memref<633x128xf32, #tpu.memory_space<vmem>>, vector<16xf32>,
          %get3A_907 = arith.index_cast %squeeze3A_832 : i32 to index
          %get3A_908 = arith.constant 112 : index
          %get3A_909 = tpu.vector_load %arg10[%get3A_907, %get3A_908] {strides = array<i32>} : memref<633x128xf32, #tpu.memory_space<vmem>>, vector<16xf32>,
          %get3A_910 = arith.index_cast %add3A_836 : i32 to index
          %get3A_911 = arith.constant 112 : index
          %get3A_912 = tpu.vector_load %arg9[%get3A_910, %get3A_911] {strides = array<i32>} : memref<64x128xf32, #tpu.memory_space<vmem>>, vector<16xf32>,
          %max3A_913 = arith.maximumf %get3A_909, %get3A_912 : vector<16xf32>
          %swap3A_914 = arith.index_cast %squeeze3A_832 : i32 to index
          %swap3A_915 = arith.constant 112 : index
          %swap3A_916 = tpu.vector_load %arg10[%swap3A_914, %swap3A_915] {strides = array<i32>} : memref<633x128xf32, #tpu.memory_space<vmem>>, vector<16xf32>,
          tpu.vector_store %arg10[%swap3A_914, %swap3A_915], %max3A_913 {strides = array<i32>} : memref<633x128xf32, #tpu.memory_space<vmem>>, vector<16xf32>,
          %slice3A_917 = vector.extract_strided_slice %get3A_231 {offsets = [8], sizes = [1], strides = [1]} : vector<16xi32> to vector<1xi32>
          %squeeze3A_918 = vector.extract %slice3A_917[0] : i32 from vector<1xi32>
          %mul3A_919 = arith.constant 16 : i32
          %mul3A_920 = arith.muli %scan3A_226, %mul3A_919 : i32
          %add3A_921 = arith.constant 8 : i32
          %add3A_922 = arith.addi %mul3A_920, %add3A_921 : i32
          %get3A_923 = arith.index_cast %squeeze3A_918 : i32 to index
          %get3A_924 = arith.constant 0 : index
          %get3A_925 = tpu.vector_load %arg10[%get3A_923, %get3A_924] {strides = array<i32>} : memref<633x128xf32, #tpu.memory_space<vmem>>, vector<16xf32>,
          %get3A_926 = arith.index_cast %add3A_922 : i32 to index
          %get3A_927 = arith.constant 0 : index
          %get3A_928 = tpu.vector_load %arg9[%get3A_926, %get3A_927] {strides = array<i32>} : memref<64x128xf32, #tpu.memory_space<vmem>>, vector<16xf32>,
          %max3A_929 = arith.maximumf %get3A_925, %get3A_928 : vector<16xf32>
          %swap3A_930 = arith.index_cast %squeeze3A_918 : i32 to index
          %swap3A_931 = arith.constant 0 : index
          %swap3A_932 = tpu.vector_load %arg10[%swap3A_930, %swap3A_931] {strides = array<i32>} : memref<633x128xf32, #tpu.memory_space<vmem>>, vector<16xf32>,
          tpu.vector_store %arg10[%swap3A_930, %swap3A_931], %max3A_929 {strides = array<i32>} : memref<633x128xf32, #tpu.memory_space<vmem>>, vector<16xf32>,
          %get3A_933 = arith.index_cast %squeeze3A_918 : i32 to index
          %get3A_934 = arith.constant 16 : index
          %get3A_935 = tpu.vector_load %arg10[%get3A_933, %get3A_934] {strides = array<i32>} : memref<633x128xf32, #tpu.memory_space<vmem>>, vector<16xf32>,
          %get3A_936 = arith.index_cast %add3A_922 : i32 to index
          %get3A_937 = arith.constant 16 : index
          %get3A_938 = tpu.vector_load %arg9[%get3A_936, %get3A_937] {strides = array<i32>} : memref<64x128xf32, #tpu.memory_space<vmem>>, vector<16xf32>,
          %max3A_939 = arith.maximumf %get3A_935, %get3A_938 : vector<16xf32>
          %swap3A_940 = arith.index_cast %squeeze3A_918 : i32 to index
          %swap3A_941 = arith.constant 16 : index
          %swap3A_942 = tpu.vector_load %arg10[%swap3A_940, %swap3A_941] {strides = array<i32>} : memref<633x128xf32, #tpu.memory_space<vmem>>, vector<16xf32>,
          tpu.vector_store %arg10[%swap3A_940, %swap3A_941], %max3A_939 {strides = array<i32>} : memref<633x128xf32, #tpu.memory_space<vmem>>, vector<16xf32>,
          %get3A_943 = arith.index_cast %squeeze3A_918 : i32 to index
          %get3A_944 = arith.constant 32 : index
          %get3A_945 = tpu.vector_load %arg10[%get3A_943, %get3A_944] {strides = array<i32>} : memref<633x128xf32, #tpu.memory_space<vmem>>, vector<16xf32>,
          %get3A_946 = arith.index_cast %add3A_922 : i32 to index
          %get3A_947 = arith.constant 32 : index
          %get3A_948 = tpu.vector_load %arg9[%get3A_946, %get3A_947] {strides = array<i32>} : memref<64x128xf32, #tpu.memory_space<vmem>>, vector<16xf32>,
          %max3A_949 = arith.maximumf %get3A_945, %get3A_948 : vector<16xf32>
          %swap3A_950 = arith.index_cast %squeeze3A_918 : i32 to index
          %swap3A_951 = arith.constant 32 : index
          %swap3A_952 = tpu.vector_load %arg10[%swap3A_950, %swap3A_951] {strides = array<i32>} : memref<633x128xf32, #tpu.memory_space<vmem>>, vector<16xf32>,
          tpu.vector_store %arg10[%swap3A_950, %swap3A_951], %max3A_949 {strides = array<i32>} : memref<633x128xf32, #tpu.memory_space<vmem>>, vector<16xf32>,
          %get3A_953 = arith.index_cast %squeeze3A_918 : i32 to index
          %get3A_954 = arith.constant 48 : index
          %get3A_955 = tpu.vector_load %arg10[%get3A_953, %get3A_954] {strides = array<i32>} : memref<633x128xf32, #tpu.memory_space<vmem>>, vector<16xf32>,
          %get3A_956 = arith.index_cast %add3A_922 : i32 to index
          %get3A_957 = arith.constant 48 : index
          %get3A_958 = tpu.vector_load %arg9[%get3A_956, %get3A_957] {strides = array<i32>} : memref<64x128xf32, #tpu.memory_space<vmem>>, vector<16xf32>,
          %max3A_959 = arith.maximumf %get3A_955, %get3A_958 : vector<16xf32>
          %swap3A_960 = arith.index_cast %squeeze3A_918 : i32 to index
          %swap3A_961 = arith.constant 48 : index
          %swap3A_962 = tpu.vector_load %arg10[%swap3A_960, %swap3A_961] {strides = array<i32>} : memref<633x128xf32, #tpu.memory_space<vmem>>, vector<16xf32>,
          tpu.vector_store %arg10[%swap3A_960, %swap3A_961], %max3A_959 {strides = array<i32>} : memref<633x128xf32, #tpu.memory_space<vmem>>, vector<16xf32>,
          %get3A_963 = arith.index_cast %squeeze3A_918 : i32 to index
          %get3A_964 = arith.constant 64 : index
          %get3A_965 = tpu.vector_load %arg10[%get3A_963, %get3A_964] {strides = array<i32>} : memref<633x128xf32, #tpu.memory_space<vmem>>, vector<16xf32>,
          %get3A_966 = arith.index_cast %add3A_922 : i32 to index
          %get3A_967 = arith.constant 64 : index
          %get3A_968 = tpu.vector_load %arg9[%get3A_966, %get3A_967] {strides = array<i32>} : memref<64x128xf32, #tpu.memory_space<vmem>>, vector<16xf32>,
          %max3A_969 = arith.maximumf %get3A_965, %get3A_968 : vector<16xf32>
          %swap3A_970 = arith.index_cast %squeeze3A_918 : i32 to index
          %swap3A_971 = arith.constant 64 : index
          %swap3A_972 = tpu.vector_load %arg10[%swap3A_970, %swap3A_971] {strides = array<i32>} : memref<633x128xf32, #tpu.memory_space<vmem>>, vector<16xf32>,
          tpu.vector_store %arg10[%swap3A_970, %swap3A_971], %max3A_969 {strides = array<i32>} : memref<633x128xf32, #tpu.memory_space<vmem>>, vector<16xf32>,
          %get3A_973 = arith.index_cast %squeeze3A_918 : i32 to index
          %get3A_974 = arith.constant 80 : index
          %get3A_975 = tpu.vector_load %arg10[%get3A_973, %get3A_974] {strides = array<i32>} : memref<633x128xf32, #tpu.memory_space<vmem>>, vector<16xf32>,
          %get3A_976 = arith.index_cast %add3A_922 : i32 to index
          %get3A_977 = arith.constant 80 : index
          %get3A_978 = tpu.vector_load %arg9[%get3A_976, %get3A_977] {strides = array<i32>} : memref<64x128xf32, #tpu.memory_space<vmem>>, vector<16xf32>,
          %max3A_979 = arith.maximumf %get3A_975, %get3A_978 : vector<16xf32>
          %swap3A_980 = arith.index_cast %squeeze3A_918 : i32 to index
          %swap3A_981 = arith.constant 80 : index
          %swap3A_982 = tpu.vector_load %arg10[%swap3A_980, %swap3A_981] {strides = array<i32>} : memref<633x128xf32, #tpu.memory_space<vmem>>, vector<16xf32>,
          tpu.vector_store %arg10[%swap3A_980, %swap3A_981], %max3A_979 {strides = array<i32>} : memref<633x128xf32, #tpu.memory_space<vmem>>, vector<16xf32>,
          %get3A_983 = arith.index_cast %squeeze3A_918 : i32 to index
          %get3A_984 = arith.constant 96 : index
          %get3A_985 = tpu.vector_load %arg10[%get3A_983, %get3A_984] {strides = array<i32>} : memref<633x128xf32, #tpu.memory_space<vmem>>, vector<16xf32>,
          %get3A_986 = arith.index_cast %add3A_922 : i32 to index
          %get3A_987 = arith.constant 96 : index
          %get3A_988 = tpu.vector_load %arg9[%get3A_986, %get3A_987] {strides = array<i32>} : memref<64x128xf32, #tpu.memory_space<vmem>>, vector<16xf32>,
          %max3A_989 = arith.maximumf %get3A_985, %get3A_988 : vector<16xf32>
          %swap3A_990 = arith.index_cast %squeeze3A_918 : i32 to index
          %swap3A_991 = arith.constant 96 : index
          %swap3A_992 = tpu.vector_load %arg10[%swap3A_990, %swap3A_991] {strides = array<i32>} : memref<633x128xf32, #tpu.memory_space<vmem>>, vector<16xf32>,
          tpu.vector_store %arg10[%swap3A_990, %swap3A_991], %max3A_989 {strides = array<i32>} : memref<633x128xf32, #tpu.memory_space<vmem>>, vector<16xf32>,
          %get3A_993 = arith.index_cast %squeeze3A_918 : i32 to index
          %get3A_994 = arith.constant 112 : index
          %get3A_995 = tpu.vector_load %arg10[%get3A_993, %get3A_994] {strides = array<i32>} : memref<633x128xf32, #tpu.memory_space<vmem>>, vector<16xf32>,
          %get3A_996 = arith.index_cast %add3A_922 : i32 to index
          %get3A_997 = arith.constant 112 : index
          %get3A_998 = tpu.vector_load %arg9[%get3A_996, %get3A_997] {strides = array<i32>} : memref<64x128xf32, #tpu.memory_space<vmem>>, vector<16xf32>,
          %max3A_999 = arith.maximumf %get3A_995, %get3A_998 : vector<16xf32>
          %swap3A_1000 = arith.index_cast %squeeze3A_918 : i32 to index
          %swap3A_1001 = arith.constant 112 : index
          %swap3A_1002 = tpu.vector_load %arg10[%swap3A_1000, %swap3A_1001] {strides = array<i32>} : memref<633x128xf32, #tpu.memory_space<vmem>>, vector<16xf32>,
          tpu.vector_store %arg10[%swap3A_1000, %swap3A_1001], %max3A_999 {strides = array<i32>} : memref<633x128xf32, #tpu.memory_space<vmem>>, vector<16xf32>,
          %slice3A_1003 = vector.extract_strided_slice %get3A_231 {offsets = [9], sizes = [1], strides = [1]} : vector<16xi32> to vector<1xi32>
          %squeeze3A_1004 = vector.extract %slice3A_1003[0] : i32 from vector<1xi32>
          %mul3A_1005 = arith.constant 16 : i32
          %mul3A_1006 = arith.muli %scan3A_226, %mul3A_1005 : i32
          %add3A_1007 = arith.constant 9 : i32
          %add3A_1008 = arith.addi %mul3A_1006, %add3A_1007 : i32
          %get3A_1009 = arith.index_cast %squeeze3A_1004 : i32 to index
          %get3A_1010 = arith.constant 0 : index
          %get3A_1011 = tpu.vector_load %arg10[%get3A_1009, %get3A_1010] {strides = array<i32>} : memref<633x128xf32, #tpu.memory_space<vmem>>, vector<16xf32>,
          %get3A_1012 = arith.index_cast %add3A_1008 : i32 to index
          %get3A_1013 = arith.constant 0 : index
          %get3A_1014 = tpu.vector_load %arg9[%get3A_1012, %get3A_1013] {strides = array<i32>} : memref<64x128xf32, #tpu.memory_space<vmem>>, vector<16xf32>,
          %max3A_1015 = arith.maximumf %get3A_1011, %get3A_1014 : vector<16xf32>
          %swap3A_1016 = arith.index_cast %squeeze3A_1004 : i32 to index
          %swap3A_1017 = arith.constant 0 : index
          %swap3A_1018 = tpu.vector_load %arg10[%swap3A_1016, %swap3A_1017] {strides = array<i32>} : memref<633x128xf32, #tpu.memory_space<vmem>>, vector<16xf32>,
          tpu.vector_store %arg10[%swap3A_1016, %swap3A_1017], %max3A_1015 {strides = array<i32>} : memref<633x128xf32, #tpu.memory_space<vmem>>, vector<16xf32>,
          %get3A_1019 = arith.index_cast %squeeze3A_1004 : i32 to index
          %get3A_1020 = arith.constant 16 : index
          %get3A_1021 = tpu.vector_load %arg10[%get3A_1019, %get3A_1020] {strides = array<i32>} : memref<633x128xf32, #tpu.memory_space<vmem>>, vector<16xf32>,
          %get3A_1022 = arith.index_cast %add3A_1008 : i32 to index
          %get3A_1023 = arith.constant 16 : index
          %get3A_1024 = tpu.vector_load %arg9[%get3A_1022, %get3A_1023] {strides = array<i32>} : memref<64x128xf32, #tpu.memory_space<vmem>>, vector<16xf32>,
          %max3A_1025 = arith.maximumf %get3A_1021, %get3A_1024 : vector<16xf32>
          %swap3A_1026 = arith.index_cast %squeeze3A_1004 : i32 to index
          %swap3A_1027 = arith.constant 16 : index
          %swap3A_1028 = tpu.vector_load %arg10[%swap3A_1026, %swap3A_1027] {strides = array<i32>} : memref<633x128xf32, #tpu.memory_space<vmem>>, vector<16xf32>,
          tpu.vector_store %arg10[%swap3A_1026, %swap3A_1027], %max3A_1025 {strides = array<i32>} : memref<633x128xf32, #tpu.memory_space<vmem>>, vector<16xf32>,
          %get3A_1029 = arith.index_cast %squeeze3A_1004 : i32 to index
          %get3A_1030 = arith.constant 32 : index
          %get3A_1031 = tpu.vector_load %arg10[%get3A_1029, %get3A_1030] {strides = array<i32>} : memref<633x128xf32, #tpu.memory_space<vmem>>, vector<16xf32>,
          %get3A_1032 = arith.index_cast %add3A_1008 : i32 to index
          %get3A_1033 = arith.constant 32 : index
          %get3A_1034 = tpu.vector_load %arg9[%get3A_1032, %get3A_1033] {strides = array<i32>} : memref<64x128xf32, #tpu.memory_space<vmem>>, vector<16xf32>,
          %max3A_1035 = arith.maximumf %get3A_1031, %get3A_1034 : vector<16xf32>
          %swap3A_1036 = arith.index_cast %squeeze3A_1004 : i32 to index
          %swap3A_1037 = arith.constant 32 : index
          %swap3A_1038 = tpu.vector_load %arg10[%swap3A_1036, %swap3A_1037] {strides = array<i32>} : memref<633x128xf32, #tpu.memory_space<vmem>>, vector<16xf32>,
          tpu.vector_store %arg10[%swap3A_1036, %swap3A_1037], %max3A_1035 {strides = array<i32>} : memref<633x128xf32, #tpu.memory_space<vmem>>, vector<16xf32>,
          %get3A_1039 = arith.index_cast %squeeze3A_1004 : i32 to index
          %get3A_1040 = arith.constant 48 : index
          %get3A_1041 = tpu.vector_load %arg10[%get3A_1039, %get3A_1040] {strides = array<i32>} : memref<633x128xf32, #tpu.memory_space<vmem>>, vector<16xf32>,
          %get3A_1042 = arith.index_cast %add3A_1008 : i32 to index
          %get3A_1043 = arith.constant 48 : index
          %get3A_1044 = tpu.vector_load %arg9[%get3A_1042, %get3A_1043] {strides = array<i32>} : memref<64x128xf32, #tpu.memory_space<vmem>>, vector<16xf32>,
          %max3A_1045 = arith.maximumf %get3A_1041, %get3A_1044 : vector<16xf32>
          %swap3A_1046 = arith.index_cast %squeeze3A_1004 : i32 to index
          %swap3A_1047 = arith.constant 48 : index
          %swap3A_1048 = tpu.vector_load %arg10[%swap3A_1046, %swap3A_1047] {strides = array<i32>} : memref<633x128xf32, #tpu.memory_space<vmem>>, vector<16xf32>,
          tpu.vector_store %arg10[%swap3A_1046, %swap3A_1047], %max3A_1045 {strides = array<i32>} : memref<633x128xf32, #tpu.memory_space<vmem>>, vector<16xf32>,
          %get3A_1049 = arith.index_cast %squeeze3A_1004 : i32 to index
          %get3A_1050 = arith.constant 64 : index
          %get3A_1051 = tpu.vector_load %arg10[%get3A_1049, %get3A_1050] {strides = array<i32>} : memref<633x128xf32, #tpu.memory_space<vmem>>, vector<16xf32>,
          %get3A_1052 = arith.index_cast %add3A_1008 : i32 to index
          %get3A_1053 = arith.constant 64 : index
          %get3A_1054 = tpu.vector_load %arg9[%get3A_1052, %get3A_1053] {strides = array<i32>} : memref<64x128xf32, #tpu.memory_space<vmem>>, vector<16xf32>,
          %max3A_1055 = arith.maximumf %get3A_1051, %get3A_1054 : vector<16xf32>
          %swap3A_1056 = arith.index_cast %squeeze3A_1004 : i32 to index
          %swap3A_1057 = arith.constant 64 : index
          %swap3A_1058 = tpu.vector_load %arg10[%swap3A_1056, %swap3A_1057] {strides = array<i32>} : memref<633x128xf32, #tpu.memory_space<vmem>>, vector<16xf32>,
          tpu.vector_store %arg10[%swap3A_1056, %swap3A_1057], %max3A_1055 {strides = array<i32>} : memref<633x128xf32, #tpu.memory_space<vmem>>, vector<16xf32>,
          %get3A_1059 = arith.index_cast %squeeze3A_1004 : i32 to index
          %get3A_1060 = arith.constant 80 : index
          %get3A_1061 = tpu.vector_load %arg10[%get3A_1059, %get3A_1060] {strides = array<i32>} : memref<633x128xf32, #tpu.memory_space<vmem>>, vector<16xf32>,
          %get3A_1062 = arith.index_cast %add3A_1008 : i32 to index
          %get3A_1063 = arith.constant 80 : index
          %get3A_1064 = tpu.vector_load %arg9[%get3A_1062, %get3A_1063] {strides = array<i32>} : memref<64x128xf32, #tpu.memory_space<vmem>>, vector<16xf32>,
          %max3A_1065 = arith.maximumf %get3A_1061, %get3A_1064 : vector<16xf32>
          %swap3A_1066 = arith.index_cast %squeeze3A_1004 : i32 to index
          %swap3A_1067 = arith.constant 80 : index
          %swap3A_1068 = tpu.vector_load %arg10[%swap3A_1066, %swap3A_1067] {strides = array<i32>} : memref<633x128xf32, #tpu.memory_space<vmem>>, vector<16xf32>,
          tpu.vector_store %arg10[%swap3A_1066, %swap3A_1067], %max3A_1065 {strides = array<i32>} : memref<633x128xf32, #tpu.memory_space<vmem>>, vector<16xf32>,
          %get3A_1069 = arith.index_cast %squeeze3A_1004 : i32 to index
          %get3A_1070 = arith.constant 96 : index
          %get3A_1071 = tpu.vector_load %arg10[%get3A_1069, %get3A_1070] {strides = array<i32>} : memref<633x128xf32, #tpu.memory_space<vmem>>, vector<16xf32>,
          %get3A_1072 = arith.index_cast %add3A_1008 : i32 to index
          %get3A_1073 = arith.constant 96 : index
          %get3A_1074 = tpu.vector_load %arg9[%get3A_1072, %get3A_1073] {strides = array<i32>} : memref<64x128xf32, #tpu.memory_space<vmem>>, vector<16xf32>,
          %max3A_1075 = arith.maximumf %get3A_1071, %get3A_1074 : vector<16xf32>
          %swap3A_1076 = arith.index_cast %squeeze3A_1004 : i32 to index
          %swap3A_1077 = arith.constant 96 : index
          %swap3A_1078 = tpu.vector_load %arg10[%swap3A_1076, %swap3A_1077] {strides = array<i32>} : memref<633x128xf32, #tpu.memory_space<vmem>>, vector<16xf32>,
          tpu.vector_store %arg10[%swap3A_1076, %swap3A_1077], %max3A_1075 {strides = array<i32>} : memref<633x128xf32, #tpu.memory_space<vmem>>, vector<16xf32>,
          %get3A_1079 = arith.index_cast %squeeze3A_1004 : i32 to index
          %get3A_1080 = arith.constant 112 : index
          %get3A_1081 = tpu.vector_load %arg10[%get3A_1079, %get3A_1080] {strides = array<i32>} : memref<633x128xf32, #tpu.memory_space<vmem>>, vector<16xf32>,
          %get3A_1082 = arith.index_cast %add3A_1008 : i32 to index
          %get3A_1083 = arith.constant 112 : index
          %get3A_1084 = tpu.vector_load %arg9[%get3A_1082, %get3A_1083] {strides = array<i32>} : memref<64x128xf32, #tpu.memory_space<vmem>>, vector<16xf32>,
          %max3A_1085 = arith.maximumf %get3A_1081, %get3A_1084 : vector<16xf32>
          %swap3A_1086 = arith.index_cast %squeeze3A_1004 : i32 to index
          %swap3A_1087 = arith.constant 112 : index
          %swap3A_1088 = tpu.vector_load %arg10[%swap3A_1086, %swap3A_1087] {strides = array<i32>} : memref<633x128xf32, #tpu.memory_space<vmem>>, vector<16xf32>,
          tpu.vector_store %arg10[%swap3A_1086, %swap3A_1087], %max3A_1085 {strides = array<i32>} : memref<633x128xf32, #tpu.memory_space<vmem>>, vector<16xf32>,
          %slice3A_1089 = vector.extract_strided_slice %get3A_231 {offsets = [10], sizes = [1], strides = [1]} : vector<16xi32> to vector<1xi32>
          %squeeze3A_1090 = vector.extract %slice3A_1089[0] : i32 from vector<1xi32>
          %mul3A_1091 = arith.constant 16 : i32
          %mul3A_1092 = arith.muli %scan3A_226, %mul3A_1091 : i32
          %add3A_1093 = arith.constant 10 : i32
          %add3A_1094 = arith.addi %mul3A_1092, %add3A_1093 : i32
          %get3A_1095 = arith.index_cast %squeeze3A_1090 : i32 to index
          %get3A_1096 = arith.constant 0 : index
          %get3A_1097 = tpu.vector_load %arg10[%get3A_1095, %get3A_1096] {strides = array<i32>} : memref<633x128xf32, #tpu.memory_space<vmem>>, vector<16xf32>,
          %get3A_1098 = arith.index_cast %add3A_1094 : i32 to index
          %get3A_1099 = arith.constant 0 : index
          %get3A_1100 = tpu.vector_load %arg9[%get3A_1098, %get3A_1099] {strides = array<i32>} : memref<64x128xf32, #tpu.memory_space<vmem>>, vector<16xf32>,
          %max3A_1101 = arith.maximumf %get3A_1097, %get3A_1100 : vector<16xf32>
          %swap3A_1102 = arith.index_cast %squeeze3A_1090 : i32 to index
          %swap3A_1103 = arith.constant 0 : index
          %swap3A_1104 = tpu.vector_load %arg10[%swap3A_1102, %swap3A_1103] {strides = array<i32>} : memref<633x128xf32, #tpu.memory_space<vmem>>, vector<16xf32>,
          tpu.vector_store %arg10[%swap3A_1102, %swap3A_1103], %max3A_1101 {strides = array<i32>} : memref<633x128xf32, #tpu.memory_space<vmem>>, vector<16xf32>,
          %get3A_1105 = arith.index_cast %squeeze3A_1090 : i32 to index
          %get3A_1106 = arith.constant 16 : index
          %get3A_1107 = tpu.vector_load %arg10[%get3A_1105, %get3A_1106] {strides = array<i32>} : memref<633x128xf32, #tpu.memory_space<vmem>>, vector<16xf32>,
          %get3A_1108 = arith.index_cast %add3A_1094 : i32 to index
          %get3A_1109 = arith.constant 16 : index
          %get3A_1110 = tpu.vector_load %arg9[%get3A_1108, %get3A_1109] {strides = array<i32>} : memref<64x128xf32, #tpu.memory_space<vmem>>, vector<16xf32>,
          %max3A_1111 = arith.maximumf %get3A_1107, %get3A_1110 : vector<16xf32>
          %swap3A_1112 = arith.index_cast %squeeze3A_1090 : i32 to index
          %swap3A_1113 = arith.constant 16 : index
          %swap3A_1114 = tpu.vector_load %arg10[%swap3A_1112, %swap3A_1113] {strides = array<i32>} : memref<633x128xf32, #tpu.memory_space<vmem>>, vector<16xf32>,
          tpu.vector_store %arg10[%swap3A_1112, %swap3A_1113], %max3A_1111 {strides = array<i32>} : memref<633x128xf32, #tpu.memory_space<vmem>>, vector<16xf32>,
          %get3A_1115 = arith.index_cast %squeeze3A_1090 : i32 to index
          %get3A_1116 = arith.constant 32 : index
          %get3A_1117 = tpu.vector_load %arg10[%get3A_1115, %get3A_1116] {strides = array<i32>} : memref<633x128xf32, #tpu.memory_space<vmem>>, vector<16xf32>,
          %get3A_1118 = arith.index_cast %add3A_1094 : i32 to index
          %get3A_1119 = arith.constant 32 : index
          %get3A_1120 = tpu.vector_load %arg9[%get3A_1118, %get3A_1119] {strides = array<i32>} : memref<64x128xf32, #tpu.memory_space<vmem>>, vector<16xf32>,
          %max3A_1121 = arith.maximumf %get3A_1117, %get3A_1120 : vector<16xf32>
          %swap3A_1122 = arith.index_cast %squeeze3A_1090 : i32 to index
          %swap3A_1123 = arith.constant 32 : index
          %swap3A_1124 = tpu.vector_load %arg10[%swap3A_1122, %swap3A_1123] {strides = array<i32>} : memref<633x128xf32, #tpu.memory_space<vmem>>, vector<16xf32>,
          tpu.vector_store %arg10[%swap3A_1122, %swap3A_1123], %max3A_1121 {strides = array<i32>} : memref<633x128xf32, #tpu.memory_space<vmem>>, vector<16xf32>,
          %get3A_1125 = arith.index_cast %squeeze3A_1090 : i32 to index
          %get3A_1126 = arith.constant 48 : index
          %get3A_1127 = tpu.vector_load %arg10[%get3A_1125, %get3A_1126] {strides = array<i32>} : memref<633x128xf32, #tpu.memory_space<vmem>>, vector<16xf32>,
          %get3A_1128 = arith.index_cast %add3A_1094 : i32 to index
          %get3A_1129 = arith.constant 48 : index
          %get3A_1130 = tpu.vector_load %arg9[%get3A_1128, %get3A_1129] {strides = array<i32>} : memref<64x128xf32, #tpu.memory_space<vmem>>, vector<16xf32>,
          %max3A_1131 = arith.maximumf %get3A_1127, %get3A_1130 : vector<16xf32>
          %swap3A_1132 = arith.index_cast %squeeze3A_1090 : i32 to index
          %swap3A_1133 = arith.constant 48 : index
          %swap3A_1134 = tpu.vector_load %arg10[%swap3A_1132, %swap3A_1133] {strides = array<i32>} : memref<633x128xf32, #tpu.memory_space<vmem>>, vector<16xf32>,
          tpu.vector_store %arg10[%swap3A_1132, %swap3A_1133], %max3A_1131 {strides = array<i32>} : memref<633x128xf32, #tpu.memory_space<vmem>>, vector<16xf32>,
          %get3A_1135 = arith.index_cast %squeeze3A_1090 : i32 to index
          %get3A_1136 = arith.constant 64 : index
          %get3A_1137 = tpu.vector_load %arg10[%get3A_1135, %get3A_1136] {strides = array<i32>} : memref<633x128xf32, #tpu.memory_space<vmem>>, vector<16xf32>,
          %get3A_1138 = arith.index_cast %add3A_1094 : i32 to index
          %get3A_1139 = arith.constant 64 : index
          %get3A_1140 = tpu.vector_load %arg9[%get3A_1138, %get3A_1139] {strides = array<i32>} : memref<64x128xf32, #tpu.memory_space<vmem>>, vector<16xf32>,
          %max3A_1141 = arith.maximumf %get3A_1137, %get3A_1140 : vector<16xf32>
          %swap3A_1142 = arith.index_cast %squeeze3A_1090 : i32 to index
          %swap3A_1143 = arith.constant 64 : index
          %swap3A_1144 = tpu.vector_load %arg10[%swap3A_1142, %swap3A_1143] {strides = array<i32>} : memref<633x128xf32, #tpu.memory_space<vmem>>, vector<16xf32>,
          tpu.vector_store %arg10[%swap3A_1142, %swap3A_1143], %max3A_1141 {strides = array<i32>} : memref<633x128xf32, #tpu.memory_space<vmem>>, vector<16xf32>,
          %get3A_1145 = arith.index_cast %squeeze3A_1090 : i32 to index
          %get3A_1146 = arith.constant 80 : index
          %get3A_1147 = tpu.vector_load %arg10[%get3A_1145, %get3A_1146] {strides = array<i32>} : memref<633x128xf32, #tpu.memory_space<vmem>>, vector<16xf32>,
          %get3A_1148 = arith.index_cast %add3A_1094 : i32 to index
          %get3A_1149 = arith.constant 80 : index
          %get3A_1150 = tpu.vector_load %arg9[%get3A_1148, %get3A_1149] {strides = array<i32>} : memref<64x128xf32, #tpu.memory_space<vmem>>, vector<16xf32>,
          %max3A_1151 = arith.maximumf %get3A_1147, %get3A_1150 : vector<16xf32>
          %swap3A_1152 = arith.index_cast %squeeze3A_1090 : i32 to index
          %swap3A_1153 = arith.constant 80 : index
          %swap3A_1154 = tpu.vector_load %arg10[%swap3A_1152, %swap3A_1153] {strides = array<i32>} : memref<633x128xf32, #tpu.memory_space<vmem>>, vector<16xf32>,
          tpu.vector_store %arg10[%swap3A_1152, %swap3A_1153], %max3A_1151 {strides = array<i32>} : memref<633x128xf32, #tpu.memory_space<vmem>>, vector<16xf32>,
          %get3A_1155 = arith.index_cast %squeeze3A_1090 : i32 to index
          %get3A_1156 = arith.constant 96 : index
          %get3A_1157 = tpu.vector_load %arg10[%get3A_1155, %get3A_1156] {strides = array<i32>} : memref<633x128xf32, #tpu.memory_space<vmem>>, vector<16xf32>,
          %get3A_1158 = arith.index_cast %add3A_1094 : i32 to index
          %get3A_1159 = arith.constant 96 : index
          %get3A_1160 = tpu.vector_load %arg9[%get3A_1158, %get3A_1159] {strides = array<i32>} : memref<64x128xf32, #tpu.memory_space<vmem>>, vector<16xf32>,
          %max3A_1161 = arith.maximumf %get3A_1157, %get3A_1160 : vector<16xf32>
          %swap3A_1162 = arith.index_cast %squeeze3A_1090 : i32 to index
          %swap3A_1163 = arith.constant 96 : index
          %swap3A_1164 = tpu.vector_load %arg10[%swap3A_1162, %swap3A_1163] {strides = array<i32>} : memref<633x128xf32, #tpu.memory_space<vmem>>, vector<16xf32>,
          tpu.vector_store %arg10[%swap3A_1162, %swap3A_1163], %max3A_1161 {strides = array<i32>} : memref<633x128xf32, #tpu.memory_space<vmem>>, vector<16xf32>,
          %get3A_1165 = arith.index_cast %squeeze3A_1090 : i32 to index
          %get3A_1166 = arith.constant 112 : index
          %get3A_1167 = tpu.vector_load %arg10[%get3A_1165, %get3A_1166] {strides = array<i32>} : memref<633x128xf32, #tpu.memory_space<vmem>>, vector<16xf32>,
          %get3A_1168 = arith.index_cast %add3A_1094 : i32 to index
          %get3A_1169 = arith.constant 112 : index
          %get3A_1170 = tpu.vector_load %arg9[%get3A_1168, %get3A_1169] {strides = array<i32>} : memref<64x128xf32, #tpu.memory_space<vmem>>, vector<16xf32>,
          %max3A_1171 = arith.maximumf %get3A_1167, %get3A_1170 : vector<16xf32>
          %swap3A_1172 = arith.index_cast %squeeze3A_1090 : i32 to index
          %swap3A_1173 = arith.constant 112 : index
          %swap3A_1174 = tpu.vector_load %arg10[%swap3A_1172, %swap3A_1173] {strides = array<i32>} : memref<633x128xf32, #tpu.memory_space<vmem>>, vector<16xf32>,
          tpu.vector_store %arg10[%swap3A_1172, %swap3A_1173], %max3A_1171 {strides = array<i32>} : memref<633x128xf32, #tpu.memory_space<vmem>>, vector<16xf32>,
          %slice3A_1175 = vector.extract_strided_slice %get3A_231 {offsets = [11], sizes = [1], strides = [1]} : vector<16xi32> to vector<1xi32>
          %squeeze3A_1176 = vector.extract %slice3A_1175[0] : i32 from vector<1xi32>
          %mul3A_1177 = arith.constant 16 : i32
          %mul3A_1178 = arith.muli %scan3A_226, %mul3A_1177 : i32
          %add3A_1179 = arith.constant 11 : i32
          %add3A_1180 = arith.addi %mul3A_1178, %add3A_1179 : i32
          %get3A_1181 = arith.index_cast %squeeze3A_1176 : i32 to index
          %get3A_1182 = arith.constant 0 : index
          %get3A_1183 = tpu.vector_load %arg10[%get3A_1181, %get3A_1182] {strides = array<i32>} : memref<633x128xf32, #tpu.memory_space<vmem>>, vector<16xf32>,
          %get3A_1184 = arith.index_cast %add3A_1180 : i32 to index
          %get3A_1185 = arith.constant 0 : index
          %get3A_1186 = tpu.vector_load %arg9[%get3A_1184, %get3A_1185] {strides = array<i32>} : memref<64x128xf32, #tpu.memory_space<vmem>>, vector<16xf32>,
          %max3A_1187 = arith.maximumf %get3A_1183, %get3A_1186 : vector<16xf32>
          %swap3A_1188 = arith.index_cast %squeeze3A_1176 : i32 to index
          %swap3A_1189 = arith.constant 0 : index
          %swap3A_1190 = tpu.vector_load %arg10[%swap3A_1188, %swap3A_1189] {strides = array<i32>} : memref<633x128xf32, #tpu.memory_space<vmem>>, vector<16xf32>,
          tpu.vector_store %arg10[%swap3A_1188, %swap3A_1189], %max3A_1187 {strides = array<i32>} : memref<633x128xf32, #tpu.memory_space<vmem>>, vector<16xf32>,
          %get3A_1191 = arith.index_cast %squeeze3A_1176 : i32 to index
          %get3A_1192 = arith.constant 16 : index
          %get3A_1193 = tpu.vector_load %arg10[%get3A_1191, %get3A_1192] {strides = array<i32>} : memref<633x128xf32, #tpu.memory_space<vmem>>, vector<16xf32>,
          %get3A_1194 = arith.index_cast %add3A_1180 : i32 to index
          %get3A_1195 = arith.constant 16 : index
          %get3A_1196 = tpu.vector_load %arg9[%get3A_1194, %get3A_1195] {strides = array<i32>} : memref<64x128xf32, #tpu.memory_space<vmem>>, vector<16xf32>,
          %max3A_1197 = arith.maximumf %get3A_1193, %get3A_1196 : vector<16xf32>
          %swap3A_1198 = arith.index_cast %squeeze3A_1176 : i32 to index
          %swap3A_1199 = arith.constant 16 : index
          %swap3A_1200 = tpu.vector_load %arg10[%swap3A_1198, %swap3A_1199] {strides = array<i32>} : memref<633x128xf32, #tpu.memory_space<vmem>>, vector<16xf32>,
          tpu.vector_store %arg10[%swap3A_1198, %swap3A_1199], %max3A_1197 {strides = array<i32>} : memref<633x128xf32, #tpu.memory_space<vmem>>, vector<16xf32>,
          %get3A_1201 = arith.index_cast %squeeze3A_1176 : i32 to index
          %get3A_1202 = arith.constant 32 : index
          %get3A_1203 = tpu.vector_load %arg10[%get3A_1201, %get3A_1202] {strides = array<i32>} : memref<633x128xf32, #tpu.memory_space<vmem>>, vector<16xf32>,
          %get3A_1204 = arith.index_cast %add3A_1180 : i32 to index
          %get3A_1205 = arith.constant 32 : index
          %get3A_1206 = tpu.vector_load %arg9[%get3A_1204, %get3A_1205] {strides = array<i32>} : memref<64x128xf32, #tpu.memory_space<vmem>>, vector<16xf32>,
          %max3A_1207 = arith.maximumf %get3A_1203, %get3A_1206 : vector<16xf32>
          %swap3A_1208 = arith.index_cast %squeeze3A_1176 : i32 to index
          %swap3A_1209 = arith.constant 32 : index
          %swap3A_1210 = tpu.vector_load %arg10[%swap3A_1208, %swap3A_1209] {strides = array<i32>} : memref<633x128xf32, #tpu.memory_space<vmem>>, vector<16xf32>,
          tpu.vector_store %arg10[%swap3A_1208, %swap3A_1209], %max3A_1207 {strides = array<i32>} : memref<633x128xf32, #tpu.memory_space<vmem>>, vector<16xf32>,
          %get3A_1211 = arith.index_cast %squeeze3A_1176 : i32 to index
          %get3A_1212 = arith.constant 48 : index
          %get3A_1213 = tpu.vector_load %arg10[%get3A_1211, %get3A_1212] {strides = array<i32>} : memref<633x128xf32, #tpu.memory_space<vmem>>, vector<16xf32>,
          %get3A_1214 = arith.index_cast %add3A_1180 : i32 to index
          %get3A_1215 = arith.constant 48 : index
          %get3A_1216 = tpu.vector_load %arg9[%get3A_1214, %get3A_1215] {strides = array<i32>} : memref<64x128xf32, #tpu.memory_space<vmem>>, vector<16xf32>,
          %max3A_1217 = arith.maximumf %get3A_1213, %get3A_1216 : vector<16xf32>
          %swap3A_1218 = arith.index_cast %squeeze3A_1176 : i32 to index
          %swap3A_1219 = arith.constant 48 : index
          %swap3A_1220 = tpu.vector_load %arg10[%swap3A_1218, %swap3A_1219] {strides = array<i32>} : memref<633x128xf32, #tpu.memory_space<vmem>>, vector<16xf32>,
          tpu.vector_store %arg10[%swap3A_1218, %swap3A_1219], %max3A_1217 {strides = array<i32>} : memref<633x128xf32, #tpu.memory_space<vmem>>, vector<16xf32>,
          %get3A_1221 = arith.index_cast %squeeze3A_1176 : i32 to index
          %get3A_1222 = arith.constant 64 : index
          %get3A_1223 = tpu.vector_load %arg10[%get3A_1221, %get3A_1222] {strides = array<i32>} : memref<633x128xf32, #tpu.memory_space<vmem>>, vector<16xf32>,
          %get3A_1224 = arith.index_cast %add3A_1180 : i32 to index
          %get3A_1225 = arith.constant 64 : index
          %get3A_1226 = tpu.vector_load %arg9[%get3A_1224, %get3A_1225] {strides = array<i32>} : memref<64x128xf32, #tpu.memory_space<vmem>>, vector<16xf32>,
          %max3A_1227 = arith.maximumf %get3A_1223, %get3A_1226 : vector<16xf32>
          %swap3A_1228 = arith.index_cast %squeeze3A_1176 : i32 to index
          %swap3A_1229 = arith.constant 64 : index
          %swap3A_1230 = tpu.vector_load %arg10[%swap3A_1228, %swap3A_1229] {strides = array<i32>} : memref<633x128xf32, #tpu.memory_space<vmem>>, vector<16xf32>,
          tpu.vector_store %arg10[%swap3A_1228, %swap3A_1229], %max3A_1227 {strides = array<i32>} : memref<633x128xf32, #tpu.memory_space<vmem>>, vector<16xf32>,
          %get3A_1231 = arith.index_cast %squeeze3A_1176 : i32 to index
          %get3A_1232 = arith.constant 80 : index
          %get3A_1233 = tpu.vector_load %arg10[%get3A_1231, %get3A_1232] {strides = array<i32>} : memref<633x128xf32, #tpu.memory_space<vmem>>, vector<16xf32>,
          %get3A_1234 = arith.index_cast %add3A_1180 : i32 to index
          %get3A_1235 = arith.constant 80 : index
          %get3A_1236 = tpu.vector_load %arg9[%get3A_1234, %get3A_1235] {strides = array<i32>} : memref<64x128xf32, #tpu.memory_space<vmem>>, vector<16xf32>,
          %max3A_1237 = arith.maximumf %get3A_1233, %get3A_1236 : vector<16xf32>
          %swap3A_1238 = arith.index_cast %squeeze3A_1176 : i32 to index
          %swap3A_1239 = arith.constant 80 : index
          %swap3A_1240 = tpu.vector_load %arg10[%swap3A_1238, %swap3A_1239] {strides = array<i32>} : memref<633x128xf32, #tpu.memory_space<vmem>>, vector<16xf32>,
          tpu.vector_store %arg10[%swap3A_1238, %swap3A_1239], %max3A_1237 {strides = array<i32>} : memref<633x128xf32, #tpu.memory_space<vmem>>, vector<16xf32>,
          %get3A_1241 = arith.index_cast %squeeze3A_1176 : i32 to index
          %get3A_1242 = arith.constant 96 : index
          %get3A_1243 = tpu.vector_load %arg10[%get3A_1241, %get3A_1242] {strides = array<i32>} : memref<633x128xf32, #tpu.memory_space<vmem>>, vector<16xf32>,
          %get3A_1244 = arith.index_cast %add3A_1180 : i32 to index
          %get3A_1245 = arith.constant 96 : index
          %get3A_1246 = tpu.vector_load %arg9[%get3A_1244, %get3A_1245] {strides = array<i32>} : memref<64x128xf32, #tpu.memory_space<vmem>>, vector<16xf32>,
          %max3A_1247 = arith.maximumf %get3A_1243, %get3A_1246 : vector<16xf32>
          %swap3A_1248 = arith.index_cast %squeeze3A_1176 : i32 to index
          %swap3A_1249 = arith.constant 96 : index
          %swap3A_1250 = tpu.vector_load %arg10[%swap3A_1248, %swap3A_1249] {strides = array<i32>} : memref<633x128xf32, #tpu.memory_space<vmem>>, vector<16xf32>,
          tpu.vector_store %arg10[%swap3A_1248, %swap3A_1249], %max3A_1247 {strides = array<i32>} : memref<633x128xf32, #tpu.memory_space<vmem>>, vector<16xf32>,
          %get3A_1251 = arith.index_cast %squeeze3A_1176 : i32 to index
          %get3A_1252 = arith.constant 112 : index
          %get3A_1253 = tpu.vector_load %arg10[%get3A_1251, %get3A_1252] {strides = array<i32>} : memref<633x128xf32, #tpu.memory_space<vmem>>, vector<16xf32>,
          %get3A_1254 = arith.index_cast %add3A_1180 : i32 to index
          %get3A_1255 = arith.constant 112 : index
          %get3A_1256 = tpu.vector_load %arg9[%get3A_1254, %get3A_1255] {strides = array<i32>} : memref<64x128xf32, #tpu.memory_space<vmem>>, vector<16xf32>,
          %max3A_1257 = arith.maximumf %get3A_1253, %get3A_1256 : vector<16xf32>
          %swap3A_1258 = arith.index_cast %squeeze3A_1176 : i32 to index
          %swap3A_1259 = arith.constant 112 : index
          %swap3A_1260 = tpu.vector_load %arg10[%swap3A_1258, %swap3A_1259] {strides = array<i32>} : memref<633x128xf32, #tpu.memory_space<vmem>>, vector<16xf32>,
          tpu.vector_store %arg10[%swap3A_1258, %swap3A_1259], %max3A_1257 {strides = array<i32>} : memref<633x128xf32, #tpu.memory_space<vmem>>, vector<16xf32>,
          %slice3A_1261 = vector.extract_strided_slice %get3A_231 {offsets = [12], sizes = [1], strides = [1]} : vector<16xi32> to vector<1xi32>
          %squeeze3A_1262 = vector.extract %slice3A_1261[0] : i32 from vector<1xi32>
          %mul3A_1263 = arith.constant 16 : i32
          %mul3A_1264 = arith.muli %scan3A_226, %mul3A_1263 : i32
          %add3A_1265 = arith.constant 12 : i32
          %add3A_1266 = arith.addi %mul3A_1264, %add3A_1265 : i32
          %get3A_1267 = arith.index_cast %squeeze3A_1262 : i32 to index
          %get3A_1268 = arith.constant 0 : index
          %get3A_1269 = tpu.vector_load %arg10[%get3A_1267, %get3A_1268] {strides = array<i32>} : memref<633x128xf32, #tpu.memory_space<vmem>>, vector<16xf32>,
          %get3A_1270 = arith.index_cast %add3A_1266 : i32 to index
          %get3A_1271 = arith.constant 0 : index
          %get3A_1272 = tpu.vector_load %arg9[%get3A_1270, %get3A_1271] {strides = array<i32>} : memref<64x128xf32, #tpu.memory_space<vmem>>, vector<16xf32>,
          %max3A_1273 = arith.maximumf %get3A_1269, %get3A_1272 : vector<16xf32>
          %swap3A_1274 = arith.index_cast %squeeze3A_1262 : i32 to index
          %swap3A_1275 = arith.constant 0 : index
          %swap3A_1276 = tpu.vector_load %arg10[%swap3A_1274, %swap3A_1275] {strides = array<i32>} : memref<633x128xf32, #tpu.memory_space<vmem>>, vector<16xf32>,
          tpu.vector_store %arg10[%swap3A_1274, %swap3A_1275], %max3A_1273 {strides = array<i32>} : memref<633x128xf32, #tpu.memory_space<vmem>>, vector<16xf32>,
          %get3A_1277 = arith.index_cast %squeeze3A_1262 : i32 to index
          %get3A_1278 = arith.constant 16 : index
          %get3A_1279 = tpu.vector_load %arg10[%get3A_1277, %get3A_1278] {strides = array<i32>} : memref<633x128xf32, #tpu.memory_space<vmem>>, vector<16xf32>,
          %get3A_1280 = arith.index_cast %add3A_1266 : i32 to index
          %get3A_1281 = arith.constant 16 : index
          %get3A_1282 = tpu.vector_load %arg9[%get3A_1280, %get3A_1281] {strides = array<i32>} : memref<64x128xf32, #tpu.memory_space<vmem>>, vector<16xf32>,
          %max3A_1283 = arith.maximumf %get3A_1279, %get3A_1282 : vector<16xf32>
          %swap3A_1284 = arith.index_cast %squeeze3A_1262 : i32 to index
          %swap3A_1285 = arith.constant 16 : index
          %swap3A_1286 = tpu.vector_load %arg10[%swap3A_1284, %swap3A_1285] {strides = array<i32>} : memref<633x128xf32, #tpu.memory_space<vmem>>, vector<16xf32>,
          tpu.vector_store %arg10[%swap3A_1284, %swap3A_1285], %max3A_1283 {strides = array<i32>} : memref<633x128xf32, #tpu.memory_space<vmem>>, vector<16xf32>,
          %get3A_1287 = arith.index_cast %squeeze3A_1262 : i32 to index
          %get3A_1288 = arith.constant 32 : index
          %get3A_1289 = tpu.vector_load %arg10[%get3A_1287, %get3A_1288] {strides = array<i32>} : memref<633x128xf32, #tpu.memory_space<vmem>>, vector<16xf32>,
          %get3A_1290 = arith.index_cast %add3A_1266 : i32 to index
          %get3A_1291 = arith.constant 32 : index
          %get3A_1292 = tpu.vector_load %arg9[%get3A_1290, %get3A_1291] {strides = array<i32>} : memref<64x128xf32, #tpu.memory_space<vmem>>, vector<16xf32>,
          %max3A_1293 = arith.maximumf %get3A_1289, %get3A_1292 : vector<16xf32>
          %swap3A_1294 = arith.index_cast %squeeze3A_1262 : i32 to index
          %swap3A_1295 = arith.constant 32 : index
          %swap3A_1296 = tpu.vector_load %arg10[%swap3A_1294, %swap3A_1295] {strides = array<i32>} : memref<633x128xf32, #tpu.memory_space<vmem>>, vector<16xf32>,
          tpu.vector_store %arg10[%swap3A_1294, %swap3A_1295], %max3A_1293 {strides = array<i32>} : memref<633x128xf32, #tpu.memory_space<vmem>>, vector<16xf32>,
          %get3A_1297 = arith.index_cast %squeeze3A_1262 : i32 to index
          %get3A_1298 = arith.constant 48 : index
          %get3A_1299 = tpu.vector_load %arg10[%get3A_1297, %get3A_1298] {strides = array<i32>} : memref<633x128xf32, #tpu.memory_space<vmem>>, vector<16xf32>,
          %get3A_1300 = arith.index_cast %add3A_1266 : i32 to index
          %get3A_1301 = arith.constant 48 : index
          %get3A_1302 = tpu.vector_load %arg9[%get3A_1300, %get3A_1301] {strides = array<i32>} : memref<64x128xf32, #tpu.memory_space<vmem>>, vector<16xf32>,
          %max3A_1303 = arith.maximumf %get3A_1299, %get3A_1302 : vector<16xf32>
          %swap3A_1304 = arith.index_cast %squeeze3A_1262 : i32 to index
          %swap3A_1305 = arith.constant 48 : index
          %swap3A_1306 = tpu.vector_load %arg10[%swap3A_1304, %swap3A_1305] {strides = array<i32>} : memref<633x128xf32, #tpu.memory_space<vmem>>, vector<16xf32>,
          tpu.vector_store %arg10[%swap3A_1304, %swap3A_1305], %max3A_1303 {strides = array<i32>} : memref<633x128xf32, #tpu.memory_space<vmem>>, vector<16xf32>,
          %get3A_1307 = arith.index_cast %squeeze3A_1262 : i32 to index
          %get3A_1308 = arith.constant 64 : index
          %get3A_1309 = tpu.vector_load %arg10[%get3A_1307, %get3A_1308] {strides = array<i32>} : memref<633x128xf32, #tpu.memory_space<vmem>>, vector<16xf32>,
          %get3A_1310 = arith.index_cast %add3A_1266 : i32 to index
          %get3A_1311 = arith.constant 64 : index
          %get3A_1312 = tpu.vector_load %arg9[%get3A_1310, %get3A_1311] {strides = array<i32>} : memref<64x128xf32, #tpu.memory_space<vmem>>, vector<16xf32>,
          %max3A_1313 = arith.maximumf %get3A_1309, %get3A_1312 : vector<16xf32>
          %swap3A_1314 = arith.index_cast %squeeze3A_1262 : i32 to index
          %swap3A_1315 = arith.constant 64 : index
          %swap3A_1316 = tpu.vector_load %arg10[%swap3A_1314, %swap3A_1315] {strides = array<i32>} : memref<633x128xf32, #tpu.memory_space<vmem>>, vector<16xf32>,
          tpu.vector_store %arg10[%swap3A_1314, %swap3A_1315], %max3A_1313 {strides = array<i32>} : memref<633x128xf32, #tpu.memory_space<vmem>>, vector<16xf32>,
          %get3A_1317 = arith.index_cast %squeeze3A_1262 : i32 to index
          %get3A_1318 = arith.constant 80 : index
          %get3A_1319 = tpu.vector_load %arg10[%get3A_1317, %get3A_1318] {strides = array<i32>} : memref<633x128xf32, #tpu.memory_space<vmem>>, vector<16xf32>,
          %get3A_1320 = arith.index_cast %add3A_1266 : i32 to index
          %get3A_1321 = arith.constant 80 : index
          %get3A_1322 = tpu.vector_load %arg9[%get3A_1320, %get3A_1321] {strides = array<i32>} : memref<64x128xf32, #tpu.memory_space<vmem>>, vector<16xf32>,
          %max3A_1323 = arith.maximumf %get3A_1319, %get3A_1322 : vector<16xf32>
          %swap3A_1324 = arith.index_cast %squeeze3A_1262 : i32 to index
          %swap3A_1325 = arith.constant 80 : index
          %swap3A_1326 = tpu.vector_load %arg10[%swap3A_1324, %swap3A_1325] {strides = array<i32>} : memref<633x128xf32, #tpu.memory_space<vmem>>, vector<16xf32>,
          tpu.vector_store %arg10[%swap3A_1324, %swap3A_1325], %max3A_1323 {strides = array<i32>} : memref<633x128xf32, #tpu.memory_space<vmem>>, vector<16xf32>,
          %get3A_1327 = arith.index_cast %squeeze3A_1262 : i32 to index
          %get3A_1328 = arith.constant 96 : index
          %get3A_1329 = tpu.vector_load %arg10[%get3A_1327, %get3A_1328] {strides = array<i32>} : memref<633x128xf32, #tpu.memory_space<vmem>>, vector<16xf32>,
          %get3A_1330 = arith.index_cast %add3A_1266 : i32 to index
          %get3A_1331 = arith.constant 96 : index
          %get3A_1332 = tpu.vector_load %arg9[%get3A_1330, %get3A_1331] {strides = array<i32>} : memref<64x128xf32, #tpu.memory_space<vmem>>, vector<16xf32>,
          %max3A_1333 = arith.maximumf %get3A_1329, %get3A_1332 : vector<16xf32>
          %swap3A_1334 = arith.index_cast %squeeze3A_1262 : i32 to index
          %swap3A_1335 = arith.constant 96 : index
          %swap3A_1336 = tpu.vector_load %arg10[%swap3A_1334, %swap3A_1335] {strides = array<i32>} : memref<633x128xf32, #tpu.memory_space<vmem>>, vector<16xf32>,
          tpu.vector_store %arg10[%swap3A_1334, %swap3A_1335], %max3A_1333 {strides = array<i32>} : memref<633x128xf32, #tpu.memory_space<vmem>>, vector<16xf32>,
          %get3A_1337 = arith.index_cast %squeeze3A_1262 : i32 to index
          %get3A_1338 = arith.constant 112 : index
          %get3A_1339 = tpu.vector_load %arg10[%get3A_1337, %get3A_1338] {strides = array<i32>} : memref<633x128xf32, #tpu.memory_space<vmem>>, vector<16xf32>,
          %get3A_1340 = arith.index_cast %add3A_1266 : i32 to index
          %get3A_1341 = arith.constant 112 : index
          %get3A_1342 = tpu.vector_load %arg9[%get3A_1340, %get3A_1341] {strides = array<i32>} : memref<64x128xf32, #tpu.memory_space<vmem>>, vector<16xf32>,
          %max3A_1343 = arith.maximumf %get3A_1339, %get3A_1342 : vector<16xf32>
          %swap3A_1344 = arith.index_cast %squeeze3A_1262 : i32 to index
          %swap3A_1345 = arith.constant 112 : index
          %swap3A_1346 = tpu.vector_load %arg10[%swap3A_1344, %swap3A_1345] {strides = array<i32>} : memref<633x128xf32, #tpu.memory_space<vmem>>, vector<16xf32>,
          tpu.vector_store %arg10[%swap3A_1344, %swap3A_1345], %max3A_1343 {strides = array<i32>} : memref<633x128xf32, #tpu.memory_space<vmem>>, vector<16xf32>,
          %slice3A_1347 = vector.extract_strided_slice %get3A_231 {offsets = [13], sizes = [1], strides = [1]} : vector<16xi32> to vector<1xi32>
          %squeeze3A_1348 = vector.extract %slice3A_1347[0] : i32 from vector<1xi32>
          %mul3A_1349 = arith.constant 16 : i32
          %mul3A_1350 = arith.muli %scan3A_226, %mul3A_1349 : i32
          %add3A_1351 = arith.constant 13 : i32
          %add3A_1352 = arith.addi %mul3A_1350, %add3A_1351 : i32
          %get3A_1353 = arith.index_cast %squeeze3A_1348 : i32 to index
          %get3A_1354 = arith.constant 0 : index
          %get3A_1355 = tpu.vector_load %arg10[%get3A_1353, %get3A_1354] {strides = array<i32>} : memref<633x128xf32, #tpu.memory_space<vmem>>, vector<16xf32>,
          %get3A_1356 = arith.index_cast %add3A_1352 : i32 to index
          %get3A_1357 = arith.constant 0 : index
          %get3A_1358 = tpu.vector_load %arg9[%get3A_1356, %get3A_1357] {strides = array<i32>} : memref<64x128xf32, #tpu.memory_space<vmem>>, vector<16xf32>,
          %max3A_1359 = arith.maximumf %get3A_1355, %get3A_1358 : vector<16xf32>
          %swap3A_1360 = arith.index_cast %squeeze3A_1348 : i32 to index
          %swap3A_1361 = arith.constant 0 : index
          %swap3A_1362 = tpu.vector_load %arg10[%swap3A_1360, %swap3A_1361] {strides = array<i32>} : memref<633x128xf32, #tpu.memory_space<vmem>>, vector<16xf32>,
          tpu.vector_store %arg10[%swap3A_1360, %swap3A_1361], %max3A_1359 {strides = array<i32>} : memref<633x128xf32, #tpu.memory_space<vmem>>, vector<16xf32>,
          %get3A_1363 = arith.index_cast %squeeze3A_1348 : i32 to index
          %get3A_1364 = arith.constant 16 : index
          %get3A_1365 = tpu.vector_load %arg10[%get3A_1363, %get3A_1364] {strides = array<i32>} : memref<633x128xf32, #tpu.memory_space<vmem>>, vector<16xf32>,
          %get3A_1366 = arith.index_cast %add3A_1352 : i32 to index
          %get3A_1367 = arith.constant 16 : index
          %get3A_1368 = tpu.vector_load %arg9[%get3A_1366, %get3A_1367] {strides = array<i32>} : memref<64x128xf32, #tpu.memory_space<vmem>>, vector<16xf32>,
          %max3A_1369 = arith.maximumf %get3A_1365, %get3A_1368 : vector<16xf32>
          %swap3A_1370 = arith.index_cast %squeeze3A_1348 : i32 to index
          %swap3A_1371 = arith.constant 16 : index
          %swap3A_1372 = tpu.vector_load %arg10[%swap3A_1370, %swap3A_1371] {strides = array<i32>} : memref<633x128xf32, #tpu.memory_space<vmem>>, vector<16xf32>,
          tpu.vector_store %arg10[%swap3A_1370, %swap3A_1371], %max3A_1369 {strides = array<i32>} : memref<633x128xf32, #tpu.memory_space<vmem>>, vector<16xf32>,
          %get3A_1373 = arith.index_cast %squeeze3A_1348 : i32 to index
          %get3A_1374 = arith.constant 32 : index
          %get3A_1375 = tpu.vector_load %arg10[%get3A_1373, %get3A_1374] {strides = array<i32>} : memref<633x128xf32, #tpu.memory_space<vmem>>, vector<16xf32>,
          %get3A_1376 = arith.index_cast %add3A_1352 : i32 to index
          %get3A_1377 = arith.constant 32 : index
          %get3A_1378 = tpu.vector_load %arg9[%get3A_1376, %get3A_1377] {strides = array<i32>} : memref<64x128xf32, #tpu.memory_space<vmem>>, vector<16xf32>,
          %max3A_1379 = arith.maximumf %get3A_1375, %get3A_1378 : vector<16xf32>
          %swap3A_1380 = arith.index_cast %squeeze3A_1348 : i32 to index
          %swap3A_1381 = arith.constant 32 : index
          %swap3A_1382 = tpu.vector_load %arg10[%swap3A_1380, %swap3A_1381] {strides = array<i32>} : memref<633x128xf32, #tpu.memory_space<vmem>>, vector<16xf32>,
          tpu.vector_store %arg10[%swap3A_1380, %swap3A_1381], %max3A_1379 {strides = array<i32>} : memref<633x128xf32, #tpu.memory_space<vmem>>, vector<16xf32>,
          %get3A_1383 = arith.index_cast %squeeze3A_1348 : i32 to index
          %get3A_1384 = arith.constant 48 : index
          %get3A_1385 = tpu.vector_load %arg10[%get3A_1383, %get3A_1384] {strides = array<i32>} : memref<633x128xf32, #tpu.memory_space<vmem>>, vector<16xf32>,
          %get3A_1386 = arith.index_cast %add3A_1352 : i32 to index
          %get3A_1387 = arith.constant 48 : index
          %get3A_1388 = tpu.vector_load %arg9[%get3A_1386, %get3A_1387] {strides = array<i32>} : memref<64x128xf32, #tpu.memory_space<vmem>>, vector<16xf32>,
          %max3A_1389 = arith.maximumf %get3A_1385, %get3A_1388 : vector<16xf32>
          %swap3A_1390 = arith.index_cast %squeeze3A_1348 : i32 to index
          %swap3A_1391 = arith.constant 48 : index
          %swap3A_1392 = tpu.vector_load %arg10[%swap3A_1390, %swap3A_1391] {strides = array<i32>} : memref<633x128xf32, #tpu.memory_space<vmem>>, vector<16xf32>,
          tpu.vector_store %arg10[%swap3A_1390, %swap3A_1391], %max3A_1389 {strides = array<i32>} : memref<633x128xf32, #tpu.memory_space<vmem>>, vector<16xf32>,
          %get3A_1393 = arith.index_cast %squeeze3A_1348 : i32 to index
          %get3A_1394 = arith.constant 64 : index
          %get3A_1395 = tpu.vector_load %arg10[%get3A_1393, %get3A_1394] {strides = array<i32>} : memref<633x128xf32, #tpu.memory_space<vmem>>, vector<16xf32>,
          %get3A_1396 = arith.index_cast %add3A_1352 : i32 to index
          %get3A_1397 = arith.constant 64 : index
          %get3A_1398 = tpu.vector_load %arg9[%get3A_1396, %get3A_1397] {strides = array<i32>} : memref<64x128xf32, #tpu.memory_space<vmem>>, vector<16xf32>,
          %max3A_1399 = arith.maximumf %get3A_1395, %get3A_1398 : vector<16xf32>
          %swap3A_1400 = arith.index_cast %squeeze3A_1348 : i32 to index
          %swap3A_1401 = arith.constant 64 : index
          %swap3A_1402 = tpu.vector_load %arg10[%swap3A_1400, %swap3A_1401] {strides = array<i32>} : memref<633x128xf32, #tpu.memory_space<vmem>>, vector<16xf32>,
          tpu.vector_store %arg10[%swap3A_1400, %swap3A_1401], %max3A_1399 {strides = array<i32>} : memref<633x128xf32, #tpu.memory_space<vmem>>, vector<16xf32>,
          %get3A_1403 = arith.index_cast %squeeze3A_1348 : i32 to index
          %get3A_1404 = arith.constant 80 : index
          %get3A_1405 = tpu.vector_load %arg10[%get3A_1403, %get3A_1404] {strides = array<i32>} : memref<633x128xf32, #tpu.memory_space<vmem>>, vector<16xf32>,
          %get3A_1406 = arith.index_cast %add3A_1352 : i32 to index
          %get3A_1407 = arith.constant 80 : index
          %get3A_1408 = tpu.vector_load %arg9[%get3A_1406, %get3A_1407] {strides = array<i32>} : memref<64x128xf32, #tpu.memory_space<vmem>>, vector<16xf32>,
          %max3A_1409 = arith.maximumf %get3A_1405, %get3A_1408 : vector<16xf32>
          %swap3A_1410 = arith.index_cast %squeeze3A_1348 : i32 to index
          %swap3A_1411 = arith.constant 80 : index
          %swap3A_1412 = tpu.vector_load %arg10[%swap3A_1410, %swap3A_1411] {strides = array<i32>} : memref<633x128xf32, #tpu.memory_space<vmem>>, vector<16xf32>,
          tpu.vector_store %arg10[%swap3A_1410, %swap3A_1411], %max3A_1409 {strides = array<i32>} : memref<633x128xf32, #tpu.memory_space<vmem>>, vector<16xf32>,
          %get3A_1413 = arith.index_cast %squeeze3A_1348 : i32 to index
          %get3A_1414 = arith.constant 96 : index
          %get3A_1415 = tpu.vector_load %arg10[%get3A_1413, %get3A_1414] {strides = array<i32>} : memref<633x128xf32, #tpu.memory_space<vmem>>, vector<16xf32>,
          %get3A_1416 = arith.index_cast %add3A_1352 : i32 to index
          %get3A_1417 = arith.constant 96 : index
          %get3A_1418 = tpu.vector_load %arg9[%get3A_1416, %get3A_1417] {strides = array<i32>} : memref<64x128xf32, #tpu.memory_space<vmem>>, vector<16xf32>,
          %max3A_1419 = arith.maximumf %get3A_1415, %get3A_1418 : vector<16xf32>
          %swap3A_1420 = arith.index_cast %squeeze3A_1348 : i32 to index
          %swap3A_1421 = arith.constant 96 : index
          %swap3A_1422 = tpu.vector_load %arg10[%swap3A_1420, %swap3A_1421] {strides = array<i32>} : memref<633x128xf32, #tpu.memory_space<vmem>>, vector<16xf32>,
          tpu.vector_store %arg10[%swap3A_1420, %swap3A_1421], %max3A_1419 {strides = array<i32>} : memref<633x128xf32, #tpu.memory_space<vmem>>, vector<16xf32>,
          %get3A_1423 = arith.index_cast %squeeze3A_1348 : i32 to index
          %get3A_1424 = arith.constant 112 : index
          %get3A_1425 = tpu.vector_load %arg10[%get3A_1423, %get3A_1424] {strides = array<i32>} : memref<633x128xf32, #tpu.memory_space<vmem>>, vector<16xf32>,
          %get3A_1426 = arith.index_cast %add3A_1352 : i32 to index
          %get3A_1427 = arith.constant 112 : index
          %get3A_1428 = tpu.vector_load %arg9[%get3A_1426, %get3A_1427] {strides = array<i32>} : memref<64x128xf32, #tpu.memory_space<vmem>>, vector<16xf32>,
          %max3A_1429 = arith.maximumf %get3A_1425, %get3A_1428 : vector<16xf32>
          %swap3A_1430 = arith.index_cast %squeeze3A_1348 : i32 to index
          %swap3A_1431 = arith.constant 112 : index
          %swap3A_1432 = tpu.vector_load %arg10[%swap3A_1430, %swap3A_1431] {strides = array<i32>} : memref<633x128xf32, #tpu.memory_space<vmem>>, vector<16xf32>,
          tpu.vector_store %arg10[%swap3A_1430, %swap3A_1431], %max3A_1429 {strides = array<i32>} : memref<633x128xf32, #tpu.memory_space<vmem>>, vector<16xf32>,
          %slice3A_1433 = vector.extract_strided_slice %get3A_231 {offsets = [14], sizes = [1], strides = [1]} : vector<16xi32> to vector<1xi32>
          %squeeze3A_1434 = vector.extract %slice3A_1433[0] : i32 from vector<1xi32>
          %mul3A_1435 = arith.constant 16 : i32
          %mul3A_1436 = arith.muli %scan3A_226, %mul3A_1435 : i32
          %add3A_1437 = arith.constant 14 : i32
          %add3A_1438 = arith.addi %mul3A_1436, %add3A_1437 : i32
          %get3A_1439 = arith.index_cast %squeeze3A_1434 : i32 to index
          %get3A_1440 = arith.constant 0 : index
          %get3A_1441 = tpu.vector_load %arg10[%get3A_1439, %get3A_1440] {strides = array<i32>} : memref<633x128xf32, #tpu.memory_space<vmem>>, vector<16xf32>,
          %get3A_1442 = arith.index_cast %add3A_1438 : i32 to index
          %get3A_1443 = arith.constant 0 : index
          %get3A_1444 = tpu.vector_load %arg9[%get3A_1442, %get3A_1443] {strides = array<i32>} : memref<64x128xf32, #tpu.memory_space<vmem>>, vector<16xf32>,
          %max3A_1445 = arith.maximumf %get3A_1441, %get3A_1444 : vector<16xf32>
          %swap3A_1446 = arith.index_cast %squeeze3A_1434 : i32 to index
          %swap3A_1447 = arith.constant 0 : index
          %swap3A_1448 = tpu.vector_load %arg10[%swap3A_1446, %swap3A_1447] {strides = array<i32>} : memref<633x128xf32, #tpu.memory_space<vmem>>, vector<16xf32>,
          tpu.vector_store %arg10[%swap3A_1446, %swap3A_1447], %max3A_1445 {strides = array<i32>} : memref<633x128xf32, #tpu.memory_space<vmem>>, vector<16xf32>,
          %get3A_1449 = arith.index_cast %squeeze3A_1434 : i32 to index
          %get3A_1450 = arith.constant 16 : index
          %get3A_1451 = tpu.vector_load %arg10[%get3A_1449, %get3A_1450] {strides = array<i32>} : memref<633x128xf32, #tpu.memory_space<vmem>>, vector<16xf32>,
          %get3A_1452 = arith.index_cast %add3A_1438 : i32 to index
          %get3A_1453 = arith.constant 16 : index
          %get3A_1454 = tpu.vector_load %arg9[%get3A_1452, %get3A_1453] {strides = array<i32>} : memref<64x128xf32, #tpu.memory_space<vmem>>, vector<16xf32>,
          %max3A_1455 = arith.maximumf %get3A_1451, %get3A_1454 : vector<16xf32>
          %swap3A_1456 = arith.index_cast %squeeze3A_1434 : i32 to index
          %swap3A_1457 = arith.constant 16 : index
          %swap3A_1458 = tpu.vector_load %arg10[%swap3A_1456, %swap3A_1457] {strides = array<i32>} : memref<633x128xf32, #tpu.memory_space<vmem>>, vector<16xf32>,
          tpu.vector_store %arg10[%swap3A_1456, %swap3A_1457], %max3A_1455 {strides = array<i32>} : memref<633x128xf32, #tpu.memory_space<vmem>>, vector<16xf32>,
          %get3A_1459 = arith.index_cast %squeeze3A_1434 : i32 to index
          %get3A_1460 = arith.constant 32 : index
          %get3A_1461 = tpu.vector_load %arg10[%get3A_1459, %get3A_1460] {strides = array<i32>} : memref<633x128xf32, #tpu.memory_space<vmem>>, vector<16xf32>,
          %get3A_1462 = arith.index_cast %add3A_1438 : i32 to index
          %get3A_1463 = arith.constant 32 : index
          %get3A_1464 = tpu.vector_load %arg9[%get3A_1462, %get3A_1463] {strides = array<i32>} : memref<64x128xf32, #tpu.memory_space<vmem>>, vector<16xf32>,
          %max3A_1465 = arith.maximumf %get3A_1461, %get3A_1464 : vector<16xf32>
          %swap3A_1466 = arith.index_cast %squeeze3A_1434 : i32 to index
          %swap3A_1467 = arith.constant 32 : index
          %swap3A_1468 = tpu.vector_load %arg10[%swap3A_1466, %swap3A_1467] {strides = array<i32>} : memref<633x128xf32, #tpu.memory_space<vmem>>, vector<16xf32>,
          tpu.vector_store %arg10[%swap3A_1466, %swap3A_1467], %max3A_1465 {strides = array<i32>} : memref<633x128xf32, #tpu.memory_space<vmem>>, vector<16xf32>,
          %get3A_1469 = arith.index_cast %squeeze3A_1434 : i32 to index
          %get3A_1470 = arith.constant 48 : index
          %get3A_1471 = tpu.vector_load %arg10[%get3A_1469, %get3A_1470] {strides = array<i32>} : memref<633x128xf32, #tpu.memory_space<vmem>>, vector<16xf32>,
          %get3A_1472 = arith.index_cast %add3A_1438 : i32 to index
          %get3A_1473 = arith.constant 48 : index
          %get3A_1474 = tpu.vector_load %arg9[%get3A_1472, %get3A_1473] {strides = array<i32>} : memref<64x128xf32, #tpu.memory_space<vmem>>, vector<16xf32>,
          %max3A_1475 = arith.maximumf %get3A_1471, %get3A_1474 : vector<16xf32>
          %swap3A_1476 = arith.index_cast %squeeze3A_1434 : i32 to index
          %swap3A_1477 = arith.constant 48 : index
          %swap3A_1478 = tpu.vector_load %arg10[%swap3A_1476, %swap3A_1477] {strides = array<i32>} : memref<633x128xf32, #tpu.memory_space<vmem>>, vector<16xf32>,
          tpu.vector_store %arg10[%swap3A_1476, %swap3A_1477], %max3A_1475 {strides = array<i32>} : memref<633x128xf32, #tpu.memory_space<vmem>>, vector<16xf32>,
          %get3A_1479 = arith.index_cast %squeeze3A_1434 : i32 to index
          %get3A_1480 = arith.constant 64 : index
          %get3A_1481 = tpu.vector_load %arg10[%get3A_1479, %get3A_1480] {strides = array<i32>} : memref<633x128xf32, #tpu.memory_space<vmem>>, vector<16xf32>,
          %get3A_1482 = arith.index_cast %add3A_1438 : i32 to index
          %get3A_1483 = arith.constant 64 : index
          %get3A_1484 = tpu.vector_load %arg9[%get3A_1482, %get3A_1483] {strides = array<i32>} : memref<64x128xf32, #tpu.memory_space<vmem>>, vector<16xf32>,
          %max3A_1485 = arith.maximumf %get3A_1481, %get3A_1484 : vector<16xf32>
          %swap3A_1486 = arith.index_cast %squeeze3A_1434 : i32 to index
          %swap3A_1487 = arith.constant 64 : index
          %swap3A_1488 = tpu.vector_load %arg10[%swap3A_1486, %swap3A_1487] {strides = array<i32>} : memref<633x128xf32, #tpu.memory_space<vmem>>, vector<16xf32>,
          tpu.vector_store %arg10[%swap3A_1486, %swap3A_1487], %max3A_1485 {strides = array<i32>} : memref<633x128xf32, #tpu.memory_space<vmem>>, vector<16xf32>,
          %get3A_1489 = arith.index_cast %squeeze3A_1434 : i32 to index
          %get3A_1490 = arith.constant 80 : index
          %get3A_1491 = tpu.vector_load %arg10[%get3A_1489, %get3A_1490] {strides = array<i32>} : memref<633x128xf32, #tpu.memory_space<vmem>>, vector<16xf32>,
          %get3A_1492 = arith.index_cast %add3A_1438 : i32 to index
          %get3A_1493 = arith.constant 80 : index
          %get3A_1494 = tpu.vector_load %arg9[%get3A_1492, %get3A_1493] {strides = array<i32>} : memref<64x128xf32, #tpu.memory_space<vmem>>, vector<16xf32>,
          %max3A_1495 = arith.maximumf %get3A_1491, %get3A_1494 : vector<16xf32>
          %swap3A_1496 = arith.index_cast %squeeze3A_1434 : i32 to index
          %swap3A_1497 = arith.constant 80 : index
          %swap3A_1498 = tpu.vector_load %arg10[%swap3A_1496, %swap3A_1497] {strides = array<i32>} : memref<633x128xf32, #tpu.memory_space<vmem>>, vector<16xf32>,
          tpu.vector_store %arg10[%swap3A_1496, %swap3A_1497], %max3A_1495 {strides = array<i32>} : memref<633x128xf32, #tpu.memory_space<vmem>>, vector<16xf32>,
          %get3A_1499 = arith.index_cast %squeeze3A_1434 : i32 to index
          %get3A_1500 = arith.constant 96 : index
          %get3A_1501 = tpu.vector_load %arg10[%get3A_1499, %get3A_1500] {strides = array<i32>} : memref<633x128xf32, #tpu.memory_space<vmem>>, vector<16xf32>,
          %get3A_1502 = arith.index_cast %add3A_1438 : i32 to index
          %get3A_1503 = arith.constant 96 : index
          %get3A_1504 = tpu.vector_load %arg9[%get3A_1502, %get3A_1503] {strides = array<i32>} : memref<64x128xf32, #tpu.memory_space<vmem>>, vector<16xf32>,
          %max3A_1505 = arith.maximumf %get3A_1501, %get3A_1504 : vector<16xf32>
          %swap3A_1506 = arith.index_cast %squeeze3A_1434 : i32 to index
          %swap3A_1507 = arith.constant 96 : index
          %swap3A_1508 = tpu.vector_load %arg10[%swap3A_1506, %swap3A_1507] {strides = array<i32>} : memref<633x128xf32, #tpu.memory_space<vmem>>, vector<16xf32>,
          tpu.vector_store %arg10[%swap3A_1506, %swap3A_1507], %max3A_1505 {strides = array<i32>} : memref<633x128xf32, #tpu.memory_space<vmem>>, vector<16xf32>,
          %get3A_1509 = arith.index_cast %squeeze3A_1434 : i32 to index
          %get3A_1510 = arith.constant 112 : index
          %get3A_1511 = tpu.vector_load %arg10[%get3A_1509, %get3A_1510] {strides = array<i32>} : memref<633x128xf32, #tpu.memory_space<vmem>>, vector<16xf32>,
          %get3A_1512 = arith.index_cast %add3A_1438 : i32 to index
          %get3A_1513 = arith.constant 112 : index
          %get3A_1514 = tpu.vector_load %arg9[%get3A_1512, %get3A_1513] {strides = array<i32>} : memref<64x128xf32, #tpu.memory_space<vmem>>, vector<16xf32>,
          %max3A_1515 = arith.maximumf %get3A_1511, %get3A_1514 : vector<16xf32>
          %swap3A_1516 = arith.index_cast %squeeze3A_1434 : i32 to index
          %swap3A_1517 = arith.constant 112 : index
          %swap3A_1518 = tpu.vector_load %arg10[%swap3A_1516, %swap3A_1517] {strides = array<i32>} : memref<633x128xf32, #tpu.memory_space<vmem>>, vector<16xf32>,
          tpu.vector_store %arg10[%swap3A_1516, %swap3A_1517], %max3A_1515 {strides = array<i32>} : memref<633x128xf32, #tpu.memory_space<vmem>>, vector<16xf32>,
          %slice3A_1519 = vector.extract_strided_slice %get3A_231 {offsets = [15], sizes = [1], strides = [1]} : vector<16xi32> to vector<1xi32>
          %squeeze3A_1520 = vector.extract %slice3A_1519[0] : i32 from vector<1xi32>
          %mul3A_1521 = arith.constant 16 : i32
          %mul3A_1522 = arith.muli %scan3A_226, %mul3A_1521 : i32
          %add3A_1523 = arith.constant 15 : i32
          %add3A_1524 = arith.addi %mul3A_1522, %add3A_1523 : i32
          %get3A_1525 = arith.index_cast %squeeze3A_1520 : i32 to index
          %get3A_1526 = arith.constant 0 : index
          %get3A_1527 = tpu.vector_load %arg10[%get3A_1525, %get3A_1526] {strides = array<i32>} : memref<633x128xf32, #tpu.memory_space<vmem>>, vector<16xf32>,
          %get3A_1528 = arith.index_cast %add3A_1524 : i32 to index
          %get3A_1529 = arith.constant 0 : index
          %get3A_1530 = tpu.vector_load %arg9[%get3A_1528, %get3A_1529] {strides = array<i32>} : memref<64x128xf32, #tpu.memory_space<vmem>>, vector<16xf32>,
          %max3A_1531 = arith.maximumf %get3A_1527, %get3A_1530 : vector<16xf32>
          %swap3A_1532 = arith.index_cast %squeeze3A_1520 : i32 to index
          %swap3A_1533 = arith.constant 0 : index
          %swap3A_1534 = tpu.vector_load %arg10[%swap3A_1532, %swap3A_1533] {strides = array<i32>} : memref<633x128xf32, #tpu.memory_space<vmem>>, vector<16xf32>,
          tpu.vector_store %arg10[%swap3A_1532, %swap3A_1533], %max3A_1531 {strides = array<i32>} : memref<633x128xf32, #tpu.memory_space<vmem>>, vector<16xf32>,
          %get3A_1535 = arith.index_cast %squeeze3A_1520 : i32 to index
          %get3A_1536 = arith.constant 16 : index
          %get3A_1537 = tpu.vector_load %arg10[%get3A_1535, %get3A_1536] {strides = array<i32>} : memref<633x128xf32, #tpu.memory_space<vmem>>, vector<16xf32>,
          %get3A_1538 = arith.index_cast %add3A_1524 : i32 to index
          %get3A_1539 = arith.constant 16 : index
          %get3A_1540 = tpu.vector_load %arg9[%get3A_1538, %get3A_1539] {strides = array<i32>} : memref<64x128xf32, #tpu.memory_space<vmem>>, vector<16xf32>,
          %max3A_1541 = arith.maximumf %get3A_1537, %get3A_1540 : vector<16xf32>
          %swap3A_1542 = arith.index_cast %squeeze3A_1520 : i32 to index
          %swap3A_1543 = arith.constant 16 : index
          %swap3A_1544 = tpu.vector_load %arg10[%swap3A_1542, %swap3A_1543] {strides = array<i32>} : memref<633x128xf32, #tpu.memory_space<vmem>>, vector<16xf32>,
          tpu.vector_store %arg10[%swap3A_1542, %swap3A_1543], %max3A_1541 {strides = array<i32>} : memref<633x128xf32, #tpu.memory_space<vmem>>, vector<16xf32>,
          %get3A_1545 = arith.index_cast %squeeze3A_1520 : i32 to index
          %get3A_1546 = arith.constant 32 : index
          %get3A_1547 = tpu.vector_load %arg10[%get3A_1545, %get3A_1546] {strides = array<i32>} : memref<633x128xf32, #tpu.memory_space<vmem>>, vector<16xf32>,
          %get3A_1548 = arith.index_cast %add3A_1524 : i32 to index
          %get3A_1549 = arith.constant 32 : index
          %get3A_1550 = tpu.vector_load %arg9[%get3A_1548, %get3A_1549] {strides = array<i32>} : memref<64x128xf32, #tpu.memory_space<vmem>>, vector<16xf32>,
          %max3A_1551 = arith.maximumf %get3A_1547, %get3A_1550 : vector<16xf32>
          %swap3A_1552 = arith.index_cast %squeeze3A_1520 : i32 to index
          %swap3A_1553 = arith.constant 32 : index
          %swap3A_1554 = tpu.vector_load %arg10[%swap3A_1552, %swap3A_1553] {strides = array<i32>} : memref<633x128xf32, #tpu.memory_space<vmem>>, vector<16xf32>,
          tpu.vector_store %arg10[%swap3A_1552, %swap3A_1553], %max3A_1551 {strides = array<i32>} : memref<633x128xf32, #tpu.memory_space<vmem>>, vector<16xf32>,
          %get3A_1555 = arith.index_cast %squeeze3A_1520 : i32 to index
          %get3A_1556 = arith.constant 48 : index
          %get3A_1557 = tpu.vector_load %arg10[%get3A_1555, %get3A_1556] {strides = array<i32>} : memref<633x128xf32, #tpu.memory_space<vmem>>, vector<16xf32>,
          %get3A_1558 = arith.index_cast %add3A_1524 : i32 to index
          %get3A_1559 = arith.constant 48 : index
          %get3A_1560 = tpu.vector_load %arg9[%get3A_1558, %get3A_1559] {strides = array<i32>} : memref<64x128xf32, #tpu.memory_space<vmem>>, vector<16xf32>,
          %max3A_1561 = arith.maximumf %get3A_1557, %get3A_1560 : vector<16xf32>
          %swap3A_1562 = arith.index_cast %squeeze3A_1520 : i32 to index
          %swap3A_1563 = arith.constant 48 : index
          %swap3A_1564 = tpu.vector_load %arg10[%swap3A_1562, %swap3A_1563] {strides = array<i32>} : memref<633x128xf32, #tpu.memory_space<vmem>>, vector<16xf32>,
          tpu.vector_store %arg10[%swap3A_1562, %swap3A_1563], %max3A_1561 {strides = array<i32>} : memref<633x128xf32, #tpu.memory_space<vmem>>, vector<16xf32>,
          %get3A_1565 = arith.index_cast %squeeze3A_1520 : i32 to index
          %get3A_1566 = arith.constant 64 : index
          %get3A_1567 = tpu.vector_load %arg10[%get3A_1565, %get3A_1566] {strides = array<i32>} : memref<633x128xf32, #tpu.memory_space<vmem>>, vector<16xf32>,
          %get3A_1568 = arith.index_cast %add3A_1524 : i32 to index
          %get3A_1569 = arith.constant 64 : index
          %get3A_1570 = tpu.vector_load %arg9[%get3A_1568, %get3A_1569] {strides = array<i32>} : memref<64x128xf32, #tpu.memory_space<vmem>>, vector<16xf32>,
          %max3A_1571 = arith.maximumf %get3A_1567, %get3A_1570 : vector<16xf32>
          %swap3A_1572 = arith.index_cast %squeeze3A_1520 : i32 to index
          %swap3A_1573 = arith.constant 64 : index
          %swap3A_1574 = tpu.vector_load %arg10[%swap3A_1572, %swap3A_1573] {strides = array<i32>} : memref<633x128xf32, #tpu.memory_space<vmem>>, vector<16xf32>,
          tpu.vector_store %arg10[%swap3A_1572, %swap3A_1573], %max3A_1571 {strides = array<i32>} : memref<633x128xf32, #tpu.memory_space<vmem>>, vector<16xf32>,
          %get3A_1575 = arith.index_cast %squeeze3A_1520 : i32 to index
          %get3A_1576 = arith.constant 80 : index
          %get3A_1577 = tpu.vector_load %arg10[%get3A_1575, %get3A_1576] {strides = array<i32>} : memref<633x128xf32, #tpu.memory_space<vmem>>, vector<16xf32>,
          %get3A_1578 = arith.index_cast %add3A_1524 : i32 to index
          %get3A_1579 = arith.constant 80 : index
          %get3A_1580 = tpu.vector_load %arg9[%get3A_1578, %get3A_1579] {strides = array<i32>} : memref<64x128xf32, #tpu.memory_space<vmem>>, vector<16xf32>,
          %max3A_1581 = arith.maximumf %get3A_1577, %get3A_1580 : vector<16xf32>
          %swap3A_1582 = arith.index_cast %squeeze3A_1520 : i32 to index
          %swap3A_1583 = arith.constant 80 : index
          %swap3A_1584 = tpu.vector_load %arg10[%swap3A_1582, %swap3A_1583] {strides = array<i32>} : memref<633x128xf32, #tpu.memory_space<vmem>>, vector<16xf32>,
          tpu.vector_store %arg10[%swap3A_1582, %swap3A_1583], %max3A_1581 {strides = array<i32>} : memref<633x128xf32, #tpu.memory_space<vmem>>, vector<16xf32>,
          %get3A_1585 = arith.index_cast %squeeze3A_1520 : i32 to index
          %get3A_1586 = arith.constant 96 : index
          %get3A_1587 = tpu.vector_load %arg10[%get3A_1585, %get3A_1586] {strides = array<i32>} : memref<633x128xf32, #tpu.memory_space<vmem>>, vector<16xf32>,
          %get3A_1588 = arith.index_cast %add3A_1524 : i32 to index
          %get3A_1589 = arith.constant 96 : index
          %get3A_1590 = tpu.vector_load %arg9[%get3A_1588, %get3A_1589] {strides = array<i32>} : memref<64x128xf32, #tpu.memory_space<vmem>>, vector<16xf32>,
          %max3A_1591 = arith.maximumf %get3A_1587, %get3A_1590 : vector<16xf32>
          %swap3A_1592 = arith.index_cast %squeeze3A_1520 : i32 to index
          %swap3A_1593 = arith.constant 96 : index
          %swap3A_1594 = tpu.vector_load %arg10[%swap3A_1592, %swap3A_1593] {strides = array<i32>} : memref<633x128xf32, #tpu.memory_space<vmem>>, vector<16xf32>,
          tpu.vector_store %arg10[%swap3A_1592, %swap3A_1593], %max3A_1591 {strides = array<i32>} : memref<633x128xf32, #tpu.memory_space<vmem>>, vector<16xf32>,
          %get3A_1595 = arith.index_cast %squeeze3A_1520 : i32 to index
          %get3A_1596 = arith.constant 112 : index
          %get3A_1597 = tpu.vector_load %arg10[%get3A_1595, %get3A_1596] {strides = array<i32>} : memref<633x128xf32, #tpu.memory_space<vmem>>, vector<16xf32>,
          %get3A_1598 = arith.index_cast %add3A_1524 : i32 to index
          %get3A_1599 = arith.constant 112 : index
          %get3A_1600 = tpu.vector_load %arg9[%get3A_1598, %get3A_1599] {strides = array<i32>} : memref<64x128xf32, #tpu.memory_space<vmem>>, vector<16xf32>,
          %max3A_1601 = arith.maximumf %get3A_1597, %get3A_1600 : vector<16xf32>
          %swap3A_1602 = arith.index_cast %squeeze3A_1520 : i32 to index
          %swap3A_1603 = arith.constant 112 : index
          %swap3A_1604 = tpu.vector_load %arg10[%swap3A_1602, %swap3A_1603] {strides = array<i32>} : memref<633x128xf32, #tpu.memory_space<vmem>>, vector<16xf32>,
          tpu.vector_store %arg10[%swap3A_1602, %swap3A_1603], %max3A_1601 {strides = array<i32>} : memref<633x128xf32, #tpu.memory_space<vmem>>, vector<16xf32>,
          %scan3A_1605 = arith.constant 0 : i32
          scf.yield %scan3A_1605 : i32
        }
        %scan3A_224 = arith.constant 4 : i32
        %while3A_225 = arith.constant 0 : i32
        scf.yield %while3A_225 : i32
      }
      %scan3A_66 = arith.constant 0 : i32
      scf.yield %scan3A_66 : i32
    }
    %scan3A_25 = arith.constant 40 : i32
    "tpu.region"() ({
      %run_scoped3A = tpu.sem_alloc : memref<!tpu.dma_semaphore, #tpu.memory_space<semaphore_mem>>
      %dma_start3A = arith.constant 0 : i32
      %dma_start3A_26 = arith.constant 0 : i32
      %dma_start3A_27 = tpu.memref_slice %arg10[%dma_start3A, %dma_start3A_26] : memref<633x128xf32, #tpu.memory_space<vmem>> -> memref<632x128xf32, #tpu.memory_space<vmem>>
      %dma_start3A_28 = arith.constant 0 : i32
      %dma_start3A_29 = tpu.memref_slice %arg4[%mul3A_2, %dma_start3A_28] : memref<20224x128xf32, #tpu.memory_space<hbm>> -> memref<632x128xf32, #tpu.memory_space<hbm>>
      %dma_start3A_30 = arith.constant 0 : i32
      %dma_start3A_31 = tpu.memref_slice %arg4[%mul3A_2, %dma_start3A_30] : memref<20224x128xf32, #tpu.memory_space<hbm>> -> memref<632x128xf32, #tpu.memory_space<hbm>>
      %dma_start3A_32 = arith.constant 0 : i32
      %dma_start3A_33 = arith.constant 0 : i32
      %dma_start3A_34 = tpu.memref_slice %arg10[%dma_start3A_32, %dma_start3A_33] : memref<633x128xf32, #tpu.memory_space<vmem>> -> memref<632x128xf32, #tpu.memory_space<vmem>>
      tpu.enqueue_dma source(%dma_start3A_34 : memref<632x128xf32, #tpu.memory_space<vmem>>) target(%dma_start3A_31 : memref<632x128xf32, #tpu.memory_space<hbm>>) target_semaphore(%run_scoped3A : memref<!tpu.dma_semaphore, #tpu.memory_space<semaphore_mem>>)
      %dma_wait3A = arith.constant 0 : i32
      %dma_wait3A_35 = arith.constant 0 : i32
      %dma_wait3A_36 = tpu.memref_slice %arg10[%dma_wait3A, %dma_wait3A_35] : memref<633x128xf32, #tpu.memory_space<vmem>> -> memref<632x128xf32, #tpu.memory_space<vmem>>
      %dma_wait3A_37 = arith.constant 0 : i32
      %dma_wait3A_38 = tpu.memref_slice %arg4[%mul3A_2, %dma_wait3A_37] : memref<20224x128xf32, #tpu.memory_space<hbm>> -> memref<632x128xf32, #tpu.memory_space<hbm>>
      %dma_wait3A_39 = arith.constant 0 : i32
      %dma_wait3A_40 = tpu.memref_slice %arg4[%mul3A_2, %dma_wait3A_39] : memref<20224x128xf32, #tpu.memory_space<hbm>> -> memref<632x128xf32, #tpu.memory_space<hbm>>
      %dma_wait3A_41 = arith.constant 0 : i32
      %dma_wait3A_42 = arith.constant 0 : i32
      %dma_wait3A_43 = tpu.memref_slice %arg10[%dma_wait3A_41, %dma_wait3A_42] : memref<633x128xf32, #tpu.memory_space<vmem>> -> memref<632x128xf32, #tpu.memory_space<vmem>>
      tpu.wait_dma2 semaphore(%run_scoped3A : memref<!tpu.dma_semaphore, #tpu.memory_space<semaphore_mem>>) src(%dma_wait3A_43 : memref<632x128xf32, #tpu.memory_space<vmem>>) dst(%dma_wait3A_40 : memref<632x128xf32, #tpu.memory_space<hbm>>)
      tpu.yield
    }) : () -> ()
    return
  }
}

module attributes {stable_mosaic.version = 14 : i64} {
  func.func @_pack_body(%arg0: memref<2x320000xi32, #tpu.memory_space<vmem>>, %arg1: memref<320000xi32, #tpu.memory_space<vmem>>) attributes {dimension_semantics = [], scalar_prefetch = 0 : i64, scratch_operands = 0 : i64, tpu.core_type = #tpu.core_type<tc>} {
    %get3A = arith.constant 0 : index
    %get3A_0 = arith.constant 0 : index
    %get3A_1 = vector.load %arg0[%get3A, %get3A_0] : memref<2x320000xi32, #tpu.memory_space<vmem>>, vector<1x320000xi32>
    %get3A_2 = vector.shape_cast %get3A_1 : vector<1x320000xi32> to vector<320000xi32>
    %get3A_3 = arith.constant 1 : index
    %get3A_4 = arith.constant 0 : index
    %get3A_5 = vector.load %arg0[%get3A_3, %get3A_4] : memref<2x320000xi32, #tpu.memory_space<vmem>>, vector<1x320000xi32>
    %get3A_6 = vector.shape_cast %get3A_5 : vector<1x320000xi32> to vector<320000xi32>
    %shift_left3A = arith.constant 16 : i32
    %shift_left3A_7 = vector.broadcast %shift_left3A : i32 to vector<320000xi32>
    %shift_left3A_8 = arith.shli %get3A_6, %shift_left3A_7 : vector<320000xi32>
    %or3A = arith.ori %shift_left3A_8, %get3A_2 : vector<320000xi32>
    %swap3A = arith.constant 0 : index
    %swap3A_9 = vector.load %arg1[%swap3A] : memref<320000xi32, #tpu.memory_space<vmem>>, vector<320000xi32>
    tpu.vector_store %arg1[%swap3A], %or3A {strides = array<i32>} : memref<320000xi32, #tpu.memory_space<vmem>>, vector<320000xi32>,
    return
  }
}

module attributes {stable_mosaic.version = 14 : i64} {
  func.func @_mm_body(%arg0: i32, %arg1: memref<1x128x10000xf32, #tpu.memory_space<vmem>>, %arg2: memref<256x128xf32, #tpu.memory_space<vmem>>, %arg3: memref<1x128xf32, #tpu.memory_space<vmem>>, %arg4: memref<1x128x10000xf32, #tpu.memory_space<vmem>>, %arg5: memref<10000x128xf32, #tpu.memory_space<vmem>>) attributes {dimension_semantics = [#tpu.dimension_semantics<arbitrary>], iteration_bounds = array<i64: 2>, scalar_prefetch = 0 : i64, scratch_operands = 0 : i64, tpu.core_type = #tpu.core_type<tc>, window_params = [{transform_indices = @transform_0, window_bounds = array<i64: 1, 128, 10000>}, {pipeline_mode = #tpu.pipeline_mode<synchronous>, transform_indices = @transform_1, window_bounds = array<i64: 256, 128>}, {pipeline_mode = #tpu.pipeline_mode<synchronous>, transform_indices = @transform_2, window_bounds = array<i64: 1, 128>}, {transform_indices = @transform_3, window_bounds = array<i64: 1, 128, 10000>}, {transform_indices = @transform_4, window_bounds = array<i64: 10000, 128>}]} {
    %get3A = arith.constant 0 : index
    %get3A_0 = arith.constant 0 : index
    %get3A_1 = arith.constant 0 : index
    %get3A_2 = vector.load %arg1[%get3A, %get3A_0, %get3A_1] : memref<1x128x10000xf32, #tpu.memory_space<vmem>>, vector<1x128x10000xf32>
    %get3A_3 = vector.shape_cast %get3A_2 : vector<1x128x10000xf32> to vector<128x10000xf32>
    %get3A_4 = arith.constant 0 : index
    %get3A_5 = arith.constant 0 : index
    %get3A_6 = vector.load %arg2[%get3A_4, %get3A_5] : memref<256x128xf32, #tpu.memory_space<vmem>>, vector<256x128xf32>
    %slice3A = vector.extract_strided_slice %get3A_6 {offsets = [0, 0], sizes = [128, 128], strides = [1, 1]} : vector<256x128xf32> to vector<128x128xf32>
    %slice3A_7 = vector.extract_strided_slice %get3A_6 {offsets = [128, 0], sizes = [128, 128], strides = [1, 1]} : vector<256x128xf32> to vector<128x128xf32>
    %sub3A = arith.subf %slice3A, %slice3A_7 : vector<128x128xf32>
    %dot_general3A = arith.constant dense<0.000000e+00> : vector<128x10000xf32>
    %dot_general3A_8 = tpu.matmul %sub3A, %get3A_3, %dot_general3A {dimension_numbers = #tpu.dot_dimension_numbers<[0], [0], [1], [1], [0, 1, 1, 1], [], []>, transpose_lhs_hint = false} : vector<128x128xf32>, vector<128x10000xf32>, vector<128x10000xf32> -> vector<128x10000xf32>
    %get3A_9 = arith.constant 0 : index
    %get3A_10 = arith.constant 0 : index
    %get3A_11 = vector.load %arg3[%get3A_9, %get3A_10] : memref<1x128xf32, #tpu.memory_space<vmem>>, vector<1x128xf32>
    %get3A_12 = vector.shape_cast %get3A_11 : vector<1x128xf32> to vector<128xf32>
    %broadcast_in_dim3A = vector.shape_cast %get3A_12 : vector<128xf32> to vector<128x1xf32>
    %add3A = vector.broadcast %broadcast_in_dim3A : vector<128x1xf32> to vector<128x10000xf32>
    %add3A_13 = arith.addf %dot_general3A_8, %add3A : vector<128x10000xf32>
    %swap3A = arith.constant 0 : index
    %swap3A_14 = arith.constant 0 : index
    %swap3A_15 = arith.constant 0 : index
    %swap3A_16 = vector.load %arg4[%swap3A, %swap3A_14, %swap3A_15] : memref<1x128x10000xf32, #tpu.memory_space<vmem>>, vector<1x128x10000xf32>
    %swap3A_17 = vector.shape_cast %swap3A_16 : vector<1x128x10000xf32> to vector<128x10000xf32>
    %swap3A_18 = vector.shape_cast %add3A_13 : vector<128x10000xf32> to vector<1x128x10000xf32>
    tpu.vector_store %arg4[%swap3A, %swap3A_14, %swap3A_15], %swap3A_18 {strides = array<i32>} : memref<1x128x10000xf32, #tpu.memory_space<vmem>>, vector<1x128x10000xf32>,
    %dot_general3A_19 = arith.constant dense<0.000000e+00> : vector<10000x128xf32>
    %dot_general3A_20 = tpu.matmul %get3A_3, %slice3A_7, %dot_general3A_19 {dimension_numbers = #tpu.dot_dimension_numbers<[0], [0], [1], [1], [0, 1, 1, 1], [], []>, transpose_lhs_hint = false} : vector<128x10000xf32>, vector<128x128xf32>, vector<10000x128xf32> -> vector<10000x128xf32>
    %swap3A_21 = arith.constant 0 : index
    %swap3A_22 = arith.constant 0 : index
    %swap3A_23 = vector.load %arg5[%swap3A_21, %swap3A_22] : memref<10000x128xf32, #tpu.memory_space<vmem>>, vector<10000x128xf32>
    tpu.vector_store %arg5[%swap3A_21, %swap3A_22], %dot_general3A_20 {strides = array<i32>} : memref<10000x128xf32, #tpu.memory_space<vmem>>, vector<10000x128xf32>,
    return
  }
  func.func @transform_0(%arg0: i32) -> (i32, i32, i32) {
    %c0_i32 = arith.constant 0 : i32
    %c0_i32_0 = arith.constant 0 : i32
    %c0_i32_1 = arith.constant 0 : i32
    return %arg0, %c0_i32, %c0_i32_0 : i32, i32, i32
  }
  func.func @transform_1(%arg0: i32) -> (i32, i32) {
    %c0_i32 = arith.constant 0 : i32
    %c0_i32_0 = arith.constant 0 : i32
    %c0_i32_1 = arith.constant 0 : i32
    return %c0_i32, %c0_i32_0 : i32, i32
  }
  func.func @transform_2(%arg0: i32) -> (i32, i32) {
    %c0_i32 = arith.constant 0 : i32
    %c0_i32_0 = arith.constant 0 : i32
    %c0_i32_1 = arith.constant 0 : i32
    return %c0_i32, %c0_i32_0 : i32, i32
  }
  func.func @transform_3(%arg0: i32) -> (i32, i32, i32) {
    %c0_i32 = arith.constant 0 : i32
    %c0_i32_0 = arith.constant 0 : i32
    %c0_i32_1 = arith.constant 0 : i32
    return %arg0, %c0_i32, %c0_i32_0 : i32, i32, i32
  }
  func.func @transform_4(%arg0: i32) -> (i32, i32) {
    %c0_i32 = arith.constant 0 : i32
    %c0_i32_0 = arith.constant 0 : i32
    return %arg0, %c0_i32 : i32, i32
  }
}

module attributes {stable_mosaic.version = 14 : i64} {
  func.func @_combine_body(%arg0: i32, %arg1: memref<1x128x10000xf32, #tpu.memory_space<vmem>>, %arg2: memref<10000x128xf32, #tpu.memory_space<vmem>>, %arg3: memref<1x128x10000xf32, #tpu.memory_space<vmem>>) attributes {dimension_semantics = [#tpu.dimension_semantics<arbitrary>], iteration_bounds = array<i64: 2>, scalar_prefetch = 0 : i64, scratch_operands = 0 : i64, tpu.core_type = #tpu.core_type<tc>, window_params = [{transform_indices = @transform_0, window_bounds = array<i64: 1, 128, 10000>}, {transform_indices = @transform_1, window_bounds = array<i64: 10000, 128>}, {transform_indices = @transform_2, window_bounds = array<i64: 1, 128, 10000>}]} {
    %get3A = arith.constant 0 : index
    %get3A_0 = arith.constant 0 : index
    %get3A_1 = vector.load %arg2[%get3A, %get3A_0] : memref<10000x128xf32, #tpu.memory_space<vmem>>, vector<10000x128xf32>
    %transpose3A = tpu.transpose %get3A_1, [1, 0] : vector<10000x128xf32> -> vector<128x10000xf32>
    %get3A_2 = arith.constant 0 : index
    %get3A_3 = arith.constant 0 : index
    %get3A_4 = arith.constant 0 : index
    %get3A_5 = vector.load %arg1[%get3A_2, %get3A_3, %get3A_4] : memref<1x128x10000xf32, #tpu.memory_space<vmem>>, vector<1x128x10000xf32>
    %get3A_6 = vector.shape_cast %get3A_5 : vector<1x128x10000xf32> to vector<128x10000xf32>
    %add3A = arith.addf %get3A_6, %transpose3A : vector<128x10000xf32>
    %max3A = arith.constant 0.000000e+00 : f32
    %max3A_7 = vector.broadcast %max3A : f32 to vector<128x10000xf32>
    %max3A_8 = arith.maximumf %add3A, %max3A_7 : vector<128x10000xf32>
    %swap3A = arith.constant 0 : index
    %swap3A_9 = arith.constant 0 : index
    %swap3A_10 = arith.constant 0 : index
    %swap3A_11 = vector.load %arg3[%swap3A, %swap3A_9, %swap3A_10] : memref<1x128x10000xf32, #tpu.memory_space<vmem>>, vector<1x128x10000xf32>
    %swap3A_12 = vector.shape_cast %swap3A_11 : vector<1x128x10000xf32> to vector<128x10000xf32>
    %swap3A_13 = vector.shape_cast %max3A_8 : vector<128x10000xf32> to vector<1x128x10000xf32>
    tpu.vector_store %arg3[%swap3A, %swap3A_9, %swap3A_10], %swap3A_13 {strides = array<i32>} : memref<1x128x10000xf32, #tpu.memory_space<vmem>>, vector<1x128x10000xf32>,
    return
  }
  func.func @transform_0(%arg0: i32) -> (i32, i32, i32) {
    %c0_i32 = arith.constant 0 : i32
    %c0_i32_0 = arith.constant 0 : i32
    %c0_i32_1 = arith.constant 0 : i32
    return %arg0, %c0_i32, %c0_i32_0 : i32, i32, i32
  }
  func.func @transform_1(%arg0: i32) -> (i32, i32) {
    %c0_i32 = arith.constant 0 : i32
    %c0_i32_0 = arith.constant 0 : i32
    return %arg0, %c0_i32 : i32, i32
  }
  func.func @transform_2(%arg0: i32) -> (i32, i32, i32) {
    %c0_i32 = arith.constant 0 : i32
    %c0_i32_0 = arith.constant 0 : i32
    %c0_i32_1 = arith.constant 0 : i32
    return %arg0, %c0_i32, %c0_i32_0 : i32, i32, i32
  }
}

</mosaic_0001>

<sc_bundles>
// kernel: kernel.6.cloned.1.call-start
scs
__scs_entry_jumppad:
0x0: {  	(pc) =	sbr.rel $0x88, $3  }
0x1: {  	(tag) =	ssettag $0x0;
	lr =	simm.s32 $0x1  }
0x2: {  	[smem:$0x3F9D] =	sst lr;
	_ =	strace $0xD0000000  }
0x3: {  	_ = 	snop  }
0x4: {  	_ = 	snop  }
0x5: {  	_ = 	snop  }
0x6: {  	_ = 	snop  }
0x7: {  	_ = 	snop  }
__scs_overlays_trampoline_lowered:
0x8: {  	[smem:$0x3FAC] =	sst s0  }
0x9: {  	[smem:$0x3FAD] =	sst s1  }
0xa: {  	[smem:$0x3FAE] =	sst s2  }
0xb: {  	[smem:$0x3FAF] =	sst s3  }
0xc: {  	[smem:$0x3FB0] =	sst s4  }
0xd: {  	[smem:$0x3FB1] =	sst s5  }
0xe: {  	[smem:$0x3FB2] =	sst s6  }
0xf: {  	[smem:$0x3FB3] =	sst s7  }
0x10: {  	[smem:$0x3FB4] =	sst s8  }
0x11: {  	[smem:$0x3FB5] =	sst s9;
	s0 =	simm.s32 @!p0 $0x0  }
0x12: {  	s1 =	sld [smem:$0x3F9B];
	s0 =	simm.s32 @p0 $0x1  }
0x13: {  	[smem:$0x3FB6] =	sst s0;
	s0 =	simm.s32 @!p1 $0x0  }
0x14: {  	s2 =	sld [smem:$0x3F9A];
	s0 =	simm.s32 @p1 $0x1  }
0x15: {  	[smem:$0x3FB7] =	sst s0;
	s0 =	simm.s32 @!p2 $0x0  }
0x16: {  	s3 =	sld [smem:$0x3FDB];
	s0 =	simm.s32 @p2 $0x1  }
0x17: {  	s4 =	simm.s32 $0x1BF5;
	[smem:$0x3FB9] =	sst s0  }
0x18: {  	s0 =	sld [smem:$0x3F9C];
	_ =	swait.ge [sflag:s4], $0x0  }
0x19: {  	s7 =	sld [smem:$0x3F9D]  }
0x1a: {  	s8 =	sadd.s32 $0xFFFFE003, lr  }
0x1b: {  	s9 =	sadd.s32 $0xFFFFFEF7, lr;
	s5 =	simm.s32 $0xFFFFFFFF;
	p2 =	slt.u32 s8, $0xFFFFF086  }
0x1c: {  	p1 =	slt.u32 s9, $0xF7A;
	s5 =	simm.s32 @!p2 $0x0  }
0x1d: {  	s5 =	simm.s32 @p1 $0x1;
	p0 =	seq.s32 s7, s2  }
0x1e: {  	s7 =	smul.u32 @!p0 $0xF7A, s2;
	p2 =	seq.s32 @!p0 s5, $0x0  }
0x1f: {  	s9 =	smul.u32 $0xF7A, s1;
	s8 =	simm.s32 @!p0 $0x1BF5;
	p2 =	por !p2, p0  }
0x20: {  	[sflag:s8] =	ssyncset.s32 @!p0 $0xFFFFF086;
	s6 =	sadd.s32 @!p0 s3, s7;
	s7 =	simm.s32 @!p0 $0x108  }
0x21: {  	s3 =	sadd.s32 s3, s9;
	s6 =	sadd.s32 @!p0 $0x88, s6;
	s7 =	simm.s32 @p2 $0x1082  }
0x22: {  	[simem:s7], [sflag:s8] =	dma.local @!p0 [hbm:s6], $0xF7A  }
0x23: {  	s9 =	sor.u32 $0xD0000000, s2;
	s6 =	simm.s32 $0x108;
	_ =	swait.ge @!p0 [sflag:s8], $0x0  }
0x24: {  	s3 =	sadd.s32 $0x88, s3;
	s6 =	simm.s32 @!p1 $0x1082;
	[sflag:s4] =	ssyncset.s32 $0xFFFFF086  }
0x25: {  	[simem:s6], [sflag:s4] =	dma.local [hbm:s3], $0xF7A  }
0x26: {  	[smem:$0x3F9D] =	sst s1;
	(tag) =	ssettag s2;
	_ =	strace s9  }
0x27: {  	s1 =	sld [smem:$0x3FAD]  }
0x28: {  	s2 =	sld [smem:$0x3FAE]  }
0x29: {  	s4 =	sld [smem:$0x3FB0]  }
0x2a: {  	p0 =	seq.s32 s5, $0x0;
	s5 =	sld [smem:$0x3FB1]  }
0x2b: {  	s6 =	sld [smem:$0x3FB2]  }
0x2c: {  	s7 =	sld [smem:$0x3FB3]  }
0x2d: {  	s3 =	simm.s32 $0x108;
	s8 =	sld [smem:$0x3FB4]  }
0x2e: {  	s3 =	simm.s32 @!p0 $0x1082;
	s9 =	sld [smem:$0x3FB5]  }
0x2f: {  	lr =	sadd.s32 s0, s3;
	s0 =	sld [smem:$0x3FAC]  }
0x30: {  	s3 =	sld [smem:$0x3FAF]  }
0x31: {  	[smem:$0x3FB8] =	sst s10  }
0x32: {  	s10 =	sld [smem:$0x3FB6];
	_ =	sdelay $0x3  }
0x33: {  	p0 =	seq.s32 s10, $0x1;
	s10 =	sld [smem:$0x3FB8];
	_ =	sdelay $0x3  }
0x34: {  	[smem:$0x3FB8] =	sst s10  }
0x35: {  	s10 =	sld [smem:$0x3FB7];
	_ =	sdelay $0x3  }
0x36: {  	p1 =	seq.s32 s10, $0x1;
	s10 =	sld [smem:$0x3FB8];
	_ =	sdelay $0x3  }
0x37: {  	[smem:$0x3FB8] =	sst s10  }
0x38: {  	s10 =	sld [smem:$0x3FB9]  }
0x39: {  	_ = 	snop;
	(pc) =	sbr.ind lr, $3  }
0x3a: {  	_ = 	snop  }
0x3b: {  	_ = 	snop  }
0x3c: {  	p2 =	seq.s32 s10, $0x1;
	s10 =	sld [smem:$0x3FB8]  }
0x3d: {  	_ =	shalt  }
0x3e: {  	_ =	shalt  }
0x3f: {  	_ =	shalt  }
0x40: {  	_ =	shalt  }
0x41: {  	_ =	shalt  }
0x42: {  	_ =	shalt  }
0x43: {  	_ =	shalt  }
0x44: {  	_ =	shalt  }
0x45: {  	_ =	shalt  }
0x46: {  	_ =	shalt  }
0x47: {  	_ =	shalt  }
0x48: {  	_ =	shalt  }
0x49: {  	_ =	shalt  }
0x4a: {  	_ =	shalt  }
0x4b: {  	_ =	shalt  }
0x4c: {  	_ =	shalt  }
0x4d: {  	_ =	shalt  }
0x4e: {  	_ =	shalt  }
0x4f: {  	_ =	shalt  }
0x50: {  	_ =	shalt  }
0x51: {  	_ =	shalt  }
0x52: {  	_ =	shalt  }
0x53: {  	_ =	shalt  }
0x54: {  	_ =	shalt  }
0x55: {  	_ =	shalt  }
0x56: {  	_ =	shalt  }
0x57: {  	_ =	shalt  }
0x58: {  	_ =	shalt  }
0x59: {  	_ =	shalt  }
0x5a: {  	_ =	shalt  }
0x5b: {  	_ =	shalt  }
0x5c: {  	_ =	shalt  }
0x5d: {  	_ =	shalt  }
0x5e: {  	_ =	shalt  }
0x5f: {  	_ =	shalt  }
0x60: {  	_ =	shalt  }
0x61: {  	_ =	shalt  }
0x62: {  	_ =	shalt  }
0x63: {  	_ =	shalt  }
0x64: {  	_ =	shalt  }
0x65: {  	_ =	shalt  }
0x66: {  	_ =	shalt  }
0x67: {  	_ =	shalt  }
0x68: {  	_ =	shalt  }
0x69: {  	_ =	shalt  }
0x6a: {  	_ =	shalt  }
0x6b: {  	_ =	shalt  }
0x6c: {  	_ =	shalt  }
0x6d: {  	_ =	shalt  }
0x6e: {  	_ =	shalt  }
0x6f: {  	_ =	shalt  }
0x70: {  	_ =	shalt  }
0x71: {  	_ =	shalt  }
0x72: {  	_ =	shalt  }
0x73: {  	_ =	shalt  }
0x74: {  	_ =	shalt  }
0x75: {  	_ =	shalt  }
0x76: {  	_ =	shalt  }
0x77: {  	_ =	shalt  }
0x78: {  	_ =	shalt  }
0x79: {  	_ =	shalt  }
0x7a: {  	_ =	shalt  }
0x7b: {  	_ =	shalt  }
0x7c: {  	_ =	shalt  }
0x7d: {  	_ =	shalt  }
0x7e: {  	_ =	shalt  }
0x7f: {  	_ =	shalt  }
0x80: {  	_ =	shalt  }
0x81: {  	_ =	shalt  }
0x82: {  	_ =	shalt  }
0x83: {  	_ =	shalt  }
0x84: {  	_ =	shalt  }
0x85: {  	_ =	shalt  }
0x86: {  	_ =	shalt  }
0x87: {  	_ =	shalt  }
.Lfunc_end0:
.L_simem_size_0:
called_computation_lowered:
.L_overlay_start_0:
0x88: {  	s2 =	sld [smem:$0x3FD9]  }
0x89: {  	s3 =	sld [smem:$0x3FFE];
	_ =	sdelay $0x1  }
0x8a: {  	s1 =	srdreg.scid  }
0x8b: {  	s0 =	sand.u32 $0x1, s1  }
0x8c: {  	s17 =	sshll.u32 s0, $0xA;
	s2 =	sadd.s32 s3, s2  }
0x8d: {  	s2 =	sadd.s32 s2, s17  }
0x8e: {  	[smem:$0x3FC4] =	sst s2  }
0x8f: {  	_ = 	snop  }
0x90: {  	s2 =	sld [smem:$0x3FD0];
	(tm) =	ssettm $0x1  }
0x91: {  	s18 =	sld [smem:$0x3FFB];
	_ =	sdelay $0x3  }
0x92: {  	_ =	strace s18  }
0x93: {  	s3 =	sld [smem:$0x3FFC];
	_ =	sdelay $0x3  }
0x94: {  	_ =	strace s3  }
0x95: {  	s3 =	sld [smem:$0x3FFD];
	_ =	sdelay $0x3  }
0x96: {  	_ =	strace s3  }
0x97: {  	_ =	strace $0x8FFFFFFF  }
0x98: {  	s19 =	sld [smem:$0x3FDB];
	_ =	sdelay $0x1  }
0x99: {  	s4 =	simm.s32 $_scs_section_size  }
0x9a: {  	s5 =	simm.s32 $_size__tile_overlayer_lowered;
	s6 =	simm.s32 $_tile_overlayer_lowered  }
0x9b: {  	s22 =	simm.s32 $0x1BFF;
	s21 =	sshll.u32 s6, $0x1;
	s3 =	sadd.s32 s4, s19  }
0x9c: {  	s7 =	simm.s32 $0x0;
	s20 =	sshll.u32 s5, $0x1;
	s5 =	sadd.s32 s21, s3  }
0x9d: {  	[timem:s7], [sflag:s22] =	dma.local [hbm:s5], s20  }
0x9e: {  	_ =	swait.ge [sflag:s22], s20  }
0x9f: {  	s4 =	ssub.s32 $0x0, s20;
	[sflag:s22] =	ssyncset.done $0x0  }
0xa0: {  	[sflag:s22] =	ssyncadd.s32 s4;
	_ =	sdelay $0x1  }
0xa1: {  	s23 =	simm.s32 $0x1B8B  }
0xa2: {  	_ =	swait.ge [sflag:s23], $0x1  }
0xa3: {  	[sflag:s23] =	ssyncset.done $0x0  }
0xa4: {  	s25 =	simm.s32 $0x1B8E;
	s24 =	sld [smem:$0x3FFE];
	[sflag:s23] =	ssyncadd.s32 $0xFFFFFFFF  }
0xa5: {  	s26 =	simm.s32 $execute0_lowered;
	[smem:$0x3FD2] =	sst s25  }
0xa6: {  	s5 =	sshll.u32 s26, $0x1;
	_ =	strace $0x80000046;
	[dreg:$0x1] =	wrdreg $0xFFFFFFFF  }
0xa7: {  	s28 =	simm.s32 $_size_execute0_lowered;
	s3 =	sadd.s32 s3, s5;
	[dreg:$0x0] =	wrdreg $0x0  }
0xa8: {  	s5 =	sshll.u32 s28, $0x1;
	[dreg:$0x2] =	wrdreg s3  }
0xa9: {  	[dreg:$0x3] =	wrdreg s5  }
0xaa: {  	[dreg:$0x4] =	wrdreg $0xC0  }
0xab: {  	_ =	task [dreg:s7], $0x5FFFF  }
0xac: {  	[dreg:$0x1] =	wrdreg $0xFFFFFFFF  }
0xad: {  	[dreg:$0x0] =	wrdreg $0x60  }
0xae: {  	[dreg:$0x2] =	wrdreg s24  }
0xaf: {  	[dreg:$0x3] =	wrdreg s2  }
0xb0: {  	[dreg:$0x4] =	wrdreg $0x9  }
0xb1: {  	_ =	task.clear_ibuf [dreg:s7], $0x5FFFF;
	_ =	strace $0x90000046  }
0xb2: {  	s29 =	simm.s32 $0x9;
	_ =	strace $0x80000048  }
0xb3: {  	_ =	swait.ge [sflag:s29], $0x1  }
0xb4: {  	[sflag:s29] =	ssyncadd.s32 $0xFFFFFFFF  }
0xb5: {  	_ =	strace $0x90000048  }
0xb6: {  	_ =	sfence  }
0xb7: {  	s30 =	sld [smem:$0x0];
	_ =	sdelay $0x2  }
0xb8: {  	s31 =	sshll.u32 s1, $0xD;
	s1 =	sshrl.u32 s1, $0x2  }
0xb9: {  	s3 =	sand.u32 $0x4000, s31;
	s1 =	sadd.s32 s1, s30  }
0xba: {  	s0 =	sor.u32 s3, s0;
	s1 =	sshll.u32 s1, $0x11  }
0xbb: {  	s0 =	sor.u32 s1, s0  }
0xbc: {  	s0 =	sadd.s32 $0x8F2B, s0  }
0xbd: {  	[sflag:s0] =	ssyncadd.remote.s32 $0x1  }
0xbe: {  	_ =	sfence.sel $0xFFFF  }
0xbf: {  	[dreg:$0x0] =	wrdreg $0xFFFFFFFF;
	(pc) =	sbr.abs _section_cstart, $3  }
0xc0: {  	[dreg:$0x1] =	wrdreg $0xFFFFFFFF  }
0xc1: {  	_ =	task.clear_ibuf [dreg:s7], $0x2FFFF;
	_ =	strace $0x9FFFFFFF  }
0xc2: {  	(tm) =	ssettm $0x7FFFFFFF  }
0xc3: {  	_ =	shalt  }
tec
execute0_lowered:
.L_overlay_start_1:
0x0: {  	(tag) =	ssettag $0x1  }
0x1: {  	s5 =	rddreg [dreg:$0x0]  }
0x2: {  	s1 =	srdreg.scid;
	s0 =	stileid.u32  }
0x3: {  	s2 =	rddreg [dreg:$0x1];
	s3 =	simm.s32 $0x0;
	s9 =	simm.s32 $0x3F80  }
0x4: {  	s10 =	simm.s32 $0x4200;
	s11 =	simm.s32 $0x4000;
	s12 =	simm.s32 $0x4A00  }
0x5: {  	s13 =	simm.s32 $0x4080;
	s14 =	simm.s32 $0x5200;
	s15 =	simm.s32 $0x4100  }
0x6: {  	s16 =	simm.s32 $0x5A00;
	s4 =	sand.u32 $0x1, s1;
	s6 =	sshll.u32 s0, $0x1  }
0x7: {  	s19 =	simm.s32 $0x3;
	s21 =	simm.s32 $0x6200;
	s6 =	sor.u32 s4, s6  }
0x8: {  	s22 =	simm.s32 $0x0;
	[smem:$0x7FF] =	sst s3;
	s7 =	smul.u32 $0x2780, s6  }
0x9: {  	s1 =	rddreg [dreg:$0x2];
	_ =	strace $0x80000047;
	s17 =	smul.u32 $0x2780000, s6  }
.Ltmp0:
0xa: {  	s8 =	ssub.s32 $0x2, s4;
	s4 =	sadd.s32 $0x50000, s5;
	(pc) =	sbr.rel .LBB2_1-.Ltmp0, $4  }
0xb: {  	s31 =	sshrl.u32 s8, $0x1;
	s20 =	smul.u32 $0x278, s6;
	s5 =	sadd.s32 s7, s5  }
0xc: {  	s7 =	ssub.s32 s8, s31;
	s18 =	sadd.s32 $0x2780000, s17;
	s8 =	simm.s32 $0x10  }
0xd: {  	v1 =	vmov s17;
	s17 =	simm.s32 $0x1;
	v2 =	vmov s20;
	s20 =	simm.s32 $0x4;
	s5 =	sadd.s32 $0x1000, s5  }
0xe: {  	v3 =	vimm.f32 $-3.000000010e+38;
	v4 =	vimm.s32 $0x0;
	s6 =	smax.u32 s7, $0x1;
	s7 =	simm.s32 $0x5;
	v0 =	vmov s18;
	s18 =	simm.s32 $0x2  }
.LBB2_11:
0xf: {  	s22 =	sadd.s32 $0x1, s22  }
0x10: {  	p0 =	sne.s32 s22, s6  }
.Ltmp1:
0x11: {  	_ = 	snop;
	(pc) =	sbr.rel @!p0 .LBB2_12-.Ltmp1, $4  }
0x12: {  	[hbm4b:s5+s3] =	stream.linear.scatter [tilespmem:s21], [sflag:$0x5], $0x13C00, $0x38;
	[tilespmem:$0x1A200] =	vst v63  }
0x13: {  	_ =	swait.ge [sflag:s7], $0x13C00  }
0x14: {  	[sflag:s7] =	ssyncset.done $0x0  }
0x15: {  	[sflag:s7] =	ssyncadd.s32 $0xFFFEC400  }
.LBB2_1:
0x16: {  	s24 =	simm.s32 $0x0;
	s23 =	simm.s32 $0x200  }
.LBB2_2:
0x17: {  	p0 =	sne.s32 s23, $0x4F000;
	[tilespmem:s24+$0x6270] =	vst v3  }
0x18: {  	[tilespmem:s24+$0x6200] =	vst v3  }
0x19: {  	[tilespmem:s24+$0x6210] =	vst v3  }
.Ltmp2:
0x1a: {  	[tilespmem:s24+$0x6220] =	vst v3;
	(pc) =	sbr.rel @p0 .LBB2_2-.Ltmp2, $4  }
0x1b: {  	[tilespmem:s24+$0x6230] =	vst v3  }
0x1c: {  	[tilespmem:s24+$0x6240] =	vst v3  }
0x1d: {  	[tilespmem:s24+$0x6250] =	vst v3  }
0x1e: {  	[tilespmem:s24+$0x6260] =	vst v3;
	s24 =	sshra.s32 s23, $0x2;
	s23 =	sadd.s32 $0x200, s23  }
0x1f: {  	[tilespmem:s24+$0x6270] =	vst v3  }
0x20: {  	[tilespmem:s24+$0x6200] =	vst v3  }
0x21: {  	[tilespmem:s24+$0x6210] =	vst v3  }
.Ltmp3:
0x22: {  	[tilespmem:s24+$0x6220] =	vst v3;
	(pc) =	sbr.rel .LBB2_4-.Ltmp3, $4  }
0x23: {  	[tilespmem:s24+$0x6230] =	vst v3  }
0x24: {  	[tilespmem:s24+$0x6240] =	vst v3  }
0x25: {  	[tilespmem:s24+$0x6250] =	vst v3  }
0x26: {  	s23 =	simm.s32 $0x0;
	[tilespmem:s24+$0x6260] =	vst v3;
	s24 =	simm.s32 $0x0  }
.LBB2_10:
0x27: {  	s24 =	sadd.s32 $0x1, s24  }
0x28: {  	p0 =	sne.s32 s24, $0x28  }
.Ltmp4:
0x29: {  	_ = 	snop;
	(pc) =	sbr.rel @!p0 .LBB2_11-.Ltmp4, $1  }
0x2a: {  	_ =	sdelay $0x3  }
.LBB2_4:
0x2b: {  	s25 =	smul.u32 $0x3E8, s24;
	_ =	sdelay $0x1  }
0x2c: {  	s25 =	sadd.s32 s4, s25  }
0x2d: {  	[tilespmem:s23], [sflag:$0x5] =	stream.linear.gather [hbm4b:s25+s23], $0x1F40, $0x38;
	[tilespmem:$0x1A200] =	vst v63  }
0x2e: {  	_ =	swait.ge [sflag:s7], $0x1F40  }
0x2f: {  	[sflag:s7] =	ssyncset.done $0x0  }
0x30: {  	s30 =	simm.s32 $0x0;
	[sflag:s7] =	ssyncadd.s32 $0xFFFFE0C0  }
0x31: {  	v5 =	vld [tilespmem:s30+$0x0];
	_ =	sdelay $0x4  }
0x32: {  	vm0 =	vge.s32 v5, v1;
	vm1 =	vlt.s32 v5, v0  }
0x33: {  	vm0 =	vmand vm0, vm1  }
0x34: {  	v8 =	vsel vm0, $0x1, v4  }
0x35: {  	(xrf0) =	vadd.scan.msk.s32 $0xffff, v8;
	_ =	sdelay $0x2  }
0x36: {  	v6 =	vld [tilespmem:s30+$0x10];
	_ =	sdelay $0x1  }
0x37: {  	v7 =	vld [tilespmem:s30+$0x20]  }
0x38: {  	v12, _, _ =	vpop (xrf0)  }
0x39: {  	v10 =	vld [tilespmem:s30+$0x30];
	(v2sf) =	vpush v12, $0xF  }
0x3a: {  	vm10 =	vge.s32 v6, v1;
	vm2 =	vlt.s32 v6, v0  }
0x3b: {  	vm11 =	vmand vm10, vm2  }
0x3c: {  	vm12 =	vge.s32 v7, v1;
	vm13 =	vlt.s32 v7, v0;
	v9 =	vsel vm11, $0x1, v4  }
0x3d: {  	vm0 =	vmand vm12, vm13;
	v8 =	vxor.u32 $0x80000001, v8;
	(xrf0) =	vadd.scan.msk.s32 $0xffff, v9  }
0x3e: {  	vm14 =	vge.s32 v10, v1;
	vm15 =	vlt.s32 v10, v0;
	v11 =	vsel vm0, $0x1, v4;
	(xrf1) =	vsort.ascd.msk.u32 $0xffff, v8, v5  }
0x3f: {  	vm0 =	vmand vm14, vm15;
	v5 =	vxor.u32 $0x80000001, v11;
	(xrf0) =	vadd.scan.msk.s32 $0xffff, v11  }
0x40: {  	(xrf1) =	vsort.ascd.msk.u32 $0xffff, v5, v7;
	v5 =	vsel vm0, $0x1, v4  }
0x41: {  	(xrf0) =	vadd.scan.msk.s32 $0xffff, v5;
	_ =	sdelay $0x2  }
0x42: {  	v7 =	vxor.u32 $0x80000001, v5;
	v63, _, _ =	vpop (xrf0)  }
0x43: {  	v9 =	vxor.u32 $0x80000001, v9;
	(v2sf) =	vpush v63, $0xF  }
0x44: {  	(xrf1) =	vsort.ascd.msk.u32 $0xffff, v9, v6;
	v6, _, _ =	vpop (xrf0)  }
0x45: {  	(xrf1) =	vsort.ascd.msk.u32 $0xffff, v7, v10;
	(v2sf) =	vpush v6, $0xF;
	v7, _, _ =	vpop (xrf0)  }
0x46: {  	s31 =	spop (v2sf);
	(v2sf) =	vpush v7, $0xF;
	_ =	sdelay $0x9  }
0x47: {  	_, v5, _ =	vpop (xrf1)  }
0x48: {  	_, v6, _ =	vpop (xrf1)  }
0x49: {  	[tilespmem:s23+$0x1F80] =	vst v5;
	_, v5, _ =	vpop (xrf1);
	s25 =	sadd.s32 $0x0, s31;
	s26 =	spop (v2sf)  }
0x4a: {  	[tilespmem:s25+$0x1F80] =	vst v5;
	s26 =	sadd.s32 s26, s25  }
0x4b: {  	s25 =	simm.s32 $0x100;
	_, v5, _ =	vpop (xrf1);
	s28 =	spop (v2sf);
	[tilespmem:s26+$0x1F80] =	vst v6  }
.LBB2_5:
0x4c: {  	p0 =	sne.s32 s25, $0x7C00;
	s26 =	sadd.s32 s28, s26;
	s28 =	spop (v2sf)  }
0x4d: {  	s29 =	sshra.s32 s25, $0x2;
	s25 =	sadd.s32 $0x100, s25;
	[tilespmem:s26+$0x1F80] =	vst v5;
	s26 =	sadd.s32 s28, s26  }
0x4e: {  	v5 =	vld [tilespmem:s29+$0x0]  }
0x4f: {  	v6 =	vld [tilespmem:s29+$0x10]  }
0x50: {  	v7 =	vld [tilespmem:s29+$0x20]  }
0x51: {  	v8 =	vld [tilespmem:s29+$0x30];
	_ =	sdelay $0x1  }
0x52: {  	vm0 =	vge.s32 v5, v1;
	vm1 =	vlt.s32 v5, v0  }
0x53: {  	vm0 =	vmand vm0, vm1;
	vm1 =	vge.s32 v6, v1;
	vm2 =	vlt.s32 v6, v0  }
0x54: {  	v9 =	vsel vm0, $0x1, v4;
	vm0 =	vmand vm1, vm2;
	vm1 =	vge.s32 v7, v1  }
0x55: {  	v10 =	vsel vm0, $0x1, v4;
	vm0 =	vlt.s32 v7, v0;
	vm2 =	vge.s32 v8, v1;
	(xrf0) =	vadd.scan.msk.s32 $0xffff, v9  }
0x56: {  	v9 =	vxor.u32 $0x80000001, v9;
	vm0 =	vmand vm1, vm0;
	vm1 =	vlt.s32 v8, v0;
	(xrf0) =	vadd.scan.msk.s32 $0xffff, v10  }
0x57: {  	v10 =	vxor.u32 $0x80000001, v10;
	v11 =	vsel vm0, $0x1, v4;
	vm0 =	vmand vm2, vm1;
	(xrf1) =	vsort.ascd.msk.u32 $0xffff, v9, v5  }
0x58: {  	v5 =	vxor.u32 $0x80000001, v11;
	v9 =	vsel vm0, $0x1, v4;
	(xrf0) =	vadd.scan.msk.s32 $0xffff, v11  }
0x59: {  	v11 =	vxor.u32 $0x80000001, v9;
	(xrf0) =	vadd.scan.msk.s32 $0xffff, v9  }
0x5a: {  	(xrf1) =	vsort.ascd.msk.u32 $0xffff, v5, v7  }
0x5b: {  	v5, _, _ =	vpop (xrf0);
	(xrf1) =	vsort.ascd.msk.u32 $0xffff, v10, v6  }
0x5c: {  	(v2sf) =	vpush v5, $0xF;
	v5, _, _ =	vpop (xrf0);
	(xrf1) =	vsort.ascd.msk.u32 $0xffff, v11, v8  }
0x5d: {  	(v2sf) =	vpush v5, $0xF  }
0x5e: {  	v5, _, _ =	vpop (xrf0)  }
0x5f: {  	(v2sf) =	vpush v5, $0xF;
	v5, _, _ =	vpop (xrf0)  }
0x60: {  	(v2sf) =	vpush v5, $0xF;
	_ =	sdelay $0x4  }
0x61: {  	_, v5, _ =	vpop (xrf1)  }
0x62: {  	[tilespmem:s26+$0x1F80] =	vst v5;
	_ =	sdelay $0x1  }
0x63: {  	_, v6, _ =	vpop (xrf1)  }
0x64: {  	_, v7, _ =	vpop (xrf1)  }
.Ltmp5:
0x65: {  	_, v5, _ =	vpop (xrf1);
	(pc) =	sbr.rel @p0 .LBB2_5-.Ltmp5, $4  }
0x66: {  	s28 =	spop (v2sf)  }
0x67: {  	s26 =	sadd.s32 s26, s28;
	s28 =	spop (v2sf)  }
0x68: {  	[tilespmem:s26+$0x1F80] =	vst v7;
	s26 =	sadd.s32 s28, s26  }
0x69: {  	[tilespmem:s26+$0x1F80] =	vst v6;
	s28 =	spop (v2sf)  }
0x6a: {  	s25 =	sadd.s32 s28, s26;
	s31 =	spop (v2sf)  }
0x6b: {  	s26 =	sadd.s32 s31, s25  }
0x6c: {  	[tilespmem:s25+$0x1F80] =	vst v5;
	s25 =	sadd.s32 $0x3F, s26  }
0x6d: {  	s25 =	sshra.s32 s25, $0x6  }
0x6e: {  	p0 =	slt.s32 s25, $0x1  }
.Ltmp6:
0x6f: {  	_ = 	snop;
	(pc) =	sbr.rel @p0 .LBB2_10-.Ltmp6, $4  }
0x70: {  	[tilespmem:s26+$0x1F80] =	vst v0  }
0x71: {  	[tilespmem:s26+$0x1F90] =	vst v0  }
0x72: {  	[tilespmem:s26+$0x1FA0] =	vst v0  }
0x73: {  	[tilespmem:s26+$0x1FB0] =	vst v0;
	s26 =	simm.s32 $0x0  }
.LBB2_7:
0x74: {  	s28 =	sshll.u32 s26, $0x8  }
0x75: {  	s28 =	sshra.s32 s28, $0x2  }
0x76: {  	v5 =	vld [tilespmem:s28+$0x1F80];
	_ =	sdelay $0x4  }
0x77: {  	v6 =	vand.u32 $0xFFFF, v5;
	v5 =	vshra.s32 v5, $0x10  }
0x78: {  	[tilespmem:$0x3F80] =	vst v6;
	v5 =	vsub.s32 v5, v2  }
0x79: {  	[tilespmem:$0x4180] =	vst v5  }
0x7a: {  	v5 =	vld [tilespmem:s28+$0x1F90];
	_ =	sdelay $0x4  }
0x7b: {  	v6 =	vand.u32 $0xFFFF, v5;
	v5 =	vshra.s32 v5, $0x10  }
0x7c: {  	[tilespmem:$0x4000] =	vst v6;
	v5 =	vsub.s32 v5, v2  }
0x7d: {  	[tilespmem:$0x4190] =	vst v5  }
0x7e: {  	v5 =	vld [tilespmem:s28+$0x1FA0];
	_ =	sdelay $0x4  }
0x7f: {  	v6 =	vand.u32 $0xFFFF, v5;
	v5 =	vshra.s32 v5, $0x10  }
0x80: {  	[tilespmem:$0x4080] =	vst v6;
	v5 =	vsub.s32 v5, v2  }
0x81: {  	[tilespmem:$0x41A0] =	vst v5  }
0x82: {  	v5 =	vld [tilespmem:s28+$0x1FB0];
	_ =	sdelay $0x4  }
0x83: {  	v6 =	vand.u32 $0xFFFF, v5;
	v5 =	vshra.s32 v5, $0x10  }
0x84: {  	[tilespmem:$0x4100] =	vst v6;
	v5 =	vsub.s32 v5, v2  }
0x85: {  	[tilespmem:$0x41B0] =	vst v5  }
0x86: {  	[tilespmem:s10], [sflag:$0x1] =	stream.indirect.gather [hbm4b:s2+s8], $0x80, s9, s8, $0xb8;
	[tilespmem:$0x1A200] =	vst v63  }
0x87: {  	_ = 	snop  }
0x88: {  	[tilespmem:s12], [sflag:$0x2] =	stream.indirect.gather [hbm4b:s2+s8], $0x80, s11, s8, $0xb8;
	[tilespmem:$0x1A200] =	vst v63  }
0x89: {  	_ = 	snop  }
0x8a: {  	[tilespmem:s14], [sflag:$0x3] =	stream.indirect.gather [hbm4b:s2+s8], $0x80, s13, s8, $0xb8;
	[tilespmem:$0x1A200] =	vst v63  }
0x8b: {  	_ = 	snop  }
0x8c: {  	[tilespmem:s16], [sflag:$0x4] =	stream.indirect.gather [hbm4b:s2+s8], $0x80, s15, s8, $0xb8;
	[tilespmem:$0x1A200] =	vst v63  }
0x8d: {  	_ =	swait.ge [sflag:s17], $0x800  }
0x8e: {  	[sflag:s17] =	ssyncset.done $0x0  }
0x8f: {  	[sflag:s17] =	ssyncadd.s32 $0xFFFFF800  }
0x90: {  	_ =	swait.ge [sflag:s18], $0x800  }
0x91: {  	[sflag:s18] =	ssyncset.done $0x0  }
0x92: {  	[sflag:s18] =	ssyncadd.s32 $0xFFFFF800  }
0x93: {  	_ =	swait.ge [sflag:s19], $0x800  }
0x94: {  	[sflag:s19] =	ssyncset.done $0x0  }
0x95: {  	[sflag:s19] =	ssyncadd.s32 $0xFFFFF800  }
0x96: {  	_ =	swait.ge [sflag:s20], $0x800  }
0x97: {  	[sflag:s20] =	ssyncset.done $0x0  }
0x98: {  	s29 =	simm.s32 $0x0;
	s28 =	simm.s32 $0x4600;
	[sflag:s20] =	ssyncadd.s32 $0xFFFFF800  }
.LBB2_8:
0x99: {  	s30 =	sshra.s32 s29, $0x2  }
0x9a: {  	v5 =	vld [tilespmem:s30+$0x4180];
	_ =	sdelay $0x4  }
0x9b: {  	v5 =	vshll.u32 v5, $0x9  }
0x9c: {  	v5 =	vshra.s32 v5, $0x2  }
0x9d: {  	(v2sf) =	vpush v5, $0x0;
	_ =	sdelay $0xe  }
0x9e: {  	v7 =	vld [tilespmem:s28+$0xFFFFFC00];
	s31 =	spop (v2sf)  }
0x9f: {  	v6 =	vld [tilespmem:s31+$0x6200];
	_ =	sdelay $0x4  }
0xa0: {  	v6 =	vmax.f32 v6, v7  }
0xa1: {  	[tilespmem:s31+$0x6200] =	vst v6;
	v6 =	vld [tilespmem:s31+$0x6210]  }
0xa2: {  	v7 =	vld [tilespmem:s28+$0xFFFFFC10];
	_ =	sdelay $0x4  }
0xa3: {  	v6 =	vmax.f32 v6, v7  }
0xa4: {  	[tilespmem:s31+$0x6210] =	vst v6;
	v6 =	vld [tilespmem:s31+$0x6220]  }
0xa5: {  	v7 =	vld [tilespmem:s28+$0xFFFFFC20];
	_ =	sdelay $0x4  }
0xa6: {  	v6 =	vmax.f32 v6, v7  }
0xa7: {  	[tilespmem:s31+$0x6220] =	vst v6;
	v6 =	vld [tilespmem:s31+$0x6230]  }
0xa8: {  	v7 =	vld [tilespmem:s28+$0xFFFFFC30];
	_ =	sdelay $0x4  }
0xa9: {  	v6 =	vmax.f32 v6, v7  }
0xaa: {  	[tilespmem:s31+$0x6230] =	vst v6;
	v6 =	vld [tilespmem:s31+$0x6240]  }
0xab: {  	v7 =	vld [tilespmem:s28+$0xFFFFFC40];
	_ =	sdelay $0x4  }
0xac: {  	v6 =	vmax.f32 v6, v7  }
0xad: {  	[tilespmem:s31+$0x6240] =	vst v6;
	v6 =	vld [tilespmem:s31+$0x6250]  }
0xae: {  	v7 =	vld [tilespmem:s28+$0xFFFFFC50];
	_ =	sdelay $0x4  }
0xaf: {  	(v2sf) =	vpush v5, $0x1;
	v6 =	vmax.f32 v6, v7  }
0xb0: {  	[tilespmem:s31+$0x6250] =	vst v6;
	v6 =	vld [tilespmem:s31+$0x6260]  }
0xb1: {  	v7 =	vld [tilespmem:s28+$0xFFFFFC60];
	_ =	sdelay $0x4  }
0xb2: {  	v6 =	vmax.f32 v6, v7  }
0xb3: {  	[tilespmem:s31+$0x6260] =	vst v6;
	v6 =	vld [tilespmem:s31+$0x6270]  }
0xb4: {  	v7 =	vld [tilespmem:s28+$0xFFFFFC70];
	_ =	sdelay $0x4  }
0xb5: {  	v6 =	vmax.f32 v6, v7  }
0xb6: {  	[tilespmem:s31+$0x6270] =	vst v6;
	s31 =	spop (v2sf)  }
0xb7: {  	v6 =	vld [tilespmem:s31+$0x6200]  }
0xb8: {  	v7 =	vld [tilespmem:s28+$0xFFFFFC80];
	_ =	sdelay $0x4  }
0xb9: {  	v6 =	vmax.f32 v6, v7  }
0xba: {  	[tilespmem:s31+$0x6200] =	vst v6;
	v6 =	vld [tilespmem:s31+$0x6210]  }
0xbb: {  	v7 =	vld [tilespmem:s28+$0xFFFFFC90];
	_ =	sdelay $0x4  }
0xbc: {  	v6 =	vmax.f32 v6, v7  }
0xbd: {  	[tilespmem:s31+$0x6210] =	vst v6;
	v6 =	vld [tilespmem:s31+$0x6220]  }
0xbe: {  	v7 =	vld [tilespmem:s28+$0xFFFFFCA0];
	_ =	sdelay $0x4  }
0xbf: {  	v6 =	vmax.f32 v6, v7  }
0xc0: {  	[tilespmem:s31+$0x6220] =	vst v6;
	v6 =	vld [tilespmem:s31+$0x6230]  }
0xc1: {  	v7 =	vld [tilespmem:s28+$0xFFFFFCB0];
	_ =	sdelay $0x4  }
0xc2: {  	v6 =	vmax.f32 v6, v7  }
0xc3: {  	[tilespmem:s31+$0x6230] =	vst v6;
	v6 =	vld [tilespmem:s31+$0x6240]  }
0xc4: {  	v7 =	vld [tilespmem:s28+$0xFFFFFCC0];
	_ =	sdelay $0x4  }
0xc5: {  	v6 =	vmax.f32 v6, v7  }
0xc6: {  	[tilespmem:s31+$0x6240] =	vst v6;
	v6 =	vld [tilespmem:s31+$0x6250]  }
0xc7: {  	v7 =	vld [tilespmem:s28+$0xFFFFFCD0];
	_ =	sdelay $0x4  }
0xc8: {  	(v2sf) =	vpush v5, $0x2;
	v6 =	vmax.f32 v6, v7  }
0xc9: {  	[tilespmem:s31+$0x6250] =	vst v6;
	v6 =	vld [tilespmem:s31+$0x6260]  }
0xca: {  	v7 =	vld [tilespmem:s28+$0xFFFFFCE0];
	_ =	sdelay $0x4  }
0xcb: {  	v6 =	vmax.f32 v6, v7  }
0xcc: {  	[tilespmem:s31+$0x6260] =	vst v6;
	v6 =	vld [tilespmem:s31+$0x6270]  }
0xcd: {  	v7 =	vld [tilespmem:s28+$0xFFFFFCF0];
	_ =	sdelay $0x4  }
0xce: {  	v6 =	vmax.f32 v6, v7  }
0xcf: {  	[tilespmem:s31+$0x6270] =	vst v6;
	s31 =	spop (v2sf)  }
0xd0: {  	v6 =	vld [tilespmem:s31+$0x6200]  }
0xd1: {  	v7 =	vld [tilespmem:s28+$0xFFFFFD00];
	_ =	sdelay $0x4  }
0xd2: {  	v6 =	vmax.f32 v6, v7  }
0xd3: {  	[tilespmem:s31+$0x6200] =	vst v6;
	v6 =	vld [tilespmem:s31+$0x6210]  }
0xd4: {  	v7 =	vld [tilespmem:s28+$0xFFFFFD10];
	_ =	sdelay $0x4  }
0xd5: {  	v6 =	vmax.f32 v6, v7  }
0xd6: {  	[tilespmem:s31+$0x6210] =	vst v6;
	v6 =	vld [tilespmem:s31+$0x6220]  }
0xd7: {  	v7 =	vld [tilespmem:s28+$0xFFFFFD20];
	_ =	sdelay $0x4  }
0xd8: {  	v6 =	vmax.f32 v6, v7  }
0xd9: {  	[tilespmem:s31+$0x6220] =	vst v6;
	v6 =	vld [tilespmem:s31+$0x6230]  }
0xda: {  	v7 =	vld [tilespmem:s28+$0xFFFFFD30];
	_ =	sdelay $0x4  }
0xdb: {  	v6 =	vmax.f32 v6, v7  }
0xdc: {  	[tilespmem:s31+$0x6230] =	vst v6;
	v6 =	vld [tilespmem:s31+$0x6240]  }
0xdd: {  	v7 =	vld [tilespmem:s28+$0xFFFFFD40];
	_ =	sdelay $0x4  }
0xde: {  	v6 =	vmax.f32 v6, v7  }
0xdf: {  	[tilespmem:s31+$0x6240] =	vst v6;
	v6 =	vld [tilespmem:s31+$0x6250]  }
0xe0: {  	v7 =	vld [tilespmem:s28+$0xFFFFFD50];
	_ =	sdelay $0x4  }
0xe1: {  	(v2sf) =	vpush v5, $0x3;
	v6 =	vmax.f32 v6, v7  }
0xe2: {  	[tilespmem:s31+$0x6250] =	vst v6;
	v6 =	vld [tilespmem:s31+$0x6260]  }
0xe3: {  	v7 =	vld [tilespmem:s28+$0xFFFFFD60];
	_ =	sdelay $0x4  }
0xe4: {  	v6 =	vmax.f32 v6, v7  }
0xe5: {  	[tilespmem:s31+$0x6260] =	vst v6;
	v6 =	vld [tilespmem:s31+$0x6270]  }
0xe6: {  	v7 =	vld [tilespmem:s28+$0xFFFFFD70];
	_ =	sdelay $0x4  }
0xe7: {  	v6 =	vmax.f32 v6, v7  }
0xe8: {  	[tilespmem:s31+$0x6270] =	vst v6;
	s31 =	spop (v2sf)  }
0xe9: {  	v6 =	vld [tilespmem:s31+$0x6200]  }
0xea: {  	v7 =	vld [tilespmem:s28+$0xFFFFFD80];
	_ =	sdelay $0x4  }
0xeb: {  	v6 =	vmax.f32 v6, v7  }
0xec: {  	[tilespmem:s31+$0x6200] =	vst v6;
	v6 =	vld [tilespmem:s31+$0x6210]  }
0xed: {  	v7 =	vld [tilespmem:s28+$0xFFFFFD90];
	_ =	sdelay $0x4  }
0xee: {  	v6 =	vmax.f32 v6, v7  }
0xef: {  	[tilespmem:s31+$0x6210] =	vst v6;
	v6 =	vld [tilespmem:s31+$0x6220]  }
0xf0: {  	v7 =	vld [tilespmem:s28+$0xFFFFFDA0];
	_ =	sdelay $0x4  }
0xf1: {  	v6 =	vmax.f32 v6, v7  }
0xf2: {  	[tilespmem:s31+$0x6220] =	vst v6;
	v6 =	vld [tilespmem:s31+$0x6230]  }
0xf3: {  	v7 =	vld [tilespmem:s28+$0xFFFFFDB0];
	_ =	sdelay $0x4  }
0xf4: {  	v6 =	vmax.f32 v6, v7  }
0xf5: {  	[tilespmem:s31+$0x6230] =	vst v6;
	v6 =	vld [tilespmem:s31+$0x6240]  }
0xf6: {  	v7 =	vld [tilespmem:s28+$0xFFFFFDC0];
	_ =	sdelay $0x4  }
0xf7: {  	v6 =	vmax.f32 v6, v7  }
0xf8: {  	[tilespmem:s31+$0x6240] =	vst v6;
	v6 =	vld [tilespmem:s31+$0x6250]  }
0xf9: {  	v7 =	vld [tilespmem:s28+$0xFFFFFDD0];
	_ =	sdelay $0x4  }
0xfa: {  	(v2sf) =	vpush v5, $0x4;
	v6 =	vmax.f32 v6, v7  }
0xfb: {  	[tilespmem:s31+$0x6250] =	vst v6;
	v6 =	vld [tilespmem:s31+$0x6260]  }
0xfc: {  	v7 =	vld [tilespmem:s28+$0xFFFFFDE0];
	_ =	sdelay $0x4  }
0xfd: {  	v6 =	vmax.f32 v6, v7  }
0xfe: {  	[tilespmem:s31+$0x6260] =	vst v6;
	v6 =	vld [tilespmem:s31+$0x6270]  }
0xff: {  	v7 =	vld [tilespmem:s28+$0xFFFFFDF0];
	_ =	sdelay $0x4  }
0x100: {  	v6 =	vmax.f32 v6, v7  }
0x101: {  	[tilespmem:s31+$0x6270] =	vst v6;
	s31 =	spop (v2sf)  }
0x102: {  	v6 =	vld [tilespmem:s31+$0x6200]  }
0x103: {  	v7 =	vld [tilespmem:s28+$0xFFFFFE00];
	_ =	sdelay $0x4  }
0x104: {  	v6 =	vmax.f32 v6, v7  }
0x105: {  	[tilespmem:s31+$0x6200] =	vst v6;
	v6 =	vld [tilespmem:s31+$0x6210]  }
0x106: {  	v7 =	vld [tilespmem:s28+$0xFFFFFE10];
	_ =	sdelay $0x4  }
0x107: {  	v6 =	vmax.f32 v6, v7  }
0x108: {  	[tilespmem:s31+$0x6210] =	vst v6;
	v6 =	vld [tilespmem:s31+$0x6220]  }
0x109: {  	v7 =	vld [tilespmem:s28+$0xFFFFFE20];
	_ =	sdelay $0x4  }
0x10a: {  	v6 =	vmax.f32 v6, v7  }
0x10b: {  	[tilespmem:s31+$0x6220] =	vst v6;
	v6 =	vld [tilespmem:s31+$0x6230]  }
0x10c: {  	v7 =	vld [tilespmem:s28+$0xFFFFFE30];
	_ =	sdelay $0x4  }
0x10d: {  	v6 =	vmax.f32 v6, v7  }
0x10e: {  	[tilespmem:s31+$0x6230] =	vst v6;
	v6 =	vld [tilespmem:s31+$0x6240]  }
0x10f: {  	v7 =	vld [tilespmem:s28+$0xFFFFFE40];
	_ =	sdelay $0x4  }
0x110: {  	v6 =	vmax.f32 v6, v7  }
0x111: {  	[tilespmem:s31+$0x6240] =	vst v6;
	v6 =	vld [tilespmem:s31+$0x6250]  }
0x112: {  	v7 =	vld [tilespmem:s28+$0xFFFFFE50];
	_ =	sdelay $0x4  }
0x113: {  	(v2sf) =	vpush v5, $0x5;
	v6 =	vmax.f32 v6, v7  }
0x114: {  	[tilespmem:s31+$0x6250] =	vst v6;
	v6 =	vld [tilespmem:s31+$0x6260]  }
0x115: {  	v7 =	vld [tilespmem:s28+$0xFFFFFE60];
	_ =	sdelay $0x4  }
0x116: {  	v6 =	vmax.f32 v6, v7  }
0x117: {  	[tilespmem:s31+$0x6260] =	vst v6;
	v6 =	vld [tilespmem:s31+$0x6270]  }
0x118: {  	v7 =	vld [tilespmem:s28+$0xFFFFFE70];
	_ =	sdelay $0x4  }
0x119: {  	v6 =	vmax.f32 v6, v7  }
0x11a: {  	[tilespmem:s31+$0x6270] =	vst v6;
	s31 =	spop (v2sf)  }
0x11b: {  	v6 =	vld [tilespmem:s31+$0x6200]  }
0x11c: {  	v7 =	vld [tilespmem:s28+$0xFFFFFE80];
	_ =	sdelay $0x4  }
0x11d: {  	v6 =	vmax.f32 v6, v7  }
0x11e: {  	[tilespmem:s31+$0x6200] =	vst v6;
	v6 =	vld [tilespmem:s31+$0x6210]  }
0x11f: {  	v7 =	vld [tilespmem:s28+$0xFFFFFE90];
	_ =	sdelay $0x4  }
0x120: {  	v6 =	vmax.f32 v6, v7  }
0x121: {  	[tilespmem:s31+$0x6210] =	vst v6;
	v6 =	vld [tilespmem:s31+$0x6220]  }
0x122: {  	v7 =	vld [tilespmem:s28+$0xFFFFFEA0];
	_ =	sdelay $0x4  }
0x123: {  	v6 =	vmax.f32 v6, v7  }
0x124: {  	[tilespmem:s31+$0x6220] =	vst v6;
	v6 =	vld [tilespmem:s31+$0x6230]  }
0x125: {  	v7 =	vld [tilespmem:s28+$0xFFFFFEB0];
	_ =	sdelay $0x4  }
0x126: {  	v6 =	vmax.f32 v6, v7  }
0x127: {  	[tilespmem:s31+$0x6230] =	vst v6;
	v6 =	vld [tilespmem:s31+$0x6240]  }
0x128: {  	v7 =	vld [tilespmem:s28+$0xFFFFFEC0];
	_ =	sdelay $0x4  }
0x129: {  	v6 =	vmax.f32 v6, v7  }
0x12a: {  	[tilespmem:s31+$0x6240] =	vst v6;
	v6 =	vld [tilespmem:s31+$0x6250]  }
0x12b: {  	v7 =	vld [tilespmem:s28+$0xFFFFFED0];
	_ =	sdelay $0x4  }
0x12c: {  	(v2sf) =	vpush v5, $0x6;
	v6 =	vmax.f32 v6, v7  }
0x12d: {  	[tilespmem:s31+$0x6250] =	vst v6;
	v6 =	vld [tilespmem:s31+$0x6260]  }
0x12e: {  	v7 =	vld [tilespmem:s28+$0xFFFFFEE0];
	_ =	sdelay $0x4  }
0x12f: {  	v6 =	vmax.f32 v6, v7  }
0x130: {  	[tilespmem:s31+$0x6260] =	vst v6;
	v6 =	vld [tilespmem:s31+$0x6270]  }
0x131: {  	v7 =	vld [tilespmem:s28+$0xFFFFFEF0];
	_ =	sdelay $0x4  }
0x132: {  	v6 =	vmax.f32 v6, v7  }
0x133: {  	[tilespmem:s31+$0x6270] =	vst v6;
	s31 =	spop (v2sf)  }
0x134: {  	v6 =	vld [tilespmem:s31+$0x6200]  }
0x135: {  	v7 =	vld [tilespmem:s28+$0xFFFFFF00];
	_ =	sdelay $0x4  }
0x136: {  	v6 =	vmax.f32 v6, v7  }
0x137: {  	[tilespmem:s31+$0x6200] =	vst v6;
	v6 =	vld [tilespmem:s31+$0x6210]  }
0x138: {  	v7 =	vld [tilespmem:s28+$0xFFFFFF10];
	_ =	sdelay $0x4  }
0x139: {  	v6 =	vmax.f32 v6, v7  }
0x13a: {  	[tilespmem:s31+$0x6210] =	vst v6;
	v6 =	vld [tilespmem:s31+$0x6220]  }
0x13b: {  	v7 =	vld [tilespmem:s28+$0xFFFFFF20];
	_ =	sdelay $0x4  }
0x13c: {  	v6 =	vmax.f32 v6, v7  }
0x13d: {  	[tilespmem:s31+$0x6220] =	vst v6;
	v6 =	vld [tilespmem:s31+$0x6230]  }
0x13e: {  	v7 =	vld [tilespmem:s28+$0xFFFFFF30];
	_ =	sdelay $0x4  }
0x13f: {  	v6 =	vmax.f32 v6, v7  }
0x140: {  	[tilespmem:s31+$0x6230] =	vst v6;
	v6 =	vld [tilespmem:s31+$0x6240]  }
0x141: {  	v7 =	vld [tilespmem:s28+$0xFFFFFF40];
	_ =	sdelay $0x4  }
0x142: {  	v6 =	vmax.f32 v6, v7  }
0x143: {  	[tilespmem:s31+$0x6240] =	vst v6;
	v6 =	vld [tilespmem:s31+$0x6250]  }
0x144: {  	v7 =	vld [tilespmem:s28+$0xFFFFFF50];
	_ =	sdelay $0x4  }
0x145: {  	(v2sf) =	vpush v5, $0x7;
	v6 =	vmax.f32 v6, v7  }
0x146: {  	[tilespmem:s31+$0x6250] =	vst v6;
	v6 =	vld [tilespmem:s31+$0x6260]  }
0x147: {  	v7 =	vld [tilespmem:s28+$0xFFFFFF60];
	_ =	sdelay $0x4  }
0x148: {  	v6 =	vmax.f32 v6, v7  }
0x149: {  	[tilespmem:s31+$0x6260] =	vst v6;
	v6 =	vld [tilespmem:s31+$0x6270]  }
0x14a: {  	v7 =	vld [tilespmem:s28+$0xFFFFFF70];
	_ =	sdelay $0x4  }
0x14b: {  	v6 =	vmax.f32 v6, v7  }
0x14c: {  	[tilespmem:s31+$0x6270] =	vst v6;
	s31 =	spop (v2sf)  }
0x14d: {  	v6 =	vld [tilespmem:s31+$0x6200]  }
0x14e: {  	v7 =	vld [tilespmem:s28+$0xFFFFFF80];
	_ =	sdelay $0x4  }
0x14f: {  	v6 =	vmax.f32 v6, v7  }
0x150: {  	[tilespmem:s31+$0x6200] =	vst v6;
	v6 =	vld [tilespmem:s31+$0x6210]  }
0x151: {  	v7 =	vld [tilespmem:s28+$0xFFFFFF90];
	_ =	sdelay $0x4  }
0x152: {  	v6 =	vmax.f32 v6, v7  }
0x153: {  	[tilespmem:s31+$0x6210] =	vst v6;
	v6 =	vld [tilespmem:s31+$0x6220]  }
0x154: {  	v7 =	vld [tilespmem:s28+$0xFFFFFFA0];
	_ =	sdelay $0x4  }
0x155: {  	v6 =	vmax.f32 v6, v7  }
0x156: {  	[tilespmem:s31+$0x6220] =	vst v6;
	v6 =	vld [tilespmem:s31+$0x6230]  }
0x157: {  	v7 =	vld [tilespmem:s28+$0xFFFFFFB0];
	_ =	sdelay $0x4  }
0x158: {  	v6 =	vmax.f32 v6, v7  }
0x159: {  	[tilespmem:s31+$0x6230] =	vst v6;
	v6 =	vld [tilespmem:s31+$0x6240]  }
0x15a: {  	v7 =	vld [tilespmem:s28+$0xFFFFFFC0];
	_ =	sdelay $0x4  }
0x15b: {  	v6 =	vmax.f32 v6, v7  }
0x15c: {  	[tilespmem:s31+$0x6240] =	vst v6;
	v6 =	vld [tilespmem:s31+$0x6250]  }
0x15d: {  	v7 =	vld [tilespmem:s28+$0xFFFFFFD0];
	_ =	sdelay $0x4  }
0x15e: {  	(v2sf) =	vpush v5, $0x8;
	v6 =	vmax.f32 v6, v7  }
0x15f: {  	[tilespmem:s31+$0x6250] =	vst v6;
	v6 =	vld [tilespmem:s31+$0x6260]  }
0x160: {  	v7 =	vld [tilespmem:s28+$0xFFFFFFE0];
	_ =	sdelay $0x4  }
0x161: {  	v6 =	vmax.f32 v6, v7  }
0x162: {  	[tilespmem:s31+$0x6260] =	vst v6;
	v6 =	vld [tilespmem:s31+$0x6270]  }
0x163: {  	v7 =	vld [tilespmem:s28+$0xFFFFFFF0];
	_ =	sdelay $0x4  }
0x164: {  	v6 =	vmax.f32 v6, v7  }
0x165: {  	[tilespmem:s31+$0x6270] =	vst v6;
	s31 =	spop (v2sf)  }
0x166: {  	v6 =	vld [tilespmem:s31+$0x6200]  }
0x167: {  	v7 =	vld [tilespmem:s28+$0x0];
	_ =	sdelay $0x4  }
0x168: {  	v6 =	vmax.f32 v6, v7  }
0x169: {  	[tilespmem:s31+$0x6200] =	vst v6;
	v6 =	vld [tilespmem:s31+$0x6210]  }
0x16a: {  	v7 =	vld [tilespmem:s28+$0x10];
	_ =	sdelay $0x4  }
0x16b: {  	v6 =	vmax.f32 v6, v7  }
0x16c: {  	[tilespmem:s31+$0x6210] =	vst v6;
	v6 =	vld [tilespmem:s31+$0x6220]  }
0x16d: {  	v7 =	vld [tilespmem:s28+$0x20];
	_ =	sdelay $0x4  }
0x16e: {  	v6 =	vmax.f32 v6, v7  }
0x16f: {  	[tilespmem:s31+$0x6220] =	vst v6;
	v6 =	vld [tilespmem:s31+$0x6230]  }
0x170: {  	v7 =	vld [tilespmem:s28+$0x30];
	_ =	sdelay $0x4  }
0x171: {  	v6 =	vmax.f32 v6, v7  }
0x172: {  	[tilespmem:s31+$0x6230] =	vst v6;
	v6 =	vld [tilespmem:s31+$0x6240]  }
0x173: {  	v7 =	vld [tilespmem:s28+$0x40];
	_ =	sdelay $0x4  }
0x174: {  	v6 =	vmax.f32 v6, v7  }
0x175: {  	[tilespmem:s31+$0x6240] =	vst v6;
	v6 =	vld [tilespmem:s31+$0x6250]  }
0x176: {  	v7 =	vld [tilespmem:s28+$0x50];
	_ =	sdelay $0x4  }
0x177: {  	(v2sf) =	vpush v5, $0x9;
	v6 =	vmax.f32 v6, v7  }
0x178: {  	[tilespmem:s31+$0x6250] =	vst v6;
	v6 =	vld [tilespmem:s31+$0x6260]  }
0x179: {  	v7 =	vld [tilespmem:s28+$0x60];
	_ =	sdelay $0x4  }
0x17a: {  	v6 =	vmax.f32 v6, v7  }
0x17b: {  	[tilespmem:s31+$0x6260] =	vst v6;
	v6 =	vld [tilespmem:s31+$0x6270]  }
0x17c: {  	v7 =	vld [tilespmem:s28+$0x70];
	_ =	sdelay $0x4  }
0x17d: {  	v6 =	vmax.f32 v6, v7  }
0x17e: {  	[tilespmem:s31+$0x6270] =	vst v6;
	s31 =	spop (v2sf)  }
0x17f: {  	v6 =	vld [tilespmem:s31+$0x6200]  }
0x180: {  	v7 =	vld [tilespmem:s28+$0x80];
	_ =	sdelay $0x4  }
0x181: {  	v6 =	vmax.f32 v6, v7  }
0x182: {  	[tilespmem:s31+$0x6200] =	vst v6;
	v6 =	vld [tilespmem:s31+$0x6210]  }
0x183: {  	v7 =	vld [tilespmem:s28+$0x90];
	_ =	sdelay $0x4  }
0x184: {  	v6 =	vmax.f32 v6, v7  }
0x185: {  	[tilespmem:s31+$0x6210] =	vst v6;
	v6 =	vld [tilespmem:s31+$0x6220]  }
0x186: {  	v7 =	vld [tilespmem:s28+$0xA0];
	_ =	sdelay $0x4  }
0x187: {  	v6 =	vmax.f32 v6, v7  }
0x188: {  	[tilespmem:s31+$0x6220] =	vst v6;
	v6 =	vld [tilespmem:s31+$0x6230]  }
0x189: {  	v7 =	vld [tilespmem:s28+$0xB0];
	_ =	sdelay $0x4  }
0x18a: {  	v6 =	vmax.f32 v6, v7  }
0x18b: {  	[tilespmem:s31+$0x6230] =	vst v6;
	v6 =	vld [tilespmem:s31+$0x6240]  }
0x18c: {  	v7 =	vld [tilespmem:s28+$0xC0];
	_ =	sdelay $0x4  }
0x18d: {  	v6 =	vmax.f32 v6, v7  }
0x18e: {  	[tilespmem:s31+$0x6240] =	vst v6;
	v6 =	vld [tilespmem:s31+$0x6250]  }
0x18f: {  	v7 =	vld [tilespmem:s28+$0xD0];
	_ =	sdelay $0x4  }
0x190: {  	(v2sf) =	vpush v5, $0xA;
	v6 =	vmax.f32 v6, v7  }
0x191: {  	[tilespmem:s31+$0x6250] =	vst v6;
	v6 =	vld [tilespmem:s31+$0x6260]  }
0x192: {  	v7 =	vld [tilespmem:s28+$0xE0];
	_ =	sdelay $0x4  }
0x193: {  	v6 =	vmax.f32 v6, v7  }
0x194: {  	[tilespmem:s31+$0x6260] =	vst v6;
	v6 =	vld [tilespmem:s31+$0x6270]  }
0x195: {  	v7 =	vld [tilespmem:s28+$0xF0];
	_ =	sdelay $0x4  }
0x196: {  	v6 =	vmax.f32 v6, v7  }
0x197: {  	[tilespmem:s31+$0x6270] =	vst v6;
	s31 =	spop (v2sf)  }
0x198: {  	v6 =	vld [tilespmem:s31+$0x6200]  }
0x199: {  	v7 =	vld [tilespmem:s28+$0x100];
	_ =	sdelay $0x4  }
0x19a: {  	v6 =	vmax.f32 v6, v7  }
0x19b: {  	[tilespmem:s31+$0x6200] =	vst v6;
	v6 =	vld [tilespmem:s31+$0x6210]  }
0x19c: {  	v7 =	vld [tilespmem:s28+$0x110];
	_ =	sdelay $0x4  }
0x19d: {  	v6 =	vmax.f32 v6, v7  }
0x19e: {  	[tilespmem:s31+$0x6210] =	vst v6;
	v6 =	vld [tilespmem:s31+$0x6220]  }
0x19f: {  	v7 =	vld [tilespmem:s28+$0x120];
	_ =	sdelay $0x4  }
0x1a0: {  	v6 =	vmax.f32 v6, v7  }
0x1a1: {  	[tilespmem:s31+$0x6220] =	vst v6;
	v6 =	vld [tilespmem:s31+$0x6230]  }
0x1a2: {  	v7 =	vld [tilespmem:s28+$0x130];
	_ =	sdelay $0x4  }
0x1a3: {  	v6 =	vmax.f32 v6, v7  }
0x1a4: {  	[tilespmem:s31+$0x6230] =	vst v6;
	v6 =	vld [tilespmem:s31+$0x6240]  }
0x1a5: {  	v7 =	vld [tilespmem:s28+$0x140];
	_ =	sdelay $0x4  }
0x1a6: {  	v6 =	vmax.f32 v6, v7  }
0x1a7: {  	[tilespmem:s31+$0x6240] =	vst v6;
	v6 =	vld [tilespmem:s31+$0x6250]  }
0x1a8: {  	v7 =	vld [tilespmem:s28+$0x150];
	_ =	sdelay $0x4  }
0x1a9: {  	(v2sf) =	vpush v5, $0xB;
	v6 =	vmax.f32 v6, v7  }
0x1aa: {  	[tilespmem:s31+$0x6250] =	vst v6;
	v6 =	vld [tilespmem:s31+$0x6260]  }
0x1ab: {  	v7 =	vld [tilespmem:s28+$0x160];
	_ =	sdelay $0x4  }
0x1ac: {  	v6 =	vmax.f32 v6, v7  }
0x1ad: {  	[tilespmem:s31+$0x6260] =	vst v6;
	v6 =	vld [tilespmem:s31+$0x6270]  }
0x1ae: {  	v7 =	vld [tilespmem:s28+$0x170];
	_ =	sdelay $0x4  }
0x1af: {  	v6 =	vmax.f32 v6, v7  }
0x1b0: {  	[tilespmem:s31+$0x6270] =	vst v6;
	s31 =	spop (v2sf)  }
0x1b1: {  	v6 =	vld [tilespmem:s31+$0x6200]  }
0x1b2: {  	v7 =	vld [tilespmem:s28+$0x180];
	_ =	sdelay $0x4  }
0x1b3: {  	v6 =	vmax.f32 v6, v7  }
0x1b4: {  	[tilespmem:s31+$0x6200] =	vst v6;
	v6 =	vld [tilespmem:s31+$0x6210]  }
0x1b5: {  	v7 =	vld [tilespmem:s28+$0x190];
	_ =	sdelay $0x4  }
0x1b6: {  	v6 =	vmax.f32 v6, v7  }
0x1b7: {  	[tilespmem:s31+$0x6210] =	vst v6;
	v6 =	vld [tilespmem:s31+$0x6220]  }
0x1b8: {  	v7 =	vld [tilespmem:s28+$0x1A0];
	_ =	sdelay $0x4  }
0x1b9: {  	v6 =	vmax.f32 v6, v7  }
0x1ba: {  	[tilespmem:s31+$0x6220] =	vst v6;
	v6 =	vld [tilespmem:s31+$0x6230]  }
0x1bb: {  	v7 =	vld [tilespmem:s28+$0x1B0];
	_ =	sdelay $0x4  }
0x1bc: {  	v6 =	vmax.f32 v6, v7  }
0x1bd: {  	[tilespmem:s31+$0x6230] =	vst v6;
	v6 =	vld [tilespmem:s31+$0x6240]  }
0x1be: {  	v7 =	vld [tilespmem:s28+$0x1C0];
	_ =	sdelay $0x4  }
0x1bf: {  	v6 =	vmax.f32 v6, v7  }
0x1c0: {  	[tilespmem:s31+$0x6240] =	vst v6;
	v6 =	vld [tilespmem:s31+$0x6250]  }
0x1c1: {  	v7 =	vld [tilespmem:s28+$0x1D0];
	_ =	sdelay $0x4  }
0x1c2: {  	(v2sf) =	vpush v5, $0xC;
	v6 =	vmax.f32 v6, v7  }
0x1c3: {  	[tilespmem:s31+$0x6250] =	vst v6;
	v6 =	vld [tilespmem:s31+$0x6260]  }
0x1c4: {  	v7 =	vld [tilespmem:s28+$0x1E0];
	_ =	sdelay $0x4  }
0x1c5: {  	v6 =	vmax.f32 v6, v7  }
0x1c6: {  	[tilespmem:s31+$0x6260] =	vst v6;
	v6 =	vld [tilespmem:s31+$0x6270]  }
0x1c7: {  	v7 =	vld [tilespmem:s28+$0x1F0];
	_ =	sdelay $0x4  }
0x1c8: {  	v6 =	vmax.f32 v6, v7  }
0x1c9: {  	[tilespmem:s31+$0x6270] =	vst v6;
	s31 =	spop (v2sf)  }
0x1ca: {  	v6 =	vld [tilespmem:s31+$0x6200]  }
0x1cb: {  	v7 =	vld [tilespmem:s28+$0x200];
	_ =	sdelay $0x4  }
0x1cc: {  	v6 =	vmax.f32 v6, v7  }
0x1cd: {  	[tilespmem:s31+$0x6200] =	vst v6;
	v6 =	vld [tilespmem:s31+$0x6210]  }
0x1ce: {  	v7 =	vld [tilespmem:s28+$0x210];
	_ =	sdelay $0x4  }
0x1cf: {  	v6 =	vmax.f32 v6, v7  }
0x1d0: {  	[tilespmem:s31+$0x6210] =	vst v6;
	v6 =	vld [tilespmem:s31+$0x6220]  }
0x1d1: {  	v7 =	vld [tilespmem:s28+$0x220];
	_ =	sdelay $0x4  }
0x1d2: {  	v6 =	vmax.f32 v6, v7  }
0x1d3: {  	[tilespmem:s31+$0x6220] =	vst v6;
	v6 =	vld [tilespmem:s31+$0x6230]  }
0x1d4: {  	v7 =	vld [tilespmem:s28+$0x230];
	_ =	sdelay $0x4  }
0x1d5: {  	v6 =	vmax.f32 v6, v7  }
0x1d6: {  	[tilespmem:s31+$0x6230] =	vst v6;
	v6 =	vld [tilespmem:s31+$0x6240]  }
0x1d7: {  	v7 =	vld [tilespmem:s28+$0x240];
	_ =	sdelay $0x4  }
0x1d8: {  	v6 =	vmax.f32 v6, v7  }
0x1d9: {  	[tilespmem:s31+$0x6240] =	vst v6;
	v6 =	vld [tilespmem:s31+$0x6250]  }
0x1da: {  	v7 =	vld [tilespmem:s28+$0x250];
	_ =	sdelay $0x4  }
0x1db: {  	(v2sf) =	vpush v5, $0xD;
	v6 =	vmax.f32 v6, v7  }
0x1dc: {  	[tilespmem:s31+$0x6250] =	vst v6;
	v6 =	vld [tilespmem:s31+$0x6260]  }
0x1dd: {  	v7 =	vld [tilespmem:s28+$0x260];
	_ =	sdelay $0x4  }
0x1de: {  	v6 =	vmax.f32 v6, v7  }
0x1df: {  	[tilespmem:s31+$0x6260] =	vst v6;
	v6 =	vld [tilespmem:s31+$0x6270]  }
0x1e0: {  	v7 =	vld [tilespmem:s28+$0x270];
	_ =	sdelay $0x4  }
0x1e1: {  	v6 =	vmax.f32 v6, v7  }
0x1e2: {  	[tilespmem:s31+$0x6270] =	vst v6;
	s31 =	spop (v2sf)  }
0x1e3: {  	v6 =	vld [tilespmem:s31+$0x6200]  }
0x1e4: {  	v7 =	vld [tilespmem:s28+$0x280];
	_ =	sdelay $0x4  }
0x1e5: {  	v6 =	vmax.f32 v6, v7  }
0x1e6: {  	[tilespmem:s31+$0x6200] =	vst v6;
	v6 =	vld [tilespmem:s31+$0x6210]  }
0x1e7: {  	v7 =	vld [tilespmem:s28+$0x290];
	_ =	sdelay $0x4  }
0x1e8: {  	v6 =	vmax.f32 v6, v7  }
0x1e9: {  	[tilespmem:s31+$0x6210] =	vst v6;
	v6 =	vld [tilespmem:s31+$0x6220]  }
0x1ea: {  	v7 =	vld [tilespmem:s28+$0x2A0];
	_ =	sdelay $0x4  }
0x1eb: {  	v6 =	vmax.f32 v6, v7  }
0x1ec: {  	[tilespmem:s31+$0x6220] =	vst v6;
	v6 =	vld [tilespmem:s31+$0x6230]  }
0x1ed: {  	v7 =	vld [tilespmem:s28+$0x2B0];
	_ =	sdelay $0x4  }
0x1ee: {  	v6 =	vmax.f32 v6, v7  }
0x1ef: {  	[tilespmem:s31+$0x6230] =	vst v6;
	v6 =	vld [tilespmem:s31+$0x6240]  }
0x1f0: {  	v7 =	vld [tilespmem:s28+$0x2C0];
	_ =	sdelay $0x4  }
0x1f1: {  	v6 =	vmax.f32 v6, v7  }
0x1f2: {  	[tilespmem:s31+$0x6240] =	vst v6;
	v6 =	vld [tilespmem:s31+$0x6250]  }
0x1f3: {  	v7 =	vld [tilespmem:s28+$0x2D0];
	_ =	sdelay $0x4  }
0x1f4: {  	(v2sf) =	vpush v5, $0xE;
	v6 =	vmax.f32 v6, v7  }
0x1f5: {  	[tilespmem:s31+$0x6250] =	vst v6;
	v6 =	vld [tilespmem:s31+$0x6260]  }
0x1f6: {  	v7 =	vld [tilespmem:s28+$0x2E0];
	_ =	sdelay $0x4  }
0x1f7: {  	v6 =	vmax.f32 v6, v7  }
0x1f8: {  	[tilespmem:s31+$0x6260] =	vst v6;
	v6 =	vld [tilespmem:s31+$0x6270]  }
0x1f9: {  	v7 =	vld [tilespmem:s28+$0x2F0];
	_ =	sdelay $0x4  }
0x1fa: {  	v6 =	vmax.f32 v6, v7  }
0x1fb: {  	[tilespmem:s31+$0x6270] =	vst v6;
	s31 =	spop (v2sf)  }
0x1fc: {  	v6 =	vld [tilespmem:s31+$0x6200]  }
0x1fd: {  	v7 =	vld [tilespmem:s28+$0x300];
	_ =	sdelay $0x4  }
0x1fe: {  	v6 =	vmax.f32 v6, v7  }
0x1ff: {  	[tilespmem:s31+$0x6200] =	vst v6;
	v6 =	vld [tilespmem:s31+$0x6210]  }
0x200: {  	v7 =	vld [tilespmem:s28+$0x310];
	_ =	sdelay $0x4  }
0x201: {  	v6 =	vmax.f32 v6, v7  }
0x202: {  	[tilespmem:s31+$0x6210] =	vst v6;
	v6 =	vld [tilespmem:s31+$0x6220]  }
0x203: {  	v7 =	vld [tilespmem:s28+$0x320];
	_ =	sdelay $0x4  }
0x204: {  	v6 =	vmax.f32 v6, v7  }
0x205: {  	[tilespmem:s31+$0x6220] =	vst v6;
	v6 =	vld [tilespmem:s31+$0x6230]  }
0x206: {  	v7 =	vld [tilespmem:s28+$0x330];
	_ =	sdelay $0x4  }
0x207: {  	v6 =	vmax.f32 v6, v7  }
0x208: {  	[tilespmem:s31+$0x6230] =	vst v6;
	v6 =	vld [tilespmem:s31+$0x6240]  }
0x209: {  	v7 =	vld [tilespmem:s28+$0x340];
	_ =	sdelay $0x4  }
0x20a: {  	v6 =	vmax.f32 v6, v7  }
0x20b: {  	[tilespmem:s31+$0x6240] =	vst v6;
	v6 =	vld [tilespmem:s31+$0x6250]  }
0x20c: {  	v7 =	vld [tilespmem:s28+$0x350];
	_ =	sdelay $0x4  }
0x20d: {  	(v2sf) =	vpush v5, $0xF;
	v6 =	vmax.f32 v6, v7  }
0x20e: {  	v5 =	vld [tilespmem:s31+$0x6260];
	[tilespmem:s31+$0x6250] =	vst v6  }
0x20f: {  	v6 =	vld [tilespmem:s28+$0x360];
	_ =	sdelay $0x4  }
0x210: {  	v5 =	vmax.f32 v5, v6  }
0x211: {  	[tilespmem:s31+$0x6260] =	vst v5;
	v5 =	vld [tilespmem:s31+$0x6270]  }
0x212: {  	v6 =	vld [tilespmem:s28+$0x370];
	_ =	sdelay $0x4  }
0x213: {  	v5 =	vmax.f32 v5, v6  }
0x214: {  	[tilespmem:s31+$0x6270] =	vst v5;
	s31 =	spop (v2sf)  }
0x215: {  	v5 =	vld [tilespmem:s31+$0x6200]  }
0x216: {  	v6 =	vld [tilespmem:s28+$0x380];
	_ =	sdelay $0x4  }
0x217: {  	v5 =	vmax.f32 v5, v6  }
0x218: {  	[tilespmem:s31+$0x6200] =	vst v5;
	v5 =	vld [tilespmem:s31+$0x6210]  }
0x219: {  	v6 =	vld [tilespmem:s28+$0x390];
	_ =	sdelay $0x4  }
0x21a: {  	v5 =	vmax.f32 v5, v6  }
0x21b: {  	[tilespmem:s31+$0x6210] =	vst v5;
	v5 =	vld [tilespmem:s31+$0x6220]  }
0x21c: {  	v6 =	vld [tilespmem:s28+$0x3A0];
	_ =	sdelay $0x4  }
0x21d: {  	v5 =	vmax.f32 v5, v6  }
0x21e: {  	[tilespmem:s31+$0x6220] =	vst v5;
	v5 =	vld [tilespmem:s31+$0x6230]  }
0x21f: {  	v6 =	vld [tilespmem:s28+$0x3B0];
	_ =	sdelay $0x4  }
0x220: {  	v5 =	vmax.f32 v5, v6  }
0x221: {  	[tilespmem:s31+$0x6230] =	vst v5;
	v5 =	vld [tilespmem:s31+$0x6240]  }
0x222: {  	v6 =	vld [tilespmem:s28+$0x3C0];
	_ =	sdelay $0x4  }
0x223: {  	v5 =	vmax.f32 v5, v6  }
0x224: {  	[tilespmem:s31+$0x6240] =	vst v5;
	v5 =	vld [tilespmem:s31+$0x6250]  }
0x225: {  	v6 =	vld [tilespmem:s28+$0x3D0];
	_ =	sdelay $0x4  }
0x226: {  	v5 =	vmax.f32 v5, v6  }
0x227: {  	[tilespmem:s31+$0x6250] =	vst v5;
	v5 =	vld [tilespmem:s31+$0x6260]  }
0x228: {  	v6 =	vld [tilespmem:s28+$0x3E0];
	_ =	sdelay $0x4  }
0x229: {  	v5 =	vmax.f32 v5, v6  }
0x22a: {  	[tilespmem:s31+$0x6260] =	vst v5;
	v5 =	vld [tilespmem:s31+$0x6270]  }
0x22b: {  	v6 =	vld [tilespmem:s28+$0x3F0]  }
0x22c: {  	p0 =	sne.s32 s29, $0xC0  }
.Ltmp7:
0x22d: {  	_ = 	snop;
	(pc) =	sbr.rel @p0 .LBB2_8-.Ltmp7, $3  }
0x22e: {  	_ =	sdelay $0x1  }
0x22f: {  	v5 =	vmax.f32 v5, v6  }
0x230: {  	s29 =	sadd.s32 $0x40, s29;
	s28 =	sadd.s32 $0x800, s28;
	[tilespmem:s31+$0x6270] =	vst v5  }
0x231: {  	s26 =	sadd.s32 $0x1, s26  }
0x232: {  	p0 =	sne.s32 s26, s25  }
.Ltmp8:
0x233: {  	_ = 	snop;
	(pc) =	sbr.rel @p0 .LBB2_7-.Ltmp8, $4  }
.Ltmp9:
0x234: {  	_ = 	snop;
	(pc) =	sbr.rel @!p0 .LBB2_10-.Ltmp9, $4  }
0x235: {  	_ = 	snop  }
0x236: {  	_ = 	snop  }
0x237: {  	_ = 	snop  }
0x238: {  	_ = 	snop  }
.LBB2_12:
0x239: {  	_ =	sfence.sel $0x180000  }
0x23a: {  	[bflag:$0x0] =	sbarrier.arrive $0xFFFF  }
0x23b: {  	p0 =	sne.s32 s0, $0x0;
	_ =	strace $0x90000047  }
0x23c: {  	s0 =	sadd.s32 @!p0 $0x100000, s1;
	[bflag:$0x2] =	sbarrier.arrive $0xFFFF  }
0x23d: {  	[sflag:s0] =	ssyncadd.tile.s32 @!p0 $0x1;
	_ =	shalt  }
.Lfunc_end2:
_tile_overlayer_lowered:
.L_overlay_start_2:
0x23e: {  	(tag) =	ssettag $0x2  }
0x23f: {  	s0 =	rddreg [dreg:$0x0];
	s2 =	stileid.u32  }
0x240: {  	s1 =	rddreg [dreg:$0x1];
	p0 =	sne.s32 s2, $0x0  }
0x241: {  	s3 =	rddreg [dreg:$0x2];
	[bflag:$0x3] =	sbarrier.arrive $0xFFFF;
	s2 =	simm.s32 @!p0 $0x1C05  }
0x242: {  	[timem:s3], [sflag:s2] =	dma.local @!p0 [hbm:s0], s1  }
0x243: {  	s0 =	simm.s32 @!p0 $0x5  }
0x244: {  	_ =	swait.ge @!p0 [sflag:s0], s1  }
0x245: {  	s1 =	ssub.s32 @!p0 $0x0, s1;
	[sflag:s0] =	ssyncset.done @!p0 $0x0  }
0x246: {  	[sflag:s0] =	ssyncadd.s32 @!p0 s1  }
0x247: {  	[bflag:$0x3] =	sbarrier.arrive $0xFFFF  }
0x248: {  	_ =	shalt  }

</sc_bundles>
